<compile_context>
chip_gen: v7x
topology: tpu7x:2x2x1
jax: 0.10.2.dev20260603
libtpu: 0.0.44.dev20260713+nightly
codegen_flags: <defaults>
</compile_context>

<pallas_src>
import functools

import jax
import jax.numpy as jnp
from jax import lax
from jax.experimental import pallas as pl
from jax.experimental.pallas import tpu as pltpu
from jax.experimental.pallas import tpu_sc as plsc

N_NODES = 10000
DIM = 128
N_EDGES = 320000

NC = 2
NS = 16
CHUNK = 128
HC = CHUNK // 2
NCHUNK = 160
GSTAGE = 40
N_PAD = 10240
ROWS_PER_TILE = N_PAD // NS
ROW_CHUNKS = ROWS_PER_TILE // CHUNK


def _gather2(src_hbm, gi_v, j, rbuf, sa, sb):
    pltpu.async_copy(src_hbm.at[gi_v.at[j, pl.ds(0, HC)]],
                     rbuf.at[pl.ds(0, HC)], sa)
    pltpu.async_copy(src_hbm.at[gi_v.at[j, pl.ds(HC, HC)]],
                     rbuf.at[pl.ds(HC, HC)], sb)


def _wait2(src_hbm, gi_v, j, rbuf, sa, sb):
    pltpu.make_async_copy(src_hbm.at[gi_v.at[j, pl.ds(0, HC)]],
                          rbuf.at[pl.ds(0, HC)], sa).wait()
    pltpu.make_async_copy(src_hbm.at[gi_v.at[j, pl.ds(HC, HC)]],
                          rbuf.at[pl.ds(HC, HC)], sb).wait()


def _sc_propagate_body(x0_hbm, gidx_hbm, outs_hbm,
                       gi_v, si_v, rbuf0, rbuf1, acc, s0a, s0b, s1a, s1b):
    c = lax.axis_index("c")
    s = lax.axis_index("s")
    row0 = s * ROWS_PER_TILE

    for j in range(ROW_CHUNKS):
        r = row0 + j * CHUNK
        pltpu.sync_copy(x0_hbm.at[pl.ds(r, CHUNK)], rbuf0)
        pltpu.sync_copy(rbuf0, acc.at[pl.ds(r, CHUNK)])
    plsc.subcore_barrier()

    for hop in range(2):
        src_hbm = x0_hbm if hop == 0 else outs_hbm.at[c, 0]

        for stg in range(NCHUNK // GSTAGE):
            pltpu.sync_copy(gidx_hbm.at[c, s, pl.ds(stg * GSTAGE, GSTAGE)], gi_v)
            pltpu.sync_copy(gidx_hbm.at[1 - c, s, pl.ds(stg * GSTAGE, GSTAGE)], si_v)
            _gather2(src_hbm, gi_v, 0, rbuf0, s0a, s0b)

            def edge_pair(m, carry):
                b = 2 * m
                _wait2(src_hbm, gi_v, b, rbuf0, s0a, s0b)
                _gather2(src_hbm, gi_v, b + 1, rbuf1, s1a, s1b)
                pltpu.sync_copy(rbuf0, acc.at[si_v.at[b]], add=True)
                _wait2(src_hbm, gi_v, b + 1, rbuf1, s1a, s1b)

                @pl.when(m < GSTAGE // 2 - 1)
                def _():
                    _gather2(src_hbm, gi_v, b + 2, rbuf0, s0a, s0b)

                pltpu.sync_copy(rbuf1, acc.at[si_v.at[b + 1]], add=True)
                return carry

            lax.fori_loop(0, GSTAGE // 2, edge_pair, 0)
        plsc.subcore_barrier()

        for j in range(ROW_CHUNKS):
            r = row0 + j * CHUNK
            pltpu.sync_copy(acc.at[pl.ds(r, CHUNK)], rbuf0)
            pltpu.sync_copy(rbuf0, outs_hbm.at[c, hop, pl.ds(r, CHUNK)])
        plsc.subcore_barrier()


_sc_propagate = functools.partial(
    pl.kernel,
    out_type=jax.ShapeDtypeStruct((NC, 2, N_PAD, DIM), jnp.float32),
    mesh=plsc.VectorSubcoreMesh(core_axis_name="c", subcore_axis_name="s"),
    scratch_types=[
        pltpu.VMEM((GSTAGE, CHUNK), jnp.int32),
        pltpu.VMEM((GSTAGE, CHUNK), jnp.int32),
        pltpu.VMEM((CHUNK, DIM), jnp.float32),
        pltpu.VMEM((CHUNK, DIM), jnp.float32),
        pltpu.VMEM_SHARED((N_PAD, DIM), jnp.float32),
        pltpu.SemaphoreType.DMA,
        pltpu.SemaphoreType.DMA,
        pltpu.SemaphoreType.DMA,
        pltpu.SemaphoreType.DMA,
    ],
)(_sc_propagate_body)


def _mlp_body(x0_ref, hops_ref, W1_ref, b1_ref, W2_ref, b2_ref, o_ref):
    x0 = x0_ref[...]
    h = jnp.concatenate(
        [x0, hops_ref[0, 0], hops_ref[0, 1], x0, hops_ref[1, 0], hops_ref[1, 1]],
        axis=-1,
    )
    h = jnp.dot(h, W1_ref[...], preferred_element_type=jnp.float32) + b1_ref[...]
    h = jnp.maximum(h, 0.0)
    o_ref[...] = (
        jnp.dot(h, W2_ref[...], preferred_element_type=jnp.float32) + b2_ref[...]
    )


def _mlp(x0p, hops, W1, b1, W2, b2):
    blk = 2000
    grid = N_NODES // blk
    return pl.pallas_call(
        _mlp_body,
        grid=(grid,),
        in_specs=[
            pl.BlockSpec((blk, DIM), lambda i: (i, 0)),
            pl.BlockSpec((NC, 2, blk, DIM), lambda i: (0, 0, i, 0)),
            pl.BlockSpec((2 * 3 * DIM, 512), lambda i: (0, 0)),
            pl.BlockSpec((1, 512), lambda i: (0, 0)),
            pl.BlockSpec((512, DIM), lambda i: (0, 0)),
            pl.BlockSpec((1, DIM), lambda i: (0, 0)),
        ],
        out_specs=pl.BlockSpec((blk, DIM), lambda i: (i, 0)),
        out_shape=jax.ShapeDtypeStruct((N_NODES, DIM), jnp.float32),
    )(x0p, hops, W1, b1.reshape(1, -1), W2, b2.reshape(1, -1))


def kernel(feature, edge_index, W1, b1, W2, b2):
    src = edge_index[0]
    dst = edge_index[1]
    pad = NS * NCHUNK * CHUNK - N_EDGES
    padv = jnp.full((pad,), N_NODES, jnp.int32)
    srcp = jnp.concatenate([src, padv]).reshape(NS, NCHUNK, CHUNK)
    dstp = jnp.concatenate([dst, padv]).reshape(NS, NCHUNK, CHUNK)
    gidx = jnp.stack([srcp, dstp])
    x0p = jnp.concatenate(
        [feature, jnp.zeros((N_PAD - N_NODES, DIM), jnp.float32)]
    )
    hops = _sc_propagate(x0p, gidx)
    return _mlp(x0p, hops, W1, b1, W2, b2)

# --- scband reference (transcript-rebuilt; emitter-appended) ---
"""Pipeline reference for scband-lgindirected-67336497266903 (READ-ONLY COPY).

The authoritative reference and input builder live on the scoring server;
editing this copy changes nothing except your own understanding.
"""

import jax
import jax.numpy as jnp
import numpy as np

N = 10000
E = 320000
D = 128
K = 2
HIDDEN = 512
OUT = 128


def setup_inputs(seed: int = 0) -> dict:
    key = jax.random.key(seed)
    k1, k2, k3, k4, k5, k6 = jax.random.split(key, 6)
    feature = jax.random.normal(k1, (N, D), dtype=jnp.float32)
    edge_index = jax.random.randint(k2, (2, E), 0, N, dtype=jnp.int32)
    fan_in1 = D * 2 * (K + 1)
    W1 = jax.random.normal(k3, (fan_in1, HIDDEN), dtype=jnp.float32) / jnp.sqrt(fan_in1)
    b1 = jnp.zeros((HIDDEN,), dtype=jnp.float32)
    W2 = jax.random.normal(k4, (HIDDEN, OUT), dtype=jnp.float32) / jnp.sqrt(HIDDEN)
    b2 = jnp.zeros((OUT,), dtype=jnp.float32)
    return {"feature": feature, "edge_index": edge_index, "W1": W1, "b1": b1, "W2": W2, "b2": b2}


def _gin_prop(x, src, dst, num_nodes):
    # GIN update with eps=0 (train_eps=False): x_i <- x_i + sum_{j->i} x_j
    msgs = jnp.take(x, src, axis=0)
    agg = jax.ops.segment_sum(msgs, dst, num_segments=num_nodes)
    return x + agg


def reference(feature, edge_index, W1, b1, W2, b2):
    src = edge_index[0]
    dst = edge_index[1]
    # DirectedGIN: K-hop GIN propagation along edge direction and along the
    # reversed direction; concatenate [x_0 .. x_K] for both directions
    # -> feature dim = input_size * 2 * (K + 1).
    xs = []
    xf = feature
    xs.append(xf)
    for _ in range(K):
        xf = _gin_prop(xf, src, dst, N)
        xs.append(xf)
    xb = feature
    xs.append(xb)
    for _ in range(K):
        xb = _gin_prop(xb, dst, src, N)
        xs.append(xb)
    h = jnp.concatenate(xs, axis=-1)
    h = jnp.dot(h, W1) + b1
    h = jax.nn.relu(h)
    out = jnp.dot(h, W2) + b2
    return out

if __name__ == "__main__":
    import jax
    _d = setup_inputs()
    print(jax.jit(kernel)(*tuple(_d.values())))

</pallas_src>

<mosaic_0001>
#map = affine_map<(d0, d1) -> (0, 0)>
#map1 = affine_map<(d0, d1) -> (0, 0, 0, 0)>
module attributes {stable_mosaic.version = 14 : i64} {
  func.func @_sc_propagate_body(%arg0: i32, %arg1: i32, %arg2: memref<10240x128xf32, #tpu.memory_space<hbm>>, %arg3: memref<2x16x160x128xi32, #tpu.memory_space<hbm>>, %arg4: memref<2x2x10240x128xf32, #tpu.memory_space<hbm>>, %arg5: memref<40x128xi32, #tpu.memory_space<vmem>>, %arg6: memref<40x128xi32, #tpu.memory_space<vmem>>, %arg7: memref<128x128xf32, #tpu.memory_space<vmem>>, %arg8: memref<128x128xf32, #tpu.memory_space<vmem>>, %arg9: memref<10240x128xf32, #tpu.memory_space<vmem_shared>>, %arg10: memref<!tpu.dma_semaphore, #tpu.memory_space<semaphore_mem>>, %arg11: memref<!tpu.dma_semaphore, #tpu.memory_space<semaphore_mem>>, %arg12: memref<!tpu.dma_semaphore, #tpu.memory_space<semaphore_mem>>, %arg13: memref<!tpu.dma_semaphore, #tpu.memory_space<semaphore_mem>>) attributes {dimension_semantics = [#tpu.dimension_semantics<core_parallel>, #tpu.dimension_semantics<subcore_parallel>], iteration_bounds = array<i64: 2, 16>, scalar_prefetch = 0 : i64, scratch_operands = 9 : i64, tpu.core_type = #tpu.core_type<sc_vector_subcore>, window_params = [{transform_indices = #map}, {transform_indices = #map1}, {transform_indices = #map1}]} {
    %mul3A = arith.constant 640 : i32
    %mul3A_0 = arith.muli %arg1, %mul3A : i32
    %add3A = arith.constant 0 : i32
    %add3A_1 = arith.addi %mul3A_0, %add3A : i32
    "tpu.region"() ({
      %run_scoped3A_308 = tpu.sem_alloc : memref<!tpu.dma_semaphore, #tpu.memory_space<semaphore_mem>>
      %dma_start3A_309 = arith.constant 0 : i32
      %dma_start3A_310 = tpu.memref_slice %arg2[%add3A_1, %dma_start3A_309] : memref<10240x128xf32, #tpu.memory_space<hbm>> -> memref<128x128xf32, #tpu.memory_space<hbm>>
      %dma_start3A_311 = arith.constant 0 : i32
      %dma_start3A_312 = tpu.memref_slice %arg2[%add3A_1, %dma_start3A_311] : memref<10240x128xf32, #tpu.memory_space<hbm>> -> memref<128x128xf32, #tpu.memory_space<hbm>>
      tpu.enqueue_dma source(%dma_start3A_312 : memref<128x128xf32, #tpu.memory_space<hbm>>) target(%arg7 : memref<128x128xf32, #tpu.memory_space<vmem>>) target_semaphore(%run_scoped3A_308 : memref<!tpu.dma_semaphore, #tpu.memory_space<semaphore_mem>>)
      %dma_wait3A = arith.constant 0 : i32
      %dma_wait3A_313 = tpu.memref_slice %arg2[%add3A_1, %dma_wait3A] : memref<10240x128xf32, #tpu.memory_space<hbm>> -> memref<128x128xf32, #tpu.memory_space<hbm>>
      %dma_wait3A_314 = arith.constant 0 : i32
      %dma_wait3A_315 = tpu.memref_slice %arg2[%add3A_1, %dma_wait3A_314] : memref<10240x128xf32, #tpu.memory_space<hbm>> -> memref<128x128xf32, #tpu.memory_space<hbm>>
      tpu.wait_dma2 semaphore(%run_scoped3A_308 : memref<!tpu.dma_semaphore, #tpu.memory_space<semaphore_mem>>) src(%dma_wait3A_315 : memref<128x128xf32, #tpu.memory_space<hbm>>) dst(%arg7 : memref<128x128xf32, #tpu.memory_space<vmem>>)
      tpu.yield
    }) : () -> ()
    "tpu.region"() ({
      %run_scoped3A_308 = tpu.sem_alloc : memref<!tpu.dma_semaphore, #tpu.memory_space<semaphore_mem>>
      %dma_start3A_309 = arith.constant 0 : i32
      %dma_start3A_310 = tpu.memref_slice %arg9[%add3A_1, %dma_start3A_309] : memref<10240x128xf32, #tpu.memory_space<vmem_shared>> -> memref<128x128xf32, #tpu.memory_space<vmem_shared>>
      %dma_start3A_311 = arith.constant 0 : i32
      %dma_start3A_312 = tpu.memref_slice %arg9[%add3A_1, %dma_start3A_311] : memref<10240x128xf32, #tpu.memory_space<vmem_shared>> -> memref<128x128xf32, #tpu.memory_space<vmem_shared>>
      tpu.enqueue_dma source(%arg7 : memref<128x128xf32, #tpu.memory_space<vmem>>) target(%dma_start3A_312 : memref<128x128xf32, #tpu.memory_space<vmem_shared>>) target_semaphore(%run_scoped3A_308 : memref<!tpu.dma_semaphore, #tpu.memory_space<semaphore_mem>>)
      %dma_wait3A = arith.constant 0 : i32
      %dma_wait3A_313 = tpu.memref_slice %arg9[%add3A_1, %dma_wait3A] : memref<10240x128xf32, #tpu.memory_space<vmem_shared>> -> memref<128x128xf32, #tpu.memory_space<vmem_shared>>
      %dma_wait3A_314 = arith.constant 0 : i32
      %dma_wait3A_315 = tpu.memref_slice %arg9[%add3A_1, %dma_wait3A_314] : memref<10240x128xf32, #tpu.memory_space<vmem_shared>> -> memref<128x128xf32, #tpu.memory_space<vmem_shared>>
      tpu.wait_dma2 semaphore(%run_scoped3A_308 : memref<!tpu.dma_semaphore, #tpu.memory_space<semaphore_mem>>) src(%arg7 : memref<128x128xf32, #tpu.memory_space<vmem>>) dst(%dma_wait3A_315 : memref<128x128xf32, #tpu.memory_space<vmem_shared>>)
      tpu.yield
    }) : () -> ()
    %add3A_2 = arith.constant 128 : i32
    %add3A_3 = arith.addi %mul3A_0, %add3A_2 : i32
    "tpu.region"() ({
      %run_scoped3A_308 = tpu.sem_alloc : memref<!tpu.dma_semaphore, #tpu.memory_space<semaphore_mem>>
      %dma_start3A_309 = arith.constant 0 : i32
      %dma_start3A_310 = tpu.memref_slice %arg2[%add3A_3, %dma_start3A_309] : memref<10240x128xf32, #tpu.memory_space<hbm>> -> memref<128x128xf32, #tpu.memory_space<hbm>>
      %dma_start3A_311 = arith.constant 0 : i32
      %dma_start3A_312 = tpu.memref_slice %arg2[%add3A_3, %dma_start3A_311] : memref<10240x128xf32, #tpu.memory_space<hbm>> -> memref<128x128xf32, #tpu.memory_space<hbm>>
      tpu.enqueue_dma source(%dma_start3A_312 : memref<128x128xf32, #tpu.memory_space<hbm>>) target(%arg7 : memref<128x128xf32, #tpu.memory_space<vmem>>) target_semaphore(%run_scoped3A_308 : memref<!tpu.dma_semaphore, #tpu.memory_space<semaphore_mem>>)
      %dma_wait3A = arith.constant 0 : i32
      %dma_wait3A_313 = tpu.memref_slice %arg2[%add3A_3, %dma_wait3A] : memref<10240x128xf32, #tpu.memory_space<hbm>> -> memref<128x128xf32, #tpu.memory_space<hbm>>
      %dma_wait3A_314 = arith.constant 0 : i32
      %dma_wait3A_315 = tpu.memref_slice %arg2[%add3A_3, %dma_wait3A_314] : memref<10240x128xf32, #tpu.memory_space<hbm>> -> memref<128x128xf32, #tpu.memory_space<hbm>>
      tpu.wait_dma2 semaphore(%run_scoped3A_308 : memref<!tpu.dma_semaphore, #tpu.memory_space<semaphore_mem>>) src(%dma_wait3A_315 : memref<128x128xf32, #tpu.memory_space<hbm>>) dst(%arg7 : memref<128x128xf32, #tpu.memory_space<vmem>>)
      tpu.yield
    }) : () -> ()
    "tpu.region"() ({
      %run_scoped3A_308 = tpu.sem_alloc : memref<!tpu.dma_semaphore, #tpu.memory_space<semaphore_mem>>
      %dma_start3A_309 = arith.constant 0 : i32
      %dma_start3A_310 = tpu.memref_slice %arg9[%add3A_3, %dma_start3A_309] : memref<10240x128xf32, #tpu.memory_space<vmem_shared>> -> memref<128x128xf32, #tpu.memory_space<vmem_shared>>
      %dma_start3A_311 = arith.constant 0 : i32
      %dma_start3A_312 = tpu.memref_slice %arg9[%add3A_3, %dma_start3A_311] : memref<10240x128xf32, #tpu.memory_space<vmem_shared>> -> memref<128x128xf32, #tpu.memory_space<vmem_shared>>
      tpu.enqueue_dma source(%arg7 : memref<128x128xf32, #tpu.memory_space<vmem>>) target(%dma_start3A_312 : memref<128x128xf32, #tpu.memory_space<vmem_shared>>) target_semaphore(%run_scoped3A_308 : memref<!tpu.dma_semaphore, #tpu.memory_space<semaphore_mem>>)
      %dma_wait3A = arith.constant 0 : i32
      %dma_wait3A_313 = tpu.memref_slice %arg9[%add3A_3, %dma_wait3A] : memref<10240x128xf32, #tpu.memory_space<vmem_shared>> -> memref<128x128xf32, #tpu.memory_space<vmem_shared>>
      %dma_wait3A_314 = arith.constant 0 : i32
      %dma_wait3A_315 = tpu.memref_slice %arg9[%add3A_3, %dma_wait3A_314] : memref<10240x128xf32, #tpu.memory_space<vmem_shared>> -> memref<128x128xf32, #tpu.memory_space<vmem_shared>>
      tpu.wait_dma2 semaphore(%run_scoped3A_308 : memref<!tpu.dma_semaphore, #tpu.memory_space<semaphore_mem>>) src(%arg7 : memref<128x128xf32, #tpu.memory_space<vmem>>) dst(%dma_wait3A_315 : memref<128x128xf32, #tpu.memory_space<vmem_shared>>)
      tpu.yield
    }) : () -> ()
    %add3A_4 = arith.constant 256 : i32
    %add3A_5 = arith.addi %mul3A_0, %add3A_4 : i32
    "tpu.region"() ({
      %run_scoped3A_308 = tpu.sem_alloc : memref<!tpu.dma_semaphore, #tpu.memory_space<semaphore_mem>>
      %dma_start3A_309 = arith.constant 0 : i32
      %dma_start3A_310 = tpu.memref_slice %arg2[%add3A_5, %dma_start3A_309] : memref<10240x128xf32, #tpu.memory_space<hbm>> -> memref<128x128xf32, #tpu.memory_space<hbm>>
      %dma_start3A_311 = arith.constant 0 : i32
      %dma_start3A_312 = tpu.memref_slice %arg2[%add3A_5, %dma_start3A_311] : memref<10240x128xf32, #tpu.memory_space<hbm>> -> memref<128x128xf32, #tpu.memory_space<hbm>>
      tpu.enqueue_dma source(%dma_start3A_312 : memref<128x128xf32, #tpu.memory_space<hbm>>) target(%arg7 : memref<128x128xf32, #tpu.memory_space<vmem>>) target_semaphore(%run_scoped3A_308 : memref<!tpu.dma_semaphore, #tpu.memory_space<semaphore_mem>>)
      %dma_wait3A = arith.constant 0 : i32
      %dma_wait3A_313 = tpu.memref_slice %arg2[%add3A_5, %dma_wait3A] : memref<10240x128xf32, #tpu.memory_space<hbm>> -> memref<128x128xf32, #tpu.memory_space<hbm>>
      %dma_wait3A_314 = arith.constant 0 : i32
      %dma_wait3A_315 = tpu.memref_slice %arg2[%add3A_5, %dma_wait3A_314] : memref<10240x128xf32, #tpu.memory_space<hbm>> -> memref<128x128xf32, #tpu.memory_space<hbm>>
      tpu.wait_dma2 semaphore(%run_scoped3A_308 : memref<!tpu.dma_semaphore, #tpu.memory_space<semaphore_mem>>) src(%dma_wait3A_315 : memref<128x128xf32, #tpu.memory_space<hbm>>) dst(%arg7 : memref<128x128xf32, #tpu.memory_space<vmem>>)
      tpu.yield
    }) : () -> ()
    "tpu.region"() ({
      %run_scoped3A_308 = tpu.sem_alloc : memref<!tpu.dma_semaphore, #tpu.memory_space<semaphore_mem>>
      %dma_start3A_309 = arith.constant 0 : i32
      %dma_start3A_310 = tpu.memref_slice %arg9[%add3A_5, %dma_start3A_309] : memref<10240x128xf32, #tpu.memory_space<vmem_shared>> -> memref<128x128xf32, #tpu.memory_space<vmem_shared>>
      %dma_start3A_311 = arith.constant 0 : i32
      %dma_start3A_312 = tpu.memref_slice %arg9[%add3A_5, %dma_start3A_311] : memref<10240x128xf32, #tpu.memory_space<vmem_shared>> -> memref<128x128xf32, #tpu.memory_space<vmem_shared>>
      tpu.enqueue_dma source(%arg7 : memref<128x128xf32, #tpu.memory_space<vmem>>) target(%dma_start3A_312 : memref<128x128xf32, #tpu.memory_space<vmem_shared>>) target_semaphore(%run_scoped3A_308 : memref<!tpu.dma_semaphore, #tpu.memory_space<semaphore_mem>>)
      %dma_wait3A = arith.constant 0 : i32
      %dma_wait3A_313 = tpu.memref_slice %arg9[%add3A_5, %dma_wait3A] : memref<10240x128xf32, #tpu.memory_space<vmem_shared>> -> memref<128x128xf32, #tpu.memory_space<vmem_shared>>
      %dma_wait3A_314 = arith.constant 0 : i32
      %dma_wait3A_315 = tpu.memref_slice %arg9[%add3A_5, %dma_wait3A_314] : memref<10240x128xf32, #tpu.memory_space<vmem_shared>> -> memref<128x128xf32, #tpu.memory_space<vmem_shared>>
      tpu.wait_dma2 semaphore(%run_scoped3A_308 : memref<!tpu.dma_semaphore, #tpu.memory_space<semaphore_mem>>) src(%arg7 : memref<128x128xf32, #tpu.memory_space<vmem>>) dst(%dma_wait3A_315 : memref<128x128xf32, #tpu.memory_space<vmem_shared>>)
      tpu.yield
    }) : () -> ()
    %add3A_6 = arith.constant 384 : i32
    %add3A_7 = arith.addi %mul3A_0, %add3A_6 : i32
    "tpu.region"() ({
      %run_scoped3A_308 = tpu.sem_alloc : memref<!tpu.dma_semaphore, #tpu.memory_space<semaphore_mem>>
      %dma_start3A_309 = arith.constant 0 : i32
      %dma_start3A_310 = tpu.memref_slice %arg2[%add3A_7, %dma_start3A_309] : memref<10240x128xf32, #tpu.memory_space<hbm>> -> memref<128x128xf32, #tpu.memory_space<hbm>>
      %dma_start3A_311 = arith.constant 0 : i32
      %dma_start3A_312 = tpu.memref_slice %arg2[%add3A_7, %dma_start3A_311] : memref<10240x128xf32, #tpu.memory_space<hbm>> -> memref<128x128xf32, #tpu.memory_space<hbm>>
      tpu.enqueue_dma source(%dma_start3A_312 : memref<128x128xf32, #tpu.memory_space<hbm>>) target(%arg7 : memref<128x128xf32, #tpu.memory_space<vmem>>) target_semaphore(%run_scoped3A_308 : memref<!tpu.dma_semaphore, #tpu.memory_space<semaphore_mem>>)
      %dma_wait3A = arith.constant 0 : i32
      %dma_wait3A_313 = tpu.memref_slice %arg2[%add3A_7, %dma_wait3A] : memref<10240x128xf32, #tpu.memory_space<hbm>> -> memref<128x128xf32, #tpu.memory_space<hbm>>
      %dma_wait3A_314 = arith.constant 0 : i32
      %dma_wait3A_315 = tpu.memref_slice %arg2[%add3A_7, %dma_wait3A_314] : memref<10240x128xf32, #tpu.memory_space<hbm>> -> memref<128x128xf32, #tpu.memory_space<hbm>>
      tpu.wait_dma2 semaphore(%run_scoped3A_308 : memref<!tpu.dma_semaphore, #tpu.memory_space<semaphore_mem>>) src(%dma_wait3A_315 : memref<128x128xf32, #tpu.memory_space<hbm>>) dst(%arg7 : memref<128x128xf32, #tpu.memory_space<vmem>>)
      tpu.yield
    }) : () -> ()
    "tpu.region"() ({
      %run_scoped3A_308 = tpu.sem_alloc : memref<!tpu.dma_semaphore, #tpu.memory_space<semaphore_mem>>
      %dma_start3A_309 = arith.constant 0 : i32
      %dma_start3A_310 = tpu.memref_slice %arg9[%add3A_7, %dma_start3A_309] : memref<10240x128xf32, #tpu.memory_space<vmem_shared>> -> memref<128x128xf32, #tpu.memory_space<vmem_shared>>
      %dma_start3A_311 = arith.constant 0 : i32
      %dma_start3A_312 = tpu.memref_slice %arg9[%add3A_7, %dma_start3A_311] : memref<10240x128xf32, #tpu.memory_space<vmem_shared>> -> memref<128x128xf32, #tpu.memory_space<vmem_shared>>
      tpu.enqueue_dma source(%arg7 : memref<128x128xf32, #tpu.memory_space<vmem>>) target(%dma_start3A_312 : memref<128x128xf32, #tpu.memory_space<vmem_shared>>) target_semaphore(%run_scoped3A_308 : memref<!tpu.dma_semaphore, #tpu.memory_space<semaphore_mem>>)
      %dma_wait3A = arith.constant 0 : i32
      %dma_wait3A_313 = tpu.memref_slice %arg9[%add3A_7, %dma_wait3A] : memref<10240x128xf32, #tpu.memory_space<vmem_shared>> -> memref<128x128xf32, #tpu.memory_space<vmem_shared>>
      %dma_wait3A_314 = arith.constant 0 : i32
      %dma_wait3A_315 = tpu.memref_slice %arg9[%add3A_7, %dma_wait3A_314] : memref<10240x128xf32, #tpu.memory_space<vmem_shared>> -> memref<128x128xf32, #tpu.memory_space<vmem_shared>>
      tpu.wait_dma2 semaphore(%run_scoped3A_308 : memref<!tpu.dma_semaphore, #tpu.memory_space<semaphore_mem>>) src(%arg7 : memref<128x128xf32, #tpu.memory_space<vmem>>) dst(%dma_wait3A_315 : memref<128x128xf32, #tpu.memory_space<vmem_shared>>)
      tpu.yield
    }) : () -> ()
    %add3A_8 = arith.constant 512 : i32
    %add3A_9 = arith.addi %mul3A_0, %add3A_8 : i32
    "tpu.region"() ({
      %run_scoped3A_308 = tpu.sem_alloc : memref<!tpu.dma_semaphore, #tpu.memory_space<semaphore_mem>>
      %dma_start3A_309 = arith.constant 0 : i32
      %dma_start3A_310 = tpu.memref_slice %arg2[%add3A_9, %dma_start3A_309] : memref<10240x128xf32, #tpu.memory_space<hbm>> -> memref<128x128xf32, #tpu.memory_space<hbm>>
      %dma_start3A_311 = arith.constant 0 : i32
      %dma_start3A_312 = tpu.memref_slice %arg2[%add3A_9, %dma_start3A_311] : memref<10240x128xf32, #tpu.memory_space<hbm>> -> memref<128x128xf32, #tpu.memory_space<hbm>>
      tpu.enqueue_dma source(%dma_start3A_312 : memref<128x128xf32, #tpu.memory_space<hbm>>) target(%arg7 : memref<128x128xf32, #tpu.memory_space<vmem>>) target_semaphore(%run_scoped3A_308 : memref<!tpu.dma_semaphore, #tpu.memory_space<semaphore_mem>>)
      %dma_wait3A = arith.constant 0 : i32
      %dma_wait3A_313 = tpu.memref_slice %arg2[%add3A_9, %dma_wait3A] : memref<10240x128xf32, #tpu.memory_space<hbm>> -> memref<128x128xf32, #tpu.memory_space<hbm>>
      %dma_wait3A_314 = arith.constant 0 : i32
      %dma_wait3A_315 = tpu.memref_slice %arg2[%add3A_9, %dma_wait3A_314] : memref<10240x128xf32, #tpu.memory_space<hbm>> -> memref<128x128xf32, #tpu.memory_space<hbm>>
      tpu.wait_dma2 semaphore(%run_scoped3A_308 : memref<!tpu.dma_semaphore, #tpu.memory_space<semaphore_mem>>) src(%dma_wait3A_315 : memref<128x128xf32, #tpu.memory_space<hbm>>) dst(%arg7 : memref<128x128xf32, #tpu.memory_space<vmem>>)
      tpu.yield
    }) : () -> ()
    "tpu.region"() ({
      %run_scoped3A_308 = tpu.sem_alloc : memref<!tpu.dma_semaphore, #tpu.memory_space<semaphore_mem>>
      %dma_start3A_309 = arith.constant 0 : i32
      %dma_start3A_310 = tpu.memref_slice %arg9[%add3A_9, %dma_start3A_309] : memref<10240x128xf32, #tpu.memory_space<vmem_shared>> -> memref<128x128xf32, #tpu.memory_space<vmem_shared>>
      %dma_start3A_311 = arith.constant 0 : i32
      %dma_start3A_312 = tpu.memref_slice %arg9[%add3A_9, %dma_start3A_311] : memref<10240x128xf32, #tpu.memory_space<vmem_shared>> -> memref<128x128xf32, #tpu.memory_space<vmem_shared>>
      tpu.enqueue_dma source(%arg7 : memref<128x128xf32, #tpu.memory_space<vmem>>) target(%dma_start3A_312 : memref<128x128xf32, #tpu.memory_space<vmem_shared>>) target_semaphore(%run_scoped3A_308 : memref<!tpu.dma_semaphore, #tpu.memory_space<semaphore_mem>>)
      %dma_wait3A = arith.constant 0 : i32
      %dma_wait3A_313 = tpu.memref_slice %arg9[%add3A_9, %dma_wait3A] : memref<10240x128xf32, #tpu.memory_space<vmem_shared>> -> memref<128x128xf32, #tpu.memory_space<vmem_shared>>
      %dma_wait3A_314 = arith.constant 0 : i32
      %dma_wait3A_315 = tpu.memref_slice %arg9[%add3A_9, %dma_wait3A_314] : memref<10240x128xf32, #tpu.memory_space<vmem_shared>> -> memref<128x128xf32, #tpu.memory_space<vmem_shared>>
      tpu.wait_dma2 semaphore(%run_scoped3A_308 : memref<!tpu.dma_semaphore, #tpu.memory_space<semaphore_mem>>) src(%arg7 : memref<128x128xf32, #tpu.memory_space<vmem>>) dst(%dma_wait3A_315 : memref<128x128xf32, #tpu.memory_space<vmem_shared>>)
      tpu.yield
    }) : () -> ()
    %barrier3A = arith.constant 0 : index
    tpu.barrier barrier_id(%barrier3A)
    "tpu.region"() ({
      %run_scoped3A_308 = tpu.sem_alloc : memref<!tpu.dma_semaphore, #tpu.memory_space<semaphore_mem>>
      %dma_start3A_309 = arith.constant 0 : i32
      %dma_start3A_310 = arith.constant 0 : i32
      %dma_start3A_311 = tpu.memref_slice %arg3[%arg0, %arg1, %dma_start3A_309, %dma_start3A_310] : memref<2x16x160x128xi32, #tpu.memory_space<hbm>> -> memref<1x1x40x128xi32, #tpu.memory_space<hbm>>
      %dma_start3A_312 = tpu.memref_squeeze %dma_start3A_311 : memref<1x1x40x128xi32, #tpu.memory_space<hbm>> -> memref<40x128xi32, #tpu.memory_space<hbm>>
      %dma_start3A_313 = arith.constant 0 : i32
      %dma_start3A_314 = arith.constant 0 : i32
      %dma_start3A_315 = tpu.memref_slice %arg3[%arg0, %arg1, %dma_start3A_313, %dma_start3A_314] : memref<2x16x160x128xi32, #tpu.memory_space<hbm>> -> memref<1x1x40x128xi32, #tpu.memory_space<hbm>>
      %dma_start3A_316 = tpu.memref_squeeze %dma_start3A_315 : memref<1x1x40x128xi32, #tpu.memory_space<hbm>> -> memref<40x128xi32, #tpu.memory_space<hbm>>
      tpu.enqueue_dma source(%dma_start3A_316 : memref<40x128xi32, #tpu.memory_space<hbm>>) target(%arg5 : memref<40x128xi32, #tpu.memory_space<vmem>>) target_semaphore(%run_scoped3A_308 : memref<!tpu.dma_semaphore, #tpu.memory_space<semaphore_mem>>)
      %dma_wait3A = arith.constant 0 : i32
      %dma_wait3A_317 = arith.constant 0 : i32
      %dma_wait3A_318 = tpu.memref_slice %arg3[%arg0, %arg1, %dma_wait3A, %dma_wait3A_317] : memref<2x16x160x128xi32, #tpu.memory_space<hbm>> -> memref<1x1x40x128xi32, #tpu.memory_space<hbm>>
      %dma_wait3A_319 = tpu.memref_squeeze %dma_wait3A_318 : memref<1x1x40x128xi32, #tpu.memory_space<hbm>> -> memref<40x128xi32, #tpu.memory_space<hbm>>
      %dma_wait3A_320 = arith.constant 0 : i32
      %dma_wait3A_321 = arith.constant 0 : i32
      %dma_wait3A_322 = tpu.memref_slice %arg3[%arg0, %arg1, %dma_wait3A_320, %dma_wait3A_321] : memref<2x16x160x128xi32, #tpu.memory_space<hbm>> -> memref<1x1x40x128xi32, #tpu.memory_space<hbm>>
      %dma_wait3A_323 = tpu.memref_squeeze %dma_wait3A_322 : memref<1x1x40x128xi32, #tpu.memory_space<hbm>> -> memref<40x128xi32, #tpu.memory_space<hbm>>
      tpu.wait_dma2 semaphore(%run_scoped3A_308 : memref<!tpu.dma_semaphore, #tpu.memory_space<semaphore_mem>>) src(%dma_wait3A_323 : memref<40x128xi32, #tpu.memory_space<hbm>>) dst(%arg5 : memref<40x128xi32, #tpu.memory_space<vmem>>)
      tpu.yield
    }) : () -> ()
    %sub3A = arith.constant 1 : i32
    %sub3A_10 = arith.subi %sub3A, %arg0 : i32
    "tpu.region"() ({
      %run_scoped3A_308 = tpu.sem_alloc : memref<!tpu.dma_semaphore, #tpu.memory_space<semaphore_mem>>
      %dma_start3A_309 = arith.constant 0 : i32
      %dma_start3A_310 = arith.constant 0 : i32
      %dma_start3A_311 = tpu.memref_slice %arg3[%sub3A_10, %arg1, %dma_start3A_309, %dma_start3A_310] : memref<2x16x160x128xi32, #tpu.memory_space<hbm>> -> memref<1x1x40x128xi32, #tpu.memory_space<hbm>>
      %dma_start3A_312 = tpu.memref_squeeze %dma_start3A_311 : memref<1x1x40x128xi32, #tpu.memory_space<hbm>> -> memref<40x128xi32, #tpu.memory_space<hbm>>
      %dma_start3A_313 = arith.constant 0 : i32
      %dma_start3A_314 = arith.constant 0 : i32
      %dma_start3A_315 = tpu.memref_slice %arg3[%sub3A_10, %arg1, %dma_start3A_313, %dma_start3A_314] : memref<2x16x160x128xi32, #tpu.memory_space<hbm>> -> memref<1x1x40x128xi32, #tpu.memory_space<hbm>>
      %dma_start3A_316 = tpu.memref_squeeze %dma_start3A_315 : memref<1x1x40x128xi32, #tpu.memory_space<hbm>> -> memref<40x128xi32, #tpu.memory_space<hbm>>
      tpu.enqueue_dma source(%dma_start3A_316 : memref<40x128xi32, #tpu.memory_space<hbm>>) target(%arg6 : memref<40x128xi32, #tpu.memory_space<vmem>>) target_semaphore(%run_scoped3A_308 : memref<!tpu.dma_semaphore, #tpu.memory_space<semaphore_mem>>)
      %dma_wait3A = arith.constant 0 : i32
      %dma_wait3A_317 = arith.constant 0 : i32
      %dma_wait3A_318 = tpu.memref_slice %arg3[%sub3A_10, %arg1, %dma_wait3A, %dma_wait3A_317] : memref<2x16x160x128xi32, #tpu.memory_space<hbm>> -> memref<1x1x40x128xi32, #tpu.memory_space<hbm>>
      %dma_wait3A_319 = tpu.memref_squeeze %dma_wait3A_318 : memref<1x1x40x128xi32, #tpu.memory_space<hbm>> -> memref<40x128xi32, #tpu.memory_space<hbm>>
      %dma_wait3A_320 = arith.constant 0 : i32
      %dma_wait3A_321 = arith.constant 0 : i32
      %dma_wait3A_322 = tpu.memref_slice %arg3[%sub3A_10, %arg1, %dma_wait3A_320, %dma_wait3A_321] : memref<2x16x160x128xi32, #tpu.memory_space<hbm>> -> memref<1x1x40x128xi32, #tpu.memory_space<hbm>>
      %dma_wait3A_323 = tpu.memref_squeeze %dma_wait3A_322 : memref<1x1x40x128xi32, #tpu.memory_space<hbm>> -> memref<40x128xi32, #tpu.memory_space<hbm>>
      tpu.wait_dma2 semaphore(%run_scoped3A_308 : memref<!tpu.dma_semaphore, #tpu.memory_space<semaphore_mem>>) src(%dma_wait3A_323 : memref<40x128xi32, #tpu.memory_space<hbm>>) dst(%arg6 : memref<40x128xi32, #tpu.memory_space<vmem>>)
      tpu.yield
    }) : () -> ()
    %dma_start3A = arith.constant 0 : i32
    %dma_start3A_11 = arith.constant 0 : i32
    %dma_start3A_12 = arith.constant 0 : i32
    %dma_start3A_13 = tpu.memref_slice %arg7[%dma_start3A_11, %dma_start3A_12] : memref<128x128xf32, #tpu.memory_space<vmem>> -> memref<64x128xf32, #tpu.memory_space<vmem>>
    %dma_start3A_14 = arith.constant 0 : i32
    %dma_start3A_15 = tpu.memref_slice %arg5[%dma_start3A, %dma_start3A_14] : memref<40x128xi32, #tpu.memory_space<vmem>> -> memref<1x64xi32, #tpu.memory_space<vmem>>
    %dma_start3A_16 = tpu.memref_squeeze %dma_start3A_15 : memref<1x64xi32, #tpu.memory_space<vmem>> -> memref<64xi32, #tpu.memory_space<vmem>>
    %dma_start3A_17 = arith.constant 0 : i32
    %dma_start3A_18 = arith.constant 0 : i32
    %dma_start3A_19 = tpu.memref_slice %arg2[%dma_start3A_17, %dma_start3A_18] : memref<10240x128xf32, #tpu.memory_space<hbm>> -> memref<10240x128xf32, #tpu.memory_space<hbm>>
    tpu.enqueue_indirect_dma source(%dma_start3A_19 : memref<10240x128xf32, #tpu.memory_space<hbm>>) target(%dma_start3A_13 : memref<64x128xf32, #tpu.memory_space<vmem>>) offsets(%dma_start3A_16 : memref<64xi32, #tpu.memory_space<vmem>>) semaphore(%arg10 : memref<!tpu.dma_semaphore, #tpu.memory_space<semaphore_mem>>)
    %dma_start3A_20 = arith.constant 0 : i32
    %dma_start3A_21 = arith.constant 64 : i32
    %dma_start3A_22 = arith.constant 0 : i32
    %dma_start3A_23 = tpu.memref_slice %arg7[%dma_start3A_21, %dma_start3A_22] : memref<128x128xf32, #tpu.memory_space<vmem>> -> memref<64x128xf32, #tpu.memory_space<vmem>>
    %dma_start3A_24 = arith.constant 64 : i32
    %dma_start3A_25 = tpu.memref_slice %arg5[%dma_start3A_20, %dma_start3A_24] : memref<40x128xi32, #tpu.memory_space<vmem>> -> memref<1x64xi32, #tpu.memory_space<vmem>>
    %dma_start3A_26 = tpu.memref_squeeze %dma_start3A_25 : memref<1x64xi32, #tpu.memory_space<vmem>> -> memref<64xi32, #tpu.memory_space<vmem>>
    %dma_start3A_27 = arith.constant 0 : i32
    %dma_start3A_28 = arith.constant 0 : i32
    %dma_start3A_29 = tpu.memref_slice %arg2[%dma_start3A_27, %dma_start3A_28] : memref<10240x128xf32, #tpu.memory_space<hbm>> -> memref<10240x128xf32, #tpu.memory_space<hbm>>
    tpu.enqueue_indirect_dma source(%dma_start3A_29 : memref<10240x128xf32, #tpu.memory_space<hbm>>) target(%dma_start3A_23 : memref<64x128xf32, #tpu.memory_space<vmem>>) offsets(%dma_start3A_26 : memref<64xi32, #tpu.memory_space<vmem>>) semaphore(%arg11 : memref<!tpu.dma_semaphore, #tpu.memory_space<semaphore_mem>>)
    %scan3A = arith.constant 0 : i32
    %scan3A_30 = arith.constant 0 : i32
    %scan3A_31 = arith.constant 20 : i32
    %scan3A_32 = arith.addi %scan3A_30, %scan3A_31 : i32
    %scan3A_33 = arith.constant 1 : i32
    scf.for %scan3A_308 = %scan3A_30 to %scan3A_32 step %scan3A_33  : i32 {
      %mul3A_309 = arith.constant 2 : i32
      %mul3A_310 = arith.muli %mul3A_309, %scan3A_308 : i32
      %dma_wait3A = arith.constant 0 : i32
      %dma_wait3A_311 = arith.constant 0 : i32
      %dma_wait3A_312 = tpu.memref_slice %arg7[%dma_wait3A, %dma_wait3A_311] : memref<128x128xf32, #tpu.memory_space<vmem>> -> memref<64x128xf32, #tpu.memory_space<vmem>>
      %dma_wait3A_313 = arith.constant 0 : i32
      %dma_wait3A_314 = tpu.memref_slice %arg5[%mul3A_310, %dma_wait3A_313] : memref<40x128xi32, #tpu.memory_space<vmem>> -> memref<1x64xi32, #tpu.memory_space<vmem>>
      %dma_wait3A_315 = tpu.memref_squeeze %dma_wait3A_314 : memref<1x64xi32, #tpu.memory_space<vmem>> -> memref<64xi32, #tpu.memory_space<vmem>>
      %dma_wait3A_316 = arith.constant 0 : i32
      %dma_wait3A_317 = arith.constant 0 : i32
      %dma_wait3A_318 = tpu.memref_slice %arg2[%dma_wait3A_316, %dma_wait3A_317] : memref<10240x128xf32, #tpu.memory_space<hbm>> -> memref<10240x128xf32, #tpu.memory_space<hbm>>
      tpu.wait_indirect_dma semaphore(%arg10 : memref<!tpu.dma_semaphore, #tpu.memory_space<semaphore_mem>>) src(%dma_wait3A_318 : memref<10240x128xf32, #tpu.memory_space<hbm>>) dst(%dma_wait3A_312 : memref<64x128xf32, #tpu.memory_space<vmem>>)
      %dma_wait3A_319 = arith.constant 64 : i32
      %dma_wait3A_320 = arith.constant 0 : i32
      %dma_wait3A_321 = tpu.memref_slice %arg7[%dma_wait3A_319, %dma_wait3A_320] : memref<128x128xf32, #tpu.memory_space<vmem>> -> memref<64x128xf32, #tpu.memory_space<vmem>>
      %dma_wait3A_322 = arith.constant 64 : i32
      %dma_wait3A_323 = tpu.memref_slice %arg5[%mul3A_310, %dma_wait3A_322] : memref<40x128xi32, #tpu.memory_space<vmem>> -> memref<1x64xi32, #tpu.memory_space<vmem>>
      %dma_wait3A_324 = tpu.memref_squeeze %dma_wait3A_323 : memref<1x64xi32, #tpu.memory_space<vmem>> -> memref<64xi32, #tpu.memory_space<vmem>>
      %dma_wait3A_325 = arith.constant 0 : i32
      %dma_wait3A_326 = arith.constant 0 : i32
      %dma_wait3A_327 = tpu.memref_slice %arg2[%dma_wait3A_325, %dma_wait3A_326] : memref<10240x128xf32, #tpu.memory_space<hbm>> -> memref<10240x128xf32, #tpu.memory_space<hbm>>
      tpu.wait_indirect_dma semaphore(%arg11 : memref<!tpu.dma_semaphore, #tpu.memory_space<semaphore_mem>>) src(%dma_wait3A_327 : memref<10240x128xf32, #tpu.memory_space<hbm>>) dst(%dma_wait3A_321 : memref<64x128xf32, #tpu.memory_space<vmem>>)
      %add3A_328 = arith.constant 1 : i32
      %add3A_329 = arith.addi %mul3A_310, %add3A_328 : i32
      %dma_start3A_330 = arith.constant 0 : i32
      %dma_start3A_331 = arith.constant 0 : i32
      %dma_start3A_332 = tpu.memref_slice %arg8[%dma_start3A_330, %dma_start3A_331] : memref<128x128xf32, #tpu.memory_space<vmem>> -> memref<64x128xf32, #tpu.memory_space<vmem>>
      %dma_start3A_333 = arith.constant 0 : i32
      %dma_start3A_334 = tpu.memref_slice %arg5[%add3A_329, %dma_start3A_333] : memref<40x128xi32, #tpu.memory_space<vmem>> -> memref<1x64xi32, #tpu.memory_space<vmem>>
      %dma_start3A_335 = tpu.memref_squeeze %dma_start3A_334 : memref<1x64xi32, #tpu.memory_space<vmem>> -> memref<64xi32, #tpu.memory_space<vmem>>
      %dma_start3A_336 = arith.constant 0 : i32
      %dma_start3A_337 = arith.constant 0 : i32
      %dma_start3A_338 = tpu.memref_slice %arg2[%dma_start3A_336, %dma_start3A_337] : memref<10240x128xf32, #tpu.memory_space<hbm>> -> memref<10240x128xf32, #tpu.memory_space<hbm>>
      tpu.enqueue_indirect_dma source(%dma_start3A_338 : memref<10240x128xf32, #tpu.memory_space<hbm>>) target(%dma_start3A_332 : memref<64x128xf32, #tpu.memory_space<vmem>>) offsets(%dma_start3A_335 : memref<64xi32, #tpu.memory_space<vmem>>) semaphore(%arg12 : memref<!tpu.dma_semaphore, #tpu.memory_space<semaphore_mem>>)
      %dma_start3A_339 = arith.constant 64 : i32
      %dma_start3A_340 = arith.constant 0 : i32
      %dma_start3A_341 = tpu.memref_slice %arg8[%dma_start3A_339, %dma_start3A_340] : memref<128x128xf32, #tpu.memory_space<vmem>> -> memref<64x128xf32, #tpu.memory_space<vmem>>
      %dma_start3A_342 = arith.constant 64 : i32
      %dma_start3A_343 = tpu.memref_slice %arg5[%add3A_329, %dma_start3A_342] : memref<40x128xi32, #tpu.memory_space<vmem>> -> memref<1x64xi32, #tpu.memory_space<vmem>>
      %dma_start3A_344 = tpu.memref_squeeze %dma_start3A_343 : memref<1x64xi32, #tpu.memory_space<vmem>> -> memref<64xi32, #tpu.memory_space<vmem>>
      %dma_start3A_345 = arith.constant 0 : i32
      %dma_start3A_346 = arith.constant 0 : i32
      %dma_start3A_347 = tpu.memref_slice %arg2[%dma_start3A_345, %dma_start3A_346] : memref<10240x128xf32, #tpu.memory_space<hbm>> -> memref<10240x128xf32, #tpu.memory_space<hbm>>
      tpu.enqueue_indirect_dma source(%dma_start3A_347 : memref<10240x128xf32, #tpu.memory_space<hbm>>) target(%dma_start3A_341 : memref<64x128xf32, #tpu.memory_space<vmem>>) offsets(%dma_start3A_344 : memref<64xi32, #tpu.memory_space<vmem>>) semaphore(%arg13 : memref<!tpu.dma_semaphore, #tpu.memory_space<semaphore_mem>>)
      "tpu.region"() ({
        %run_scoped3A_372 = tpu.sem_alloc : memref<!tpu.dma_semaphore, #tpu.memory_space<semaphore_mem>>
        %dma_start3A_373 = arith.constant 0 : i32
        %dma_start3A_374 = tpu.memref_slice %arg6[%mul3A_310, %dma_start3A_373] : memref<40x128xi32, #tpu.memory_space<vmem>> -> memref<1x128xi32, #tpu.memory_space<vmem>>
        %dma_start3A_375 = tpu.memref_squeeze %dma_start3A_374 : memref<1x128xi32, #tpu.memory_space<vmem>> -> memref<128xi32, #tpu.memory_space<vmem>>
        %dma_start3A_376 = arith.constant 0 : i32
        %dma_start3A_377 = arith.constant 0 : i32
        %dma_start3A_378 = tpu.memref_slice %arg9[%dma_start3A_376, %dma_start3A_377] : memref<10240x128xf32, #tpu.memory_space<vmem_shared>> -> memref<10240x128xf32, #tpu.memory_space<vmem_shared>>
        tpu.enqueue_indirect_dma source(%arg7 : memref<128x128xf32, #tpu.memory_space<vmem>>) target(%dma_start3A_378 : memref<10240x128xf32, #tpu.memory_space<vmem_shared>>) offsets(%dma_start3A_375 : memref<128xi32, #tpu.memory_space<vmem>>) semaphore(%run_scoped3A_372 : memref<!tpu.dma_semaphore, #tpu.memory_space<semaphore_mem>>) {add = true}
        %dma_wait3A_379 = arith.constant 0 : i32
        %dma_wait3A_380 = tpu.memref_slice %arg6[%mul3A_310, %dma_wait3A_379] : memref<40x128xi32, #tpu.memory_space<vmem>> -> memref<1x128xi32, #tpu.memory_space<vmem>>
        %dma_wait3A_381 = tpu.memref_squeeze %dma_wait3A_380 : memref<1x128xi32, #tpu.memory_space<vmem>> -> memref<128xi32, #tpu.memory_space<vmem>>
        %dma_wait3A_382 = arith.constant 0 : i32
        %dma_wait3A_383 = arith.constant 0 : i32
        %dma_wait3A_384 = tpu.memref_slice %arg9[%dma_wait3A_382, %dma_wait3A_383] : memref<10240x128xf32, #tpu.memory_space<vmem_shared>> -> memref<10240x128xf32, #tpu.memory_space<vmem_shared>>
        tpu.wait_indirect_dma semaphore(%run_scoped3A_372 : memref<!tpu.dma_semaphore, #tpu.memory_space<semaphore_mem>>) src(%arg7 : memref<128x128xf32, #tpu.memory_space<vmem>>) dst(%dma_wait3A_384 : memref<10240x128xf32, #tpu.memory_space<vmem_shared>>)
        tpu.yield
      }) : () -> ()
      %add3A_348 = arith.constant 1 : i32
      %add3A_349 = arith.addi %mul3A_310, %add3A_348 : i32
      %dma_wait3A_350 = arith.constant 0 : i32
      %dma_wait3A_351 = arith.constant 0 : i32
      %dma_wait3A_352 = tpu.memref_slice %arg8[%dma_wait3A_350, %dma_wait3A_351] : memref<128x128xf32, #tpu.memory_space<vmem>> -> memref<64x128xf32, #tpu.memory_space<vmem>>
      %dma_wait3A_353 = arith.constant 0 : i32
      %dma_wait3A_354 = tpu.memref_slice %arg5[%add3A_349, %dma_wait3A_353] : memref<40x128xi32, #tpu.memory_space<vmem>> -> memref<1x64xi32, #tpu.memory_space<vmem>>
      %dma_wait3A_355 = tpu.memref_squeeze %dma_wait3A_354 : memref<1x64xi32, #tpu.memory_space<vmem>> -> memref<64xi32, #tpu.memory_space<vmem>>
      %dma_wait3A_356 = arith.constant 0 : i32
      %dma_wait3A_357 = arith.constant 0 : i32
      %dma_wait3A_358 = tpu.memref_slice %arg2[%dma_wait3A_356, %dma_wait3A_357] : memref<10240x128xf32, #tpu.memory_space<hbm>> -> memref<10240x128xf32, #tpu.memory_space<hbm>>
      tpu.wait_indirect_dma semaphore(%arg12 : memref<!tpu.dma_semaphore, #tpu.memory_space<semaphore_mem>>) src(%dma_wait3A_358 : memref<10240x128xf32, #tpu.memory_space<hbm>>) dst(%dma_wait3A_352 : memref<64x128xf32, #tpu.memory_space<vmem>>)
      %dma_wait3A_359 = arith.constant 64 : i32
      %dma_wait3A_360 = arith.constant 0 : i32
      %dma_wait3A_361 = tpu.memref_slice %arg8[%dma_wait3A_359, %dma_wait3A_360] : memref<128x128xf32, #tpu.memory_space<vmem>> -> memref<64x128xf32, #tpu.memory_space<vmem>>
      %dma_wait3A_362 = arith.constant 64 : i32
      %dma_wait3A_363 = tpu.memref_slice %arg5[%add3A_349, %dma_wait3A_362] : memref<40x128xi32, #tpu.memory_space<vmem>> -> memref<1x64xi32, #tpu.memory_space<vmem>>
      %dma_wait3A_364 = tpu.memref_squeeze %dma_wait3A_363 : memref<1x64xi32, #tpu.memory_space<vmem>> -> memref<64xi32, #tpu.memory_space<vmem>>
      %dma_wait3A_365 = arith.constant 0 : i32
      %dma_wait3A_366 = arith.constant 0 : i32
      %dma_wait3A_367 = tpu.memref_slice %arg2[%dma_wait3A_365, %dma_wait3A_366] : memref<10240x128xf32, #tpu.memory_space<hbm>> -> memref<10240x128xf32, #tpu.memory_space<hbm>>
      tpu.wait_indirect_dma semaphore(%arg13 : memref<!tpu.dma_semaphore, #tpu.memory_space<semaphore_mem>>) src(%dma_wait3A_367 : memref<10240x128xf32, #tpu.memory_space<hbm>>) dst(%dma_wait3A_361 : memref<64x128xf32, #tpu.memory_space<vmem>>)
      %lt3A = arith.constant 19 : i32
      %lt3A_368 = arith.cmpi slt, %scan3A_308, %lt3A : i32
      %convert_element_type3A = arith.extui %lt3A_368 : i1 to i32
      %cond3A = arith.constant 0 : i32
      %cond3A_369 = arith.cmpi ne, %convert_element_type3A, %cond3A : i32
      scf.if %cond3A_369 {
        %add3A_372 = arith.constant 2 : i32
        %add3A_373 = arith.addi %mul3A_310, %add3A_372 : i32
        %dma_start3A_374 = arith.constant 0 : i32
        %dma_start3A_375 = arith.constant 0 : i32
        %dma_start3A_376 = tpu.memref_slice %arg7[%dma_start3A_374, %dma_start3A_375] : memref<128x128xf32, #tpu.memory_space<vmem>> -> memref<64x128xf32, #tpu.memory_space<vmem>>
        %dma_start3A_377 = arith.constant 0 : i32
        %dma_start3A_378 = tpu.memref_slice %arg5[%add3A_373, %dma_start3A_377] : memref<40x128xi32, #tpu.memory_space<vmem>> -> memref<1x64xi32, #tpu.memory_space<vmem>>
        %dma_start3A_379 = tpu.memref_squeeze %dma_start3A_378 : memref<1x64xi32, #tpu.memory_space<vmem>> -> memref<64xi32, #tpu.memory_space<vmem>>
        %dma_start3A_380 = arith.constant 0 : i32
        %dma_start3A_381 = arith.constant 0 : i32
        %dma_start3A_382 = tpu.memref_slice %arg2[%dma_start3A_380, %dma_start3A_381] : memref<10240x128xf32, #tpu.memory_space<hbm>> -> memref<10240x128xf32, #tpu.memory_space<hbm>>
        tpu.enqueue_indirect_dma source(%dma_start3A_382 : memref<10240x128xf32, #tpu.memory_space<hbm>>) target(%dma_start3A_376 : memref<64x128xf32, #tpu.memory_space<vmem>>) offsets(%dma_start3A_379 : memref<64xi32, #tpu.memory_space<vmem>>) semaphore(%arg10 : memref<!tpu.dma_semaphore, #tpu.memory_space<semaphore_mem>>)
        %dma_start3A_383 = arith.constant 64 : i32
        %dma_start3A_384 = arith.constant 0 : i32
        %dma_start3A_385 = tpu.memref_slice %arg7[%dma_start3A_383, %dma_start3A_384] : memref<128x128xf32, #tpu.memory_space<vmem>> -> memref<64x128xf32, #tpu.memory_space<vmem>>
        %dma_start3A_386 = arith.constant 64 : i32
        %dma_start3A_387 = tpu.memref_slice %arg5[%add3A_373, %dma_start3A_386] : memref<40x128xi32, #tpu.memory_space<vmem>> -> memref<1x64xi32, #tpu.memory_space<vmem>>
        %dma_start3A_388 = tpu.memref_squeeze %dma_start3A_387 : memref<1x64xi32, #tpu.memory_space<vmem>> -> memref<64xi32, #tpu.memory_space<vmem>>
        %dma_start3A_389 = arith.constant 0 : i32
        %dma_start3A_390 = arith.constant 0 : i32
        %dma_start3A_391 = tpu.memref_slice %arg2[%dma_start3A_389, %dma_start3A_390] : memref<10240x128xf32, #tpu.memory_space<hbm>> -> memref<10240x128xf32, #tpu.memory_space<hbm>>
        tpu.enqueue_indirect_dma source(%dma_start3A_391 : memref<10240x128xf32, #tpu.memory_space<hbm>>) target(%dma_start3A_385 : memref<64x128xf32, #tpu.memory_space<vmem>>) offsets(%dma_start3A_388 : memref<64xi32, #tpu.memory_space<vmem>>) semaphore(%arg11 : memref<!tpu.dma_semaphore, #tpu.memory_space<semaphore_mem>>)
      } else {
      }
      %add3A_370 = arith.constant 1 : i32
      %add3A_371 = arith.addi %mul3A_310, %add3A_370 : i32
      "tpu.region"() ({
        %run_scoped3A_372 = tpu.sem_alloc : memref<!tpu.dma_semaphore, #tpu.memory_space<semaphore_mem>>
        %dma_start3A_373 = arith.constant 0 : i32
        %dma_start3A_374 = tpu.memref_slice %arg6[%add3A_371, %dma_start3A_373] : memref<40x128xi32, #tpu.memory_space<vmem>> -> memref<1x128xi32, #tpu.memory_space<vmem>>
        %dma_start3A_375 = tpu.memref_squeeze %dma_start3A_374 : memref<1x128xi32, #tpu.memory_space<vmem>> -> memref<128xi32, #tpu.memory_space<vmem>>
        %dma_start3A_376 = arith.constant 0 : i32
        %dma_start3A_377 = arith.constant 0 : i32
        %dma_start3A_378 = tpu.memref_slice %arg9[%dma_start3A_376, %dma_start3A_377] : memref<10240x128xf32, #tpu.memory_space<vmem_shared>> -> memref<10240x128xf32, #tpu.memory_space<vmem_shared>>
        tpu.enqueue_indirect_dma source(%arg8 : memref<128x128xf32, #tpu.memory_space<vmem>>) target(%dma_start3A_378 : memref<10240x128xf32, #tpu.memory_space<vmem_shared>>) offsets(%dma_start3A_375 : memref<128xi32, #tpu.memory_space<vmem>>) semaphore(%run_scoped3A_372 : memref<!tpu.dma_semaphore, #tpu.memory_space<semaphore_mem>>) {add = true}
        %dma_wait3A_379 = arith.constant 0 : i32
        %dma_wait3A_380 = tpu.memref_slice %arg6[%add3A_371, %dma_wait3A_379] : memref<40x128xi32, #tpu.memory_space<vmem>> -> memref<1x128xi32, #tpu.memory_space<vmem>>
        %dma_wait3A_381 = tpu.memref_squeeze %dma_wait3A_380 : memref<1x128xi32, #tpu.memory_space<vmem>> -> memref<128xi32, #tpu.memory_space<vmem>>
        %dma_wait3A_382 = arith.constant 0 : i32
        %dma_wait3A_383 = arith.constant 0 : i32
        %dma_wait3A_384 = tpu.memref_slice %arg9[%dma_wait3A_382, %dma_wait3A_383] : memref<10240x128xf32, #tpu.memory_space<vmem_shared>> -> memref<10240x128xf32, #tpu.memory_space<vmem_shared>>
        tpu.wait_indirect_dma semaphore(%run_scoped3A_372 : memref<!tpu.dma_semaphore, #tpu.memory_space<semaphore_mem>>) src(%arg8 : memref<128x128xf32, #tpu.memory_space<vmem>>) dst(%dma_wait3A_384 : memref<10240x128xf32, #tpu.memory_space<vmem_shared>>)
        tpu.yield
      }) : () -> ()
    }
    %scan3A_34 = arith.constant 20 : i32
    "tpu.region"() ({
      %run_scoped3A_308 = tpu.sem_alloc : memref<!tpu.dma_semaphore, #tpu.memory_space<semaphore_mem>>
      %dma_start3A_309 = arith.constant 40 : i32
      %dma_start3A_310 = arith.constant 0 : i32
      %dma_start3A_311 = tpu.memref_slice %arg3[%arg0, %arg1, %dma_start3A_309, %dma_start3A_310] : memref<2x16x160x128xi32, #tpu.memory_space<hbm>> -> memref<1x1x40x128xi32, #tpu.memory_space<hbm>>
      %dma_start3A_312 = tpu.memref_squeeze %dma_start3A_311 : memref<1x1x40x128xi32, #tpu.memory_space<hbm>> -> memref<40x128xi32, #tpu.memory_space<hbm>>
      %dma_start3A_313 = arith.constant 40 : i32
      %dma_start3A_314 = arith.constant 0 : i32
      %dma_start3A_315 = tpu.memref_slice %arg3[%arg0, %arg1, %dma_start3A_313, %dma_start3A_314] : memref<2x16x160x128xi32, #tpu.memory_space<hbm>> -> memref<1x1x40x128xi32, #tpu.memory_space<hbm>>
      %dma_start3A_316 = tpu.memref_squeeze %dma_start3A_315 : memref<1x1x40x128xi32, #tpu.memory_space<hbm>> -> memref<40x128xi32, #tpu.memory_space<hbm>>
      tpu.enqueue_dma source(%dma_start3A_316 : memref<40x128xi32, #tpu.memory_space<hbm>>) target(%arg5 : memref<40x128xi32, #tpu.memory_space<vmem>>) target_semaphore(%run_scoped3A_308 : memref<!tpu.dma_semaphore, #tpu.memory_space<semaphore_mem>>)
      %dma_wait3A = arith.constant 40 : i32
      %dma_wait3A_317 = arith.constant 0 : i32
      %dma_wait3A_318 = tpu.memref_slice %arg3[%arg0, %arg1, %dma_wait3A, %dma_wait3A_317] : memref<2x16x160x128xi32, #tpu.memory_space<hbm>> -> memref<1x1x40x128xi32, #tpu.memory_space<hbm>>
      %dma_wait3A_319 = tpu.memref_squeeze %dma_wait3A_318 : memref<1x1x40x128xi32, #tpu.memory_space<hbm>> -> memref<40x128xi32, #tpu.memory_space<hbm>>
      %dma_wait3A_320 = arith.constant 40 : i32
      %dma_wait3A_321 = arith.constant 0 : i32
      %dma_wait3A_322 = tpu.memref_slice %arg3[%arg0, %arg1, %dma_wait3A_320, %dma_wait3A_321] : memref<2x16x160x128xi32, #tpu.memory_space<hbm>> -> memref<1x1x40x128xi32, #tpu.memory_space<hbm>>
      %dma_wait3A_323 = tpu.memref_squeeze %dma_wait3A_322 : memref<1x1x40x128xi32, #tpu.memory_space<hbm>> -> memref<40x128xi32, #tpu.memory_space<hbm>>
      tpu.wait_dma2 semaphore(%run_scoped3A_308 : memref<!tpu.dma_semaphore, #tpu.memory_space<semaphore_mem>>) src(%dma_wait3A_323 : memref<40x128xi32, #tpu.memory_space<hbm>>) dst(%arg5 : memref<40x128xi32, #tpu.memory_space<vmem>>)
      tpu.yield
    }) : () -> ()
    %sub3A_35 = arith.constant 1 : i32
    %sub3A_36 = arith.subi %sub3A_35, %arg0 : i32
    "tpu.region"() ({
      %run_scoped3A_308 = tpu.sem_alloc : memref<!tpu.dma_semaphore, #tpu.memory_space<semaphore_mem>>
      %dma_start3A_309 = arith.constant 40 : i32
      %dma_start3A_310 = arith.constant 0 : i32
      %dma_start3A_311 = tpu.memref_slice %arg3[%sub3A_36, %arg1, %dma_start3A_309, %dma_start3A_310] : memref<2x16x160x128xi32, #tpu.memory_space<hbm>> -> memref<1x1x40x128xi32, #tpu.memory_space<hbm>>
      %dma_start3A_312 = tpu.memref_squeeze %dma_start3A_311 : memref<1x1x40x128xi32, #tpu.memory_space<hbm>> -> memref<40x128xi32, #tpu.memory_space<hbm>>
      %dma_start3A_313 = arith.constant 40 : i32
      %dma_start3A_314 = arith.constant 0 : i32
      %dma_start3A_315 = tpu.memref_slice %arg3[%sub3A_36, %arg1, %dma_start3A_313, %dma_start3A_314] : memref<2x16x160x128xi32, #tpu.memory_space<hbm>> -> memref<1x1x40x128xi32, #tpu.memory_space<hbm>>
      %dma_start3A_316 = tpu.memref_squeeze %dma_start3A_315 : memref<1x1x40x128xi32, #tpu.memory_space<hbm>> -> memref<40x128xi32, #tpu.memory_space<hbm>>
      tpu.enqueue_dma source(%dma_start3A_316 : memref<40x128xi32, #tpu.memory_space<hbm>>) target(%arg6 : memref<40x128xi32, #tpu.memory_space<vmem>>) target_semaphore(%run_scoped3A_308 : memref<!tpu.dma_semaphore, #tpu.memory_space<semaphore_mem>>)
      %dma_wait3A = arith.constant 40 : i32
      %dma_wait3A_317 = arith.constant 0 : i32
      %dma_wait3A_318 = tpu.memref_slice %arg3[%sub3A_36, %arg1, %dma_wait3A, %dma_wait3A_317] : memref<2x16x160x128xi32, #tpu.memory_space<hbm>> -> memref<1x1x40x128xi32, #tpu.memory_space<hbm>>
      %dma_wait3A_319 = tpu.memref_squeeze %dma_wait3A_318 : memref<1x1x40x128xi32, #tpu.memory_space<hbm>> -> memref<40x128xi32, #tpu.memory_space<hbm>>
      %dma_wait3A_320 = arith.constant 40 : i32
      %dma_wait3A_321 = arith.constant 0 : i32
      %dma_wait3A_322 = tpu.memref_slice %arg3[%sub3A_36, %arg1, %dma_wait3A_320, %dma_wait3A_321] : memref<2x16x160x128xi32, #tpu.memory_space<hbm>> -> memref<1x1x40x128xi32, #tpu.memory_space<hbm>>
      %dma_wait3A_323 = tpu.memref_squeeze %dma_wait3A_322 : memref<1x1x40x128xi32, #tpu.memory_space<hbm>> -> memref<40x128xi32, #tpu.memory_space<hbm>>
      tpu.wait_dma2 semaphore(%run_scoped3A_308 : memref<!tpu.dma_semaphore, #tpu.memory_space<semaphore_mem>>) src(%dma_wait3A_323 : memref<40x128xi32, #tpu.memory_space<hbm>>) dst(%arg6 : memref<40x128xi32, #tpu.memory_space<vmem>>)
      tpu.yield
    }) : () -> ()
    %dma_start3A_37 = arith.constant 0 : i32
    %dma_start3A_38 = arith.constant 0 : i32
    %dma_start3A_39 = arith.constant 0 : i32
    %dma_start3A_40 = tpu.memref_slice %arg7[%dma_start3A_38, %dma_start3A_39] : memref<128x128xf32, #tpu.memory_space<vmem>> -> memref<64x128xf32, #tpu.memory_space<vmem>>
    %dma_start3A_41 = arith.constant 0 : i32
    %dma_start3A_42 = tpu.memref_slice %arg5[%dma_start3A_37, %dma_start3A_41] : memref<40x128xi32, #tpu.memory_space<vmem>> -> memref<1x64xi32, #tpu.memory_space<vmem>>
    %dma_start3A_43 = tpu.memref_squeeze %dma_start3A_42 : memref<1x64xi32, #tpu.memory_space<vmem>> -> memref<64xi32, #tpu.memory_space<vmem>>
    %dma_start3A_44 = arith.constant 0 : i32
    %dma_start3A_45 = arith.constant 0 : i32
    %dma_start3A_46 = tpu.memref_slice %arg2[%dma_start3A_44, %dma_start3A_45] : memref<10240x128xf32, #tpu.memory_space<hbm>> -> memref<10240x128xf32, #tpu.memory_space<hbm>>
    tpu.enqueue_indirect_dma source(%dma_start3A_46 : memref<10240x128xf32, #tpu.memory_space<hbm>>) target(%dma_start3A_40 : memref<64x128xf32, #tpu.memory_space<vmem>>) offsets(%dma_start3A_43 : memref<64xi32, #tpu.memory_space<vmem>>) semaphore(%arg10 : memref<!tpu.dma_semaphore, #tpu.memory_space<semaphore_mem>>)
    %dma_start3A_47 = arith.constant 0 : i32
    %dma_start3A_48 = arith.constant 64 : i32
    %dma_start3A_49 = arith.constant 0 : i32
    %dma_start3A_50 = tpu.memref_slice %arg7[%dma_start3A_48, %dma_start3A_49] : memref<128x128xf32, #tpu.memory_space<vmem>> -> memref<64x128xf32, #tpu.memory_space<vmem>>
    %dma_start3A_51 = arith.constant 64 : i32
    %dma_start3A_52 = tpu.memref_slice %arg5[%dma_start3A_47, %dma_start3A_51] : memref<40x128xi32, #tpu.memory_space<vmem>> -> memref<1x64xi32, #tpu.memory_space<vmem>>
    %dma_start3A_53 = tpu.memref_squeeze %dma_start3A_52 : memref<1x64xi32, #tpu.memory_space<vmem>> -> memref<64xi32, #tpu.memory_space<vmem>>
    %dma_start3A_54 = arith.constant 0 : i32
    %dma_start3A_55 = arith.constant 0 : i32
    %dma_start3A_56 = tpu.memref_slice %arg2[%dma_start3A_54, %dma_start3A_55] : memref<10240x128xf32, #tpu.memory_space<hbm>> -> memref<10240x128xf32, #tpu.memory_space<hbm>>
    tpu.enqueue_indirect_dma source(%dma_start3A_56 : memref<10240x128xf32, #tpu.memory_space<hbm>>) target(%dma_start3A_50 : memref<64x128xf32, #tpu.memory_space<vmem>>) offsets(%dma_start3A_53 : memref<64xi32, #tpu.memory_space<vmem>>) semaphore(%arg11 : memref<!tpu.dma_semaphore, #tpu.memory_space<semaphore_mem>>)
    %scan3A_57 = arith.constant 0 : i32
    %scan3A_58 = arith.constant 0 : i32
    %scan3A_59 = arith.constant 20 : i32
    %scan3A_60 = arith.addi %scan3A_58, %scan3A_59 : i32
    %scan3A_61 = arith.constant 1 : i32
    scf.for %scan3A_308 = %scan3A_58 to %scan3A_60 step %scan3A_61  : i32 {
      %mul3A_309 = arith.constant 2 : i32
      %mul3A_310 = arith.muli %mul3A_309, %scan3A_308 : i32
      %dma_wait3A = arith.constant 0 : i32
      %dma_wait3A_311 = arith.constant 0 : i32
      %dma_wait3A_312 = tpu.memref_slice %arg7[%dma_wait3A, %dma_wait3A_311] : memref<128x128xf32, #tpu.memory_space<vmem>> -> memref<64x128xf32, #tpu.memory_space<vmem>>
      %dma_wait3A_313 = arith.constant 0 : i32
      %dma_wait3A_314 = tpu.memref_slice %arg5[%mul3A_310, %dma_wait3A_313] : memref<40x128xi32, #tpu.memory_space<vmem>> -> memref<1x64xi32, #tpu.memory_space<vmem>>
      %dma_wait3A_315 = tpu.memref_squeeze %dma_wait3A_314 : memref<1x64xi32, #tpu.memory_space<vmem>> -> memref<64xi32, #tpu.memory_space<vmem>>
      %dma_wait3A_316 = arith.constant 0 : i32
      %dma_wait3A_317 = arith.constant 0 : i32
      %dma_wait3A_318 = tpu.memref_slice %arg2[%dma_wait3A_316, %dma_wait3A_317] : memref<10240x128xf32, #tpu.memory_space<hbm>> -> memref<10240x128xf32, #tpu.memory_space<hbm>>
      tpu.wait_indirect_dma semaphore(%arg10 : memref<!tpu.dma_semaphore, #tpu.memory_space<semaphore_mem>>) src(%dma_wait3A_318 : memref<10240x128xf32, #tpu.memory_space<hbm>>) dst(%dma_wait3A_312 : memref<64x128xf32, #tpu.memory_space<vmem>>)
      %dma_wait3A_319 = arith.constant 64 : i32
      %dma_wait3A_320 = arith.constant 0 : i32
      %dma_wait3A_321 = tpu.memref_slice %arg7[%dma_wait3A_319, %dma_wait3A_320] : memref<128x128xf32, #tpu.memory_space<vmem>> -> memref<64x128xf32, #tpu.memory_space<vmem>>
      %dma_wait3A_322 = arith.constant 64 : i32
      %dma_wait3A_323 = tpu.memref_slice %arg5[%mul3A_310, %dma_wait3A_322] : memref<40x128xi32, #tpu.memory_space<vmem>> -> memref<1x64xi32, #tpu.memory_space<vmem>>
      %dma_wait3A_324 = tpu.memref_squeeze %dma_wait3A_323 : memref<1x64xi32, #tpu.memory_space<vmem>> -> memref<64xi32, #tpu.memory_space<vmem>>
      %dma_wait3A_325 = arith.constant 0 : i32
      %dma_wait3A_326 = arith.constant 0 : i32
      %dma_wait3A_327 = tpu.memref_slice %arg2[%dma_wait3A_325, %dma_wait3A_326] : memref<10240x128xf32, #tpu.memory_space<hbm>> -> memref<10240x128xf32, #tpu.memory_space<hbm>>
      tpu.wait_indirect_dma semaphore(%arg11 : memref<!tpu.dma_semaphore, #tpu.memory_space<semaphore_mem>>) src(%dma_wait3A_327 : memref<10240x128xf32, #tpu.memory_space<hbm>>) dst(%dma_wait3A_321 : memref<64x128xf32, #tpu.memory_space<vmem>>)
      %add3A_328 = arith.constant 1 : i32
      %add3A_329 = arith.addi %mul3A_310, %add3A_328 : i32
      %dma_start3A_330 = arith.constant 0 : i32
      %dma_start3A_331 = arith.constant 0 : i32
      %dma_start3A_332 = tpu.memref_slice %arg8[%dma_start3A_330, %dma_start3A_331] : memref<128x128xf32, #tpu.memory_space<vmem>> -> memref<64x128xf32, #tpu.memory_space<vmem>>
      %dma_start3A_333 = arith.constant 0 : i32
      %dma_start3A_334 = tpu.memref_slice %arg5[%add3A_329, %dma_start3A_333] : memref<40x128xi32, #tpu.memory_space<vmem>> -> memref<1x64xi32, #tpu.memory_space<vmem>>
      %dma_start3A_335 = tpu.memref_squeeze %dma_start3A_334 : memref<1x64xi32, #tpu.memory_space<vmem>> -> memref<64xi32, #tpu.memory_space<vmem>>
      %dma_start3A_336 = arith.constant 0 : i32
      %dma_start3A_337 = arith.constant 0 : i32
      %dma_start3A_338 = tpu.memref_slice %arg2[%dma_start3A_336, %dma_start3A_337] : memref<10240x128xf32, #tpu.memory_space<hbm>> -> memref<10240x128xf32, #tpu.memory_space<hbm>>
      tpu.enqueue_indirect_dma source(%dma_start3A_338 : memref<10240x128xf32, #tpu.memory_space<hbm>>) target(%dma_start3A_332 : memref<64x128xf32, #tpu.memory_space<vmem>>) offsets(%dma_start3A_335 : memref<64xi32, #tpu.memory_space<vmem>>) semaphore(%arg12 : memref<!tpu.dma_semaphore, #tpu.memory_space<semaphore_mem>>)
      %dma_start3A_339 = arith.constant 64 : i32
      %dma_start3A_340 = arith.constant 0 : i32
      %dma_start3A_341 = tpu.memref_slice %arg8[%dma_start3A_339, %dma_start3A_340] : memref<128x128xf32, #tpu.memory_space<vmem>> -> memref<64x128xf32, #tpu.memory_space<vmem>>
      %dma_start3A_342 = arith.constant 64 : i32
      %dma_start3A_343 = tpu.memref_slice %arg5[%add3A_329, %dma_start3A_342] : memref<40x128xi32, #tpu.memory_space<vmem>> -> memref<1x64xi32, #tpu.memory_space<vmem>>
      %dma_start3A_344 = tpu.memref_squeeze %dma_start3A_343 : memref<1x64xi32, #tpu.memory_space<vmem>> -> memref<64xi32, #tpu.memory_space<vmem>>
      %dma_start3A_345 = arith.constant 0 : i32
      %dma_start3A_346 = arith.constant 0 : i32
      %dma_start3A_347 = tpu.memref_slice %arg2[%dma_start3A_345, %dma_start3A_346] : memref<10240x128xf32, #tpu.memory_space<hbm>> -> memref<10240x128xf32, #tpu.memory_space<hbm>>
      tpu.enqueue_indirect_dma source(%dma_start3A_347 : memref<10240x128xf32, #tpu.memory_space<hbm>>) target(%dma_start3A_341 : memref<64x128xf32, #tpu.memory_space<vmem>>) offsets(%dma_start3A_344 : memref<64xi32, #tpu.memory_space<vmem>>) semaphore(%arg13 : memref<!tpu.dma_semaphore, #tpu.memory_space<semaphore_mem>>)
      "tpu.region"() ({
        %run_scoped3A_372 = tpu.sem_alloc : memref<!tpu.dma_semaphore, #tpu.memory_space<semaphore_mem>>
        %dma_start3A_373 = arith.constant 0 : i32
        %dma_start3A_374 = tpu.memref_slice %arg6[%mul3A_310, %dma_start3A_373] : memref<40x128xi32, #tpu.memory_space<vmem>> -> memref<1x128xi32, #tpu.memory_space<vmem>>
        %dma_start3A_375 = tpu.memref_squeeze %dma_start3A_374 : memref<1x128xi32, #tpu.memory_space<vmem>> -> memref<128xi32, #tpu.memory_space<vmem>>
        %dma_start3A_376 = arith.constant 0 : i32
        %dma_start3A_377 = arith.constant 0 : i32
        %dma_start3A_378 = tpu.memref_slice %arg9[%dma_start3A_376, %dma_start3A_377] : memref<10240x128xf32, #tpu.memory_space<vmem_shared>> -> memref<10240x128xf32, #tpu.memory_space<vmem_shared>>
        tpu.enqueue_indirect_dma source(%arg7 : memref<128x128xf32, #tpu.memory_space<vmem>>) target(%dma_start3A_378 : memref<10240x128xf32, #tpu.memory_space<vmem_shared>>) offsets(%dma_start3A_375 : memref<128xi32, #tpu.memory_space<vmem>>) semaphore(%run_scoped3A_372 : memref<!tpu.dma_semaphore, #tpu.memory_space<semaphore_mem>>) {add = true}
        %dma_wait3A_379 = arith.constant 0 : i32
        %dma_wait3A_380 = tpu.memref_slice %arg6[%mul3A_310, %dma_wait3A_379] : memref<40x128xi32, #tpu.memory_space<vmem>> -> memref<1x128xi32, #tpu.memory_space<vmem>>
        %dma_wait3A_381 = tpu.memref_squeeze %dma_wait3A_380 : memref<1x128xi32, #tpu.memory_space<vmem>> -> memref<128xi32, #tpu.memory_space<vmem>>
        %dma_wait3A_382 = arith.constant 0 : i32
        %dma_wait3A_383 = arith.constant 0 : i32
        %dma_wait3A_384 = tpu.memref_slice %arg9[%dma_wait3A_382, %dma_wait3A_383] : memref<10240x128xf32, #tpu.memory_space<vmem_shared>> -> memref<10240x128xf32, #tpu.memory_space<vmem_shared>>
        tpu.wait_indirect_dma semaphore(%run_scoped3A_372 : memref<!tpu.dma_semaphore, #tpu.memory_space<semaphore_mem>>) src(%arg7 : memref<128x128xf32, #tpu.memory_space<vmem>>) dst(%dma_wait3A_384 : memref<10240x128xf32, #tpu.memory_space<vmem_shared>>)
        tpu.yield
      }) : () -> ()
      %add3A_348 = arith.constant 1 : i32
      %add3A_349 = arith.addi %mul3A_310, %add3A_348 : i32
      %dma_wait3A_350 = arith.constant 0 : i32
      %dma_wait3A_351 = arith.constant 0 : i32
      %dma_wait3A_352 = tpu.memref_slice %arg8[%dma_wait3A_350, %dma_wait3A_351] : memref<128x128xf32, #tpu.memory_space<vmem>> -> memref<64x128xf32, #tpu.memory_space<vmem>>
      %dma_wait3A_353 = arith.constant 0 : i32
      %dma_wait3A_354 = tpu.memref_slice %arg5[%add3A_349, %dma_wait3A_353] : memref<40x128xi32, #tpu.memory_space<vmem>> -> memref<1x64xi32, #tpu.memory_space<vmem>>
      %dma_wait3A_355 = tpu.memref_squeeze %dma_wait3A_354 : memref<1x64xi32, #tpu.memory_space<vmem>> -> memref<64xi32, #tpu.memory_space<vmem>>
      %dma_wait3A_356 = arith.constant 0 : i32
      %dma_wait3A_357 = arith.constant 0 : i32
      %dma_wait3A_358 = tpu.memref_slice %arg2[%dma_wait3A_356, %dma_wait3A_357] : memref<10240x128xf32, #tpu.memory_space<hbm>> -> memref<10240x128xf32, #tpu.memory_space<hbm>>
      tpu.wait_indirect_dma semaphore(%arg12 : memref<!tpu.dma_semaphore, #tpu.memory_space<semaphore_mem>>) src(%dma_wait3A_358 : memref<10240x128xf32, #tpu.memory_space<hbm>>) dst(%dma_wait3A_352 : memref<64x128xf32, #tpu.memory_space<vmem>>)
      %dma_wait3A_359 = arith.constant 64 : i32
      %dma_wait3A_360 = arith.constant 0 : i32
      %dma_wait3A_361 = tpu.memref_slice %arg8[%dma_wait3A_359, %dma_wait3A_360] : memref<128x128xf32, #tpu.memory_space<vmem>> -> memref<64x128xf32, #tpu.memory_space<vmem>>
      %dma_wait3A_362 = arith.constant 64 : i32
      %dma_wait3A_363 = tpu.memref_slice %arg5[%add3A_349, %dma_wait3A_362] : memref<40x128xi32, #tpu.memory_space<vmem>> -> memref<1x64xi32, #tpu.memory_space<vmem>>
      %dma_wait3A_364 = tpu.memref_squeeze %dma_wait3A_363 : memref<1x64xi32, #tpu.memory_space<vmem>> -> memref<64xi32, #tpu.memory_space<vmem>>
      %dma_wait3A_365 = arith.constant 0 : i32
      %dma_wait3A_366 = arith.constant 0 : i32
      %dma_wait3A_367 = tpu.memref_slice %arg2[%dma_wait3A_365, %dma_wait3A_366] : memref<10240x128xf32, #tpu.memory_space<hbm>> -> memref<10240x128xf32, #tpu.memory_space<hbm>>
      tpu.wait_indirect_dma semaphore(%arg13 : memref<!tpu.dma_semaphore, #tpu.memory_space<semaphore_mem>>) src(%dma_wait3A_367 : memref<10240x128xf32, #tpu.memory_space<hbm>>) dst(%dma_wait3A_361 : memref<64x128xf32, #tpu.memory_space<vmem>>)
      %lt3A = arith.constant 19 : i32
      %lt3A_368 = arith.cmpi slt, %scan3A_308, %lt3A : i32
      %convert_element_type3A = arith.extui %lt3A_368 : i1 to i32
      %cond3A = arith.constant 0 : i32
      %cond3A_369 = arith.cmpi ne, %convert_element_type3A, %cond3A : i32
      scf.if %cond3A_369 {
        %add3A_372 = arith.constant 2 : i32
        %add3A_373 = arith.addi %mul3A_310, %add3A_372 : i32
        %dma_start3A_374 = arith.constant 0 : i32
        %dma_start3A_375 = arith.constant 0 : i32
        %dma_start3A_376 = tpu.memref_slice %arg7[%dma_start3A_374, %dma_start3A_375] : memref<128x128xf32, #tpu.memory_space<vmem>> -> memref<64x128xf32, #tpu.memory_space<vmem>>
        %dma_start3A_377 = arith.constant 0 : i32
        %dma_start3A_378 = tpu.memref_slice %arg5[%add3A_373, %dma_start3A_377] : memref<40x128xi32, #tpu.memory_space<vmem>> -> memref<1x64xi32, #tpu.memory_space<vmem>>
        %dma_start3A_379 = tpu.memref_squeeze %dma_start3A_378 : memref<1x64xi32, #tpu.memory_space<vmem>> -> memref<64xi32, #tpu.memory_space<vmem>>
        %dma_start3A_380 = arith.constant 0 : i32
        %dma_start3A_381 = arith.constant 0 : i32
        %dma_start3A_382 = tpu.memref_slice %arg2[%dma_start3A_380, %dma_start3A_381] : memref<10240x128xf32, #tpu.memory_space<hbm>> -> memref<10240x128xf32, #tpu.memory_space<hbm>>
        tpu.enqueue_indirect_dma source(%dma_start3A_382 : memref<10240x128xf32, #tpu.memory_space<hbm>>) target(%dma_start3A_376 : memref<64x128xf32, #tpu.memory_space<vmem>>) offsets(%dma_start3A_379 : memref<64xi32, #tpu.memory_space<vmem>>) semaphore(%arg10 : memref<!tpu.dma_semaphore, #tpu.memory_space<semaphore_mem>>)
        %dma_start3A_383 = arith.constant 64 : i32
        %dma_start3A_384 = arith.constant 0 : i32
        %dma_start3A_385 = tpu.memref_slice %arg7[%dma_start3A_383, %dma_start3A_384] : memref<128x128xf32, #tpu.memory_space<vmem>> -> memref<64x128xf32, #tpu.memory_space<vmem>>
        %dma_start3A_386 = arith.constant 64 : i32
        %dma_start3A_387 = tpu.memref_slice %arg5[%add3A_373, %dma_start3A_386] : memref<40x128xi32, #tpu.memory_space<vmem>> -> memref<1x64xi32, #tpu.memory_space<vmem>>
        %dma_start3A_388 = tpu.memref_squeeze %dma_start3A_387 : memref<1x64xi32, #tpu.memory_space<vmem>> -> memref<64xi32, #tpu.memory_space<vmem>>
        %dma_start3A_389 = arith.constant 0 : i32
        %dma_start3A_390 = arith.constant 0 : i32
        %dma_start3A_391 = tpu.memref_slice %arg2[%dma_start3A_389, %dma_start3A_390] : memref<10240x128xf32, #tpu.memory_space<hbm>> -> memref<10240x128xf32, #tpu.memory_space<hbm>>
        tpu.enqueue_indirect_dma source(%dma_start3A_391 : memref<10240x128xf32, #tpu.memory_space<hbm>>) target(%dma_start3A_385 : memref<64x128xf32, #tpu.memory_space<vmem>>) offsets(%dma_start3A_388 : memref<64xi32, #tpu.memory_space<vmem>>) semaphore(%arg11 : memref<!tpu.dma_semaphore, #tpu.memory_space<semaphore_mem>>)
      } else {
      }
      %add3A_370 = arith.constant 1 : i32
      %add3A_371 = arith.addi %mul3A_310, %add3A_370 : i32
      "tpu.region"() ({
        %run_scoped3A_372 = tpu.sem_alloc : memref<!tpu.dma_semaphore, #tpu.memory_space<semaphore_mem>>
        %dma_start3A_373 = arith.constant 0 : i32
        %dma_start3A_374 = tpu.memref_slice %arg6[%add3A_371, %dma_start3A_373] : memref<40x128xi32, #tpu.memory_space<vmem>> -> memref<1x128xi32, #tpu.memory_space<vmem>>
        %dma_start3A_375 = tpu.memref_squeeze %dma_start3A_374 : memref<1x128xi32, #tpu.memory_space<vmem>> -> memref<128xi32, #tpu.memory_space<vmem>>
        %dma_start3A_376 = arith.constant 0 : i32
        %dma_start3A_377 = arith.constant 0 : i32
        %dma_start3A_378 = tpu.memref_slice %arg9[%dma_start3A_376, %dma_start3A_377] : memref<10240x128xf32, #tpu.memory_space<vmem_shared>> -> memref<10240x128xf32, #tpu.memory_space<vmem_shared>>
        tpu.enqueue_indirect_dma source(%arg8 : memref<128x128xf32, #tpu.memory_space<vmem>>) target(%dma_start3A_378 : memref<10240x128xf32, #tpu.memory_space<vmem_shared>>) offsets(%dma_start3A_375 : memref<128xi32, #tpu.memory_space<vmem>>) semaphore(%run_scoped3A_372 : memref<!tpu.dma_semaphore, #tpu.memory_space<semaphore_mem>>) {add = true}
        %dma_wait3A_379 = arith.constant 0 : i32
        %dma_wait3A_380 = tpu.memref_slice %arg6[%add3A_371, %dma_wait3A_379] : memref<40x128xi32, #tpu.memory_space<vmem>> -> memref<1x128xi32, #tpu.memory_space<vmem>>
        %dma_wait3A_381 = tpu.memref_squeeze %dma_wait3A_380 : memref<1x128xi32, #tpu.memory_space<vmem>> -> memref<128xi32, #tpu.memory_space<vmem>>
        %dma_wait3A_382 = arith.constant 0 : i32
        %dma_wait3A_383 = arith.constant 0 : i32
        %dma_wait3A_384 = tpu.memref_slice %arg9[%dma_wait3A_382, %dma_wait3A_383] : memref<10240x128xf32, #tpu.memory_space<vmem_shared>> -> memref<10240x128xf32, #tpu.memory_space<vmem_shared>>
        tpu.wait_indirect_dma semaphore(%run_scoped3A_372 : memref<!tpu.dma_semaphore, #tpu.memory_space<semaphore_mem>>) src(%arg8 : memref<128x128xf32, #tpu.memory_space<vmem>>) dst(%dma_wait3A_384 : memref<10240x128xf32, #tpu.memory_space<vmem_shared>>)
        tpu.yield
      }) : () -> ()
    }
    %scan3A_62 = arith.constant 20 : i32
    "tpu.region"() ({
      %run_scoped3A_308 = tpu.sem_alloc : memref<!tpu.dma_semaphore, #tpu.memory_space<semaphore_mem>>
      %dma_start3A_309 = arith.constant 80 : i32
      %dma_start3A_310 = arith.constant 0 : i32
      %dma_start3A_311 = tpu.memref_slice %arg3[%arg0, %arg1, %dma_start3A_309, %dma_start3A_310] : memref<2x16x160x128xi32, #tpu.memory_space<hbm>> -> memref<1x1x40x128xi32, #tpu.memory_space<hbm>>
      %dma_start3A_312 = tpu.memref_squeeze %dma_start3A_311 : memref<1x1x40x128xi32, #tpu.memory_space<hbm>> -> memref<40x128xi32, #tpu.memory_space<hbm>>
      %dma_start3A_313 = arith.constant 80 : i32
      %dma_start3A_314 = arith.constant 0 : i32
      %dma_start3A_315 = tpu.memref_slice %arg3[%arg0, %arg1, %dma_start3A_313, %dma_start3A_314] : memref<2x16x160x128xi32, #tpu.memory_space<hbm>> -> memref<1x1x40x128xi32, #tpu.memory_space<hbm>>
      %dma_start3A_316 = tpu.memref_squeeze %dma_start3A_315 : memref<1x1x40x128xi32, #tpu.memory_space<hbm>> -> memref<40x128xi32, #tpu.memory_space<hbm>>
      tpu.enqueue_dma source(%dma_start3A_316 : memref<40x128xi32, #tpu.memory_space<hbm>>) target(%arg5 : memref<40x128xi32, #tpu.memory_space<vmem>>) target_semaphore(%run_scoped3A_308 : memref<!tpu.dma_semaphore, #tpu.memory_space<semaphore_mem>>)
      %dma_wait3A = arith.constant 80 : i32
      %dma_wait3A_317 = arith.constant 0 : i32
      %dma_wait3A_318 = tpu.memref_slice %arg3[%arg0, %arg1, %dma_wait3A, %dma_wait3A_317] : memref<2x16x160x128xi32, #tpu.memory_space<hbm>> -> memref<1x1x40x128xi32, #tpu.memory_space<hbm>>
      %dma_wait3A_319 = tpu.memref_squeeze %dma_wait3A_318 : memref<1x1x40x128xi32, #tpu.memory_space<hbm>> -> memref<40x128xi32, #tpu.memory_space<hbm>>
      %dma_wait3A_320 = arith.constant 80 : i32
      %dma_wait3A_321 = arith.constant 0 : i32
      %dma_wait3A_322 = tpu.memref_slice %arg3[%arg0, %arg1, %dma_wait3A_320, %dma_wait3A_321] : memref<2x16x160x128xi32, #tpu.memory_space<hbm>> -> memref<1x1x40x128xi32, #tpu.memory_space<hbm>>
      %dma_wait3A_323 = tpu.memref_squeeze %dma_wait3A_322 : memref<1x1x40x128xi32, #tpu.memory_space<hbm>> -> memref<40x128xi32, #tpu.memory_space<hbm>>
      tpu.wait_dma2 semaphore(%run_scoped3A_308 : memref<!tpu.dma_semaphore, #tpu.memory_space<semaphore_mem>>) src(%dma_wait3A_323 : memref<40x128xi32, #tpu.memory_space<hbm>>) dst(%arg5 : memref<40x128xi32, #tpu.memory_space<vmem>>)
      tpu.yield
    }) : () -> ()
    %sub3A_63 = arith.constant 1 : i32
    %sub3A_64 = arith.subi %sub3A_63, %arg0 : i32
    "tpu.region"() ({
      %run_scoped3A_308 = tpu.sem_alloc : memref<!tpu.dma_semaphore, #tpu.memory_space<semaphore_mem>>
      %dma_start3A_309 = arith.constant 80 : i32
      %dma_start3A_310 = arith.constant 0 : i32
      %dma_start3A_311 = tpu.memref_slice %arg3[%sub3A_64, %arg1, %dma_start3A_309, %dma_start3A_310] : memref<2x16x160x128xi32, #tpu.memory_space<hbm>> -> memref<1x1x40x128xi32, #tpu.memory_space<hbm>>
      %dma_start3A_312 = tpu.memref_squeeze %dma_start3A_311 : memref<1x1x40x128xi32, #tpu.memory_space<hbm>> -> memref<40x128xi32, #tpu.memory_space<hbm>>
      %dma_start3A_313 = arith.constant 80 : i32
      %dma_start3A_314 = arith.constant 0 : i32
      %dma_start3A_315 = tpu.memref_slice %arg3[%sub3A_64, %arg1, %dma_start3A_313, %dma_start3A_314] : memref<2x16x160x128xi32, #tpu.memory_space<hbm>> -> memref<1x1x40x128xi32, #tpu.memory_space<hbm>>
      %dma_start3A_316 = tpu.memref_squeeze %dma_start3A_315 : memref<1x1x40x128xi32, #tpu.memory_space<hbm>> -> memref<40x128xi32, #tpu.memory_space<hbm>>
      tpu.enqueue_dma source(%dma_start3A_316 : memref<40x128xi32, #tpu.memory_space<hbm>>) target(%arg6 : memref<40x128xi32, #tpu.memory_space<vmem>>) target_semaphore(%run_scoped3A_308 : memref<!tpu.dma_semaphore, #tpu.memory_space<semaphore_mem>>)
      %dma_wait3A = arith.constant 80 : i32
      %dma_wait3A_317 = arith.constant 0 : i32
      %dma_wait3A_318 = tpu.memref_slice %arg3[%sub3A_64, %arg1, %dma_wait3A, %dma_wait3A_317] : memref<2x16x160x128xi32, #tpu.memory_space<hbm>> -> memref<1x1x40x128xi32, #tpu.memory_space<hbm>>
      %dma_wait3A_319 = tpu.memref_squeeze %dma_wait3A_318 : memref<1x1x40x128xi32, #tpu.memory_space<hbm>> -> memref<40x128xi32, #tpu.memory_space<hbm>>
      %dma_wait3A_320 = arith.constant 80 : i32
      %dma_wait3A_321 = arith.constant 0 : i32
      %dma_wait3A_322 = tpu.memref_slice %arg3[%sub3A_64, %arg1, %dma_wait3A_320, %dma_wait3A_321] : memref<2x16x160x128xi32, #tpu.memory_space<hbm>> -> memref<1x1x40x128xi32, #tpu.memory_space<hbm>>
      %dma_wait3A_323 = tpu.memref_squeeze %dma_wait3A_322 : memref<1x1x40x128xi32, #tpu.memory_space<hbm>> -> memref<40x128xi32, #tpu.memory_space<hbm>>
      tpu.wait_dma2 semaphore(%run_scoped3A_308 : memref<!tpu.dma_semaphore, #tpu.memory_space<semaphore_mem>>) src(%dma_wait3A_323 : memref<40x128xi32, #tpu.memory_space<hbm>>) dst(%arg6 : memref<40x128xi32, #tpu.memory_space<vmem>>)
      tpu.yield
    }) : () -> ()
    %dma_start3A_65 = arith.constant 0 : i32
    %dma_start3A_66 = arith.constant 0 : i32
    %dma_start3A_67 = arith.constant 0 : i32
    %dma_start3A_68 = tpu.memref_slice %arg7[%dma_start3A_66, %dma_start3A_67] : memref<128x128xf32, #tpu.memory_space<vmem>> -> memref<64x128xf32, #tpu.memory_space<vmem>>
    %dma_start3A_69 = arith.constant 0 : i32
    %dma_start3A_70 = tpu.memref_slice %arg5[%dma_start3A_65, %dma_start3A_69] : memref<40x128xi32, #tpu.memory_space<vmem>> -> memref<1x64xi32, #tpu.memory_space<vmem>>
    %dma_start3A_71 = tpu.memref_squeeze %dma_start3A_70 : memref<1x64xi32, #tpu.memory_space<vmem>> -> memref<64xi32, #tpu.memory_space<vmem>>
    %dma_start3A_72 = arith.constant 0 : i32
    %dma_start3A_73 = arith.constant 0 : i32
    %dma_start3A_74 = tpu.memref_slice %arg2[%dma_start3A_72, %dma_start3A_73] : memref<10240x128xf32, #tpu.memory_space<hbm>> -> memref<10240x128xf32, #tpu.memory_space<hbm>>
    tpu.enqueue_indirect_dma source(%dma_start3A_74 : memref<10240x128xf32, #tpu.memory_space<hbm>>) target(%dma_start3A_68 : memref<64x128xf32, #tpu.memory_space<vmem>>) offsets(%dma_start3A_71 : memref<64xi32, #tpu.memory_space<vmem>>) semaphore(%arg10 : memref<!tpu.dma_semaphore, #tpu.memory_space<semaphore_mem>>)
    %dma_start3A_75 = arith.constant 0 : i32
    %dma_start3A_76 = arith.constant 64 : i32
    %dma_start3A_77 = arith.constant 0 : i32
    %dma_start3A_78 = tpu.memref_slice %arg7[%dma_start3A_76, %dma_start3A_77] : memref<128x128xf32, #tpu.memory_space<vmem>> -> memref<64x128xf32, #tpu.memory_space<vmem>>
    %dma_start3A_79 = arith.constant 64 : i32
    %dma_start3A_80 = tpu.memref_slice %arg5[%dma_start3A_75, %dma_start3A_79] : memref<40x128xi32, #tpu.memory_space<vmem>> -> memref<1x64xi32, #tpu.memory_space<vmem>>
    %dma_start3A_81 = tpu.memref_squeeze %dma_start3A_80 : memref<1x64xi32, #tpu.memory_space<vmem>> -> memref<64xi32, #tpu.memory_space<vmem>>
    %dma_start3A_82 = arith.constant 0 : i32
    %dma_start3A_83 = arith.constant 0 : i32
    %dma_start3A_84 = tpu.memref_slice %arg2[%dma_start3A_82, %dma_start3A_83] : memref<10240x128xf32, #tpu.memory_space<hbm>> -> memref<10240x128xf32, #tpu.memory_space<hbm>>
    tpu.enqueue_indirect_dma source(%dma_start3A_84 : memref<10240x128xf32, #tpu.memory_space<hbm>>) target(%dma_start3A_78 : memref<64x128xf32, #tpu.memory_space<vmem>>) offsets(%dma_start3A_81 : memref<64xi32, #tpu.memory_space<vmem>>) semaphore(%arg11 : memref<!tpu.dma_semaphore, #tpu.memory_space<semaphore_mem>>)
    %scan3A_85 = arith.constant 0 : i32
    %scan3A_86 = arith.constant 0 : i32
    %scan3A_87 = arith.constant 20 : i32
    %scan3A_88 = arith.addi %scan3A_86, %scan3A_87 : i32
    %scan3A_89 = arith.constant 1 : i32
    scf.for %scan3A_308 = %scan3A_86 to %scan3A_88 step %scan3A_89  : i32 {
      %mul3A_309 = arith.constant 2 : i32
      %mul3A_310 = arith.muli %mul3A_309, %scan3A_308 : i32
      %dma_wait3A = arith.constant 0 : i32
      %dma_wait3A_311 = arith.constant 0 : i32
      %dma_wait3A_312 = tpu.memref_slice %arg7[%dma_wait3A, %dma_wait3A_311] : memref<128x128xf32, #tpu.memory_space<vmem>> -> memref<64x128xf32, #tpu.memory_space<vmem>>
      %dma_wait3A_313 = arith.constant 0 : i32
      %dma_wait3A_314 = tpu.memref_slice %arg5[%mul3A_310, %dma_wait3A_313] : memref<40x128xi32, #tpu.memory_space<vmem>> -> memref<1x64xi32, #tpu.memory_space<vmem>>
      %dma_wait3A_315 = tpu.memref_squeeze %dma_wait3A_314 : memref<1x64xi32, #tpu.memory_space<vmem>> -> memref<64xi32, #tpu.memory_space<vmem>>
      %dma_wait3A_316 = arith.constant 0 : i32
      %dma_wait3A_317 = arith.constant 0 : i32
      %dma_wait3A_318 = tpu.memref_slice %arg2[%dma_wait3A_316, %dma_wait3A_317] : memref<10240x128xf32, #tpu.memory_space<hbm>> -> memref<10240x128xf32, #tpu.memory_space<hbm>>
      tpu.wait_indirect_dma semaphore(%arg10 : memref<!tpu.dma_semaphore, #tpu.memory_space<semaphore_mem>>) src(%dma_wait3A_318 : memref<10240x128xf32, #tpu.memory_space<hbm>>) dst(%dma_wait3A_312 : memref<64x128xf32, #tpu.memory_space<vmem>>)
      %dma_wait3A_319 = arith.constant 64 : i32
      %dma_wait3A_320 = arith.constant 0 : i32
      %dma_wait3A_321 = tpu.memref_slice %arg7[%dma_wait3A_319, %dma_wait3A_320] : memref<128x128xf32, #tpu.memory_space<vmem>> -> memref<64x128xf32, #tpu.memory_space<vmem>>
      %dma_wait3A_322 = arith.constant 64 : i32
      %dma_wait3A_323 = tpu.memref_slice %arg5[%mul3A_310, %dma_wait3A_322] : memref<40x128xi32, #tpu.memory_space<vmem>> -> memref<1x64xi32, #tpu.memory_space<vmem>>
      %dma_wait3A_324 = tpu.memref_squeeze %dma_wait3A_323 : memref<1x64xi32, #tpu.memory_space<vmem>> -> memref<64xi32, #tpu.memory_space<vmem>>
      %dma_wait3A_325 = arith.constant 0 : i32
      %dma_wait3A_326 = arith.constant 0 : i32
      %dma_wait3A_327 = tpu.memref_slice %arg2[%dma_wait3A_325, %dma_wait3A_326] : memref<10240x128xf32, #tpu.memory_space<hbm>> -> memref<10240x128xf32, #tpu.memory_space<hbm>>
      tpu.wait_indirect_dma semaphore(%arg11 : memref<!tpu.dma_semaphore, #tpu.memory_space<semaphore_mem>>) src(%dma_wait3A_327 : memref<10240x128xf32, #tpu.memory_space<hbm>>) dst(%dma_wait3A_321 : memref<64x128xf32, #tpu.memory_space<vmem>>)
      %add3A_328 = arith.constant 1 : i32
      %add3A_329 = arith.addi %mul3A_310, %add3A_328 : i32
      %dma_start3A_330 = arith.constant 0 : i32
      %dma_start3A_331 = arith.constant 0 : i32
      %dma_start3A_332 = tpu.memref_slice %arg8[%dma_start3A_330, %dma_start3A_331] : memref<128x128xf32, #tpu.memory_space<vmem>> -> memref<64x128xf32, #tpu.memory_space<vmem>>
      %dma_start3A_333 = arith.constant 0 : i32
      %dma_start3A_334 = tpu.memref_slice %arg5[%add3A_329, %dma_start3A_333] : memref<40x128xi32, #tpu.memory_space<vmem>> -> memref<1x64xi32, #tpu.memory_space<vmem>>
      %dma_start3A_335 = tpu.memref_squeeze %dma_start3A_334 : memref<1x64xi32, #tpu.memory_space<vmem>> -> memref<64xi32, #tpu.memory_space<vmem>>
      %dma_start3A_336 = arith.constant 0 : i32
      %dma_start3A_337 = arith.constant 0 : i32
      %dma_start3A_338 = tpu.memref_slice %arg2[%dma_start3A_336, %dma_start3A_337] : memref<10240x128xf32, #tpu.memory_space<hbm>> -> memref<10240x128xf32, #tpu.memory_space<hbm>>
      tpu.enqueue_indirect_dma source(%dma_start3A_338 : memref<10240x128xf32, #tpu.memory_space<hbm>>) target(%dma_start3A_332 : memref<64x128xf32, #tpu.memory_space<vmem>>) offsets(%dma_start3A_335 : memref<64xi32, #tpu.memory_space<vmem>>) semaphore(%arg12 : memref<!tpu.dma_semaphore, #tpu.memory_space<semaphore_mem>>)
      %dma_start3A_339 = arith.constant 64 : i32
      %dma_start3A_340 = arith.constant 0 : i32
      %dma_start3A_341 = tpu.memref_slice %arg8[%dma_start3A_339, %dma_start3A_340] : memref<128x128xf32, #tpu.memory_space<vmem>> -> memref<64x128xf32, #tpu.memory_space<vmem>>
      %dma_start3A_342 = arith.constant 64 : i32
      %dma_start3A_343 = tpu.memref_slice %arg5[%add3A_329, %dma_start3A_342] : memref<40x128xi32, #tpu.memory_space<vmem>> -> memref<1x64xi32, #tpu.memory_space<vmem>>
      %dma_start3A_344 = tpu.memref_squeeze %dma_start3A_343 : memref<1x64xi32, #tpu.memory_space<vmem>> -> memref<64xi32, #tpu.memory_space<vmem>>
      %dma_start3A_345 = arith.constant 0 : i32
      %dma_start3A_346 = arith.constant 0 : i32
      %dma_start3A_347 = tpu.memref_slice %arg2[%dma_start3A_345, %dma_start3A_346] : memref<10240x128xf32, #tpu.memory_space<hbm>> -> memref<10240x128xf32, #tpu.memory_space<hbm>>
      tpu.enqueue_indirect_dma source(%dma_start3A_347 : memref<10240x128xf32, #tpu.memory_space<hbm>>) target(%dma_start3A_341 : memref<64x128xf32, #tpu.memory_space<vmem>>) offsets(%dma_start3A_344 : memref<64xi32, #tpu.memory_space<vmem>>) semaphore(%arg13 : memref<!tpu.dma_semaphore, #tpu.memory_space<semaphore_mem>>)
      "tpu.region"() ({
        %run_scoped3A_372 = tpu.sem_alloc : memref<!tpu.dma_semaphore, #tpu.memory_space<semaphore_mem>>
        %dma_start3A_373 = arith.constant 0 : i32
        %dma_start3A_374 = tpu.memref_slice %arg6[%mul3A_310, %dma_start3A_373] : memref<40x128xi32, #tpu.memory_space<vmem>> -> memref<1x128xi32, #tpu.memory_space<vmem>>
        %dma_start3A_375 = tpu.memref_squeeze %dma_start3A_374 : memref<1x128xi32, #tpu.memory_space<vmem>> -> memref<128xi32, #tpu.memory_space<vmem>>
        %dma_start3A_376 = arith.constant 0 : i32
        %dma_start3A_377 = arith.constant 0 : i32
        %dma_start3A_378 = tpu.memref_slice %arg9[%dma_start3A_376, %dma_start3A_377] : memref<10240x128xf32, #tpu.memory_space<vmem_shared>> -> memref<10240x128xf32, #tpu.memory_space<vmem_shared>>
        tpu.enqueue_indirect_dma source(%arg7 : memref<128x128xf32, #tpu.memory_space<vmem>>) target(%dma_start3A_378 : memref<10240x128xf32, #tpu.memory_space<vmem_shared>>) offsets(%dma_start3A_375 : memref<128xi32, #tpu.memory_space<vmem>>) semaphore(%run_scoped3A_372 : memref<!tpu.dma_semaphore, #tpu.memory_space<semaphore_mem>>) {add = true}
        %dma_wait3A_379 = arith.constant 0 : i32
        %dma_wait3A_380 = tpu.memref_slice %arg6[%mul3A_310, %dma_wait3A_379] : memref<40x128xi32, #tpu.memory_space<vmem>> -> memref<1x128xi32, #tpu.memory_space<vmem>>
        %dma_wait3A_381 = tpu.memref_squeeze %dma_wait3A_380 : memref<1x128xi32, #tpu.memory_space<vmem>> -> memref<128xi32, #tpu.memory_space<vmem>>
        %dma_wait3A_382 = arith.constant 0 : i32
        %dma_wait3A_383 = arith.constant 0 : i32
        %dma_wait3A_384 = tpu.memref_slice %arg9[%dma_wait3A_382, %dma_wait3A_383] : memref<10240x128xf32, #tpu.memory_space<vmem_shared>> -> memref<10240x128xf32, #tpu.memory_space<vmem_shared>>
        tpu.wait_indirect_dma semaphore(%run_scoped3A_372 : memref<!tpu.dma_semaphore, #tpu.memory_space<semaphore_mem>>) src(%arg7 : memref<128x128xf32, #tpu.memory_space<vmem>>) dst(%dma_wait3A_384 : memref<10240x128xf32, #tpu.memory_space<vmem_shared>>)
        tpu.yield
      }) : () -> ()
      %add3A_348 = arith.constant 1 : i32
      %add3A_349 = arith.addi %mul3A_310, %add3A_348 : i32
      %dma_wait3A_350 = arith.constant 0 : i32
      %dma_wait3A_351 = arith.constant 0 : i32
      %dma_wait3A_352 = tpu.memref_slice %arg8[%dma_wait3A_350, %dma_wait3A_351] : memref<128x128xf32, #tpu.memory_space<vmem>> -> memref<64x128xf32, #tpu.memory_space<vmem>>
      %dma_wait3A_353 = arith.constant 0 : i32
      %dma_wait3A_354 = tpu.memref_slice %arg5[%add3A_349, %dma_wait3A_353] : memref<40x128xi32, #tpu.memory_space<vmem>> -> memref<1x64xi32, #tpu.memory_space<vmem>>
      %dma_wait3A_355 = tpu.memref_squeeze %dma_wait3A_354 : memref<1x64xi32, #tpu.memory_space<vmem>> -> memref<64xi32, #tpu.memory_space<vmem>>
      %dma_wait3A_356 = arith.constant 0 : i32
      %dma_wait3A_357 = arith.constant 0 : i32
      %dma_wait3A_358 = tpu.memref_slice %arg2[%dma_wait3A_356, %dma_wait3A_357] : memref<10240x128xf32, #tpu.memory_space<hbm>> -> memref<10240x128xf32, #tpu.memory_space<hbm>>
      tpu.wait_indirect_dma semaphore(%arg12 : memref<!tpu.dma_semaphore, #tpu.memory_space<semaphore_mem>>) src(%dma_wait3A_358 : memref<10240x128xf32, #tpu.memory_space<hbm>>) dst(%dma_wait3A_352 : memref<64x128xf32, #tpu.memory_space<vmem>>)
      %dma_wait3A_359 = arith.constant 64 : i32
      %dma_wait3A_360 = arith.constant 0 : i32
      %dma_wait3A_361 = tpu.memref_slice %arg8[%dma_wait3A_359, %dma_wait3A_360] : memref<128x128xf32, #tpu.memory_space<vmem>> -> memref<64x128xf32, #tpu.memory_space<vmem>>
      %dma_wait3A_362 = arith.constant 64 : i32
      %dma_wait3A_363 = tpu.memref_slice %arg5[%add3A_349, %dma_wait3A_362] : memref<40x128xi32, #tpu.memory_space<vmem>> -> memref<1x64xi32, #tpu.memory_space<vmem>>
      %dma_wait3A_364 = tpu.memref_squeeze %dma_wait3A_363 : memref<1x64xi32, #tpu.memory_space<vmem>> -> memref<64xi32, #tpu.memory_space<vmem>>
      %dma_wait3A_365 = arith.constant 0 : i32
      %dma_wait3A_366 = arith.constant 0 : i32
      %dma_wait3A_367 = tpu.memref_slice %arg2[%dma_wait3A_365, %dma_wait3A_366] : memref<10240x128xf32, #tpu.memory_space<hbm>> -> memref<10240x128xf32, #tpu.memory_space<hbm>>
      tpu.wait_indirect_dma semaphore(%arg13 : memref<!tpu.dma_semaphore, #tpu.memory_space<semaphore_mem>>) src(%dma_wait3A_367 : memref<10240x128xf32, #tpu.memory_space<hbm>>) dst(%dma_wait3A_361 : memref<64x128xf32, #tpu.memory_space<vmem>>)
      %lt3A = arith.constant 19 : i32
      %lt3A_368 = arith.cmpi slt, %scan3A_308, %lt3A : i32
      %convert_element_type3A = arith.extui %lt3A_368 : i1 to i32
      %cond3A = arith.constant 0 : i32
      %cond3A_369 = arith.cmpi ne, %convert_element_type3A, %cond3A : i32
      scf.if %cond3A_369 {
        %add3A_372 = arith.constant 2 : i32
        %add3A_373 = arith.addi %mul3A_310, %add3A_372 : i32
        %dma_start3A_374 = arith.constant 0 : i32
        %dma_start3A_375 = arith.constant 0 : i32
        %dma_start3A_376 = tpu.memref_slice %arg7[%dma_start3A_374, %dma_start3A_375] : memref<128x128xf32, #tpu.memory_space<vmem>> -> memref<64x128xf32, #tpu.memory_space<vmem>>
        %dma_start3A_377 = arith.constant 0 : i32
        %dma_start3A_378 = tpu.memref_slice %arg5[%add3A_373, %dma_start3A_377] : memref<40x128xi32, #tpu.memory_space<vmem>> -> memref<1x64xi32, #tpu.memory_space<vmem>>
        %dma_start3A_379 = tpu.memref_squeeze %dma_start3A_378 : memref<1x64xi32, #tpu.memory_space<vmem>> -> memref<64xi32, #tpu.memory_space<vmem>>
        %dma_start3A_380 = arith.constant 0 : i32
        %dma_start3A_381 = arith.constant 0 : i32
        %dma_start3A_382 = tpu.memref_slice %arg2[%dma_start3A_380, %dma_start3A_381] : memref<10240x128xf32, #tpu.memory_space<hbm>> -> memref<10240x128xf32, #tpu.memory_space<hbm>>
        tpu.enqueue_indirect_dma source(%dma_start3A_382 : memref<10240x128xf32, #tpu.memory_space<hbm>>) target(%dma_start3A_376 : memref<64x128xf32, #tpu.memory_space<vmem>>) offsets(%dma_start3A_379 : memref<64xi32, #tpu.memory_space<vmem>>) semaphore(%arg10 : memref<!tpu.dma_semaphore, #tpu.memory_space<semaphore_mem>>)
        %dma_start3A_383 = arith.constant 64 : i32
        %dma_start3A_384 = arith.constant 0 : i32
        %dma_start3A_385 = tpu.memref_slice %arg7[%dma_start3A_383, %dma_start3A_384] : memref<128x128xf32, #tpu.memory_space<vmem>> -> memref<64x128xf32, #tpu.memory_space<vmem>>
        %dma_start3A_386 = arith.constant 64 : i32
        %dma_start3A_387 = tpu.memref_slice %arg5[%add3A_373, %dma_start3A_386] : memref<40x128xi32, #tpu.memory_space<vmem>> -> memref<1x64xi32, #tpu.memory_space<vmem>>
        %dma_start3A_388 = tpu.memref_squeeze %dma_start3A_387 : memref<1x64xi32, #tpu.memory_space<vmem>> -> memref<64xi32, #tpu.memory_space<vmem>>
        %dma_start3A_389 = arith.constant 0 : i32
        %dma_start3A_390 = arith.constant 0 : i32
        %dma_start3A_391 = tpu.memref_slice %arg2[%dma_start3A_389, %dma_start3A_390] : memref<10240x128xf32, #tpu.memory_space<hbm>> -> memref<10240x128xf32, #tpu.memory_space<hbm>>
        tpu.enqueue_indirect_dma source(%dma_start3A_391 : memref<10240x128xf32, #tpu.memory_space<hbm>>) target(%dma_start3A_385 : memref<64x128xf32, #tpu.memory_space<vmem>>) offsets(%dma_start3A_388 : memref<64xi32, #tpu.memory_space<vmem>>) semaphore(%arg11 : memref<!tpu.dma_semaphore, #tpu.memory_space<semaphore_mem>>)
      } else {
      }
      %add3A_370 = arith.constant 1 : i32
      %add3A_371 = arith.addi %mul3A_310, %add3A_370 : i32
      "tpu.region"() ({
        %run_scoped3A_372 = tpu.sem_alloc : memref<!tpu.dma_semaphore, #tpu.memory_space<semaphore_mem>>
        %dma_start3A_373 = arith.constant 0 : i32
        %dma_start3A_374 = tpu.memref_slice %arg6[%add3A_371, %dma_start3A_373] : memref<40x128xi32, #tpu.memory_space<vmem>> -> memref<1x128xi32, #tpu.memory_space<vmem>>
        %dma_start3A_375 = tpu.memref_squeeze %dma_start3A_374 : memref<1x128xi32, #tpu.memory_space<vmem>> -> memref<128xi32, #tpu.memory_space<vmem>>
        %dma_start3A_376 = arith.constant 0 : i32
        %dma_start3A_377 = arith.constant 0 : i32
        %dma_start3A_378 = tpu.memref_slice %arg9[%dma_start3A_376, %dma_start3A_377] : memref<10240x128xf32, #tpu.memory_space<vmem_shared>> -> memref<10240x128xf32, #tpu.memory_space<vmem_shared>>
        tpu.enqueue_indirect_dma source(%arg8 : memref<128x128xf32, #tpu.memory_space<vmem>>) target(%dma_start3A_378 : memref<10240x128xf32, #tpu.memory_space<vmem_shared>>) offsets(%dma_start3A_375 : memref<128xi32, #tpu.memory_space<vmem>>) semaphore(%run_scoped3A_372 : memref<!tpu.dma_semaphore, #tpu.memory_space<semaphore_mem>>) {add = true}
        %dma_wait3A_379 = arith.constant 0 : i32
        %dma_wait3A_380 = tpu.memref_slice %arg6[%add3A_371, %dma_wait3A_379] : memref<40x128xi32, #tpu.memory_space<vmem>> -> memref<1x128xi32, #tpu.memory_space<vmem>>
        %dma_wait3A_381 = tpu.memref_squeeze %dma_wait3A_380 : memref<1x128xi32, #tpu.memory_space<vmem>> -> memref<128xi32, #tpu.memory_space<vmem>>
        %dma_wait3A_382 = arith.constant 0 : i32
        %dma_wait3A_383 = arith.constant 0 : i32
        %dma_wait3A_384 = tpu.memref_slice %arg9[%dma_wait3A_382, %dma_wait3A_383] : memref<10240x128xf32, #tpu.memory_space<vmem_shared>> -> memref<10240x128xf32, #tpu.memory_space<vmem_shared>>
        tpu.wait_indirect_dma semaphore(%run_scoped3A_372 : memref<!tpu.dma_semaphore, #tpu.memory_space<semaphore_mem>>) src(%arg8 : memref<128x128xf32, #tpu.memory_space<vmem>>) dst(%dma_wait3A_384 : memref<10240x128xf32, #tpu.memory_space<vmem_shared>>)
        tpu.yield
      }) : () -> ()
    }
    %scan3A_90 = arith.constant 20 : i32
    "tpu.region"() ({
      %run_scoped3A_308 = tpu.sem_alloc : memref<!tpu.dma_semaphore, #tpu.memory_space<semaphore_mem>>
      %dma_start3A_309 = arith.constant 120 : i32
      %dma_start3A_310 = arith.constant 0 : i32
      %dma_start3A_311 = tpu.memref_slice %arg3[%arg0, %arg1, %dma_start3A_309, %dma_start3A_310] : memref<2x16x160x128xi32, #tpu.memory_space<hbm>> -> memref<1x1x40x128xi32, #tpu.memory_space<hbm>>
      %dma_start3A_312 = tpu.memref_squeeze %dma_start3A_311 : memref<1x1x40x128xi32, #tpu.memory_space<hbm>> -> memref<40x128xi32, #tpu.memory_space<hbm>>
      %dma_start3A_313 = arith.constant 120 : i32
      %dma_start3A_314 = arith.constant 0 : i32
      %dma_start3A_315 = tpu.memref_slice %arg3[%arg0, %arg1, %dma_start3A_313, %dma_start3A_314] : memref<2x16x160x128xi32, #tpu.memory_space<hbm>> -> memref<1x1x40x128xi32, #tpu.memory_space<hbm>>
      %dma_start3A_316 = tpu.memref_squeeze %dma_start3A_315 : memref<1x1x40x128xi32, #tpu.memory_space<hbm>> -> memref<40x128xi32, #tpu.memory_space<hbm>>
      tpu.enqueue_dma source(%dma_start3A_316 : memref<40x128xi32, #tpu.memory_space<hbm>>) target(%arg5 : memref<40x128xi32, #tpu.memory_space<vmem>>) target_semaphore(%run_scoped3A_308 : memref<!tpu.dma_semaphore, #tpu.memory_space<semaphore_mem>>)
      %dma_wait3A = arith.constant 120 : i32
      %dma_wait3A_317 = arith.constant 0 : i32
      %dma_wait3A_318 = tpu.memref_slice %arg3[%arg0, %arg1, %dma_wait3A, %dma_wait3A_317] : memref<2x16x160x128xi32, #tpu.memory_space<hbm>> -> memref<1x1x40x128xi32, #tpu.memory_space<hbm>>
      %dma_wait3A_319 = tpu.memref_squeeze %dma_wait3A_318 : memref<1x1x40x128xi32, #tpu.memory_space<hbm>> -> memref<40x128xi32, #tpu.memory_space<hbm>>
      %dma_wait3A_320 = arith.constant 120 : i32
      %dma_wait3A_321 = arith.constant 0 : i32
      %dma_wait3A_322 = tpu.memref_slice %arg3[%arg0, %arg1, %dma_wait3A_320, %dma_wait3A_321] : memref<2x16x160x128xi32, #tpu.memory_space<hbm>> -> memref<1x1x40x128xi32, #tpu.memory_space<hbm>>
      %dma_wait3A_323 = tpu.memref_squeeze %dma_wait3A_322 : memref<1x1x40x128xi32, #tpu.memory_space<hbm>> -> memref<40x128xi32, #tpu.memory_space<hbm>>
      tpu.wait_dma2 semaphore(%run_scoped3A_308 : memref<!tpu.dma_semaphore, #tpu.memory_space<semaphore_mem>>) src(%dma_wait3A_323 : memref<40x128xi32, #tpu.memory_space<hbm>>) dst(%arg5 : memref<40x128xi32, #tpu.memory_space<vmem>>)
      tpu.yield
    }) : () -> ()
    %sub3A_91 = arith.constant 1 : i32
    %sub3A_92 = arith.subi %sub3A_91, %arg0 : i32
    "tpu.region"() ({
      %run_scoped3A_308 = tpu.sem_alloc : memref<!tpu.dma_semaphore, #tpu.memory_space<semaphore_mem>>
      %dma_start3A_309 = arith.constant 120 : i32
      %dma_start3A_310 = arith.constant 0 : i32
      %dma_start3A_311 = tpu.memref_slice %arg3[%sub3A_92, %arg1, %dma_start3A_309, %dma_start3A_310] : memref<2x16x160x128xi32, #tpu.memory_space<hbm>> -> memref<1x1x40x128xi32, #tpu.memory_space<hbm>>
      %dma_start3A_312 = tpu.memref_squeeze %dma_start3A_311 : memref<1x1x40x128xi32, #tpu.memory_space<hbm>> -> memref<40x128xi32, #tpu.memory_space<hbm>>
      %dma_start3A_313 = arith.constant 120 : i32
      %dma_start3A_314 = arith.constant 0 : i32
      %dma_start3A_315 = tpu.memref_slice %arg3[%sub3A_92, %arg1, %dma_start3A_313, %dma_start3A_314] : memref<2x16x160x128xi32, #tpu.memory_space<hbm>> -> memref<1x1x40x128xi32, #tpu.memory_space<hbm>>
      %dma_start3A_316 = tpu.memref_squeeze %dma_start3A_315 : memref<1x1x40x128xi32, #tpu.memory_space<hbm>> -> memref<40x128xi32, #tpu.memory_space<hbm>>
      tpu.enqueue_dma source(%dma_start3A_316 : memref<40x128xi32, #tpu.memory_space<hbm>>) target(%arg6 : memref<40x128xi32, #tpu.memory_space<vmem>>) target_semaphore(%run_scoped3A_308 : memref<!tpu.dma_semaphore, #tpu.memory_space<semaphore_mem>>)
      %dma_wait3A = arith.constant 120 : i32
      %dma_wait3A_317 = arith.constant 0 : i32
      %dma_wait3A_318 = tpu.memref_slice %arg3[%sub3A_92, %arg1, %dma_wait3A, %dma_wait3A_317] : memref<2x16x160x128xi32, #tpu.memory_space<hbm>> -> memref<1x1x40x128xi32, #tpu.memory_space<hbm>>
      %dma_wait3A_319 = tpu.memref_squeeze %dma_wait3A_318 : memref<1x1x40x128xi32, #tpu.memory_space<hbm>> -> memref<40x128xi32, #tpu.memory_space<hbm>>
      %dma_wait3A_320 = arith.constant 120 : i32
      %dma_wait3A_321 = arith.constant 0 : i32
      %dma_wait3A_322 = tpu.memref_slice %arg3[%sub3A_92, %arg1, %dma_wait3A_320, %dma_wait3A_321] : memref<2x16x160x128xi32, #tpu.memory_space<hbm>> -> memref<1x1x40x128xi32, #tpu.memory_space<hbm>>
      %dma_wait3A_323 = tpu.memref_squeeze %dma_wait3A_322 : memref<1x1x40x128xi32, #tpu.memory_space<hbm>> -> memref<40x128xi32, #tpu.memory_space<hbm>>
      tpu.wait_dma2 semaphore(%run_scoped3A_308 : memref<!tpu.dma_semaphore, #tpu.memory_space<semaphore_mem>>) src(%dma_wait3A_323 : memref<40x128xi32, #tpu.memory_space<hbm>>) dst(%arg6 : memref<40x128xi32, #tpu.memory_space<vmem>>)
      tpu.yield
    }) : () -> ()
    %dma_start3A_93 = arith.constant 0 : i32
    %dma_start3A_94 = arith.constant 0 : i32
    %dma_start3A_95 = arith.constant 0 : i32
    %dma_start3A_96 = tpu.memref_slice %arg7[%dma_start3A_94, %dma_start3A_95] : memref<128x128xf32, #tpu.memory_space<vmem>> -> memref<64x128xf32, #tpu.memory_space<vmem>>
    %dma_start3A_97 = arith.constant 0 : i32
    %dma_start3A_98 = tpu.memref_slice %arg5[%dma_start3A_93, %dma_start3A_97] : memref<40x128xi32, #tpu.memory_space<vmem>> -> memref<1x64xi32, #tpu.memory_space<vmem>>
    %dma_start3A_99 = tpu.memref_squeeze %dma_start3A_98 : memref<1x64xi32, #tpu.memory_space<vmem>> -> memref<64xi32, #tpu.memory_space<vmem>>
    %dma_start3A_100 = arith.constant 0 : i32
    %dma_start3A_101 = arith.constant 0 : i32
    %dma_start3A_102 = tpu.memref_slice %arg2[%dma_start3A_100, %dma_start3A_101] : memref<10240x128xf32, #tpu.memory_space<hbm>> -> memref<10240x128xf32, #tpu.memory_space<hbm>>
    tpu.enqueue_indirect_dma source(%dma_start3A_102 : memref<10240x128xf32, #tpu.memory_space<hbm>>) target(%dma_start3A_96 : memref<64x128xf32, #tpu.memory_space<vmem>>) offsets(%dma_start3A_99 : memref<64xi32, #tpu.memory_space<vmem>>) semaphore(%arg10 : memref<!tpu.dma_semaphore, #tpu.memory_space<semaphore_mem>>)
    %dma_start3A_103 = arith.constant 0 : i32
    %dma_start3A_104 = arith.constant 64 : i32
    %dma_start3A_105 = arith.constant 0 : i32
    %dma_start3A_106 = tpu.memref_slice %arg7[%dma_start3A_104, %dma_start3A_105] : memref<128x128xf32, #tpu.memory_space<vmem>> -> memref<64x128xf32, #tpu.memory_space<vmem>>
    %dma_start3A_107 = arith.constant 64 : i32
    %dma_start3A_108 = tpu.memref_slice %arg5[%dma_start3A_103, %dma_start3A_107] : memref<40x128xi32, #tpu.memory_space<vmem>> -> memref<1x64xi32, #tpu.memory_space<vmem>>
    %dma_start3A_109 = tpu.memref_squeeze %dma_start3A_108 : memref<1x64xi32, #tpu.memory_space<vmem>> -> memref<64xi32, #tpu.memory_space<vmem>>
    %dma_start3A_110 = arith.constant 0 : i32
    %dma_start3A_111 = arith.constant 0 : i32
    %dma_start3A_112 = tpu.memref_slice %arg2[%dma_start3A_110, %dma_start3A_111] : memref<10240x128xf32, #tpu.memory_space<hbm>> -> memref<10240x128xf32, #tpu.memory_space<hbm>>
    tpu.enqueue_indirect_dma source(%dma_start3A_112 : memref<10240x128xf32, #tpu.memory_space<hbm>>) target(%dma_start3A_106 : memref<64x128xf32, #tpu.memory_space<vmem>>) offsets(%dma_start3A_109 : memref<64xi32, #tpu.memory_space<vmem>>) semaphore(%arg11 : memref<!tpu.dma_semaphore, #tpu.memory_space<semaphore_mem>>)
    %scan3A_113 = arith.constant 0 : i32
    %scan3A_114 = arith.constant 0 : i32
    %scan3A_115 = arith.constant 20 : i32
    %scan3A_116 = arith.addi %scan3A_114, %scan3A_115 : i32
    %scan3A_117 = arith.constant 1 : i32
    scf.for %scan3A_308 = %scan3A_114 to %scan3A_116 step %scan3A_117  : i32 {
      %mul3A_309 = arith.constant 2 : i32
      %mul3A_310 = arith.muli %mul3A_309, %scan3A_308 : i32
      %dma_wait3A = arith.constant 0 : i32
      %dma_wait3A_311 = arith.constant 0 : i32
      %dma_wait3A_312 = tpu.memref_slice %arg7[%dma_wait3A, %dma_wait3A_311] : memref<128x128xf32, #tpu.memory_space<vmem>> -> memref<64x128xf32, #tpu.memory_space<vmem>>
      %dma_wait3A_313 = arith.constant 0 : i32
      %dma_wait3A_314 = tpu.memref_slice %arg5[%mul3A_310, %dma_wait3A_313] : memref<40x128xi32, #tpu.memory_space<vmem>> -> memref<1x64xi32, #tpu.memory_space<vmem>>
      %dma_wait3A_315 = tpu.memref_squeeze %dma_wait3A_314 : memref<1x64xi32, #tpu.memory_space<vmem>> -> memref<64xi32, #tpu.memory_space<vmem>>
      %dma_wait3A_316 = arith.constant 0 : i32
      %dma_wait3A_317 = arith.constant 0 : i32
      %dma_wait3A_318 = tpu.memref_slice %arg2[%dma_wait3A_316, %dma_wait3A_317] : memref<10240x128xf32, #tpu.memory_space<hbm>> -> memref<10240x128xf32, #tpu.memory_space<hbm>>
      tpu.wait_indirect_dma semaphore(%arg10 : memref<!tpu.dma_semaphore, #tpu.memory_space<semaphore_mem>>) src(%dma_wait3A_318 : memref<10240x128xf32, #tpu.memory_space<hbm>>) dst(%dma_wait3A_312 : memref<64x128xf32, #tpu.memory_space<vmem>>)
      %dma_wait3A_319 = arith.constant 64 : i32
      %dma_wait3A_320 = arith.constant 0 : i32
      %dma_wait3A_321 = tpu.memref_slice %arg7[%dma_wait3A_319, %dma_wait3A_320] : memref<128x128xf32, #tpu.memory_space<vmem>> -> memref<64x128xf32, #tpu.memory_space<vmem>>
      %dma_wait3A_322 = arith.constant 64 : i32
      %dma_wait3A_323 = tpu.memref_slice %arg5[%mul3A_310, %dma_wait3A_322] : memref<40x128xi32, #tpu.memory_space<vmem>> -> memref<1x64xi32, #tpu.memory_space<vmem>>
      %dma_wait3A_324 = tpu.memref_squeeze %dma_wait3A_323 : memref<1x64xi32, #tpu.memory_space<vmem>> -> memref<64xi32, #tpu.memory_space<vmem>>
      %dma_wait3A_325 = arith.constant 0 : i32
      %dma_wait3A_326 = arith.constant 0 : i32
      %dma_wait3A_327 = tpu.memref_slice %arg2[%dma_wait3A_325, %dma_wait3A_326] : memref<10240x128xf32, #tpu.memory_space<hbm>> -> memref<10240x128xf32, #tpu.memory_space<hbm>>
      tpu.wait_indirect_dma semaphore(%arg11 : memref<!tpu.dma_semaphore, #tpu.memory_space<semaphore_mem>>) src(%dma_wait3A_327 : memref<10240x128xf32, #tpu.memory_space<hbm>>) dst(%dma_wait3A_321 : memref<64x128xf32, #tpu.memory_space<vmem>>)
      %add3A_328 = arith.constant 1 : i32
      %add3A_329 = arith.addi %mul3A_310, %add3A_328 : i32
      %dma_start3A_330 = arith.constant 0 : i32
      %dma_start3A_331 = arith.constant 0 : i32
      %dma_start3A_332 = tpu.memref_slice %arg8[%dma_start3A_330, %dma_start3A_331] : memref<128x128xf32, #tpu.memory_space<vmem>> -> memref<64x128xf32, #tpu.memory_space<vmem>>
      %dma_start3A_333 = arith.constant 0 : i32
      %dma_start3A_334 = tpu.memref_slice %arg5[%add3A_329, %dma_start3A_333] : memref<40x128xi32, #tpu.memory_space<vmem>> -> memref<1x64xi32, #tpu.memory_space<vmem>>
      %dma_start3A_335 = tpu.memref_squeeze %dma_start3A_334 : memref<1x64xi32, #tpu.memory_space<vmem>> -> memref<64xi32, #tpu.memory_space<vmem>>
      %dma_start3A_336 = arith.constant 0 : i32
      %dma_start3A_337 = arith.constant 0 : i32
      %dma_start3A_338 = tpu.memref_slice %arg2[%dma_start3A_336, %dma_start3A_337] : memref<10240x128xf32, #tpu.memory_space<hbm>> -> memref<10240x128xf32, #tpu.memory_space<hbm>>
      tpu.enqueue_indirect_dma source(%dma_start3A_338 : memref<10240x128xf32, #tpu.memory_space<hbm>>) target(%dma_start3A_332 : memref<64x128xf32, #tpu.memory_space<vmem>>) offsets(%dma_start3A_335 : memref<64xi32, #tpu.memory_space<vmem>>) semaphore(%arg12 : memref<!tpu.dma_semaphore, #tpu.memory_space<semaphore_mem>>)
      %dma_start3A_339 = arith.constant 64 : i32
      %dma_start3A_340 = arith.constant 0 : i32
      %dma_start3A_341 = tpu.memref_slice %arg8[%dma_start3A_339, %dma_start3A_340] : memref<128x128xf32, #tpu.memory_space<vmem>> -> memref<64x128xf32, #tpu.memory_space<vmem>>
      %dma_start3A_342 = arith.constant 64 : i32
      %dma_start3A_343 = tpu.memref_slice %arg5[%add3A_329, %dma_start3A_342] : memref<40x128xi32, #tpu.memory_space<vmem>> -> memref<1x64xi32, #tpu.memory_space<vmem>>
      %dma_start3A_344 = tpu.memref_squeeze %dma_start3A_343 : memref<1x64xi32, #tpu.memory_space<vmem>> -> memref<64xi32, #tpu.memory_space<vmem>>
      %dma_start3A_345 = arith.constant 0 : i32
      %dma_start3A_346 = arith.constant 0 : i32
      %dma_start3A_347 = tpu.memref_slice %arg2[%dma_start3A_345, %dma_start3A_346] : memref<10240x128xf32, #tpu.memory_space<hbm>> -> memref<10240x128xf32, #tpu.memory_space<hbm>>
      tpu.enqueue_indirect_dma source(%dma_start3A_347 : memref<10240x128xf32, #tpu.memory_space<hbm>>) target(%dma_start3A_341 : memref<64x128xf32, #tpu.memory_space<vmem>>) offsets(%dma_start3A_344 : memref<64xi32, #tpu.memory_space<vmem>>) semaphore(%arg13 : memref<!tpu.dma_semaphore, #tpu.memory_space<semaphore_mem>>)
      "tpu.region"() ({
        %run_scoped3A_372 = tpu.sem_alloc : memref<!tpu.dma_semaphore, #tpu.memory_space<semaphore_mem>>
        %dma_start3A_373 = arith.constant 0 : i32
        %dma_start3A_374 = tpu.memref_slice %arg6[%mul3A_310, %dma_start3A_373] : memref<40x128xi32, #tpu.memory_space<vmem>> -> memref<1x128xi32, #tpu.memory_space<vmem>>
        %dma_start3A_375 = tpu.memref_squeeze %dma_start3A_374 : memref<1x128xi32, #tpu.memory_space<vmem>> -> memref<128xi32, #tpu.memory_space<vmem>>
        %dma_start3A_376 = arith.constant 0 : i32
        %dma_start3A_377 = arith.constant 0 : i32
        %dma_start3A_378 = tpu.memref_slice %arg9[%dma_start3A_376, %dma_start3A_377] : memref<10240x128xf32, #tpu.memory_space<vmem_shared>> -> memref<10240x128xf32, #tpu.memory_space<vmem_shared>>
        tpu.enqueue_indirect_dma source(%arg7 : memref<128x128xf32, #tpu.memory_space<vmem>>) target(%dma_start3A_378 : memref<10240x128xf32, #tpu.memory_space<vmem_shared>>) offsets(%dma_start3A_375 : memref<128xi32, #tpu.memory_space<vmem>>) semaphore(%run_scoped3A_372 : memref<!tpu.dma_semaphore, #tpu.memory_space<semaphore_mem>>) {add = true}
        %dma_wait3A_379 = arith.constant 0 : i32
        %dma_wait3A_380 = tpu.memref_slice %arg6[%mul3A_310, %dma_wait3A_379] : memref<40x128xi32, #tpu.memory_space<vmem>> -> memref<1x128xi32, #tpu.memory_space<vmem>>
        %dma_wait3A_381 = tpu.memref_squeeze %dma_wait3A_380 : memref<1x128xi32, #tpu.memory_space<vmem>> -> memref<128xi32, #tpu.memory_space<vmem>>
        %dma_wait3A_382 = arith.constant 0 : i32
        %dma_wait3A_383 = arith.constant 0 : i32
        %dma_wait3A_384 = tpu.memref_slice %arg9[%dma_wait3A_382, %dma_wait3A_383] : memref<10240x128xf32, #tpu.memory_space<vmem_shared>> -> memref<10240x128xf32, #tpu.memory_space<vmem_shared>>
        tpu.wait_indirect_dma semaphore(%run_scoped3A_372 : memref<!tpu.dma_semaphore, #tpu.memory_space<semaphore_mem>>) src(%arg7 : memref<128x128xf32, #tpu.memory_space<vmem>>) dst(%dma_wait3A_384 : memref<10240x128xf32, #tpu.memory_space<vmem_shared>>)
        tpu.yield
      }) : () -> ()
      %add3A_348 = arith.constant 1 : i32
      %add3A_349 = arith.addi %mul3A_310, %add3A_348 : i32
      %dma_wait3A_350 = arith.constant 0 : i32
      %dma_wait3A_351 = arith.constant 0 : i32
      %dma_wait3A_352 = tpu.memref_slice %arg8[%dma_wait3A_350, %dma_wait3A_351] : memref<128x128xf32, #tpu.memory_space<vmem>> -> memref<64x128xf32, #tpu.memory_space<vmem>>
      %dma_wait3A_353 = arith.constant 0 : i32
      %dma_wait3A_354 = tpu.memref_slice %arg5[%add3A_349, %dma_wait3A_353] : memref<40x128xi32, #tpu.memory_space<vmem>> -> memref<1x64xi32, #tpu.memory_space<vmem>>
      %dma_wait3A_355 = tpu.memref_squeeze %dma_wait3A_354 : memref<1x64xi32, #tpu.memory_space<vmem>> -> memref<64xi32, #tpu.memory_space<vmem>>
      %dma_wait3A_356 = arith.constant 0 : i32
      %dma_wait3A_357 = arith.constant 0 : i32
      %dma_wait3A_358 = tpu.memref_slice %arg2[%dma_wait3A_356, %dma_wait3A_357] : memref<10240x128xf32, #tpu.memory_space<hbm>> -> memref<10240x128xf32, #tpu.memory_space<hbm>>
      tpu.wait_indirect_dma semaphore(%arg12 : memref<!tpu.dma_semaphore, #tpu.memory_space<semaphore_mem>>) src(%dma_wait3A_358 : memref<10240x128xf32, #tpu.memory_space<hbm>>) dst(%dma_wait3A_352 : memref<64x128xf32, #tpu.memory_space<vmem>>)
      %dma_wait3A_359 = arith.constant 64 : i32
      %dma_wait3A_360 = arith.constant 0 : i32
      %dma_wait3A_361 = tpu.memref_slice %arg8[%dma_wait3A_359, %dma_wait3A_360] : memref<128x128xf32, #tpu.memory_space<vmem>> -> memref<64x128xf32, #tpu.memory_space<vmem>>
      %dma_wait3A_362 = arith.constant 64 : i32
      %dma_wait3A_363 = tpu.memref_slice %arg5[%add3A_349, %dma_wait3A_362] : memref<40x128xi32, #tpu.memory_space<vmem>> -> memref<1x64xi32, #tpu.memory_space<vmem>>
      %dma_wait3A_364 = tpu.memref_squeeze %dma_wait3A_363 : memref<1x64xi32, #tpu.memory_space<vmem>> -> memref<64xi32, #tpu.memory_space<vmem>>
      %dma_wait3A_365 = arith.constant 0 : i32
      %dma_wait3A_366 = arith.constant 0 : i32
      %dma_wait3A_367 = tpu.memref_slice %arg2[%dma_wait3A_365, %dma_wait3A_366] : memref<10240x128xf32, #tpu.memory_space<hbm>> -> memref<10240x128xf32, #tpu.memory_space<hbm>>
      tpu.wait_indirect_dma semaphore(%arg13 : memref<!tpu.dma_semaphore, #tpu.memory_space<semaphore_mem>>) src(%dma_wait3A_367 : memref<10240x128xf32, #tpu.memory_space<hbm>>) dst(%dma_wait3A_361 : memref<64x128xf32, #tpu.memory_space<vmem>>)
      %lt3A = arith.constant 19 : i32
      %lt3A_368 = arith.cmpi slt, %scan3A_308, %lt3A : i32
      %convert_element_type3A = arith.extui %lt3A_368 : i1 to i32
      %cond3A = arith.constant 0 : i32
      %cond3A_369 = arith.cmpi ne, %convert_element_type3A, %cond3A : i32
      scf.if %cond3A_369 {
        %add3A_372 = arith.constant 2 : i32
        %add3A_373 = arith.addi %mul3A_310, %add3A_372 : i32
        %dma_start3A_374 = arith.constant 0 : i32
        %dma_start3A_375 = arith.constant 0 : i32
        %dma_start3A_376 = tpu.memref_slice %arg7[%dma_start3A_374, %dma_start3A_375] : memref<128x128xf32, #tpu.memory_space<vmem>> -> memref<64x128xf32, #tpu.memory_space<vmem>>
        %dma_start3A_377 = arith.constant 0 : i32
        %dma_start3A_378 = tpu.memref_slice %arg5[%add3A_373, %dma_start3A_377] : memref<40x128xi32, #tpu.memory_space<vmem>> -> memref<1x64xi32, #tpu.memory_space<vmem>>
        %dma_start3A_379 = tpu.memref_squeeze %dma_start3A_378 : memref<1x64xi32, #tpu.memory_space<vmem>> -> memref<64xi32, #tpu.memory_space<vmem>>
        %dma_start3A_380 = arith.constant 0 : i32
        %dma_start3A_381 = arith.constant 0 : i32
        %dma_start3A_382 = tpu.memref_slice %arg2[%dma_start3A_380, %dma_start3A_381] : memref<10240x128xf32, #tpu.memory_space<hbm>> -> memref<10240x128xf32, #tpu.memory_space<hbm>>
        tpu.enqueue_indirect_dma source(%dma_start3A_382 : memref<10240x128xf32, #tpu.memory_space<hbm>>) target(%dma_start3A_376 : memref<64x128xf32, #tpu.memory_space<vmem>>) offsets(%dma_start3A_379 : memref<64xi32, #tpu.memory_space<vmem>>) semaphore(%arg10 : memref<!tpu.dma_semaphore, #tpu.memory_space<semaphore_mem>>)
        %dma_start3A_383 = arith.constant 64 : i32
        %dma_start3A_384 = arith.constant 0 : i32
        %dma_start3A_385 = tpu.memref_slice %arg7[%dma_start3A_383, %dma_start3A_384] : memref<128x128xf32, #tpu.memory_space<vmem>> -> memref<64x128xf32, #tpu.memory_space<vmem>>
        %dma_start3A_386 = arith.constant 64 : i32
        %dma_start3A_387 = tpu.memref_slice %arg5[%add3A_373, %dma_start3A_386] : memref<40x128xi32, #tpu.memory_space<vmem>> -> memref<1x64xi32, #tpu.memory_space<vmem>>
        %dma_start3A_388 = tpu.memref_squeeze %dma_start3A_387 : memref<1x64xi32, #tpu.memory_space<vmem>> -> memref<64xi32, #tpu.memory_space<vmem>>
        %dma_start3A_389 = arith.constant 0 : i32
        %dma_start3A_390 = arith.constant 0 : i32
        %dma_start3A_391 = tpu.memref_slice %arg2[%dma_start3A_389, %dma_start3A_390] : memref<10240x128xf32, #tpu.memory_space<hbm>> -> memref<10240x128xf32, #tpu.memory_space<hbm>>
        tpu.enqueue_indirect_dma source(%dma_start3A_391 : memref<10240x128xf32, #tpu.memory_space<hbm>>) target(%dma_start3A_385 : memref<64x128xf32, #tpu.memory_space<vmem>>) offsets(%dma_start3A_388 : memref<64xi32, #tpu.memory_space<vmem>>) semaphore(%arg11 : memref<!tpu.dma_semaphore, #tpu.memory_space<semaphore_mem>>)
      } else {
      }
      %add3A_370 = arith.constant 1 : i32
      %add3A_371 = arith.addi %mul3A_310, %add3A_370 : i32
      "tpu.region"() ({
        %run_scoped3A_372 = tpu.sem_alloc : memref<!tpu.dma_semaphore, #tpu.memory_space<semaphore_mem>>
        %dma_start3A_373 = arith.constant 0 : i32
        %dma_start3A_374 = tpu.memref_slice %arg6[%add3A_371, %dma_start3A_373] : memref<40x128xi32, #tpu.memory_space<vmem>> -> memref<1x128xi32, #tpu.memory_space<vmem>>
        %dma_start3A_375 = tpu.memref_squeeze %dma_start3A_374 : memref<1x128xi32, #tpu.memory_space<vmem>> -> memref<128xi32, #tpu.memory_space<vmem>>
        %dma_start3A_376 = arith.constant 0 : i32
        %dma_start3A_377 = arith.constant 0 : i32
        %dma_start3A_378 = tpu.memref_slice %arg9[%dma_start3A_376, %dma_start3A_377] : memref<10240x128xf32, #tpu.memory_space<vmem_shared>> -> memref<10240x128xf32, #tpu.memory_space<vmem_shared>>
        tpu.enqueue_indirect_dma source(%arg8 : memref<128x128xf32, #tpu.memory_space<vmem>>) target(%dma_start3A_378 : memref<10240x128xf32, #tpu.memory_space<vmem_shared>>) offsets(%dma_start3A_375 : memref<128xi32, #tpu.memory_space<vmem>>) semaphore(%run_scoped3A_372 : memref<!tpu.dma_semaphore, #tpu.memory_space<semaphore_mem>>) {add = true}
        %dma_wait3A_379 = arith.constant 0 : i32
        %dma_wait3A_380 = tpu.memref_slice %arg6[%add3A_371, %dma_wait3A_379] : memref<40x128xi32, #tpu.memory_space<vmem>> -> memref<1x128xi32, #tpu.memory_space<vmem>>
        %dma_wait3A_381 = tpu.memref_squeeze %dma_wait3A_380 : memref<1x128xi32, #tpu.memory_space<vmem>> -> memref<128xi32, #tpu.memory_space<vmem>>
        %dma_wait3A_382 = arith.constant 0 : i32
        %dma_wait3A_383 = arith.constant 0 : i32
        %dma_wait3A_384 = tpu.memref_slice %arg9[%dma_wait3A_382, %dma_wait3A_383] : memref<10240x128xf32, #tpu.memory_space<vmem_shared>> -> memref<10240x128xf32, #tpu.memory_space<vmem_shared>>
        tpu.wait_indirect_dma semaphore(%run_scoped3A_372 : memref<!tpu.dma_semaphore, #tpu.memory_space<semaphore_mem>>) src(%arg8 : memref<128x128xf32, #tpu.memory_space<vmem>>) dst(%dma_wait3A_384 : memref<10240x128xf32, #tpu.memory_space<vmem_shared>>)
        tpu.yield
      }) : () -> ()
    }
    %scan3A_118 = arith.constant 20 : i32
    %barrier3A_119 = arith.constant 0 : index
    tpu.barrier barrier_id(%barrier3A_119)
    %add3A_120 = arith.constant 0 : i32
    %add3A_121 = arith.addi %mul3A_0, %add3A_120 : i32
    "tpu.region"() ({
      %run_scoped3A_308 = tpu.sem_alloc : memref<!tpu.dma_semaphore, #tpu.memory_space<semaphore_mem>>
      %dma_start3A_309 = arith.constant 0 : i32
      %dma_start3A_310 = tpu.memref_slice %arg9[%add3A_121, %dma_start3A_309] : memref<10240x128xf32, #tpu.memory_space<vmem_shared>> -> memref<128x128xf32, #tpu.memory_space<vmem_shared>>
      %dma_start3A_311 = arith.constant 0 : i32
      %dma_start3A_312 = tpu.memref_slice %arg9[%add3A_121, %dma_start3A_311] : memref<10240x128xf32, #tpu.memory_space<vmem_shared>> -> memref<128x128xf32, #tpu.memory_space<vmem_shared>>
      tpu.enqueue_dma source(%dma_start3A_312 : memref<128x128xf32, #tpu.memory_space<vmem_shared>>) target(%arg7 : memref<128x128xf32, #tpu.memory_space<vmem>>) target_semaphore(%run_scoped3A_308 : memref<!tpu.dma_semaphore, #tpu.memory_space<semaphore_mem>>)
      %dma_wait3A = arith.constant 0 : i32
      %dma_wait3A_313 = tpu.memref_slice %arg9[%add3A_121, %dma_wait3A] : memref<10240x128xf32, #tpu.memory_space<vmem_shared>> -> memref<128x128xf32, #tpu.memory_space<vmem_shared>>
      %dma_wait3A_314 = arith.constant 0 : i32
      %dma_wait3A_315 = tpu.memref_slice %arg9[%add3A_121, %dma_wait3A_314] : memref<10240x128xf32, #tpu.memory_space<vmem_shared>> -> memref<128x128xf32, #tpu.memory_space<vmem_shared>>
      tpu.wait_dma2 semaphore(%run_scoped3A_308 : memref<!tpu.dma_semaphore, #tpu.memory_space<semaphore_mem>>) src(%dma_wait3A_315 : memref<128x128xf32, #tpu.memory_space<vmem_shared>>) dst(%arg7 : memref<128x128xf32, #tpu.memory_space<vmem>>)
      tpu.yield
    }) : () -> ()
    %run_scoped3A = arith.constant 0 : i32
    "tpu.region"() ({
      %run_scoped3A_308 = tpu.sem_alloc : memref<!tpu.dma_semaphore, #tpu.memory_space<semaphore_mem>>
      %dma_start3A_309 = arith.constant 0 : i32
      %dma_start3A_310 = tpu.memref_slice %arg4[%arg0, %run_scoped3A, %add3A_121, %dma_start3A_309] : memref<2x2x10240x128xf32, #tpu.memory_space<hbm>> -> memref<1x1x128x128xf32, #tpu.memory_space<hbm>>
      %dma_start3A_311 = tpu.memref_squeeze %dma_start3A_310 : memref<1x1x128x128xf32, #tpu.memory_space<hbm>> -> memref<128x128xf32, #tpu.memory_space<hbm>>
      %dma_start3A_312 = arith.constant 0 : i32
      %dma_start3A_313 = tpu.memref_slice %arg4[%arg0, %run_scoped3A, %add3A_121, %dma_start3A_312] : memref<2x2x10240x128xf32, #tpu.memory_space<hbm>> -> memref<1x1x128x128xf32, #tpu.memory_space<hbm>>
      %dma_start3A_314 = tpu.memref_squeeze %dma_start3A_313 : memref<1x1x128x128xf32, #tpu.memory_space<hbm>> -> memref<128x128xf32, #tpu.memory_space<hbm>>
      tpu.enqueue_dma source(%arg7 : memref<128x128xf32, #tpu.memory_space<vmem>>) target(%dma_start3A_314 : memref<128x128xf32, #tpu.memory_space<hbm>>) target_semaphore(%run_scoped3A_308 : memref<!tpu.dma_semaphore, #tpu.memory_space<semaphore_mem>>)
      %dma_wait3A = arith.constant 0 : i32
      %dma_wait3A_315 = tpu.memref_slice %arg4[%arg0, %run_scoped3A, %add3A_121, %dma_wait3A] : memref<2x2x10240x128xf32, #tpu.memory_space<hbm>> -> memref<1x1x128x128xf32, #tpu.memory_space<hbm>>
      %dma_wait3A_316 = tpu.memref_squeeze %dma_wait3A_315 : memref<1x1x128x128xf32, #tpu.memory_space<hbm>> -> memref<128x128xf32, #tpu.memory_space<hbm>>
      %dma_wait3A_317 = arith.constant 0 : i32
      %dma_wait3A_318 = tpu.memref_slice %arg4[%arg0, %run_scoped3A, %add3A_121, %dma_wait3A_317] : memref<2x2x10240x128xf32, #tpu.memory_space<hbm>> -> memref<1x1x128x128xf32, #tpu.memory_space<hbm>>
      %dma_wait3A_319 = tpu.memref_squeeze %dma_wait3A_318 : memref<1x1x128x128xf32, #tpu.memory_space<hbm>> -> memref<128x128xf32, #tpu.memory_space<hbm>>
      tpu.wait_dma2 semaphore(%run_scoped3A_308 : memref<!tpu.dma_semaphore, #tpu.memory_space<semaphore_mem>>) src(%arg7 : memref<128x128xf32, #tpu.memory_space<vmem>>) dst(%dma_wait3A_319 : memref<128x128xf32, #tpu.memory_space<hbm>>)
      tpu.yield
    }) : () -> ()
    %add3A_122 = arith.constant 128 : i32
    %add3A_123 = arith.addi %mul3A_0, %add3A_122 : i32
    "tpu.region"() ({
      %run_scoped3A_308 = tpu.sem_alloc : memref<!tpu.dma_semaphore, #tpu.memory_space<semaphore_mem>>
      %dma_start3A_309 = arith.constant 0 : i32
      %dma_start3A_310 = tpu.memref_slice %arg9[%add3A_123, %dma_start3A_309] : memref<10240x128xf32, #tpu.memory_space<vmem_shared>> -> memref<128x128xf32, #tpu.memory_space<vmem_shared>>
      %dma_start3A_311 = arith.constant 0 : i32
      %dma_start3A_312 = tpu.memref_slice %arg9[%add3A_123, %dma_start3A_311] : memref<10240x128xf32, #tpu.memory_space<vmem_shared>> -> memref<128x128xf32, #tpu.memory_space<vmem_shared>>
      tpu.enqueue_dma source(%dma_start3A_312 : memref<128x128xf32, #tpu.memory_space<vmem_shared>>) target(%arg7 : memref<128x128xf32, #tpu.memory_space<vmem>>) target_semaphore(%run_scoped3A_308 : memref<!tpu.dma_semaphore, #tpu.memory_space<semaphore_mem>>)
      %dma_wait3A = arith.constant 0 : i32
      %dma_wait3A_313 = tpu.memref_slice %arg9[%add3A_123, %dma_wait3A] : memref<10240x128xf32, #tpu.memory_space<vmem_shared>> -> memref<128x128xf32, #tpu.memory_space<vmem_shared>>
      %dma_wait3A_314 = arith.constant 0 : i32
      %dma_wait3A_315 = tpu.memref_slice %arg9[%add3A_123, %dma_wait3A_314] : memref<10240x128xf32, #tpu.memory_space<vmem_shared>> -> memref<128x128xf32, #tpu.memory_space<vmem_shared>>
      tpu.wait_dma2 semaphore(%run_scoped3A_308 : memref<!tpu.dma_semaphore, #tpu.memory_space<semaphore_mem>>) src(%dma_wait3A_315 : memref<128x128xf32, #tpu.memory_space<vmem_shared>>) dst(%arg7 : memref<128x128xf32, #tpu.memory_space<vmem>>)
      tpu.yield
    }) : () -> ()
    %run_scoped3A_124 = arith.constant 0 : i32
    "tpu.region"() ({
      %run_scoped3A_308 = tpu.sem_alloc : memref<!tpu.dma_semaphore, #tpu.memory_space<semaphore_mem>>
      %dma_start3A_309 = arith.constant 0 : i32
      %dma_start3A_310 = tpu.memref_slice %arg4[%arg0, %run_scoped3A_124, %add3A_123, %dma_start3A_309] : memref<2x2x10240x128xf32, #tpu.memory_space<hbm>> -> memref<1x1x128x128xf32, #tpu.memory_space<hbm>>
      %dma_start3A_311 = tpu.memref_squeeze %dma_start3A_310 : memref<1x1x128x128xf32, #tpu.memory_space<hbm>> -> memref<128x128xf32, #tpu.memory_space<hbm>>
      %dma_start3A_312 = arith.constant 0 : i32
      %dma_start3A_313 = tpu.memref_slice %arg4[%arg0, %run_scoped3A_124, %add3A_123, %dma_start3A_312] : memref<2x2x10240x128xf32, #tpu.memory_space<hbm>> -> memref<1x1x128x128xf32, #tpu.memory_space<hbm>>
      %dma_start3A_314 = tpu.memref_squeeze %dma_start3A_313 : memref<1x1x128x128xf32, #tpu.memory_space<hbm>> -> memref<128x128xf32, #tpu.memory_space<hbm>>
      tpu.enqueue_dma source(%arg7 : memref<128x128xf32, #tpu.memory_space<vmem>>) target(%dma_start3A_314 : memref<128x128xf32, #tpu.memory_space<hbm>>) target_semaphore(%run_scoped3A_308 : memref<!tpu.dma_semaphore, #tpu.memory_space<semaphore_mem>>)
      %dma_wait3A = arith.constant 0 : i32
      %dma_wait3A_315 = tpu.memref_slice %arg4[%arg0, %run_scoped3A_124, %add3A_123, %dma_wait3A] : memref<2x2x10240x128xf32, #tpu.memory_space<hbm>> -> memref<1x1x128x128xf32, #tpu.memory_space<hbm>>
      %dma_wait3A_316 = tpu.memref_squeeze %dma_wait3A_315 : memref<1x1x128x128xf32, #tpu.memory_space<hbm>> -> memref<128x128xf32, #tpu.memory_space<hbm>>
      %dma_wait3A_317 = arith.constant 0 : i32
      %dma_wait3A_318 = tpu.memref_slice %arg4[%arg0, %run_scoped3A_124, %add3A_123, %dma_wait3A_317] : memref<2x2x10240x128xf32, #tpu.memory_space<hbm>> -> memref<1x1x128x128xf32, #tpu.memory_space<hbm>>
      %dma_wait3A_319 = tpu.memref_squeeze %dma_wait3A_318 : memref<1x1x128x128xf32, #tpu.memory_space<hbm>> -> memref<128x128xf32, #tpu.memory_space<hbm>>
      tpu.wait_dma2 semaphore(%run_scoped3A_308 : memref<!tpu.dma_semaphore, #tpu.memory_space<semaphore_mem>>) src(%arg7 : memref<128x128xf32, #tpu.memory_space<vmem>>) dst(%dma_wait3A_319 : memref<128x128xf32, #tpu.memory_space<hbm>>)
      tpu.yield
    }) : () -> ()
    %add3A_125 = arith.constant 256 : i32
    %add3A_126 = arith.addi %mul3A_0, %add3A_125 : i32
    "tpu.region"() ({
      %run_scoped3A_308 = tpu.sem_alloc : memref<!tpu.dma_semaphore, #tpu.memory_space<semaphore_mem>>
      %dma_start3A_309 = arith.constant 0 : i32
      %dma_start3A_310 = tpu.memref_slice %arg9[%add3A_126, %dma_start3A_309] : memref<10240x128xf32, #tpu.memory_space<vmem_shared>> -> memref<128x128xf32, #tpu.memory_space<vmem_shared>>
      %dma_start3A_311 = arith.constant 0 : i32
      %dma_start3A_312 = tpu.memref_slice %arg9[%add3A_126, %dma_start3A_311] : memref<10240x128xf32, #tpu.memory_space<vmem_shared>> -> memref<128x128xf32, #tpu.memory_space<vmem_shared>>
      tpu.enqueue_dma source(%dma_start3A_312 : memref<128x128xf32, #tpu.memory_space<vmem_shared>>) target(%arg7 : memref<128x128xf32, #tpu.memory_space<vmem>>) target_semaphore(%run_scoped3A_308 : memref<!tpu.dma_semaphore, #tpu.memory_space<semaphore_mem>>)
      %dma_wait3A = arith.constant 0 : i32
      %dma_wait3A_313 = tpu.memref_slice %arg9[%add3A_126, %dma_wait3A] : memref<10240x128xf32, #tpu.memory_space<vmem_shared>> -> memref<128x128xf32, #tpu.memory_space<vmem_shared>>
      %dma_wait3A_314 = arith.constant 0 : i32
      %dma_wait3A_315 = tpu.memref_slice %arg9[%add3A_126, %dma_wait3A_314] : memref<10240x128xf32, #tpu.memory_space<vmem_shared>> -> memref<128x128xf32, #tpu.memory_space<vmem_shared>>
      tpu.wait_dma2 semaphore(%run_scoped3A_308 : memref<!tpu.dma_semaphore, #tpu.memory_space<semaphore_mem>>) src(%dma_wait3A_315 : memref<128x128xf32, #tpu.memory_space<vmem_shared>>) dst(%arg7 : memref<128x128xf32, #tpu.memory_space<vmem>>)
      tpu.yield
    }) : () -> ()
    %run_scoped3A_127 = arith.constant 0 : i32
    "tpu.region"() ({
      %run_scoped3A_308 = tpu.sem_alloc : memref<!tpu.dma_semaphore, #tpu.memory_space<semaphore_mem>>
      %dma_start3A_309 = arith.constant 0 : i32
      %dma_start3A_310 = tpu.memref_slice %arg4[%arg0, %run_scoped3A_127, %add3A_126, %dma_start3A_309] : memref<2x2x10240x128xf32, #tpu.memory_space<hbm>> -> memref<1x1x128x128xf32, #tpu.memory_space<hbm>>
      %dma_start3A_311 = tpu.memref_squeeze %dma_start3A_310 : memref<1x1x128x128xf32, #tpu.memory_space<hbm>> -> memref<128x128xf32, #tpu.memory_space<hbm>>
      %dma_start3A_312 = arith.constant 0 : i32
      %dma_start3A_313 = tpu.memref_slice %arg4[%arg0, %run_scoped3A_127, %add3A_126, %dma_start3A_312] : memref<2x2x10240x128xf32, #tpu.memory_space<hbm>> -> memref<1x1x128x128xf32, #tpu.memory_space<hbm>>
      %dma_start3A_314 = tpu.memref_squeeze %dma_start3A_313 : memref<1x1x128x128xf32, #tpu.memory_space<hbm>> -> memref<128x128xf32, #tpu.memory_space<hbm>>
      tpu.enqueue_dma source(%arg7 : memref<128x128xf32, #tpu.memory_space<vmem>>) target(%dma_start3A_314 : memref<128x128xf32, #tpu.memory_space<hbm>>) target_semaphore(%run_scoped3A_308 : memref<!tpu.dma_semaphore, #tpu.memory_space<semaphore_mem>>)
      %dma_wait3A = arith.constant 0 : i32
      %dma_wait3A_315 = tpu.memref_slice %arg4[%arg0, %run_scoped3A_127, %add3A_126, %dma_wait3A] : memref<2x2x10240x128xf32, #tpu.memory_space<hbm>> -> memref<1x1x128x128xf32, #tpu.memory_space<hbm>>
      %dma_wait3A_316 = tpu.memref_squeeze %dma_wait3A_315 : memref<1x1x128x128xf32, #tpu.memory_space<hbm>> -> memref<128x128xf32, #tpu.memory_space<hbm>>
      %dma_wait3A_317 = arith.constant 0 : i32
      %dma_wait3A_318 = tpu.memref_slice %arg4[%arg0, %run_scoped3A_127, %add3A_126, %dma_wait3A_317] : memref<2x2x10240x128xf32, #tpu.memory_space<hbm>> -> memref<1x1x128x128xf32, #tpu.memory_space<hbm>>
      %dma_wait3A_319 = tpu.memref_squeeze %dma_wait3A_318 : memref<1x1x128x128xf32, #tpu.memory_space<hbm>> -> memref<128x128xf32, #tpu.memory_space<hbm>>
      tpu.wait_dma2 semaphore(%run_scoped3A_308 : memref<!tpu.dma_semaphore, #tpu.memory_space<semaphore_mem>>) src(%arg7 : memref<128x128xf32, #tpu.memory_space<vmem>>) dst(%dma_wait3A_319 : memref<128x128xf32, #tpu.memory_space<hbm>>)
      tpu.yield
    }) : () -> ()
    %add3A_128 = arith.constant 384 : i32
    %add3A_129 = arith.addi %mul3A_0, %add3A_128 : i32
    "tpu.region"() ({
      %run_scoped3A_308 = tpu.sem_alloc : memref<!tpu.dma_semaphore, #tpu.memory_space<semaphore_mem>>
      %dma_start3A_309 = arith.constant 0 : i32
      %dma_start3A_310 = tpu.memref_slice %arg9[%add3A_129, %dma_start3A_309] : memref<10240x128xf32, #tpu.memory_space<vmem_shared>> -> memref<128x128xf32, #tpu.memory_space<vmem_shared>>
      %dma_start3A_311 = arith.constant 0 : i32
      %dma_start3A_312 = tpu.memref_slice %arg9[%add3A_129, %dma_start3A_311] : memref<10240x128xf32, #tpu.memory_space<vmem_shared>> -> memref<128x128xf32, #tpu.memory_space<vmem_shared>>
      tpu.enqueue_dma source(%dma_start3A_312 : memref<128x128xf32, #tpu.memory_space<vmem_shared>>) target(%arg7 : memref<128x128xf32, #tpu.memory_space<vmem>>) target_semaphore(%run_scoped3A_308 : memref<!tpu.dma_semaphore, #tpu.memory_space<semaphore_mem>>)
      %dma_wait3A = arith.constant 0 : i32
      %dma_wait3A_313 = tpu.memref_slice %arg9[%add3A_129, %dma_wait3A] : memref<10240x128xf32, #tpu.memory_space<vmem_shared>> -> memref<128x128xf32, #tpu.memory_space<vmem_shared>>
      %dma_wait3A_314 = arith.constant 0 : i32
      %dma_wait3A_315 = tpu.memref_slice %arg9[%add3A_129, %dma_wait3A_314] : memref<10240x128xf32, #tpu.memory_space<vmem_shared>> -> memref<128x128xf32, #tpu.memory_space<vmem_shared>>
      tpu.wait_dma2 semaphore(%run_scoped3A_308 : memref<!tpu.dma_semaphore, #tpu.memory_space<semaphore_mem>>) src(%dma_wait3A_315 : memref<128x128xf32, #tpu.memory_space<vmem_shared>>) dst(%arg7 : memref<128x128xf32, #tpu.memory_space<vmem>>)
      tpu.yield
    }) : () -> ()
    %run_scoped3A_130 = arith.constant 0 : i32
    "tpu.region"() ({
      %run_scoped3A_308 = tpu.sem_alloc : memref<!tpu.dma_semaphore, #tpu.memory_space<semaphore_mem>>
      %dma_start3A_309 = arith.constant 0 : i32
      %dma_start3A_310 = tpu.memref_slice %arg4[%arg0, %run_scoped3A_130, %add3A_129, %dma_start3A_309] : memref<2x2x10240x128xf32, #tpu.memory_space<hbm>> -> memref<1x1x128x128xf32, #tpu.memory_space<hbm>>
      %dma_start3A_311 = tpu.memref_squeeze %dma_start3A_310 : memref<1x1x128x128xf32, #tpu.memory_space<hbm>> -> memref<128x128xf32, #tpu.memory_space<hbm>>
      %dma_start3A_312 = arith.constant 0 : i32
      %dma_start3A_313 = tpu.memref_slice %arg4[%arg0, %run_scoped3A_130, %add3A_129, %dma_start3A_312] : memref<2x2x10240x128xf32, #tpu.memory_space<hbm>> -> memref<1x1x128x128xf32, #tpu.memory_space<hbm>>
      %dma_start3A_314 = tpu.memref_squeeze %dma_start3A_313 : memref<1x1x128x128xf32, #tpu.memory_space<hbm>> -> memref<128x128xf32, #tpu.memory_space<hbm>>
      tpu.enqueue_dma source(%arg7 : memref<128x128xf32, #tpu.memory_space<vmem>>) target(%dma_start3A_314 : memref<128x128xf32, #tpu.memory_space<hbm>>) target_semaphore(%run_scoped3A_308 : memref<!tpu.dma_semaphore, #tpu.memory_space<semaphore_mem>>)
      %dma_wait3A = arith.constant 0 : i32
      %dma_wait3A_315 = tpu.memref_slice %arg4[%arg0, %run_scoped3A_130, %add3A_129, %dma_wait3A] : memref<2x2x10240x128xf32, #tpu.memory_space<hbm>> -> memref<1x1x128x128xf32, #tpu.memory_space<hbm>>
      %dma_wait3A_316 = tpu.memref_squeeze %dma_wait3A_315 : memref<1x1x128x128xf32, #tpu.memory_space<hbm>> -> memref<128x128xf32, #tpu.memory_space<hbm>>
      %dma_wait3A_317 = arith.constant 0 : i32
      %dma_wait3A_318 = tpu.memref_slice %arg4[%arg0, %run_scoped3A_130, %add3A_129, %dma_wait3A_317] : memref<2x2x10240x128xf32, #tpu.memory_space<hbm>> -> memref<1x1x128x128xf32, #tpu.memory_space<hbm>>
      %dma_wait3A_319 = tpu.memref_squeeze %dma_wait3A_318 : memref<1x1x128x128xf32, #tpu.memory_space<hbm>> -> memref<128x128xf32, #tpu.memory_space<hbm>>
      tpu.wait_dma2 semaphore(%run_scoped3A_308 : memref<!tpu.dma_semaphore, #tpu.memory_space<semaphore_mem>>) src(%arg7 : memref<128x128xf32, #tpu.memory_space<vmem>>) dst(%dma_wait3A_319 : memref<128x128xf32, #tpu.memory_space<hbm>>)
      tpu.yield
    }) : () -> ()
    %add3A_131 = arith.constant 512 : i32
    %add3A_132 = arith.addi %mul3A_0, %add3A_131 : i32
    "tpu.region"() ({
      %run_scoped3A_308 = tpu.sem_alloc : memref<!tpu.dma_semaphore, #tpu.memory_space<semaphore_mem>>
      %dma_start3A_309 = arith.constant 0 : i32
      %dma_start3A_310 = tpu.memref_slice %arg9[%add3A_132, %dma_start3A_309] : memref<10240x128xf32, #tpu.memory_space<vmem_shared>> -> memref<128x128xf32, #tpu.memory_space<vmem_shared>>
      %dma_start3A_311 = arith.constant 0 : i32
      %dma_start3A_312 = tpu.memref_slice %arg9[%add3A_132, %dma_start3A_311] : memref<10240x128xf32, #tpu.memory_space<vmem_shared>> -> memref<128x128xf32, #tpu.memory_space<vmem_shared>>
      tpu.enqueue_dma source(%dma_start3A_312 : memref<128x128xf32, #tpu.memory_space<vmem_shared>>) target(%arg7 : memref<128x128xf32, #tpu.memory_space<vmem>>) target_semaphore(%run_scoped3A_308 : memref<!tpu.dma_semaphore, #tpu.memory_space<semaphore_mem>>)
      %dma_wait3A = arith.constant 0 : i32
      %dma_wait3A_313 = tpu.memref_slice %arg9[%add3A_132, %dma_wait3A] : memref<10240x128xf32, #tpu.memory_space<vmem_shared>> -> memref<128x128xf32, #tpu.memory_space<vmem_shared>>
      %dma_wait3A_314 = arith.constant 0 : i32
      %dma_wait3A_315 = tpu.memref_slice %arg9[%add3A_132, %dma_wait3A_314] : memref<10240x128xf32, #tpu.memory_space<vmem_shared>> -> memref<128x128xf32, #tpu.memory_space<vmem_shared>>
      tpu.wait_dma2 semaphore(%run_scoped3A_308 : memref<!tpu.dma_semaphore, #tpu.memory_space<semaphore_mem>>) src(%dma_wait3A_315 : memref<128x128xf32, #tpu.memory_space<vmem_shared>>) dst(%arg7 : memref<128x128xf32, #tpu.memory_space<vmem>>)
      tpu.yield
    }) : () -> ()
    %run_scoped3A_133 = arith.constant 0 : i32
    "tpu.region"() ({
      %run_scoped3A_308 = tpu.sem_alloc : memref<!tpu.dma_semaphore, #tpu.memory_space<semaphore_mem>>
      %dma_start3A_309 = arith.constant 0 : i32
      %dma_start3A_310 = tpu.memref_slice %arg4[%arg0, %run_scoped3A_133, %add3A_132, %dma_start3A_309] : memref<2x2x10240x128xf32, #tpu.memory_space<hbm>> -> memref<1x1x128x128xf32, #tpu.memory_space<hbm>>
      %dma_start3A_311 = tpu.memref_squeeze %dma_start3A_310 : memref<1x1x128x128xf32, #tpu.memory_space<hbm>> -> memref<128x128xf32, #tpu.memory_space<hbm>>
      %dma_start3A_312 = arith.constant 0 : i32
      %dma_start3A_313 = tpu.memref_slice %arg4[%arg0, %run_scoped3A_133, %add3A_132, %dma_start3A_312] : memref<2x2x10240x128xf32, #tpu.memory_space<hbm>> -> memref<1x1x128x128xf32, #tpu.memory_space<hbm>>
      %dma_start3A_314 = tpu.memref_squeeze %dma_start3A_313 : memref<1x1x128x128xf32, #tpu.memory_space<hbm>> -> memref<128x128xf32, #tpu.memory_space<hbm>>
      tpu.enqueue_dma source(%arg7 : memref<128x128xf32, #tpu.memory_space<vmem>>) target(%dma_start3A_314 : memref<128x128xf32, #tpu.memory_space<hbm>>) target_semaphore(%run_scoped3A_308 : memref<!tpu.dma_semaphore, #tpu.memory_space<semaphore_mem>>)
      %dma_wait3A = arith.constant 0 : i32
      %dma_wait3A_315 = tpu.memref_slice %arg4[%arg0, %run_scoped3A_133, %add3A_132, %dma_wait3A] : memref<2x2x10240x128xf32, #tpu.memory_space<hbm>> -> memref<1x1x128x128xf32, #tpu.memory_space<hbm>>
      %dma_wait3A_316 = tpu.memref_squeeze %dma_wait3A_315 : memref<1x1x128x128xf32, #tpu.memory_space<hbm>> -> memref<128x128xf32, #tpu.memory_space<hbm>>
      %dma_wait3A_317 = arith.constant 0 : i32
      %dma_wait3A_318 = tpu.memref_slice %arg4[%arg0, %run_scoped3A_133, %add3A_132, %dma_wait3A_317] : memref<2x2x10240x128xf32, #tpu.memory_space<hbm>> -> memref<1x1x128x128xf32, #tpu.memory_space<hbm>>
      %dma_wait3A_319 = tpu.memref_squeeze %dma_wait3A_318 : memref<1x1x128x128xf32, #tpu.memory_space<hbm>> -> memref<128x128xf32, #tpu.memory_space<hbm>>
      tpu.wait_dma2 semaphore(%run_scoped3A_308 : memref<!tpu.dma_semaphore, #tpu.memory_space<semaphore_mem>>) src(%arg7 : memref<128x128xf32, #tpu.memory_space<vmem>>) dst(%dma_wait3A_319 : memref<128x128xf32, #tpu.memory_space<hbm>>)
      tpu.yield
    }) : () -> ()
    %barrier3A_134 = arith.constant 0 : index
    tpu.barrier barrier_id(%barrier3A_134)
    "tpu.region"() ({
      %run_scoped3A_308 = tpu.sem_alloc : memref<!tpu.dma_semaphore, #tpu.memory_space<semaphore_mem>>
      %dma_start3A_309 = arith.constant 0 : i32
      %dma_start3A_310 = arith.constant 0 : i32
      %dma_start3A_311 = tpu.memref_slice %arg3[%arg0, %arg1, %dma_start3A_309, %dma_start3A_310] : memref<2x16x160x128xi32, #tpu.memory_space<hbm>> -> memref<1x1x40x128xi32, #tpu.memory_space<hbm>>
      %dma_start3A_312 = tpu.memref_squeeze %dma_start3A_311 : memref<1x1x40x128xi32, #tpu.memory_space<hbm>> -> memref<40x128xi32, #tpu.memory_space<hbm>>
      %dma_start3A_313 = arith.constant 0 : i32
      %dma_start3A_314 = arith.constant 0 : i32
      %dma_start3A_315 = tpu.memref_slice %arg3[%arg0, %arg1, %dma_start3A_313, %dma_start3A_314] : memref<2x16x160x128xi32, #tpu.memory_space<hbm>> -> memref<1x1x40x128xi32, #tpu.memory_space<hbm>>
      %dma_start3A_316 = tpu.memref_squeeze %dma_start3A_315 : memref<1x1x40x128xi32, #tpu.memory_space<hbm>> -> memref<40x128xi32, #tpu.memory_space<hbm>>
      tpu.enqueue_dma source(%dma_start3A_316 : memref<40x128xi32, #tpu.memory_space<hbm>>) target(%arg5 : memref<40x128xi32, #tpu.memory_space<vmem>>) target_semaphore(%run_scoped3A_308 : memref<!tpu.dma_semaphore, #tpu.memory_space<semaphore_mem>>)
      %dma_wait3A = arith.constant 0 : i32
      %dma_wait3A_317 = arith.constant 0 : i32
      %dma_wait3A_318 = tpu.memref_slice %arg3[%arg0, %arg1, %dma_wait3A, %dma_wait3A_317] : memref<2x16x160x128xi32, #tpu.memory_space<hbm>> -> memref<1x1x40x128xi32, #tpu.memory_space<hbm>>
      %dma_wait3A_319 = tpu.memref_squeeze %dma_wait3A_318 : memref<1x1x40x128xi32, #tpu.memory_space<hbm>> -> memref<40x128xi32, #tpu.memory_space<hbm>>
      %dma_wait3A_320 = arith.constant 0 : i32
      %dma_wait3A_321 = arith.constant 0 : i32
      %dma_wait3A_322 = tpu.memref_slice %arg3[%arg0, %arg1, %dma_wait3A_320, %dma_wait3A_321] : memref<2x16x160x128xi32, #tpu.memory_space<hbm>> -> memref<1x1x40x128xi32, #tpu.memory_space<hbm>>
      %dma_wait3A_323 = tpu.memref_squeeze %dma_wait3A_322 : memref<1x1x40x128xi32, #tpu.memory_space<hbm>> -> memref<40x128xi32, #tpu.memory_space<hbm>>
      tpu.wait_dma2 semaphore(%run_scoped3A_308 : memref<!tpu.dma_semaphore, #tpu.memory_space<semaphore_mem>>) src(%dma_wait3A_323 : memref<40x128xi32, #tpu.memory_space<hbm>>) dst(%arg5 : memref<40x128xi32, #tpu.memory_space<vmem>>)
      tpu.yield
    }) : () -> ()
    %sub3A_135 = arith.constant 1 : i32
    %sub3A_136 = arith.subi %sub3A_135, %arg0 : i32
    "tpu.region"() ({
      %run_scoped3A_308 = tpu.sem_alloc : memref<!tpu.dma_semaphore, #tpu.memory_space<semaphore_mem>>
      %dma_start3A_309 = arith.constant 0 : i32
      %dma_start3A_310 = arith.constant 0 : i32
      %dma_start3A_311 = tpu.memref_slice %arg3[%sub3A_136, %arg1, %dma_start3A_309, %dma_start3A_310] : memref<2x16x160x128xi32, #tpu.memory_space<hbm>> -> memref<1x1x40x128xi32, #tpu.memory_space<hbm>>
      %dma_start3A_312 = tpu.memref_squeeze %dma_start3A_311 : memref<1x1x40x128xi32, #tpu.memory_space<hbm>> -> memref<40x128xi32, #tpu.memory_space<hbm>>
      %dma_start3A_313 = arith.constant 0 : i32
      %dma_start3A_314 = arith.constant 0 : i32
      %dma_start3A_315 = tpu.memref_slice %arg3[%sub3A_136, %arg1, %dma_start3A_313, %dma_start3A_314] : memref<2x16x160x128xi32, #tpu.memory_space<hbm>> -> memref<1x1x40x128xi32, #tpu.memory_space<hbm>>
      %dma_start3A_316 = tpu.memref_squeeze %dma_start3A_315 : memref<1x1x40x128xi32, #tpu.memory_space<hbm>> -> memref<40x128xi32, #tpu.memory_space<hbm>>
      tpu.enqueue_dma source(%dma_start3A_316 : memref<40x128xi32, #tpu.memory_space<hbm>>) target(%arg6 : memref<40x128xi32, #tpu.memory_space<vmem>>) target_semaphore(%run_scoped3A_308 : memref<!tpu.dma_semaphore, #tpu.memory_space<semaphore_mem>>)
      %dma_wait3A = arith.constant 0 : i32
      %dma_wait3A_317 = arith.constant 0 : i32
      %dma_wait3A_318 = tpu.memref_slice %arg3[%sub3A_136, %arg1, %dma_wait3A, %dma_wait3A_317] : memref<2x16x160x128xi32, #tpu.memory_space<hbm>> -> memref<1x1x40x128xi32, #tpu.memory_space<hbm>>
      %dma_wait3A_319 = tpu.memref_squeeze %dma_wait3A_318 : memref<1x1x40x128xi32, #tpu.memory_space<hbm>> -> memref<40x128xi32, #tpu.memory_space<hbm>>
      %dma_wait3A_320 = arith.constant 0 : i32
      %dma_wait3A_321 = arith.constant 0 : i32
      %dma_wait3A_322 = tpu.memref_slice %arg3[%sub3A_136, %arg1, %dma_wait3A_320, %dma_wait3A_321] : memref<2x16x160x128xi32, #tpu.memory_space<hbm>> -> memref<1x1x40x128xi32, #tpu.memory_space<hbm>>
      %dma_wait3A_323 = tpu.memref_squeeze %dma_wait3A_322 : memref<1x1x40x128xi32, #tpu.memory_space<hbm>> -> memref<40x128xi32, #tpu.memory_space<hbm>>
      tpu.wait_dma2 semaphore(%run_scoped3A_308 : memref<!tpu.dma_semaphore, #tpu.memory_space<semaphore_mem>>) src(%dma_wait3A_323 : memref<40x128xi32, #tpu.memory_space<hbm>>) dst(%arg6 : memref<40x128xi32, #tpu.memory_space<vmem>>)
      tpu.yield
    }) : () -> ()
    %dma_start3A_137 = arith.constant 0 : i32
    %dma_start3A_138 = arith.constant 0 : i32
    %dma_start3A_139 = arith.constant 0 : i32
    %dma_start3A_140 = arith.constant 0 : i32
    %dma_start3A_141 = tpu.memref_slice %arg7[%dma_start3A_139, %dma_start3A_140] : memref<128x128xf32, #tpu.memory_space<vmem>> -> memref<64x128xf32, #tpu.memory_space<vmem>>
    %dma_start3A_142 = arith.constant 0 : i32
    %dma_start3A_143 = tpu.memref_slice %arg5[%dma_start3A_138, %dma_start3A_142] : memref<40x128xi32, #tpu.memory_space<vmem>> -> memref<1x64xi32, #tpu.memory_space<vmem>>
    %dma_start3A_144 = tpu.memref_squeeze %dma_start3A_143 : memref<1x64xi32, #tpu.memory_space<vmem>> -> memref<64xi32, #tpu.memory_space<vmem>>
    %dma_start3A_145 = arith.constant 0 : i32
    %dma_start3A_146 = arith.constant 0 : i32
    %dma_start3A_147 = tpu.memref_slice %arg4[%arg0, %dma_start3A_137, %dma_start3A_145, %dma_start3A_146] : memref<2x2x10240x128xf32, #tpu.memory_space<hbm>> -> memref<1x1x10240x128xf32, #tpu.memory_space<hbm>>
    %dma_start3A_148 = tpu.memref_squeeze %dma_start3A_147 : memref<1x1x10240x128xf32, #tpu.memory_space<hbm>> -> memref<10240x128xf32, #tpu.memory_space<hbm>>
    %dma_start3A_149 = arith.constant 0 : i32
    %dma_start3A_150 = arith.constant 0 : i32
    %dma_start3A_151 = tpu.memref_slice %dma_start3A_148[%dma_start3A_149, %dma_start3A_150] : memref<10240x128xf32, #tpu.memory_space<hbm>> -> memref<10240x128xf32, #tpu.memory_space<hbm>>
    tpu.enqueue_indirect_dma source(%dma_start3A_151 : memref<10240x128xf32, #tpu.memory_space<hbm>>) target(%dma_start3A_141 : memref<64x128xf32, #tpu.memory_space<vmem>>) offsets(%dma_start3A_144 : memref<64xi32, #tpu.memory_space<vmem>>) semaphore(%arg10 : memref<!tpu.dma_semaphore, #tpu.memory_space<semaphore_mem>>)
    %dma_start3A_152 = arith.constant 0 : i32
    %dma_start3A_153 = arith.constant 0 : i32
    %dma_start3A_154 = arith.constant 64 : i32
    %dma_start3A_155 = arith.constant 0 : i32
    %dma_start3A_156 = tpu.memref_slice %arg7[%dma_start3A_154, %dma_start3A_155] : memref<128x128xf32, #tpu.memory_space<vmem>> -> memref<64x128xf32, #tpu.memory_space<vmem>>
    %dma_start3A_157 = arith.constant 64 : i32
    %dma_start3A_158 = tpu.memref_slice %arg5[%dma_start3A_153, %dma_start3A_157] : memref<40x128xi32, #tpu.memory_space<vmem>> -> memref<1x64xi32, #tpu.memory_space<vmem>>
    %dma_start3A_159 = tpu.memref_squeeze %dma_start3A_158 : memref<1x64xi32, #tpu.memory_space<vmem>> -> memref<64xi32, #tpu.memory_space<vmem>>
    %dma_start3A_160 = arith.constant 0 : i32
    %dma_start3A_161 = arith.constant 0 : i32
    %dma_start3A_162 = tpu.memref_slice %arg4[%arg0, %dma_start3A_152, %dma_start3A_160, %dma_start3A_161] : memref<2x2x10240x128xf32, #tpu.memory_space<hbm>> -> memref<1x1x10240x128xf32, #tpu.memory_space<hbm>>
    %dma_start3A_163 = tpu.memref_squeeze %dma_start3A_162 : memref<1x1x10240x128xf32, #tpu.memory_space<hbm>> -> memref<10240x128xf32, #tpu.memory_space<hbm>>
    %dma_start3A_164 = arith.constant 0 : i32
    %dma_start3A_165 = arith.constant 0 : i32
    %dma_start3A_166 = tpu.memref_slice %dma_start3A_163[%dma_start3A_164, %dma_start3A_165] : memref<10240x128xf32, #tpu.memory_space<hbm>> -> memref<10240x128xf32, #tpu.memory_space<hbm>>
    tpu.enqueue_indirect_dma source(%dma_start3A_166 : memref<10240x128xf32, #tpu.memory_space<hbm>>) target(%dma_start3A_156 : memref<64x128xf32, #tpu.memory_space<vmem>>) offsets(%dma_start3A_159 : memref<64xi32, #tpu.memory_space<vmem>>) semaphore(%arg11 : memref<!tpu.dma_semaphore, #tpu.memory_space<semaphore_mem>>)
    %scan3A_167 = arith.constant 0 : i32
    %scan3A_168 = arith.constant 0 : i32
    %scan3A_169 = arith.constant 0 : i32
    %scan3A_170 = arith.constant 20 : i32
    %scan3A_171 = arith.addi %scan3A_169, %scan3A_170 : i32
    %scan3A_172 = arith.constant 1 : i32
    scf.for %scan3A_308 = %scan3A_169 to %scan3A_171 step %scan3A_172  : i32 {
      %mul3A_309 = arith.constant 2 : i32
      %mul3A_310 = arith.muli %mul3A_309, %scan3A_308 : i32
      %dma_wait3A = arith.constant 0 : i32
      %dma_wait3A_311 = arith.constant 0 : i32
      %dma_wait3A_312 = tpu.memref_slice %arg7[%dma_wait3A, %dma_wait3A_311] : memref<128x128xf32, #tpu.memory_space<vmem>> -> memref<64x128xf32, #tpu.memory_space<vmem>>
      %dma_wait3A_313 = arith.constant 0 : i32
      %dma_wait3A_314 = tpu.memref_slice %arg5[%mul3A_310, %dma_wait3A_313] : memref<40x128xi32, #tpu.memory_space<vmem>> -> memref<1x64xi32, #tpu.memory_space<vmem>>
      %dma_wait3A_315 = tpu.memref_squeeze %dma_wait3A_314 : memref<1x64xi32, #tpu.memory_space<vmem>> -> memref<64xi32, #tpu.memory_space<vmem>>
      %dma_wait3A_316 = arith.constant 0 : i32
      %dma_wait3A_317 = arith.constant 0 : i32
      %dma_wait3A_318 = tpu.memref_slice %arg4[%arg0, %scan3A_168, %dma_wait3A_316, %dma_wait3A_317] : memref<2x2x10240x128xf32, #tpu.memory_space<hbm>> -> memref<1x1x10240x128xf32, #tpu.memory_space<hbm>>
      %dma_wait3A_319 = tpu.memref_squeeze %dma_wait3A_318 : memref<1x1x10240x128xf32, #tpu.memory_space<hbm>> -> memref<10240x128xf32, #tpu.memory_space<hbm>>
      %dma_wait3A_320 = arith.constant 0 : i32
      %dma_wait3A_321 = arith.constant 0 : i32
      %dma_wait3A_322 = tpu.memref_slice %dma_wait3A_319[%dma_wait3A_320, %dma_wait3A_321] : memref<10240x128xf32, #tpu.memory_space<hbm>> -> memref<10240x128xf32, #tpu.memory_space<hbm>>
      tpu.wait_indirect_dma semaphore(%arg10 : memref<!tpu.dma_semaphore, #tpu.memory_space<semaphore_mem>>) src(%dma_wait3A_322 : memref<10240x128xf32, #tpu.memory_space<hbm>>) dst(%dma_wait3A_312 : memref<64x128xf32, #tpu.memory_space<vmem>>)
      %dma_wait3A_323 = arith.constant 64 : i32
      %dma_wait3A_324 = arith.constant 0 : i32
      %dma_wait3A_325 = tpu.memref_slice %arg7[%dma_wait3A_323, %dma_wait3A_324] : memref<128x128xf32, #tpu.memory_space<vmem>> -> memref<64x128xf32, #tpu.memory_space<vmem>>
      %dma_wait3A_326 = arith.constant 64 : i32
      %dma_wait3A_327 = tpu.memref_slice %arg5[%mul3A_310, %dma_wait3A_326] : memref<40x128xi32, #tpu.memory_space<vmem>> -> memref<1x64xi32, #tpu.memory_space<vmem>>
      %dma_wait3A_328 = tpu.memref_squeeze %dma_wait3A_327 : memref<1x64xi32, #tpu.memory_space<vmem>> -> memref<64xi32, #tpu.memory_space<vmem>>
      %dma_wait3A_329 = arith.constant 0 : i32
      %dma_wait3A_330 = arith.constant 0 : i32
      %dma_wait3A_331 = tpu.memref_slice %arg4[%arg0, %scan3A_168, %dma_wait3A_329, %dma_wait3A_330] : memref<2x2x10240x128xf32, #tpu.memory_space<hbm>> -> memref<1x1x10240x128xf32, #tpu.memory_space<hbm>>
      %dma_wait3A_332 = tpu.memref_squeeze %dma_wait3A_331 : memref<1x1x10240x128xf32, #tpu.memory_space<hbm>> -> memref<10240x128xf32, #tpu.memory_space<hbm>>
      %dma_wait3A_333 = arith.constant 0 : i32
      %dma_wait3A_334 = arith.constant 0 : i32
      %dma_wait3A_335 = tpu.memref_slice %dma_wait3A_332[%dma_wait3A_333, %dma_wait3A_334] : memref<10240x128xf32, #tpu.memory_space<hbm>> -> memref<10240x128xf32, #tpu.memory_space<hbm>>
      tpu.wait_indirect_dma semaphore(%arg11 : memref<!tpu.dma_semaphore, #tpu.memory_space<semaphore_mem>>) src(%dma_wait3A_335 : memref<10240x128xf32, #tpu.memory_space<hbm>>) dst(%dma_wait3A_325 : memref<64x128xf32, #tpu.memory_space<vmem>>)
      %add3A_336 = arith.constant 1 : i32
      %add3A_337 = arith.addi %mul3A_310, %add3A_336 : i32
      %dma_start3A_338 = arith.constant 0 : i32
      %dma_start3A_339 = arith.constant 0 : i32
      %dma_start3A_340 = tpu.memref_slice %arg8[%dma_start3A_338, %dma_start3A_339] : memref<128x128xf32, #tpu.memory_space<vmem>> -> memref<64x128xf32, #tpu.memory_space<vmem>>
      %dma_start3A_341 = arith.constant 0 : i32
      %dma_start3A_342 = tpu.memref_slice %arg5[%add3A_337, %dma_start3A_341] : memref<40x128xi32, #tpu.memory_space<vmem>> -> memref<1x64xi32, #tpu.memory_space<vmem>>
      %dma_start3A_343 = tpu.memref_squeeze %dma_start3A_342 : memref<1x64xi32, #tpu.memory_space<vmem>> -> memref<64xi32, #tpu.memory_space<vmem>>
      %dma_start3A_344 = arith.constant 0 : i32
      %dma_start3A_345 = arith.constant 0 : i32
      %dma_start3A_346 = tpu.memref_slice %arg4[%arg0, %scan3A_168, %dma_start3A_344, %dma_start3A_345] : memref<2x2x10240x128xf32, #tpu.memory_space<hbm>> -> memref<1x1x10240x128xf32, #tpu.memory_space<hbm>>
      %dma_start3A_347 = tpu.memref_squeeze %dma_start3A_346 : memref<1x1x10240x128xf32, #tpu.memory_space<hbm>> -> memref<10240x128xf32, #tpu.memory_space<hbm>>
      %dma_start3A_348 = arith.constant 0 : i32
      %dma_start3A_349 = arith.constant 0 : i32
      %dma_start3A_350 = tpu.memref_slice %dma_start3A_347[%dma_start3A_348, %dma_start3A_349] : memref<10240x128xf32, #tpu.memory_space<hbm>> -> memref<10240x128xf32, #tpu.memory_space<hbm>>
      tpu.enqueue_indirect_dma source(%dma_start3A_350 : memref<10240x128xf32, #tpu.memory_space<hbm>>) target(%dma_start3A_340 : memref<64x128xf32, #tpu.memory_space<vmem>>) offsets(%dma_start3A_343 : memref<64xi32, #tpu.memory_space<vmem>>) semaphore(%arg12 : memref<!tpu.dma_semaphore, #tpu.memory_space<semaphore_mem>>)
      %dma_start3A_351 = arith.constant 64 : i32
      %dma_start3A_352 = arith.constant 0 : i32
      %dma_start3A_353 = tpu.memref_slice %arg8[%dma_start3A_351, %dma_start3A_352] : memref<128x128xf32, #tpu.memory_space<vmem>> -> memref<64x128xf32, #tpu.memory_space<vmem>>
      %dma_start3A_354 = arith.constant 64 : i32
      %dma_start3A_355 = tpu.memref_slice %arg5[%add3A_337, %dma_start3A_354] : memref<40x128xi32, #tpu.memory_space<vmem>> -> memref<1x64xi32, #tpu.memory_space<vmem>>
      %dma_start3A_356 = tpu.memref_squeeze %dma_start3A_355 : memref<1x64xi32, #tpu.memory_space<vmem>> -> memref<64xi32, #tpu.memory_space<vmem>>
      %dma_start3A_357 = arith.constant 0 : i32
      %dma_start3A_358 = arith.constant 0 : i32
      %dma_start3A_359 = tpu.memref_slice %arg4[%arg0, %scan3A_168, %dma_start3A_357, %dma_start3A_358] : memref<2x2x10240x128xf32, #tpu.memory_space<hbm>> -> memref<1x1x10240x128xf32, #tpu.memory_space<hbm>>
      %dma_start3A_360 = tpu.memref_squeeze %dma_start3A_359 : memref<1x1x10240x128xf32, #tpu.memory_space<hbm>> -> memref<10240x128xf32, #tpu.memory_space<hbm>>
      %dma_start3A_361 = arith.constant 0 : i32
      %dma_start3A_362 = arith.constant 0 : i32
      %dma_start3A_363 = tpu.memref_slice %dma_start3A_360[%dma_start3A_361, %dma_start3A_362] : memref<10240x128xf32, #tpu.memory_space<hbm>> -> memref<10240x128xf32, #tpu.memory_space<hbm>>
      tpu.enqueue_indirect_dma source(%dma_start3A_363 : memref<10240x128xf32, #tpu.memory_space<hbm>>) target(%dma_start3A_353 : memref<64x128xf32, #tpu.memory_space<vmem>>) offsets(%dma_start3A_356 : memref<64xi32, #tpu.memory_space<vmem>>) semaphore(%arg13 : memref<!tpu.dma_semaphore, #tpu.memory_space<semaphore_mem>>)
      "tpu.region"() ({
        %run_scoped3A_396 = tpu.sem_alloc : memref<!tpu.dma_semaphore, #tpu.memory_space<semaphore_mem>>
        %dma_start3A_397 = arith.constant 0 : i32
        %dma_start3A_398 = tpu.memref_slice %arg6[%mul3A_310, %dma_start3A_397] : memref<40x128xi32, #tpu.memory_space<vmem>> -> memref<1x128xi32, #tpu.memory_space<vmem>>
        %dma_start3A_399 = tpu.memref_squeeze %dma_start3A_398 : memref<1x128xi32, #tpu.memory_space<vmem>> -> memref<128xi32, #tpu.memory_space<vmem>>
        %dma_start3A_400 = arith.constant 0 : i32
        %dma_start3A_401 = arith.constant 0 : i32
        %dma_start3A_402 = tpu.memref_slice %arg9[%dma_start3A_400, %dma_start3A_401] : memref<10240x128xf32, #tpu.memory_space<vmem_shared>> -> memref<10240x128xf32, #tpu.memory_space<vmem_shared>>
        tpu.enqueue_indirect_dma source(%arg7 : memref<128x128xf32, #tpu.memory_space<vmem>>) target(%dma_start3A_402 : memref<10240x128xf32, #tpu.memory_space<vmem_shared>>) offsets(%dma_start3A_399 : memref<128xi32, #tpu.memory_space<vmem>>) semaphore(%run_scoped3A_396 : memref<!tpu.dma_semaphore, #tpu.memory_space<semaphore_mem>>) {add = true}
        %dma_wait3A_403 = arith.constant 0 : i32
        %dma_wait3A_404 = tpu.memref_slice %arg6[%mul3A_310, %dma_wait3A_403] : memref<40x128xi32, #tpu.memory_space<vmem>> -> memref<1x128xi32, #tpu.memory_space<vmem>>
        %dma_wait3A_405 = tpu.memref_squeeze %dma_wait3A_404 : memref<1x128xi32, #tpu.memory_space<vmem>> -> memref<128xi32, #tpu.memory_space<vmem>>
        %dma_wait3A_406 = arith.constant 0 : i32
        %dma_wait3A_407 = arith.constant 0 : i32
        %dma_wait3A_408 = tpu.memref_slice %arg9[%dma_wait3A_406, %dma_wait3A_407] : memref<10240x128xf32, #tpu.memory_space<vmem_shared>> -> memref<10240x128xf32, #tpu.memory_space<vmem_shared>>
        tpu.wait_indirect_dma semaphore(%run_scoped3A_396 : memref<!tpu.dma_semaphore, #tpu.memory_space<semaphore_mem>>) src(%arg7 : memref<128x128xf32, #tpu.memory_space<vmem>>) dst(%dma_wait3A_408 : memref<10240x128xf32, #tpu.memory_space<vmem_shared>>)
        tpu.yield
      }) : () -> ()
      %add3A_364 = arith.constant 1 : i32
      %add3A_365 = arith.addi %mul3A_310, %add3A_364 : i32
      %dma_wait3A_366 = arith.constant 0 : i32
      %dma_wait3A_367 = arith.constant 0 : i32
      %dma_wait3A_368 = tpu.memref_slice %arg8[%dma_wait3A_366, %dma_wait3A_367] : memref<128x128xf32, #tpu.memory_space<vmem>> -> memref<64x128xf32, #tpu.memory_space<vmem>>
      %dma_wait3A_369 = arith.constant 0 : i32
      %dma_wait3A_370 = tpu.memref_slice %arg5[%add3A_365, %dma_wait3A_369] : memref<40x128xi32, #tpu.memory_space<vmem>> -> memref<1x64xi32, #tpu.memory_space<vmem>>
      %dma_wait3A_371 = tpu.memref_squeeze %dma_wait3A_370 : memref<1x64xi32, #tpu.memory_space<vmem>> -> memref<64xi32, #tpu.memory_space<vmem>>
      %dma_wait3A_372 = arith.constant 0 : i32
      %dma_wait3A_373 = arith.constant 0 : i32
      %dma_wait3A_374 = tpu.memref_slice %arg4[%arg0, %scan3A_168, %dma_wait3A_372, %dma_wait3A_373] : memref<2x2x10240x128xf32, #tpu.memory_space<hbm>> -> memref<1x1x10240x128xf32, #tpu.memory_space<hbm>>
      %dma_wait3A_375 = tpu.memref_squeeze %dma_wait3A_374 : memref<1x1x10240x128xf32, #tpu.memory_space<hbm>> -> memref<10240x128xf32, #tpu.memory_space<hbm>>
      %dma_wait3A_376 = arith.constant 0 : i32
      %dma_wait3A_377 = arith.constant 0 : i32
      %dma_wait3A_378 = tpu.memref_slice %dma_wait3A_375[%dma_wait3A_376, %dma_wait3A_377] : memref<10240x128xf32, #tpu.memory_space<hbm>> -> memref<10240x128xf32, #tpu.memory_space<hbm>>
      tpu.wait_indirect_dma semaphore(%arg12 : memref<!tpu.dma_semaphore, #tpu.memory_space<semaphore_mem>>) src(%dma_wait3A_378 : memref<10240x128xf32, #tpu.memory_space<hbm>>) dst(%dma_wait3A_368 : memref<64x128xf32, #tpu.memory_space<vmem>>)
      %dma_wait3A_379 = arith.constant 64 : i32
      %dma_wait3A_380 = arith.constant 0 : i32
      %dma_wait3A_381 = tpu.memref_slice %arg8[%dma_wait3A_379, %dma_wait3A_380] : memref<128x128xf32, #tpu.memory_space<vmem>> -> memref<64x128xf32, #tpu.memory_space<vmem>>
      %dma_wait3A_382 = arith.constant 64 : i32
      %dma_wait3A_383 = tpu.memref_slice %arg5[%add3A_365, %dma_wait3A_382] : memref<40x128xi32, #tpu.memory_space<vmem>> -> memref<1x64xi32, #tpu.memory_space<vmem>>
      %dma_wait3A_384 = tpu.memref_squeeze %dma_wait3A_383 : memref<1x64xi32, #tpu.memory_space<vmem>> -> memref<64xi32, #tpu.memory_space<vmem>>
      %dma_wait3A_385 = arith.constant 0 : i32
      %dma_wait3A_386 = arith.constant 0 : i32
      %dma_wait3A_387 = tpu.memref_slice %arg4[%arg0, %scan3A_168, %dma_wait3A_385, %dma_wait3A_386] : memref<2x2x10240x128xf32, #tpu.memory_space<hbm>> -> memref<1x1x10240x128xf32, #tpu.memory_space<hbm>>
      %dma_wait3A_388 = tpu.memref_squeeze %dma_wait3A_387 : memref<1x1x10240x128xf32, #tpu.memory_space<hbm>> -> memref<10240x128xf32, #tpu.memory_space<hbm>>
      %dma_wait3A_389 = arith.constant 0 : i32
      %dma_wait3A_390 = arith.constant 0 : i32
      %dma_wait3A_391 = tpu.memref_slice %dma_wait3A_388[%dma_wait3A_389, %dma_wait3A_390] : memref<10240x128xf32, #tpu.memory_space<hbm>> -> memref<10240x128xf32, #tpu.memory_space<hbm>>
      tpu.wait_indirect_dma semaphore(%arg13 : memref<!tpu.dma_semaphore, #tpu.memory_space<semaphore_mem>>) src(%dma_wait3A_391 : memref<10240x128xf32, #tpu.memory_space<hbm>>) dst(%dma_wait3A_381 : memref<64x128xf32, #tpu.memory_space<vmem>>)
      %lt3A = arith.constant 19 : i32
      %lt3A_392 = arith.cmpi slt, %scan3A_308, %lt3A : i32
      %convert_element_type3A = arith.extui %lt3A_392 : i1 to i32
      %cond3A = arith.constant 0 : i32
      %cond3A_393 = arith.cmpi ne, %convert_element_type3A, %cond3A : i32
      scf.if %cond3A_393 {
        %add3A_396 = arith.constant 2 : i32
        %add3A_397 = arith.addi %mul3A_310, %add3A_396 : i32
        %dma_start3A_398 = arith.constant 0 : i32
        %dma_start3A_399 = arith.constant 0 : i32
        %dma_start3A_400 = tpu.memref_slice %arg7[%dma_start3A_398, %dma_start3A_399] : memref<128x128xf32, #tpu.memory_space<vmem>> -> memref<64x128xf32, #tpu.memory_space<vmem>>
        %dma_start3A_401 = arith.constant 0 : i32
        %dma_start3A_402 = tpu.memref_slice %arg5[%add3A_397, %dma_start3A_401] : memref<40x128xi32, #tpu.memory_space<vmem>> -> memref<1x64xi32, #tpu.memory_space<vmem>>
        %dma_start3A_403 = tpu.memref_squeeze %dma_start3A_402 : memref<1x64xi32, #tpu.memory_space<vmem>> -> memref<64xi32, #tpu.memory_space<vmem>>
        %dma_start3A_404 = arith.constant 0 : i32
        %dma_start3A_405 = arith.constant 0 : i32
        %dma_start3A_406 = tpu.memref_slice %arg4[%arg0, %scan3A_168, %dma_start3A_404, %dma_start3A_405] : memref<2x2x10240x128xf32, #tpu.memory_space<hbm>> -> memref<1x1x10240x128xf32, #tpu.memory_space<hbm>>
        %dma_start3A_407 = tpu.memref_squeeze %dma_start3A_406 : memref<1x1x10240x128xf32, #tpu.memory_space<hbm>> -> memref<10240x128xf32, #tpu.memory_space<hbm>>
        %dma_start3A_408 = arith.constant 0 : i32
        %dma_start3A_409 = arith.constant 0 : i32
        %dma_start3A_410 = tpu.memref_slice %dma_start3A_407[%dma_start3A_408, %dma_start3A_409] : memref<10240x128xf32, #tpu.memory_space<hbm>> -> memref<10240x128xf32, #tpu.memory_space<hbm>>
        tpu.enqueue_indirect_dma source(%dma_start3A_410 : memref<10240x128xf32, #tpu.memory_space<hbm>>) target(%dma_start3A_400 : memref<64x128xf32, #tpu.memory_space<vmem>>) offsets(%dma_start3A_403 : memref<64xi32, #tpu.memory_space<vmem>>) semaphore(%arg10 : memref<!tpu.dma_semaphore, #tpu.memory_space<semaphore_mem>>)
        %dma_start3A_411 = arith.constant 64 : i32
        %dma_start3A_412 = arith.constant 0 : i32
        %dma_start3A_413 = tpu.memref_slice %arg7[%dma_start3A_411, %dma_start3A_412] : memref<128x128xf32, #tpu.memory_space<vmem>> -> memref<64x128xf32, #tpu.memory_space<vmem>>
        %dma_start3A_414 = arith.constant 64 : i32
        %dma_start3A_415 = tpu.memref_slice %arg5[%add3A_397, %dma_start3A_414] : memref<40x128xi32, #tpu.memory_space<vmem>> -> memref<1x64xi32, #tpu.memory_space<vmem>>
        %dma_start3A_416 = tpu.memref_squeeze %dma_start3A_415 : memref<1x64xi32, #tpu.memory_space<vmem>> -> memref<64xi32, #tpu.memory_space<vmem>>
        %dma_start3A_417 = arith.constant 0 : i32
        %dma_start3A_418 = arith.constant 0 : i32
        %dma_start3A_419 = tpu.memref_slice %arg4[%arg0, %scan3A_168, %dma_start3A_417, %dma_start3A_418] : memref<2x2x10240x128xf32, #tpu.memory_space<hbm>> -> memref<1x1x10240x128xf32, #tpu.memory_space<hbm>>
        %dma_start3A_420 = tpu.memref_squeeze %dma_start3A_419 : memref<1x1x10240x128xf32, #tpu.memory_space<hbm>> -> memref<10240x128xf32, #tpu.memory_space<hbm>>
        %dma_start3A_421 = arith.constant 0 : i32
        %dma_start3A_422 = arith.constant 0 : i32
        %dma_start3A_423 = tpu.memref_slice %dma_start3A_420[%dma_start3A_421, %dma_start3A_422] : memref<10240x128xf32, #tpu.memory_space<hbm>> -> memref<10240x128xf32, #tpu.memory_space<hbm>>
        tpu.enqueue_indirect_dma source(%dma_start3A_423 : memref<10240x128xf32, #tpu.memory_space<hbm>>) target(%dma_start3A_413 : memref<64x128xf32, #tpu.memory_space<vmem>>) offsets(%dma_start3A_416 : memref<64xi32, #tpu.memory_space<vmem>>) semaphore(%arg11 : memref<!tpu.dma_semaphore, #tpu.memory_space<semaphore_mem>>)
      } else {
      }
      %add3A_394 = arith.constant 1 : i32
      %add3A_395 = arith.addi %mul3A_310, %add3A_394 : i32
      "tpu.region"() ({
        %run_scoped3A_396 = tpu.sem_alloc : memref<!tpu.dma_semaphore, #tpu.memory_space<semaphore_mem>>
        %dma_start3A_397 = arith.constant 0 : i32
        %dma_start3A_398 = tpu.memref_slice %arg6[%add3A_395, %dma_start3A_397] : memref<40x128xi32, #tpu.memory_space<vmem>> -> memref<1x128xi32, #tpu.memory_space<vmem>>
        %dma_start3A_399 = tpu.memref_squeeze %dma_start3A_398 : memref<1x128xi32, #tpu.memory_space<vmem>> -> memref<128xi32, #tpu.memory_space<vmem>>
        %dma_start3A_400 = arith.constant 0 : i32
        %dma_start3A_401 = arith.constant 0 : i32
        %dma_start3A_402 = tpu.memref_slice %arg9[%dma_start3A_400, %dma_start3A_401] : memref<10240x128xf32, #tpu.memory_space<vmem_shared>> -> memref<10240x128xf32, #tpu.memory_space<vmem_shared>>
        tpu.enqueue_indirect_dma source(%arg8 : memref<128x128xf32, #tpu.memory_space<vmem>>) target(%dma_start3A_402 : memref<10240x128xf32, #tpu.memory_space<vmem_shared>>) offsets(%dma_start3A_399 : memref<128xi32, #tpu.memory_space<vmem>>) semaphore(%run_scoped3A_396 : memref<!tpu.dma_semaphore, #tpu.memory_space<semaphore_mem>>) {add = true}
        %dma_wait3A_403 = arith.constant 0 : i32
        %dma_wait3A_404 = tpu.memref_slice %arg6[%add3A_395, %dma_wait3A_403] : memref<40x128xi32, #tpu.memory_space<vmem>> -> memref<1x128xi32, #tpu.memory_space<vmem>>
        %dma_wait3A_405 = tpu.memref_squeeze %dma_wait3A_404 : memref<1x128xi32, #tpu.memory_space<vmem>> -> memref<128xi32, #tpu.memory_space<vmem>>
        %dma_wait3A_406 = arith.constant 0 : i32
        %dma_wait3A_407 = arith.constant 0 : i32
        %dma_wait3A_408 = tpu.memref_slice %arg9[%dma_wait3A_406, %dma_wait3A_407] : memref<10240x128xf32, #tpu.memory_space<vmem_shared>> -> memref<10240x128xf32, #tpu.memory_space<vmem_shared>>
        tpu.wait_indirect_dma semaphore(%run_scoped3A_396 : memref<!tpu.dma_semaphore, #tpu.memory_space<semaphore_mem>>) src(%arg8 : memref<128x128xf32, #tpu.memory_space<vmem>>) dst(%dma_wait3A_408 : memref<10240x128xf32, #tpu.memory_space<vmem_shared>>)
        tpu.yield
      }) : () -> ()
    }
    %scan3A_173 = arith.constant 20 : i32
    "tpu.region"() ({
      %run_scoped3A_308 = tpu.sem_alloc : memref<!tpu.dma_semaphore, #tpu.memory_space<semaphore_mem>>
      %dma_start3A_309 = arith.constant 40 : i32
      %dma_start3A_310 = arith.constant 0 : i32
      %dma_start3A_311 = tpu.memref_slice %arg3[%arg0, %arg1, %dma_start3A_309, %dma_start3A_310] : memref<2x16x160x128xi32, #tpu.memory_space<hbm>> -> memref<1x1x40x128xi32, #tpu.memory_space<hbm>>
      %dma_start3A_312 = tpu.memref_squeeze %dma_start3A_311 : memref<1x1x40x128xi32, #tpu.memory_space<hbm>> -> memref<40x128xi32, #tpu.memory_space<hbm>>
      %dma_start3A_313 = arith.constant 40 : i32
      %dma_start3A_314 = arith.constant 0 : i32
      %dma_start3A_315 = tpu.memref_slice %arg3[%arg0, %arg1, %dma_start3A_313, %dma_start3A_314] : memref<2x16x160x128xi32, #tpu.memory_space<hbm>> -> memref<1x1x40x128xi32, #tpu.memory_space<hbm>>
      %dma_start3A_316 = tpu.memref_squeeze %dma_start3A_315 : memref<1x1x40x128xi32, #tpu.memory_space<hbm>> -> memref<40x128xi32, #tpu.memory_space<hbm>>
      tpu.enqueue_dma source(%dma_start3A_316 : memref<40x128xi32, #tpu.memory_space<hbm>>) target(%arg5 : memref<40x128xi32, #tpu.memory_space<vmem>>) target_semaphore(%run_scoped3A_308 : memref<!tpu.dma_semaphore, #tpu.memory_space<semaphore_mem>>)
      %dma_wait3A = arith.constant 40 : i32
      %dma_wait3A_317 = arith.constant 0 : i32
      %dma_wait3A_318 = tpu.memref_slice %arg3[%arg0, %arg1, %dma_wait3A, %dma_wait3A_317] : memref<2x16x160x128xi32, #tpu.memory_space<hbm>> -> memref<1x1x40x128xi32, #tpu.memory_space<hbm>>
      %dma_wait3A_319 = tpu.memref_squeeze %dma_wait3A_318 : memref<1x1x40x128xi32, #tpu.memory_space<hbm>> -> memref<40x128xi32, #tpu.memory_space<hbm>>
      %dma_wait3A_320 = arith.constant 40 : i32
      %dma_wait3A_321 = arith.constant 0 : i32
      %dma_wait3A_322 = tpu.memref_slice %arg3[%arg0, %arg1, %dma_wait3A_320, %dma_wait3A_321] : memref<2x16x160x128xi32, #tpu.memory_space<hbm>> -> memref<1x1x40x128xi32, #tpu.memory_space<hbm>>
      %dma_wait3A_323 = tpu.memref_squeeze %dma_wait3A_322 : memref<1x1x40x128xi32, #tpu.memory_space<hbm>> -> memref<40x128xi32, #tpu.memory_space<hbm>>
      tpu.wait_dma2 semaphore(%run_scoped3A_308 : memref<!tpu.dma_semaphore, #tpu.memory_space<semaphore_mem>>) src(%dma_wait3A_323 : memref<40x128xi32, #tpu.memory_space<hbm>>) dst(%arg5 : memref<40x128xi32, #tpu.memory_space<vmem>>)
      tpu.yield
    }) : () -> ()
    %sub3A_174 = arith.constant 1 : i32
    %sub3A_175 = arith.subi %sub3A_174, %arg0 : i32
    "tpu.region"() ({
      %run_scoped3A_308 = tpu.sem_alloc : memref<!tpu.dma_semaphore, #tpu.memory_space<semaphore_mem>>
      %dma_start3A_309 = arith.constant 40 : i32
      %dma_start3A_310 = arith.constant 0 : i32
      %dma_start3A_311 = tpu.memref_slice %arg3[%sub3A_175, %arg1, %dma_start3A_309, %dma_start3A_310] : memref<2x16x160x128xi32, #tpu.memory_space<hbm>> -> memref<1x1x40x128xi32, #tpu.memory_space<hbm>>
      %dma_start3A_312 = tpu.memref_squeeze %dma_start3A_311 : memref<1x1x40x128xi32, #tpu.memory_space<hbm>> -> memref<40x128xi32, #tpu.memory_space<hbm>>
      %dma_start3A_313 = arith.constant 40 : i32
      %dma_start3A_314 = arith.constant 0 : i32
      %dma_start3A_315 = tpu.memref_slice %arg3[%sub3A_175, %arg1, %dma_start3A_313, %dma_start3A_314] : memref<2x16x160x128xi32, #tpu.memory_space<hbm>> -> memref<1x1x40x128xi32, #tpu.memory_space<hbm>>
      %dma_start3A_316 = tpu.memref_squeeze %dma_start3A_315 : memref<1x1x40x128xi32, #tpu.memory_space<hbm>> -> memref<40x128xi32, #tpu.memory_space<hbm>>
      tpu.enqueue_dma source(%dma_start3A_316 : memref<40x128xi32, #tpu.memory_space<hbm>>) target(%arg6 : memref<40x128xi32, #tpu.memory_space<vmem>>) target_semaphore(%run_scoped3A_308 : memref<!tpu.dma_semaphore, #tpu.memory_space<semaphore_mem>>)
      %dma_wait3A = arith.constant 40 : i32
      %dma_wait3A_317 = arith.constant 0 : i32
      %dma_wait3A_318 = tpu.memref_slice %arg3[%sub3A_175, %arg1, %dma_wait3A, %dma_wait3A_317] : memref<2x16x160x128xi32, #tpu.memory_space<hbm>> -> memref<1x1x40x128xi32, #tpu.memory_space<hbm>>
      %dma_wait3A_319 = tpu.memref_squeeze %dma_wait3A_318 : memref<1x1x40x128xi32, #tpu.memory_space<hbm>> -> memref<40x128xi32, #tpu.memory_space<hbm>>
      %dma_wait3A_320 = arith.constant 40 : i32
      %dma_wait3A_321 = arith.constant 0 : i32
      %dma_wait3A_322 = tpu.memref_slice %arg3[%sub3A_175, %arg1, %dma_wait3A_320, %dma_wait3A_321] : memref<2x16x160x128xi32, #tpu.memory_space<hbm>> -> memref<1x1x40x128xi32, #tpu.memory_space<hbm>>
      %dma_wait3A_323 = tpu.memref_squeeze %dma_wait3A_322 : memref<1x1x40x128xi32, #tpu.memory_space<hbm>> -> memref<40x128xi32, #tpu.memory_space<hbm>>
      tpu.wait_dma2 semaphore(%run_scoped3A_308 : memref<!tpu.dma_semaphore, #tpu.memory_space<semaphore_mem>>) src(%dma_wait3A_323 : memref<40x128xi32, #tpu.memory_space<hbm>>) dst(%arg6 : memref<40x128xi32, #tpu.memory_space<vmem>>)
      tpu.yield
    }) : () -> ()
    %dma_start3A_176 = arith.constant 0 : i32
    %dma_start3A_177 = arith.constant 0 : i32
    %dma_start3A_178 = arith.constant 0 : i32
    %dma_start3A_179 = arith.constant 0 : i32
    %dma_start3A_180 = tpu.memref_slice %arg7[%dma_start3A_178, %dma_start3A_179] : memref<128x128xf32, #tpu.memory_space<vmem>> -> memref<64x128xf32, #tpu.memory_space<vmem>>
    %dma_start3A_181 = arith.constant 0 : i32
    %dma_start3A_182 = tpu.memref_slice %arg5[%dma_start3A_177, %dma_start3A_181] : memref<40x128xi32, #tpu.memory_space<vmem>> -> memref<1x64xi32, #tpu.memory_space<vmem>>
    %dma_start3A_183 = tpu.memref_squeeze %dma_start3A_182 : memref<1x64xi32, #tpu.memory_space<vmem>> -> memref<64xi32, #tpu.memory_space<vmem>>
    %dma_start3A_184 = arith.constant 0 : i32
    %dma_start3A_185 = arith.constant 0 : i32
    %dma_start3A_186 = tpu.memref_slice %arg4[%arg0, %dma_start3A_176, %dma_start3A_184, %dma_start3A_185] : memref<2x2x10240x128xf32, #tpu.memory_space<hbm>> -> memref<1x1x10240x128xf32, #tpu.memory_space<hbm>>
    %dma_start3A_187 = tpu.memref_squeeze %dma_start3A_186 : memref<1x1x10240x128xf32, #tpu.memory_space<hbm>> -> memref<10240x128xf32, #tpu.memory_space<hbm>>
    %dma_start3A_188 = arith.constant 0 : i32
    %dma_start3A_189 = arith.constant 0 : i32
    %dma_start3A_190 = tpu.memref_slice %dma_start3A_187[%dma_start3A_188, %dma_start3A_189] : memref<10240x128xf32, #tpu.memory_space<hbm>> -> memref<10240x128xf32, #tpu.memory_space<hbm>>
    tpu.enqueue_indirect_dma source(%dma_start3A_190 : memref<10240x128xf32, #tpu.memory_space<hbm>>) target(%dma_start3A_180 : memref<64x128xf32, #tpu.memory_space<vmem>>) offsets(%dma_start3A_183 : memref<64xi32, #tpu.memory_space<vmem>>) semaphore(%arg10 : memref<!tpu.dma_semaphore, #tpu.memory_space<semaphore_mem>>)
    %dma_start3A_191 = arith.constant 0 : i32
    %dma_start3A_192 = arith.constant 0 : i32
    %dma_start3A_193 = arith.constant 64 : i32
    %dma_start3A_194 = arith.constant 0 : i32
    %dma_start3A_195 = tpu.memref_slice %arg7[%dma_start3A_193, %dma_start3A_194] : memref<128x128xf32, #tpu.memory_space<vmem>> -> memref<64x128xf32, #tpu.memory_space<vmem>>
    %dma_start3A_196 = arith.constant 64 : i32
    %dma_start3A_197 = tpu.memref_slice %arg5[%dma_start3A_192, %dma_start3A_196] : memref<40x128xi32, #tpu.memory_space<vmem>> -> memref<1x64xi32, #tpu.memory_space<vmem>>
    %dma_start3A_198 = tpu.memref_squeeze %dma_start3A_197 : memref<1x64xi32, #tpu.memory_space<vmem>> -> memref<64xi32, #tpu.memory_space<vmem>>
    %dma_start3A_199 = arith.constant 0 : i32
    %dma_start3A_200 = arith.constant 0 : i32
    %dma_start3A_201 = tpu.memref_slice %arg4[%arg0, %dma_start3A_191, %dma_start3A_199, %dma_start3A_200] : memref<2x2x10240x128xf32, #tpu.memory_space<hbm>> -> memref<1x1x10240x128xf32, #tpu.memory_space<hbm>>
    %dma_start3A_202 = tpu.memref_squeeze %dma_start3A_201 : memref<1x1x10240x128xf32, #tpu.memory_space<hbm>> -> memref<10240x128xf32, #tpu.memory_space<hbm>>
    %dma_start3A_203 = arith.constant 0 : i32
    %dma_start3A_204 = arith.constant 0 : i32
    %dma_start3A_205 = tpu.memref_slice %dma_start3A_202[%dma_start3A_203, %dma_start3A_204] : memref<10240x128xf32, #tpu.memory_space<hbm>> -> memref<10240x128xf32, #tpu.memory_space<hbm>>
    tpu.enqueue_indirect_dma source(%dma_start3A_205 : memref<10240x128xf32, #tpu.memory_space<hbm>>) target(%dma_start3A_195 : memref<64x128xf32, #tpu.memory_space<vmem>>) offsets(%dma_start3A_198 : memref<64xi32, #tpu.memory_space<vmem>>) semaphore(%arg11 : memref<!tpu.dma_semaphore, #tpu.memory_space<semaphore_mem>>)
    %scan3A_206 = arith.constant 0 : i32
    %scan3A_207 = arith.constant 0 : i32
    %scan3A_208 = arith.constant 0 : i32
    %scan3A_209 = arith.constant 20 : i32
    %scan3A_210 = arith.addi %scan3A_208, %scan3A_209 : i32
    %scan3A_211 = arith.constant 1 : i32
    scf.for %scan3A_308 = %scan3A_208 to %scan3A_210 step %scan3A_211  : i32 {
      %mul3A_309 = arith.constant 2 : i32
      %mul3A_310 = arith.muli %mul3A_309, %scan3A_308 : i32
      %dma_wait3A = arith.constant 0 : i32
      %dma_wait3A_311 = arith.constant 0 : i32
      %dma_wait3A_312 = tpu.memref_slice %arg7[%dma_wait3A, %dma_wait3A_311] : memref<128x128xf32, #tpu.memory_space<vmem>> -> memref<64x128xf32, #tpu.memory_space<vmem>>
      %dma_wait3A_313 = arith.constant 0 : i32
      %dma_wait3A_314 = tpu.memref_slice %arg5[%mul3A_310, %dma_wait3A_313] : memref<40x128xi32, #tpu.memory_space<vmem>> -> memref<1x64xi32, #tpu.memory_space<vmem>>
      %dma_wait3A_315 = tpu.memref_squeeze %dma_wait3A_314 : memref<1x64xi32, #tpu.memory_space<vmem>> -> memref<64xi32, #tpu.memory_space<vmem>>
      %dma_wait3A_316 = arith.constant 0 : i32
      %dma_wait3A_317 = arith.constant 0 : i32
      %dma_wait3A_318 = tpu.memref_slice %arg4[%arg0, %scan3A_207, %dma_wait3A_316, %dma_wait3A_317] : memref<2x2x10240x128xf32, #tpu.memory_space<hbm>> -> memref<1x1x10240x128xf32, #tpu.memory_space<hbm>>
      %dma_wait3A_319 = tpu.memref_squeeze %dma_wait3A_318 : memref<1x1x10240x128xf32, #tpu.memory_space<hbm>> -> memref<10240x128xf32, #tpu.memory_space<hbm>>
      %dma_wait3A_320 = arith.constant 0 : i32
      %dma_wait3A_321 = arith.constant 0 : i32
      %dma_wait3A_322 = tpu.memref_slice %dma_wait3A_319[%dma_wait3A_320, %dma_wait3A_321] : memref<10240x128xf32, #tpu.memory_space<hbm>> -> memref<10240x128xf32, #tpu.memory_space<hbm>>
      tpu.wait_indirect_dma semaphore(%arg10 : memref<!tpu.dma_semaphore, #tpu.memory_space<semaphore_mem>>) src(%dma_wait3A_322 : memref<10240x128xf32, #tpu.memory_space<hbm>>) dst(%dma_wait3A_312 : memref<64x128xf32, #tpu.memory_space<vmem>>)
      %dma_wait3A_323 = arith.constant 64 : i32
      %dma_wait3A_324 = arith.constant 0 : i32
      %dma_wait3A_325 = tpu.memref_slice %arg7[%dma_wait3A_323, %dma_wait3A_324] : memref<128x128xf32, #tpu.memory_space<vmem>> -> memref<64x128xf32, #tpu.memory_space<vmem>>
      %dma_wait3A_326 = arith.constant 64 : i32
      %dma_wait3A_327 = tpu.memref_slice %arg5[%mul3A_310, %dma_wait3A_326] : memref<40x128xi32, #tpu.memory_space<vmem>> -> memref<1x64xi32, #tpu.memory_space<vmem>>
      %dma_wait3A_328 = tpu.memref_squeeze %dma_wait3A_327 : memref<1x64xi32, #tpu.memory_space<vmem>> -> memref<64xi32, #tpu.memory_space<vmem>>
      %dma_wait3A_329 = arith.constant 0 : i32
      %dma_wait3A_330 = arith.constant 0 : i32
      %dma_wait3A_331 = tpu.memref_slice %arg4[%arg0, %scan3A_207, %dma_wait3A_329, %dma_wait3A_330] : memref<2x2x10240x128xf32, #tpu.memory_space<hbm>> -> memref<1x1x10240x128xf32, #tpu.memory_space<hbm>>
      %dma_wait3A_332 = tpu.memref_squeeze %dma_wait3A_331 : memref<1x1x10240x128xf32, #tpu.memory_space<hbm>> -> memref<10240x128xf32, #tpu.memory_space<hbm>>
      %dma_wait3A_333 = arith.constant 0 : i32
      %dma_wait3A_334 = arith.constant 0 : i32
      %dma_wait3A_335 = tpu.memref_slice %dma_wait3A_332[%dma_wait3A_333, %dma_wait3A_334] : memref<10240x128xf32, #tpu.memory_space<hbm>> -> memref<10240x128xf32, #tpu.memory_space<hbm>>
      tpu.wait_indirect_dma semaphore(%arg11 : memref<!tpu.dma_semaphore, #tpu.memory_space<semaphore_mem>>) src(%dma_wait3A_335 : memref<10240x128xf32, #tpu.memory_space<hbm>>) dst(%dma_wait3A_325 : memref<64x128xf32, #tpu.memory_space<vmem>>)
      %add3A_336 = arith.constant 1 : i32
      %add3A_337 = arith.addi %mul3A_310, %add3A_336 : i32
      %dma_start3A_338 = arith.constant 0 : i32
      %dma_start3A_339 = arith.constant 0 : i32
      %dma_start3A_340 = tpu.memref_slice %arg8[%dma_start3A_338, %dma_start3A_339] : memref<128x128xf32, #tpu.memory_space<vmem>> -> memref<64x128xf32, #tpu.memory_space<vmem>>
      %dma_start3A_341 = arith.constant 0 : i32
      %dma_start3A_342 = tpu.memref_slice %arg5[%add3A_337, %dma_start3A_341] : memref<40x128xi32, #tpu.memory_space<vmem>> -> memref<1x64xi32, #tpu.memory_space<vmem>>
      %dma_start3A_343 = tpu.memref_squeeze %dma_start3A_342 : memref<1x64xi32, #tpu.memory_space<vmem>> -> memref<64xi32, #tpu.memory_space<vmem>>
      %dma_start3A_344 = arith.constant 0 : i32
      %dma_start3A_345 = arith.constant 0 : i32
      %dma_start3A_346 = tpu.memref_slice %arg4[%arg0, %scan3A_207, %dma_start3A_344, %dma_start3A_345] : memref<2x2x10240x128xf32, #tpu.memory_space<hbm>> -> memref<1x1x10240x128xf32, #tpu.memory_space<hbm>>
      %dma_start3A_347 = tpu.memref_squeeze %dma_start3A_346 : memref<1x1x10240x128xf32, #tpu.memory_space<hbm>> -> memref<10240x128xf32, #tpu.memory_space<hbm>>
      %dma_start3A_348 = arith.constant 0 : i32
      %dma_start3A_349 = arith.constant 0 : i32
      %dma_start3A_350 = tpu.memref_slice %dma_start3A_347[%dma_start3A_348, %dma_start3A_349] : memref<10240x128xf32, #tpu.memory_space<hbm>> -> memref<10240x128xf32, #tpu.memory_space<hbm>>
      tpu.enqueue_indirect_dma source(%dma_start3A_350 : memref<10240x128xf32, #tpu.memory_space<hbm>>) target(%dma_start3A_340 : memref<64x128xf32, #tpu.memory_space<vmem>>) offsets(%dma_start3A_343 : memref<64xi32, #tpu.memory_space<vmem>>) semaphore(%arg12 : memref<!tpu.dma_semaphore, #tpu.memory_space<semaphore_mem>>)
      %dma_start3A_351 = arith.constant 64 : i32
      %dma_start3A_352 = arith.constant 0 : i32
      %dma_start3A_353 = tpu.memref_slice %arg8[%dma_start3A_351, %dma_start3A_352] : memref<128x128xf32, #tpu.memory_space<vmem>> -> memref<64x128xf32, #tpu.memory_space<vmem>>
      %dma_start3A_354 = arith.constant 64 : i32
      %dma_start3A_355 = tpu.memref_slice %arg5[%add3A_337, %dma_start3A_354] : memref<40x128xi32, #tpu.memory_space<vmem>> -> memref<1x64xi32, #tpu.memory_space<vmem>>
      %dma_start3A_356 = tpu.memref_squeeze %dma_start3A_355 : memref<1x64xi32, #tpu.memory_space<vmem>> -> memref<64xi32, #tpu.memory_space<vmem>>
      %dma_start3A_357 = arith.constant 0 : i32
      %dma_start3A_358 = arith.constant 0 : i32
      %dma_start3A_359 = tpu.memref_slice %arg4[%arg0, %scan3A_207, %dma_start3A_357, %dma_start3A_358] : memref<2x2x10240x128xf32, #tpu.memory_space<hbm>> -> memref<1x1x10240x128xf32, #tpu.memory_space<hbm>>
      %dma_start3A_360 = tpu.memref_squeeze %dma_start3A_359 : memref<1x1x10240x128xf32, #tpu.memory_space<hbm>> -> memref<10240x128xf32, #tpu.memory_space<hbm>>
      %dma_start3A_361 = arith.constant 0 : i32
      %dma_start3A_362 = arith.constant 0 : i32
      %dma_start3A_363 = tpu.memref_slice %dma_start3A_360[%dma_start3A_361, %dma_start3A_362] : memref<10240x128xf32, #tpu.memory_space<hbm>> -> memref<10240x128xf32, #tpu.memory_space<hbm>>
      tpu.enqueue_indirect_dma source(%dma_start3A_363 : memref<10240x128xf32, #tpu.memory_space<hbm>>) target(%dma_start3A_353 : memref<64x128xf32, #tpu.memory_space<vmem>>) offsets(%dma_start3A_356 : memref<64xi32, #tpu.memory_space<vmem>>) semaphore(%arg13 : memref<!tpu.dma_semaphore, #tpu.memory_space<semaphore_mem>>)
      "tpu.region"() ({
        %run_scoped3A_396 = tpu.sem_alloc : memref<!tpu.dma_semaphore, #tpu.memory_space<semaphore_mem>>
        %dma_start3A_397 = arith.constant 0 : i32
        %dma_start3A_398 = tpu.memref_slice %arg6[%mul3A_310, %dma_start3A_397] : memref<40x128xi32, #tpu.memory_space<vmem>> -> memref<1x128xi32, #tpu.memory_space<vmem>>
        %dma_start3A_399 = tpu.memref_squeeze %dma_start3A_398 : memref<1x128xi32, #tpu.memory_space<vmem>> -> memref<128xi32, #tpu.memory_space<vmem>>
        %dma_start3A_400 = arith.constant 0 : i32
        %dma_start3A_401 = arith.constant 0 : i32
        %dma_start3A_402 = tpu.memref_slice %arg9[%dma_start3A_400, %dma_start3A_401] : memref<10240x128xf32, #tpu.memory_space<vmem_shared>> -> memref<10240x128xf32, #tpu.memory_space<vmem_shared>>
        tpu.enqueue_indirect_dma source(%arg7 : memref<128x128xf32, #tpu.memory_space<vmem>>) target(%dma_start3A_402 : memref<10240x128xf32, #tpu.memory_space<vmem_shared>>) offsets(%dma_start3A_399 : memref<128xi32, #tpu.memory_space<vmem>>) semaphore(%run_scoped3A_396 : memref<!tpu.dma_semaphore, #tpu.memory_space<semaphore_mem>>) {add = true}
        %dma_wait3A_403 = arith.constant 0 : i32
        %dma_wait3A_404 = tpu.memref_slice %arg6[%mul3A_310, %dma_wait3A_403] : memref<40x128xi32, #tpu.memory_space<vmem>> -> memref<1x128xi32, #tpu.memory_space<vmem>>
        %dma_wait3A_405 = tpu.memref_squeeze %dma_wait3A_404 : memref<1x128xi32, #tpu.memory_space<vmem>> -> memref<128xi32, #tpu.memory_space<vmem>>
        %dma_wait3A_406 = arith.constant 0 : i32
        %dma_wait3A_407 = arith.constant 0 : i32
        %dma_wait3A_408 = tpu.memref_slice %arg9[%dma_wait3A_406, %dma_wait3A_407] : memref<10240x128xf32, #tpu.memory_space<vmem_shared>> -> memref<10240x128xf32, #tpu.memory_space<vmem_shared>>
        tpu.wait_indirect_dma semaphore(%run_scoped3A_396 : memref<!tpu.dma_semaphore, #tpu.memory_space<semaphore_mem>>) src(%arg7 : memref<128x128xf32, #tpu.memory_space<vmem>>) dst(%dma_wait3A_408 : memref<10240x128xf32, #tpu.memory_space<vmem_shared>>)
        tpu.yield
      }) : () -> ()
      %add3A_364 = arith.constant 1 : i32
      %add3A_365 = arith.addi %mul3A_310, %add3A_364 : i32
      %dma_wait3A_366 = arith.constant 0 : i32
      %dma_wait3A_367 = arith.constant 0 : i32
      %dma_wait3A_368 = tpu.memref_slice %arg8[%dma_wait3A_366, %dma_wait3A_367] : memref<128x128xf32, #tpu.memory_space<vmem>> -> memref<64x128xf32, #tpu.memory_space<vmem>>
      %dma_wait3A_369 = arith.constant 0 : i32
      %dma_wait3A_370 = tpu.memref_slice %arg5[%add3A_365, %dma_wait3A_369] : memref<40x128xi32, #tpu.memory_space<vmem>> -> memref<1x64xi32, #tpu.memory_space<vmem>>
      %dma_wait3A_371 = tpu.memref_squeeze %dma_wait3A_370 : memref<1x64xi32, #tpu.memory_space<vmem>> -> memref<64xi32, #tpu.memory_space<vmem>>
      %dma_wait3A_372 = arith.constant 0 : i32
      %dma_wait3A_373 = arith.constant 0 : i32
      %dma_wait3A_374 = tpu.memref_slice %arg4[%arg0, %scan3A_207, %dma_wait3A_372, %dma_wait3A_373] : memref<2x2x10240x128xf32, #tpu.memory_space<hbm>> -> memref<1x1x10240x128xf32, #tpu.memory_space<hbm>>
      %dma_wait3A_375 = tpu.memref_squeeze %dma_wait3A_374 : memref<1x1x10240x128xf32, #tpu.memory_space<hbm>> -> memref<10240x128xf32, #tpu.memory_space<hbm>>
      %dma_wait3A_376 = arith.constant 0 : i32
      %dma_wait3A_377 = arith.constant 0 : i32
      %dma_wait3A_378 = tpu.memref_slice %dma_wait3A_375[%dma_wait3A_376, %dma_wait3A_377] : memref<10240x128xf32, #tpu.memory_space<hbm>> -> memref<10240x128xf32, #tpu.memory_space<hbm>>
      tpu.wait_indirect_dma semaphore(%arg12 : memref<!tpu.dma_semaphore, #tpu.memory_space<semaphore_mem>>) src(%dma_wait3A_378 : memref<10240x128xf32, #tpu.memory_space<hbm>>) dst(%dma_wait3A_368 : memref<64x128xf32, #tpu.memory_space<vmem>>)
      %dma_wait3A_379 = arith.constant 64 : i32
      %dma_wait3A_380 = arith.constant 0 : i32
      %dma_wait3A_381 = tpu.memref_slice %arg8[%dma_wait3A_379, %dma_wait3A_380] : memref<128x128xf32, #tpu.memory_space<vmem>> -> memref<64x128xf32, #tpu.memory_space<vmem>>
      %dma_wait3A_382 = arith.constant 64 : i32
      %dma_wait3A_383 = tpu.memref_slice %arg5[%add3A_365, %dma_wait3A_382] : memref<40x128xi32, #tpu.memory_space<vmem>> -> memref<1x64xi32, #tpu.memory_space<vmem>>
      %dma_wait3A_384 = tpu.memref_squeeze %dma_wait3A_383 : memref<1x64xi32, #tpu.memory_space<vmem>> -> memref<64xi32, #tpu.memory_space<vmem>>
      %dma_wait3A_385 = arith.constant 0 : i32
      %dma_wait3A_386 = arith.constant 0 : i32
      %dma_wait3A_387 = tpu.memref_slice %arg4[%arg0, %scan3A_207, %dma_wait3A_385, %dma_wait3A_386] : memref<2x2x10240x128xf32, #tpu.memory_space<hbm>> -> memref<1x1x10240x128xf32, #tpu.memory_space<hbm>>
      %dma_wait3A_388 = tpu.memref_squeeze %dma_wait3A_387 : memref<1x1x10240x128xf32, #tpu.memory_space<hbm>> -> memref<10240x128xf32, #tpu.memory_space<hbm>>
      %dma_wait3A_389 = arith.constant 0 : i32
      %dma_wait3A_390 = arith.constant 0 : i32
      %dma_wait3A_391 = tpu.memref_slice %dma_wait3A_388[%dma_wait3A_389, %dma_wait3A_390] : memref<10240x128xf32, #tpu.memory_space<hbm>> -> memref<10240x128xf32, #tpu.memory_space<hbm>>
      tpu.wait_indirect_dma semaphore(%arg13 : memref<!tpu.dma_semaphore, #tpu.memory_space<semaphore_mem>>) src(%dma_wait3A_391 : memref<10240x128xf32, #tpu.memory_space<hbm>>) dst(%dma_wait3A_381 : memref<64x128xf32, #tpu.memory_space<vmem>>)
      %lt3A = arith.constant 19 : i32
      %lt3A_392 = arith.cmpi slt, %scan3A_308, %lt3A : i32
      %convert_element_type3A = arith.extui %lt3A_392 : i1 to i32
      %cond3A = arith.constant 0 : i32
      %cond3A_393 = arith.cmpi ne, %convert_element_type3A, %cond3A : i32
      scf.if %cond3A_393 {
        %add3A_396 = arith.constant 2 : i32
        %add3A_397 = arith.addi %mul3A_310, %add3A_396 : i32
        %dma_start3A_398 = arith.constant 0 : i32
        %dma_start3A_399 = arith.constant 0 : i32
        %dma_start3A_400 = tpu.memref_slice %arg7[%dma_start3A_398, %dma_start3A_399] : memref<128x128xf32, #tpu.memory_space<vmem>> -> memref<64x128xf32, #tpu.memory_space<vmem>>
        %dma_start3A_401 = arith.constant 0 : i32
        %dma_start3A_402 = tpu.memref_slice %arg5[%add3A_397, %dma_start3A_401] : memref<40x128xi32, #tpu.memory_space<vmem>> -> memref<1x64xi32, #tpu.memory_space<vmem>>
        %dma_start3A_403 = tpu.memref_squeeze %dma_start3A_402 : memref<1x64xi32, #tpu.memory_space<vmem>> -> memref<64xi32, #tpu.memory_space<vmem>>
        %dma_start3A_404 = arith.constant 0 : i32
        %dma_start3A_405 = arith.constant 0 : i32
        %dma_start3A_406 = tpu.memref_slice %arg4[%arg0, %scan3A_207, %dma_start3A_404, %dma_start3A_405] : memref<2x2x10240x128xf32, #tpu.memory_space<hbm>> -> memref<1x1x10240x128xf32, #tpu.memory_space<hbm>>
        %dma_start3A_407 = tpu.memref_squeeze %dma_start3A_406 : memref<1x1x10240x128xf32, #tpu.memory_space<hbm>> -> memref<10240x128xf32, #tpu.memory_space<hbm>>
        %dma_start3A_408 = arith.constant 0 : i32
        %dma_start3A_409 = arith.constant 0 : i32
        %dma_start3A_410 = tpu.memref_slice %dma_start3A_407[%dma_start3A_408, %dma_start3A_409] : memref<10240x128xf32, #tpu.memory_space<hbm>> -> memref<10240x128xf32, #tpu.memory_space<hbm>>
        tpu.enqueue_indirect_dma source(%dma_start3A_410 : memref<10240x128xf32, #tpu.memory_space<hbm>>) target(%dma_start3A_400 : memref<64x128xf32, #tpu.memory_space<vmem>>) offsets(%dma_start3A_403 : memref<64xi32, #tpu.memory_space<vmem>>) semaphore(%arg10 : memref<!tpu.dma_semaphore, #tpu.memory_space<semaphore_mem>>)
        %dma_start3A_411 = arith.constant 64 : i32
        %dma_start3A_412 = arith.constant 0 : i32
        %dma_start3A_413 = tpu.memref_slice %arg7[%dma_start3A_411, %dma_start3A_412] : memref<128x128xf32, #tpu.memory_space<vmem>> -> memref<64x128xf32, #tpu.memory_space<vmem>>
        %dma_start3A_414 = arith.constant 64 : i32
        %dma_start3A_415 = tpu.memref_slice %arg5[%add3A_397, %dma_start3A_414] : memref<40x128xi32, #tpu.memory_space<vmem>> -> memref<1x64xi32, #tpu.memory_space<vmem>>
        %dma_start3A_416 = tpu.memref_squeeze %dma_start3A_415 : memref<1x64xi32, #tpu.memory_space<vmem>> -> memref<64xi32, #tpu.memory_space<vmem>>
        %dma_start3A_417 = arith.constant 0 : i32
        %dma_start3A_418 = arith.constant 0 : i32
        %dma_start3A_419 = tpu.memref_slice %arg4[%arg0, %scan3A_207, %dma_start3A_417, %dma_start3A_418] : memref<2x2x10240x128xf32, #tpu.memory_space<hbm>> -> memref<1x1x10240x128xf32, #tpu.memory_space<hbm>>
        %dma_start3A_420 = tpu.memref_squeeze %dma_start3A_419 : memref<1x1x10240x128xf32, #tpu.memory_space<hbm>> -> memref<10240x128xf32, #tpu.memory_space<hbm>>
        %dma_start3A_421 = arith.constant 0 : i32
        %dma_start3A_422 = arith.constant 0 : i32
        %dma_start3A_423 = tpu.memref_slice %dma_start3A_420[%dma_start3A_421, %dma_start3A_422] : memref<10240x128xf32, #tpu.memory_space<hbm>> -> memref<10240x128xf32, #tpu.memory_space<hbm>>
        tpu.enqueue_indirect_dma source(%dma_start3A_423 : memref<10240x128xf32, #tpu.memory_space<hbm>>) target(%dma_start3A_413 : memref<64x128xf32, #tpu.memory_space<vmem>>) offsets(%dma_start3A_416 : memref<64xi32, #tpu.memory_space<vmem>>) semaphore(%arg11 : memref<!tpu.dma_semaphore, #tpu.memory_space<semaphore_mem>>)
      } else {
      }
      %add3A_394 = arith.constant 1 : i32
      %add3A_395 = arith.addi %mul3A_310, %add3A_394 : i32
      "tpu.region"() ({
        %run_scoped3A_396 = tpu.sem_alloc : memref<!tpu.dma_semaphore, #tpu.memory_space<semaphore_mem>>
        %dma_start3A_397 = arith.constant 0 : i32
        %dma_start3A_398 = tpu.memref_slice %arg6[%add3A_395, %dma_start3A_397] : memref<40x128xi32, #tpu.memory_space<vmem>> -> memref<1x128xi32, #tpu.memory_space<vmem>>
        %dma_start3A_399 = tpu.memref_squeeze %dma_start3A_398 : memref<1x128xi32, #tpu.memory_space<vmem>> -> memref<128xi32, #tpu.memory_space<vmem>>
        %dma_start3A_400 = arith.constant 0 : i32
        %dma_start3A_401 = arith.constant 0 : i32
        %dma_start3A_402 = tpu.memref_slice %arg9[%dma_start3A_400, %dma_start3A_401] : memref<10240x128xf32, #tpu.memory_space<vmem_shared>> -> memref<10240x128xf32, #tpu.memory_space<vmem_shared>>
        tpu.enqueue_indirect_dma source(%arg8 : memref<128x128xf32, #tpu.memory_space<vmem>>) target(%dma_start3A_402 : memref<10240x128xf32, #tpu.memory_space<vmem_shared>>) offsets(%dma_start3A_399 : memref<128xi32, #tpu.memory_space<vmem>>) semaphore(%run_scoped3A_396 : memref<!tpu.dma_semaphore, #tpu.memory_space<semaphore_mem>>) {add = true}
        %dma_wait3A_403 = arith.constant 0 : i32
        %dma_wait3A_404 = tpu.memref_slice %arg6[%add3A_395, %dma_wait3A_403] : memref<40x128xi32, #tpu.memory_space<vmem>> -> memref<1x128xi32, #tpu.memory_space<vmem>>
        %dma_wait3A_405 = tpu.memref_squeeze %dma_wait3A_404 : memref<1x128xi32, #tpu.memory_space<vmem>> -> memref<128xi32, #tpu.memory_space<vmem>>
        %dma_wait3A_406 = arith.constant 0 : i32
        %dma_wait3A_407 = arith.constant 0 : i32
        %dma_wait3A_408 = tpu.memref_slice %arg9[%dma_wait3A_406, %dma_wait3A_407] : memref<10240x128xf32, #tpu.memory_space<vmem_shared>> -> memref<10240x128xf32, #tpu.memory_space<vmem_shared>>
        tpu.wait_indirect_dma semaphore(%run_scoped3A_396 : memref<!tpu.dma_semaphore, #tpu.memory_space<semaphore_mem>>) src(%arg8 : memref<128x128xf32, #tpu.memory_space<vmem>>) dst(%dma_wait3A_408 : memref<10240x128xf32, #tpu.memory_space<vmem_shared>>)
        tpu.yield
      }) : () -> ()
    }
    %scan3A_212 = arith.constant 20 : i32
    "tpu.region"() ({
      %run_scoped3A_308 = tpu.sem_alloc : memref<!tpu.dma_semaphore, #tpu.memory_space<semaphore_mem>>
      %dma_start3A_309 = arith.constant 80 : i32
      %dma_start3A_310 = arith.constant 0 : i32
      %dma_start3A_311 = tpu.memref_slice %arg3[%arg0, %arg1, %dma_start3A_309, %dma_start3A_310] : memref<2x16x160x128xi32, #tpu.memory_space<hbm>> -> memref<1x1x40x128xi32, #tpu.memory_space<hbm>>
      %dma_start3A_312 = tpu.memref_squeeze %dma_start3A_311 : memref<1x1x40x128xi32, #tpu.memory_space<hbm>> -> memref<40x128xi32, #tpu.memory_space<hbm>>
      %dma_start3A_313 = arith.constant 80 : i32
      %dma_start3A_314 = arith.constant 0 : i32
      %dma_start3A_315 = tpu.memref_slice %arg3[%arg0, %arg1, %dma_start3A_313, %dma_start3A_314] : memref<2x16x160x128xi32, #tpu.memory_space<hbm>> -> memref<1x1x40x128xi32, #tpu.memory_space<hbm>>
      %dma_start3A_316 = tpu.memref_squeeze %dma_start3A_315 : memref<1x1x40x128xi32, #tpu.memory_space<hbm>> -> memref<40x128xi32, #tpu.memory_space<hbm>>
      tpu.enqueue_dma source(%dma_start3A_316 : memref<40x128xi32, #tpu.memory_space<hbm>>) target(%arg5 : memref<40x128xi32, #tpu.memory_space<vmem>>) target_semaphore(%run_scoped3A_308 : memref<!tpu.dma_semaphore, #tpu.memory_space<semaphore_mem>>)
      %dma_wait3A = arith.constant 80 : i32
      %dma_wait3A_317 = arith.constant 0 : i32
      %dma_wait3A_318 = tpu.memref_slice %arg3[%arg0, %arg1, %dma_wait3A, %dma_wait3A_317] : memref<2x16x160x128xi32, #tpu.memory_space<hbm>> -> memref<1x1x40x128xi32, #tpu.memory_space<hbm>>
      %dma_wait3A_319 = tpu.memref_squeeze %dma_wait3A_318 : memref<1x1x40x128xi32, #tpu.memory_space<hbm>> -> memref<40x128xi32, #tpu.memory_space<hbm>>
      %dma_wait3A_320 = arith.constant 80 : i32
      %dma_wait3A_321 = arith.constant 0 : i32
      %dma_wait3A_322 = tpu.memref_slice %arg3[%arg0, %arg1, %dma_wait3A_320, %dma_wait3A_321] : memref<2x16x160x128xi32, #tpu.memory_space<hbm>> -> memref<1x1x40x128xi32, #tpu.memory_space<hbm>>
      %dma_wait3A_323 = tpu.memref_squeeze %dma_wait3A_322 : memref<1x1x40x128xi32, #tpu.memory_space<hbm>> -> memref<40x128xi32, #tpu.memory_space<hbm>>
      tpu.wait_dma2 semaphore(%run_scoped3A_308 : memref<!tpu.dma_semaphore, #tpu.memory_space<semaphore_mem>>) src(%dma_wait3A_323 : memref<40x128xi32, #tpu.memory_space<hbm>>) dst(%arg5 : memref<40x128xi32, #tpu.memory_space<vmem>>)
      tpu.yield
    }) : () -> ()
    %sub3A_213 = arith.constant 1 : i32
    %sub3A_214 = arith.subi %sub3A_213, %arg0 : i32
    "tpu.region"() ({
      %run_scoped3A_308 = tpu.sem_alloc : memref<!tpu.dma_semaphore, #tpu.memory_space<semaphore_mem>>
      %dma_start3A_309 = arith.constant 80 : i32
      %dma_start3A_310 = arith.constant 0 : i32
      %dma_start3A_311 = tpu.memref_slice %arg3[%sub3A_214, %arg1, %dma_start3A_309, %dma_start3A_310] : memref<2x16x160x128xi32, #tpu.memory_space<hbm>> -> memref<1x1x40x128xi32, #tpu.memory_space<hbm>>
      %dma_start3A_312 = tpu.memref_squeeze %dma_start3A_311 : memref<1x1x40x128xi32, #tpu.memory_space<hbm>> -> memref<40x128xi32, #tpu.memory_space<hbm>>
      %dma_start3A_313 = arith.constant 80 : i32
      %dma_start3A_314 = arith.constant 0 : i32
      %dma_start3A_315 = tpu.memref_slice %arg3[%sub3A_214, %arg1, %dma_start3A_313, %dma_start3A_314] : memref<2x16x160x128xi32, #tpu.memory_space<hbm>> -> memref<1x1x40x128xi32, #tpu.memory_space<hbm>>
      %dma_start3A_316 = tpu.memref_squeeze %dma_start3A_315 : memref<1x1x40x128xi32, #tpu.memory_space<hbm>> -> memref<40x128xi32, #tpu.memory_space<hbm>>
      tpu.enqueue_dma source(%dma_start3A_316 : memref<40x128xi32, #tpu.memory_space<hbm>>) target(%arg6 : memref<40x128xi32, #tpu.memory_space<vmem>>) target_semaphore(%run_scoped3A_308 : memref<!tpu.dma_semaphore, #tpu.memory_space<semaphore_mem>>)
      %dma_wait3A = arith.constant 80 : i32
      %dma_wait3A_317 = arith.constant 0 : i32
      %dma_wait3A_318 = tpu.memref_slice %arg3[%sub3A_214, %arg1, %dma_wait3A, %dma_wait3A_317] : memref<2x16x160x128xi32, #tpu.memory_space<hbm>> -> memref<1x1x40x128xi32, #tpu.memory_space<hbm>>
      %dma_wait3A_319 = tpu.memref_squeeze %dma_wait3A_318 : memref<1x1x40x128xi32, #tpu.memory_space<hbm>> -> memref<40x128xi32, #tpu.memory_space<hbm>>
      %dma_wait3A_320 = arith.constant 80 : i32
      %dma_wait3A_321 = arith.constant 0 : i32
      %dma_wait3A_322 = tpu.memref_slice %arg3[%sub3A_214, %arg1, %dma_wait3A_320, %dma_wait3A_321] : memref<2x16x160x128xi32, #tpu.memory_space<hbm>> -> memref<1x1x40x128xi32, #tpu.memory_space<hbm>>
      %dma_wait3A_323 = tpu.memref_squeeze %dma_wait3A_322 : memref<1x1x40x128xi32, #tpu.memory_space<hbm>> -> memref<40x128xi32, #tpu.memory_space<hbm>>
      tpu.wait_dma2 semaphore(%run_scoped3A_308 : memref<!tpu.dma_semaphore, #tpu.memory_space<semaphore_mem>>) src(%dma_wait3A_323 : memref<40x128xi32, #tpu.memory_space<hbm>>) dst(%arg6 : memref<40x128xi32, #tpu.memory_space<vmem>>)
      tpu.yield
    }) : () -> ()
    %dma_start3A_215 = arith.constant 0 : i32
    %dma_start3A_216 = arith.constant 0 : i32
    %dma_start3A_217 = arith.constant 0 : i32
    %dma_start3A_218 = arith.constant 0 : i32
    %dma_start3A_219 = tpu.memref_slice %arg7[%dma_start3A_217, %dma_start3A_218] : memref<128x128xf32, #tpu.memory_space<vmem>> -> memref<64x128xf32, #tpu.memory_space<vmem>>
    %dma_start3A_220 = arith.constant 0 : i32
    %dma_start3A_221 = tpu.memref_slice %arg5[%dma_start3A_216, %dma_start3A_220] : memref<40x128xi32, #tpu.memory_space<vmem>> -> memref<1x64xi32, #tpu.memory_space<vmem>>
    %dma_start3A_222 = tpu.memref_squeeze %dma_start3A_221 : memref<1x64xi32, #tpu.memory_space<vmem>> -> memref<64xi32, #tpu.memory_space<vmem>>
    %dma_start3A_223 = arith.constant 0 : i32
    %dma_start3A_224 = arith.constant 0 : i32
    %dma_start3A_225 = tpu.memref_slice %arg4[%arg0, %dma_start3A_215, %dma_start3A_223, %dma_start3A_224] : memref<2x2x10240x128xf32, #tpu.memory_space<hbm>> -> memref<1x1x10240x128xf32, #tpu.memory_space<hbm>>
    %dma_start3A_226 = tpu.memref_squeeze %dma_start3A_225 : memref<1x1x10240x128xf32, #tpu.memory_space<hbm>> -> memref<10240x128xf32, #tpu.memory_space<hbm>>
    %dma_start3A_227 = arith.constant 0 : i32
    %dma_start3A_228 = arith.constant 0 : i32
    %dma_start3A_229 = tpu.memref_slice %dma_start3A_226[%dma_start3A_227, %dma_start3A_228] : memref<10240x128xf32, #tpu.memory_space<hbm>> -> memref<10240x128xf32, #tpu.memory_space<hbm>>
    tpu.enqueue_indirect_dma source(%dma_start3A_229 : memref<10240x128xf32, #tpu.memory_space<hbm>>) target(%dma_start3A_219 : memref<64x128xf32, #tpu.memory_space<vmem>>) offsets(%dma_start3A_222 : memref<64xi32, #tpu.memory_space<vmem>>) semaphore(%arg10 : memref<!tpu.dma_semaphore, #tpu.memory_space<semaphore_mem>>)
    %dma_start3A_230 = arith.constant 0 : i32
    %dma_start3A_231 = arith.constant 0 : i32
    %dma_start3A_232 = arith.constant 64 : i32
    %dma_start3A_233 = arith.constant 0 : i32
    %dma_start3A_234 = tpu.memref_slice %arg7[%dma_start3A_232, %dma_start3A_233] : memref<128x128xf32, #tpu.memory_space<vmem>> -> memref<64x128xf32, #tpu.memory_space<vmem>>
    %dma_start3A_235 = arith.constant 64 : i32
    %dma_start3A_236 = tpu.memref_slice %arg5[%dma_start3A_231, %dma_start3A_235] : memref<40x128xi32, #tpu.memory_space<vmem>> -> memref<1x64xi32, #tpu.memory_space<vmem>>
    %dma_start3A_237 = tpu.memref_squeeze %dma_start3A_236 : memref<1x64xi32, #tpu.memory_space<vmem>> -> memref<64xi32, #tpu.memory_space<vmem>>
    %dma_start3A_238 = arith.constant 0 : i32
    %dma_start3A_239 = arith.constant 0 : i32
    %dma_start3A_240 = tpu.memref_slice %arg4[%arg0, %dma_start3A_230, %dma_start3A_238, %dma_start3A_239] : memref<2x2x10240x128xf32, #tpu.memory_space<hbm>> -> memref<1x1x10240x128xf32, #tpu.memory_space<hbm>>
    %dma_start3A_241 = tpu.memref_squeeze %dma_start3A_240 : memref<1x1x10240x128xf32, #tpu.memory_space<hbm>> -> memref<10240x128xf32, #tpu.memory_space<hbm>>
    %dma_start3A_242 = arith.constant 0 : i32
    %dma_start3A_243 = arith.constant 0 : i32
    %dma_start3A_244 = tpu.memref_slice %dma_start3A_241[%dma_start3A_242, %dma_start3A_243] : memref<10240x128xf32, #tpu.memory_space<hbm>> -> memref<10240x128xf32, #tpu.memory_space<hbm>>
    tpu.enqueue_indirect_dma source(%dma_start3A_244 : memref<10240x128xf32, #tpu.memory_space<hbm>>) target(%dma_start3A_234 : memref<64x128xf32, #tpu.memory_space<vmem>>) offsets(%dma_start3A_237 : memref<64xi32, #tpu.memory_space<vmem>>) semaphore(%arg11 : memref<!tpu.dma_semaphore, #tpu.memory_space<semaphore_mem>>)
    %scan3A_245 = arith.constant 0 : i32
    %scan3A_246 = arith.constant 0 : i32
    %scan3A_247 = arith.constant 0 : i32
    %scan3A_248 = arith.constant 20 : i32
    %scan3A_249 = arith.addi %scan3A_247, %scan3A_248 : i32
    %scan3A_250 = arith.constant 1 : i32
    scf.for %scan3A_308 = %scan3A_247 to %scan3A_249 step %scan3A_250  : i32 {
      %mul3A_309 = arith.constant 2 : i32
      %mul3A_310 = arith.muli %mul3A_309, %scan3A_308 : i32
      %dma_wait3A = arith.constant 0 : i32
      %dma_wait3A_311 = arith.constant 0 : i32
      %dma_wait3A_312 = tpu.memref_slice %arg7[%dma_wait3A, %dma_wait3A_311] : memref<128x128xf32, #tpu.memory_space<vmem>> -> memref<64x128xf32, #tpu.memory_space<vmem>>
      %dma_wait3A_313 = arith.constant 0 : i32
      %dma_wait3A_314 = tpu.memref_slice %arg5[%mul3A_310, %dma_wait3A_313] : memref<40x128xi32, #tpu.memory_space<vmem>> -> memref<1x64xi32, #tpu.memory_space<vmem>>
      %dma_wait3A_315 = tpu.memref_squeeze %dma_wait3A_314 : memref<1x64xi32, #tpu.memory_space<vmem>> -> memref<64xi32, #tpu.memory_space<vmem>>
      %dma_wait3A_316 = arith.constant 0 : i32
      %dma_wait3A_317 = arith.constant 0 : i32
      %dma_wait3A_318 = tpu.memref_slice %arg4[%arg0, %scan3A_246, %dma_wait3A_316, %dma_wait3A_317] : memref<2x2x10240x128xf32, #tpu.memory_space<hbm>> -> memref<1x1x10240x128xf32, #tpu.memory_space<hbm>>
      %dma_wait3A_319 = tpu.memref_squeeze %dma_wait3A_318 : memref<1x1x10240x128xf32, #tpu.memory_space<hbm>> -> memref<10240x128xf32, #tpu.memory_space<hbm>>
      %dma_wait3A_320 = arith.constant 0 : i32
      %dma_wait3A_321 = arith.constant 0 : i32
      %dma_wait3A_322 = tpu.memref_slice %dma_wait3A_319[%dma_wait3A_320, %dma_wait3A_321] : memref<10240x128xf32, #tpu.memory_space<hbm>> -> memref<10240x128xf32, #tpu.memory_space<hbm>>
      tpu.wait_indirect_dma semaphore(%arg10 : memref<!tpu.dma_semaphore, #tpu.memory_space<semaphore_mem>>) src(%dma_wait3A_322 : memref<10240x128xf32, #tpu.memory_space<hbm>>) dst(%dma_wait3A_312 : memref<64x128xf32, #tpu.memory_space<vmem>>)
      %dma_wait3A_323 = arith.constant 64 : i32
      %dma_wait3A_324 = arith.constant 0 : i32
      %dma_wait3A_325 = tpu.memref_slice %arg7[%dma_wait3A_323, %dma_wait3A_324] : memref<128x128xf32, #tpu.memory_space<vmem>> -> memref<64x128xf32, #tpu.memory_space<vmem>>
      %dma_wait3A_326 = arith.constant 64 : i32
      %dma_wait3A_327 = tpu.memref_slice %arg5[%mul3A_310, %dma_wait3A_326] : memref<40x128xi32, #tpu.memory_space<vmem>> -> memref<1x64xi32, #tpu.memory_space<vmem>>
      %dma_wait3A_328 = tpu.memref_squeeze %dma_wait3A_327 : memref<1x64xi32, #tpu.memory_space<vmem>> -> memref<64xi32, #tpu.memory_space<vmem>>
      %dma_wait3A_329 = arith.constant 0 : i32
      %dma_wait3A_330 = arith.constant 0 : i32
      %dma_wait3A_331 = tpu.memref_slice %arg4[%arg0, %scan3A_246, %dma_wait3A_329, %dma_wait3A_330] : memref<2x2x10240x128xf32, #tpu.memory_space<hbm>> -> memref<1x1x10240x128xf32, #tpu.memory_space<hbm>>
      %dma_wait3A_332 = tpu.memref_squeeze %dma_wait3A_331 : memref<1x1x10240x128xf32, #tpu.memory_space<hbm>> -> memref<10240x128xf32, #tpu.memory_space<hbm>>
      %dma_wait3A_333 = arith.constant 0 : i32
      %dma_wait3A_334 = arith.constant 0 : i32
      %dma_wait3A_335 = tpu.memref_slice %dma_wait3A_332[%dma_wait3A_333, %dma_wait3A_334] : memref<10240x128xf32, #tpu.memory_space<hbm>> -> memref<10240x128xf32, #tpu.memory_space<hbm>>
      tpu.wait_indirect_dma semaphore(%arg11 : memref<!tpu.dma_semaphore, #tpu.memory_space<semaphore_mem>>) src(%dma_wait3A_335 : memref<10240x128xf32, #tpu.memory_space<hbm>>) dst(%dma_wait3A_325 : memref<64x128xf32, #tpu.memory_space<vmem>>)
      %add3A_336 = arith.constant 1 : i32
      %add3A_337 = arith.addi %mul3A_310, %add3A_336 : i32
      %dma_start3A_338 = arith.constant 0 : i32
      %dma_start3A_339 = arith.constant 0 : i32
      %dma_start3A_340 = tpu.memref_slice %arg8[%dma_start3A_338, %dma_start3A_339] : memref<128x128xf32, #tpu.memory_space<vmem>> -> memref<64x128xf32, #tpu.memory_space<vmem>>
      %dma_start3A_341 = arith.constant 0 : i32
      %dma_start3A_342 = tpu.memref_slice %arg5[%add3A_337, %dma_start3A_341] : memref<40x128xi32, #tpu.memory_space<vmem>> -> memref<1x64xi32, #tpu.memory_space<vmem>>
      %dma_start3A_343 = tpu.memref_squeeze %dma_start3A_342 : memref<1x64xi32, #tpu.memory_space<vmem>> -> memref<64xi32, #tpu.memory_space<vmem>>
      %dma_start3A_344 = arith.constant 0 : i32
      %dma_start3A_345 = arith.constant 0 : i32
      %dma_start3A_346 = tpu.memref_slice %arg4[%arg0, %scan3A_246, %dma_start3A_344, %dma_start3A_345] : memref<2x2x10240x128xf32, #tpu.memory_space<hbm>> -> memref<1x1x10240x128xf32, #tpu.memory_space<hbm>>
      %dma_start3A_347 = tpu.memref_squeeze %dma_start3A_346 : memref<1x1x10240x128xf32, #tpu.memory_space<hbm>> -> memref<10240x128xf32, #tpu.memory_space<hbm>>
      %dma_start3A_348 = arith.constant 0 : i32
      %dma_start3A_349 = arith.constant 0 : i32
      %dma_start3A_350 = tpu.memref_slice %dma_start3A_347[%dma_start3A_348, %dma_start3A_349] : memref<10240x128xf32, #tpu.memory_space<hbm>> -> memref<10240x128xf32, #tpu.memory_space<hbm>>
      tpu.enqueue_indirect_dma source(%dma_start3A_350 : memref<10240x128xf32, #tpu.memory_space<hbm>>) target(%dma_start3A_340 : memref<64x128xf32, #tpu.memory_space<vmem>>) offsets(%dma_start3A_343 : memref<64xi32, #tpu.memory_space<vmem>>) semaphore(%arg12 : memref<!tpu.dma_semaphore, #tpu.memory_space<semaphore_mem>>)
      %dma_start3A_351 = arith.constant 64 : i32
      %dma_start3A_352 = arith.constant 0 : i32
      %dma_start3A_353 = tpu.memref_slice %arg8[%dma_start3A_351, %dma_start3A_352] : memref<128x128xf32, #tpu.memory_space<vmem>> -> memref<64x128xf32, #tpu.memory_space<vmem>>
      %dma_start3A_354 = arith.constant 64 : i32
      %dma_start3A_355 = tpu.memref_slice %arg5[%add3A_337, %dma_start3A_354] : memref<40x128xi32, #tpu.memory_space<vmem>> -> memref<1x64xi32, #tpu.memory_space<vmem>>
      %dma_start3A_356 = tpu.memref_squeeze %dma_start3A_355 : memref<1x64xi32, #tpu.memory_space<vmem>> -> memref<64xi32, #tpu.memory_space<vmem>>
      %dma_start3A_357 = arith.constant 0 : i32
      %dma_start3A_358 = arith.constant 0 : i32
      %dma_start3A_359 = tpu.memref_slice %arg4[%arg0, %scan3A_246, %dma_start3A_357, %dma_start3A_358] : memref<2x2x10240x128xf32, #tpu.memory_space<hbm>> -> memref<1x1x10240x128xf32, #tpu.memory_space<hbm>>
      %dma_start3A_360 = tpu.memref_squeeze %dma_start3A_359 : memref<1x1x10240x128xf32, #tpu.memory_space<hbm>> -> memref<10240x128xf32, #tpu.memory_space<hbm>>
      %dma_start3A_361 = arith.constant 0 : i32
      %dma_start3A_362 = arith.constant 0 : i32
      %dma_start3A_363 = tpu.memref_slice %dma_start3A_360[%dma_start3A_361, %dma_start3A_362] : memref<10240x128xf32, #tpu.memory_space<hbm>> -> memref<10240x128xf32, #tpu.memory_space<hbm>>
      tpu.enqueue_indirect_dma source(%dma_start3A_363 : memref<10240x128xf32, #tpu.memory_space<hbm>>) target(%dma_start3A_353 : memref<64x128xf32, #tpu.memory_space<vmem>>) offsets(%dma_start3A_356 : memref<64xi32, #tpu.memory_space<vmem>>) semaphore(%arg13 : memref<!tpu.dma_semaphore, #tpu.memory_space<semaphore_mem>>)
      "tpu.region"() ({
        %run_scoped3A_396 = tpu.sem_alloc : memref<!tpu.dma_semaphore, #tpu.memory_space<semaphore_mem>>
        %dma_start3A_397 = arith.constant 0 : i32
        %dma_start3A_398 = tpu.memref_slice %arg6[%mul3A_310, %dma_start3A_397] : memref<40x128xi32, #tpu.memory_space<vmem>> -> memref<1x128xi32, #tpu.memory_space<vmem>>
        %dma_start3A_399 = tpu.memref_squeeze %dma_start3A_398 : memref<1x128xi32, #tpu.memory_space<vmem>> -> memref<128xi32, #tpu.memory_space<vmem>>
        %dma_start3A_400 = arith.constant 0 : i32
        %dma_start3A_401 = arith.constant 0 : i32
        %dma_start3A_402 = tpu.memref_slice %arg9[%dma_start3A_400, %dma_start3A_401] : memref<10240x128xf32, #tpu.memory_space<vmem_shared>> -> memref<10240x128xf32, #tpu.memory_space<vmem_shared>>
        tpu.enqueue_indirect_dma source(%arg7 : memref<128x128xf32, #tpu.memory_space<vmem>>) target(%dma_start3A_402 : memref<10240x128xf32, #tpu.memory_space<vmem_shared>>) offsets(%dma_start3A_399 : memref<128xi32, #tpu.memory_space<vmem>>) semaphore(%run_scoped3A_396 : memref<!tpu.dma_semaphore, #tpu.memory_space<semaphore_mem>>) {add = true}
        %dma_wait3A_403 = arith.constant 0 : i32
        %dma_wait3A_404 = tpu.memref_slice %arg6[%mul3A_310, %dma_wait3A_403] : memref<40x128xi32, #tpu.memory_space<vmem>> -> memref<1x128xi32, #tpu.memory_space<vmem>>
        %dma_wait3A_405 = tpu.memref_squeeze %dma_wait3A_404 : memref<1x128xi32, #tpu.memory_space<vmem>> -> memref<128xi32, #tpu.memory_space<vmem>>
        %dma_wait3A_406 = arith.constant 0 : i32
        %dma_wait3A_407 = arith.constant 0 : i32
        %dma_wait3A_408 = tpu.memref_slice %arg9[%dma_wait3A_406, %dma_wait3A_407] : memref<10240x128xf32, #tpu.memory_space<vmem_shared>> -> memref<10240x128xf32, #tpu.memory_space<vmem_shared>>
        tpu.wait_indirect_dma semaphore(%run_scoped3A_396 : memref<!tpu.dma_semaphore, #tpu.memory_space<semaphore_mem>>) src(%arg7 : memref<128x128xf32, #tpu.memory_space<vmem>>) dst(%dma_wait3A_408 : memref<10240x128xf32, #tpu.memory_space<vmem_shared>>)
        tpu.yield
      }) : () -> ()
      %add3A_364 = arith.constant 1 : i32
      %add3A_365 = arith.addi %mul3A_310, %add3A_364 : i32
      %dma_wait3A_366 = arith.constant 0 : i32
      %dma_wait3A_367 = arith.constant 0 : i32
      %dma_wait3A_368 = tpu.memref_slice %arg8[%dma_wait3A_366, %dma_wait3A_367] : memref<128x128xf32, #tpu.memory_space<vmem>> -> memref<64x128xf32, #tpu.memory_space<vmem>>
      %dma_wait3A_369 = arith.constant 0 : i32
      %dma_wait3A_370 = tpu.memref_slice %arg5[%add3A_365, %dma_wait3A_369] : memref<40x128xi32, #tpu.memory_space<vmem>> -> memref<1x64xi32, #tpu.memory_space<vmem>>
      %dma_wait3A_371 = tpu.memref_squeeze %dma_wait3A_370 : memref<1x64xi32, #tpu.memory_space<vmem>> -> memref<64xi32, #tpu.memory_space<vmem>>
      %dma_wait3A_372 = arith.constant 0 : i32
      %dma_wait3A_373 = arith.constant 0 : i32
      %dma_wait3A_374 = tpu.memref_slice %arg4[%arg0, %scan3A_246, %dma_wait3A_372, %dma_wait3A_373] : memref<2x2x10240x128xf32, #tpu.memory_space<hbm>> -> memref<1x1x10240x128xf32, #tpu.memory_space<hbm>>
      %dma_wait3A_375 = tpu.memref_squeeze %dma_wait3A_374 : memref<1x1x10240x128xf32, #tpu.memory_space<hbm>> -> memref<10240x128xf32, #tpu.memory_space<hbm>>
      %dma_wait3A_376 = arith.constant 0 : i32
      %dma_wait3A_377 = arith.constant 0 : i32
      %dma_wait3A_378 = tpu.memref_slice %dma_wait3A_375[%dma_wait3A_376, %dma_wait3A_377] : memref<10240x128xf32, #tpu.memory_space<hbm>> -> memref<10240x128xf32, #tpu.memory_space<hbm>>
      tpu.wait_indirect_dma semaphore(%arg12 : memref<!tpu.dma_semaphore, #tpu.memory_space<semaphore_mem>>) src(%dma_wait3A_378 : memref<10240x128xf32, #tpu.memory_space<hbm>>) dst(%dma_wait3A_368 : memref<64x128xf32, #tpu.memory_space<vmem>>)
      %dma_wait3A_379 = arith.constant 64 : i32
      %dma_wait3A_380 = arith.constant 0 : i32
      %dma_wait3A_381 = tpu.memref_slice %arg8[%dma_wait3A_379, %dma_wait3A_380] : memref<128x128xf32, #tpu.memory_space<vmem>> -> memref<64x128xf32, #tpu.memory_space<vmem>>
      %dma_wait3A_382 = arith.constant 64 : i32
      %dma_wait3A_383 = tpu.memref_slice %arg5[%add3A_365, %dma_wait3A_382] : memref<40x128xi32, #tpu.memory_space<vmem>> -> memref<1x64xi32, #tpu.memory_space<vmem>>
      %dma_wait3A_384 = tpu.memref_squeeze %dma_wait3A_383 : memref<1x64xi32, #tpu.memory_space<vmem>> -> memref<64xi32, #tpu.memory_space<vmem>>
      %dma_wait3A_385 = arith.constant 0 : i32
      %dma_wait3A_386 = arith.constant 0 : i32
      %dma_wait3A_387 = tpu.memref_slice %arg4[%arg0, %scan3A_246, %dma_wait3A_385, %dma_wait3A_386] : memref<2x2x10240x128xf32, #tpu.memory_space<hbm>> -> memref<1x1x10240x128xf32, #tpu.memory_space<hbm>>
      %dma_wait3A_388 = tpu.memref_squeeze %dma_wait3A_387 : memref<1x1x10240x128xf32, #tpu.memory_space<hbm>> -> memref<10240x128xf32, #tpu.memory_space<hbm>>
      %dma_wait3A_389 = arith.constant 0 : i32
      %dma_wait3A_390 = arith.constant 0 : i32
      %dma_wait3A_391 = tpu.memref_slice %dma_wait3A_388[%dma_wait3A_389, %dma_wait3A_390] : memref<10240x128xf32, #tpu.memory_space<hbm>> -> memref<10240x128xf32, #tpu.memory_space<hbm>>
      tpu.wait_indirect_dma semaphore(%arg13 : memref<!tpu.dma_semaphore, #tpu.memory_space<semaphore_mem>>) src(%dma_wait3A_391 : memref<10240x128xf32, #tpu.memory_space<hbm>>) dst(%dma_wait3A_381 : memref<64x128xf32, #tpu.memory_space<vmem>>)
      %lt3A = arith.constant 19 : i32
      %lt3A_392 = arith.cmpi slt, %scan3A_308, %lt3A : i32
      %convert_element_type3A = arith.extui %lt3A_392 : i1 to i32
      %cond3A = arith.constant 0 : i32
      %cond3A_393 = arith.cmpi ne, %convert_element_type3A, %cond3A : i32
      scf.if %cond3A_393 {
        %add3A_396 = arith.constant 2 : i32
        %add3A_397 = arith.addi %mul3A_310, %add3A_396 : i32
        %dma_start3A_398 = arith.constant 0 : i32
        %dma_start3A_399 = arith.constant 0 : i32
        %dma_start3A_400 = tpu.memref_slice %arg7[%dma_start3A_398, %dma_start3A_399] : memref<128x128xf32, #tpu.memory_space<vmem>> -> memref<64x128xf32, #tpu.memory_space<vmem>>
        %dma_start3A_401 = arith.constant 0 : i32
        %dma_start3A_402 = tpu.memref_slice %arg5[%add3A_397, %dma_start3A_401] : memref<40x128xi32, #tpu.memory_space<vmem>> -> memref<1x64xi32, #tpu.memory_space<vmem>>
        %dma_start3A_403 = tpu.memref_squeeze %dma_start3A_402 : memref<1x64xi32, #tpu.memory_space<vmem>> -> memref<64xi32, #tpu.memory_space<vmem>>
        %dma_start3A_404 = arith.constant 0 : i32
        %dma_start3A_405 = arith.constant 0 : i32
        %dma_start3A_406 = tpu.memref_slice %arg4[%arg0, %scan3A_246, %dma_start3A_404, %dma_start3A_405] : memref<2x2x10240x128xf32, #tpu.memory_space<hbm>> -> memref<1x1x10240x128xf32, #tpu.memory_space<hbm>>
        %dma_start3A_407 = tpu.memref_squeeze %dma_start3A_406 : memref<1x1x10240x128xf32, #tpu.memory_space<hbm>> -> memref<10240x128xf32, #tpu.memory_space<hbm>>
        %dma_start3A_408 = arith.constant 0 : i32
        %dma_start3A_409 = arith.constant 0 : i32
        %dma_start3A_410 = tpu.memref_slice %dma_start3A_407[%dma_start3A_408, %dma_start3A_409] : memref<10240x128xf32, #tpu.memory_space<hbm>> -> memref<10240x128xf32, #tpu.memory_space<hbm>>
        tpu.enqueue_indirect_dma source(%dma_start3A_410 : memref<10240x128xf32, #tpu.memory_space<hbm>>) target(%dma_start3A_400 : memref<64x128xf32, #tpu.memory_space<vmem>>) offsets(%dma_start3A_403 : memref<64xi32, #tpu.memory_space<vmem>>) semaphore(%arg10 : memref<!tpu.dma_semaphore, #tpu.memory_space<semaphore_mem>>)
        %dma_start3A_411 = arith.constant 64 : i32
        %dma_start3A_412 = arith.constant 0 : i32
        %dma_start3A_413 = tpu.memref_slice %arg7[%dma_start3A_411, %dma_start3A_412] : memref<128x128xf32, #tpu.memory_space<vmem>> -> memref<64x128xf32, #tpu.memory_space<vmem>>
        %dma_start3A_414 = arith.constant 64 : i32
        %dma_start3A_415 = tpu.memref_slice %arg5[%add3A_397, %dma_start3A_414] : memref<40x128xi32, #tpu.memory_space<vmem>> -> memref<1x64xi32, #tpu.memory_space<vmem>>
        %dma_start3A_416 = tpu.memref_squeeze %dma_start3A_415 : memref<1x64xi32, #tpu.memory_space<vmem>> -> memref<64xi32, #tpu.memory_space<vmem>>
        %dma_start3A_417 = arith.constant 0 : i32
        %dma_start3A_418 = arith.constant 0 : i32
        %dma_start3A_419 = tpu.memref_slice %arg4[%arg0, %scan3A_246, %dma_start3A_417, %dma_start3A_418] : memref<2x2x10240x128xf32, #tpu.memory_space<hbm>> -> memref<1x1x10240x128xf32, #tpu.memory_space<hbm>>
        %dma_start3A_420 = tpu.memref_squeeze %dma_start3A_419 : memref<1x1x10240x128xf32, #tpu.memory_space<hbm>> -> memref<10240x128xf32, #tpu.memory_space<hbm>>
        %dma_start3A_421 = arith.constant 0 : i32
        %dma_start3A_422 = arith.constant 0 : i32
        %dma_start3A_423 = tpu.memref_slice %dma_start3A_420[%dma_start3A_421, %dma_start3A_422] : memref<10240x128xf32, #tpu.memory_space<hbm>> -> memref<10240x128xf32, #tpu.memory_space<hbm>>
        tpu.enqueue_indirect_dma source(%dma_start3A_423 : memref<10240x128xf32, #tpu.memory_space<hbm>>) target(%dma_start3A_413 : memref<64x128xf32, #tpu.memory_space<vmem>>) offsets(%dma_start3A_416 : memref<64xi32, #tpu.memory_space<vmem>>) semaphore(%arg11 : memref<!tpu.dma_semaphore, #tpu.memory_space<semaphore_mem>>)
      } else {
      }
      %add3A_394 = arith.constant 1 : i32
      %add3A_395 = arith.addi %mul3A_310, %add3A_394 : i32
      "tpu.region"() ({
        %run_scoped3A_396 = tpu.sem_alloc : memref<!tpu.dma_semaphore, #tpu.memory_space<semaphore_mem>>
        %dma_start3A_397 = arith.constant 0 : i32
        %dma_start3A_398 = tpu.memref_slice %arg6[%add3A_395, %dma_start3A_397] : memref<40x128xi32, #tpu.memory_space<vmem>> -> memref<1x128xi32, #tpu.memory_space<vmem>>
        %dma_start3A_399 = tpu.memref_squeeze %dma_start3A_398 : memref<1x128xi32, #tpu.memory_space<vmem>> -> memref<128xi32, #tpu.memory_space<vmem>>
        %dma_start3A_400 = arith.constant 0 : i32
        %dma_start3A_401 = arith.constant 0 : i32
        %dma_start3A_402 = tpu.memref_slice %arg9[%dma_start3A_400, %dma_start3A_401] : memref<10240x128xf32, #tpu.memory_space<vmem_shared>> -> memref<10240x128xf32, #tpu.memory_space<vmem_shared>>
        tpu.enqueue_indirect_dma source(%arg8 : memref<128x128xf32, #tpu.memory_space<vmem>>) target(%dma_start3A_402 : memref<10240x128xf32, #tpu.memory_space<vmem_shared>>) offsets(%dma_start3A_399 : memref<128xi32, #tpu.memory_space<vmem>>) semaphore(%run_scoped3A_396 : memref<!tpu.dma_semaphore, #tpu.memory_space<semaphore_mem>>) {add = true}
        %dma_wait3A_403 = arith.constant 0 : i32
        %dma_wait3A_404 = tpu.memref_slice %arg6[%add3A_395, %dma_wait3A_403] : memref<40x128xi32, #tpu.memory_space<vmem>> -> memref<1x128xi32, #tpu.memory_space<vmem>>
        %dma_wait3A_405 = tpu.memref_squeeze %dma_wait3A_404 : memref<1x128xi32, #tpu.memory_space<vmem>> -> memref<128xi32, #tpu.memory_space<vmem>>
        %dma_wait3A_406 = arith.constant 0 : i32
        %dma_wait3A_407 = arith.constant 0 : i32
        %dma_wait3A_408 = tpu.memref_slice %arg9[%dma_wait3A_406, %dma_wait3A_407] : memref<10240x128xf32, #tpu.memory_space<vmem_shared>> -> memref<10240x128xf32, #tpu.memory_space<vmem_shared>>
        tpu.wait_indirect_dma semaphore(%run_scoped3A_396 : memref<!tpu.dma_semaphore, #tpu.memory_space<semaphore_mem>>) src(%arg8 : memref<128x128xf32, #tpu.memory_space<vmem>>) dst(%dma_wait3A_408 : memref<10240x128xf32, #tpu.memory_space<vmem_shared>>)
        tpu.yield
      }) : () -> ()
    }
    %scan3A_251 = arith.constant 20 : i32
    "tpu.region"() ({
      %run_scoped3A_308 = tpu.sem_alloc : memref<!tpu.dma_semaphore, #tpu.memory_space<semaphore_mem>>
      %dma_start3A_309 = arith.constant 120 : i32
      %dma_start3A_310 = arith.constant 0 : i32
      %dma_start3A_311 = tpu.memref_slice %arg3[%arg0, %arg1, %dma_start3A_309, %dma_start3A_310] : memref<2x16x160x128xi32, #tpu.memory_space<hbm>> -> memref<1x1x40x128xi32, #tpu.memory_space<hbm>>
      %dma_start3A_312 = tpu.memref_squeeze %dma_start3A_311 : memref<1x1x40x128xi32, #tpu.memory_space<hbm>> -> memref<40x128xi32, #tpu.memory_space<hbm>>
      %dma_start3A_313 = arith.constant 120 : i32
      %dma_start3A_314 = arith.constant 0 : i32
      %dma_start3A_315 = tpu.memref_slice %arg3[%arg0, %arg1, %dma_start3A_313, %dma_start3A_314] : memref<2x16x160x128xi32, #tpu.memory_space<hbm>> -> memref<1x1x40x128xi32, #tpu.memory_space<hbm>>
      %dma_start3A_316 = tpu.memref_squeeze %dma_start3A_315 : memref<1x1x40x128xi32, #tpu.memory_space<hbm>> -> memref<40x128xi32, #tpu.memory_space<hbm>>
      tpu.enqueue_dma source(%dma_start3A_316 : memref<40x128xi32, #tpu.memory_space<hbm>>) target(%arg5 : memref<40x128xi32, #tpu.memory_space<vmem>>) target_semaphore(%run_scoped3A_308 : memref<!tpu.dma_semaphore, #tpu.memory_space<semaphore_mem>>)
      %dma_wait3A = arith.constant 120 : i32
      %dma_wait3A_317 = arith.constant 0 : i32
      %dma_wait3A_318 = tpu.memref_slice %arg3[%arg0, %arg1, %dma_wait3A, %dma_wait3A_317] : memref<2x16x160x128xi32, #tpu.memory_space<hbm>> -> memref<1x1x40x128xi32, #tpu.memory_space<hbm>>
      %dma_wait3A_319 = tpu.memref_squeeze %dma_wait3A_318 : memref<1x1x40x128xi32, #tpu.memory_space<hbm>> -> memref<40x128xi32, #tpu.memory_space<hbm>>
      %dma_wait3A_320 = arith.constant 120 : i32
      %dma_wait3A_321 = arith.constant 0 : i32
      %dma_wait3A_322 = tpu.memref_slice %arg3[%arg0, %arg1, %dma_wait3A_320, %dma_wait3A_321] : memref<2x16x160x128xi32, #tpu.memory_space<hbm>> -> memref<1x1x40x128xi32, #tpu.memory_space<hbm>>
      %dma_wait3A_323 = tpu.memref_squeeze %dma_wait3A_322 : memref<1x1x40x128xi32, #tpu.memory_space<hbm>> -> memref<40x128xi32, #tpu.memory_space<hbm>>
      tpu.wait_dma2 semaphore(%run_scoped3A_308 : memref<!tpu.dma_semaphore, #tpu.memory_space<semaphore_mem>>) src(%dma_wait3A_323 : memref<40x128xi32, #tpu.memory_space<hbm>>) dst(%arg5 : memref<40x128xi32, #tpu.memory_space<vmem>>)
      tpu.yield
    }) : () -> ()
    %sub3A_252 = arith.constant 1 : i32
    %sub3A_253 = arith.subi %sub3A_252, %arg0 : i32
    "tpu.region"() ({
      %run_scoped3A_308 = tpu.sem_alloc : memref<!tpu.dma_semaphore, #tpu.memory_space<semaphore_mem>>
      %dma_start3A_309 = arith.constant 120 : i32
      %dma_start3A_310 = arith.constant 0 : i32
      %dma_start3A_311 = tpu.memref_slice %arg3[%sub3A_253, %arg1, %dma_start3A_309, %dma_start3A_310] : memref<2x16x160x128xi32, #tpu.memory_space<hbm>> -> memref<1x1x40x128xi32, #tpu.memory_space<hbm>>
      %dma_start3A_312 = tpu.memref_squeeze %dma_start3A_311 : memref<1x1x40x128xi32, #tpu.memory_space<hbm>> -> memref<40x128xi32, #tpu.memory_space<hbm>>
      %dma_start3A_313 = arith.constant 120 : i32
      %dma_start3A_314 = arith.constant 0 : i32
      %dma_start3A_315 = tpu.memref_slice %arg3[%sub3A_253, %arg1, %dma_start3A_313, %dma_start3A_314] : memref<2x16x160x128xi32, #tpu.memory_space<hbm>> -> memref<1x1x40x128xi32, #tpu.memory_space<hbm>>
      %dma_start3A_316 = tpu.memref_squeeze %dma_start3A_315 : memref<1x1x40x128xi32, #tpu.memory_space<hbm>> -> memref<40x128xi32, #tpu.memory_space<hbm>>
      tpu.enqueue_dma source(%dma_start3A_316 : memref<40x128xi32, #tpu.memory_space<hbm>>) target(%arg6 : memref<40x128xi32, #tpu.memory_space<vmem>>) target_semaphore(%run_scoped3A_308 : memref<!tpu.dma_semaphore, #tpu.memory_space<semaphore_mem>>)
      %dma_wait3A = arith.constant 120 : i32
      %dma_wait3A_317 = arith.constant 0 : i32
      %dma_wait3A_318 = tpu.memref_slice %arg3[%sub3A_253, %arg1, %dma_wait3A, %dma_wait3A_317] : memref<2x16x160x128xi32, #tpu.memory_space<hbm>> -> memref<1x1x40x128xi32, #tpu.memory_space<hbm>>
      %dma_wait3A_319 = tpu.memref_squeeze %dma_wait3A_318 : memref<1x1x40x128xi32, #tpu.memory_space<hbm>> -> memref<40x128xi32, #tpu.memory_space<hbm>>
      %dma_wait3A_320 = arith.constant 120 : i32
      %dma_wait3A_321 = arith.constant 0 : i32
      %dma_wait3A_322 = tpu.memref_slice %arg3[%sub3A_253, %arg1, %dma_wait3A_320, %dma_wait3A_321] : memref<2x16x160x128xi32, #tpu.memory_space<hbm>> -> memref<1x1x40x128xi32, #tpu.memory_space<hbm>>
      %dma_wait3A_323 = tpu.memref_squeeze %dma_wait3A_322 : memref<1x1x40x128xi32, #tpu.memory_space<hbm>> -> memref<40x128xi32, #tpu.memory_space<hbm>>
      tpu.wait_dma2 semaphore(%run_scoped3A_308 : memref<!tpu.dma_semaphore, #tpu.memory_space<semaphore_mem>>) src(%dma_wait3A_323 : memref<40x128xi32, #tpu.memory_space<hbm>>) dst(%arg6 : memref<40x128xi32, #tpu.memory_space<vmem>>)
      tpu.yield
    }) : () -> ()
    %dma_start3A_254 = arith.constant 0 : i32
    %dma_start3A_255 = arith.constant 0 : i32
    %dma_start3A_256 = arith.constant 0 : i32
    %dma_start3A_257 = arith.constant 0 : i32
    %dma_start3A_258 = tpu.memref_slice %arg7[%dma_start3A_256, %dma_start3A_257] : memref<128x128xf32, #tpu.memory_space<vmem>> -> memref<64x128xf32, #tpu.memory_space<vmem>>
    %dma_start3A_259 = arith.constant 0 : i32
    %dma_start3A_260 = tpu.memref_slice %arg5[%dma_start3A_255, %dma_start3A_259] : memref<40x128xi32, #tpu.memory_space<vmem>> -> memref<1x64xi32, #tpu.memory_space<vmem>>
    %dma_start3A_261 = tpu.memref_squeeze %dma_start3A_260 : memref<1x64xi32, #tpu.memory_space<vmem>> -> memref<64xi32, #tpu.memory_space<vmem>>
    %dma_start3A_262 = arith.constant 0 : i32
    %dma_start3A_263 = arith.constant 0 : i32
    %dma_start3A_264 = tpu.memref_slice %arg4[%arg0, %dma_start3A_254, %dma_start3A_262, %dma_start3A_263] : memref<2x2x10240x128xf32, #tpu.memory_space<hbm>> -> memref<1x1x10240x128xf32, #tpu.memory_space<hbm>>
    %dma_start3A_265 = tpu.memref_squeeze %dma_start3A_264 : memref<1x1x10240x128xf32, #tpu.memory_space<hbm>> -> memref<10240x128xf32, #tpu.memory_space<hbm>>
    %dma_start3A_266 = arith.constant 0 : i32
    %dma_start3A_267 = arith.constant 0 : i32
    %dma_start3A_268 = tpu.memref_slice %dma_start3A_265[%dma_start3A_266, %dma_start3A_267] : memref<10240x128xf32, #tpu.memory_space<hbm>> -> memref<10240x128xf32, #tpu.memory_space<hbm>>
    tpu.enqueue_indirect_dma source(%dma_start3A_268 : memref<10240x128xf32, #tpu.memory_space<hbm>>) target(%dma_start3A_258 : memref<64x128xf32, #tpu.memory_space<vmem>>) offsets(%dma_start3A_261 : memref<64xi32, #tpu.memory_space<vmem>>) semaphore(%arg10 : memref<!tpu.dma_semaphore, #tpu.memory_space<semaphore_mem>>)
    %dma_start3A_269 = arith.constant 0 : i32
    %dma_start3A_270 = arith.constant 0 : i32
    %dma_start3A_271 = arith.constant 64 : i32
    %dma_start3A_272 = arith.constant 0 : i32
    %dma_start3A_273 = tpu.memref_slice %arg7[%dma_start3A_271, %dma_start3A_272] : memref<128x128xf32, #tpu.memory_space<vmem>> -> memref<64x128xf32, #tpu.memory_space<vmem>>
    %dma_start3A_274 = arith.constant 64 : i32
    %dma_start3A_275 = tpu.memref_slice %arg5[%dma_start3A_270, %dma_start3A_274] : memref<40x128xi32, #tpu.memory_space<vmem>> -> memref<1x64xi32, #tpu.memory_space<vmem>>
    %dma_start3A_276 = tpu.memref_squeeze %dma_start3A_275 : memref<1x64xi32, #tpu.memory_space<vmem>> -> memref<64xi32, #tpu.memory_space<vmem>>
    %dma_start3A_277 = arith.constant 0 : i32
    %dma_start3A_278 = arith.constant 0 : i32
    %dma_start3A_279 = tpu.memref_slice %arg4[%arg0, %dma_start3A_269, %dma_start3A_277, %dma_start3A_278] : memref<2x2x10240x128xf32, #tpu.memory_space<hbm>> -> memref<1x1x10240x128xf32, #tpu.memory_space<hbm>>
    %dma_start3A_280 = tpu.memref_squeeze %dma_start3A_279 : memref<1x1x10240x128xf32, #tpu.memory_space<hbm>> -> memref<10240x128xf32, #tpu.memory_space<hbm>>
    %dma_start3A_281 = arith.constant 0 : i32
    %dma_start3A_282 = arith.constant 0 : i32
    %dma_start3A_283 = tpu.memref_slice %dma_start3A_280[%dma_start3A_281, %dma_start3A_282] : memref<10240x128xf32, #tpu.memory_space<hbm>> -> memref<10240x128xf32, #tpu.memory_space<hbm>>
    tpu.enqueue_indirect_dma source(%dma_start3A_283 : memref<10240x128xf32, #tpu.memory_space<hbm>>) target(%dma_start3A_273 : memref<64x128xf32, #tpu.memory_space<vmem>>) offsets(%dma_start3A_276 : memref<64xi32, #tpu.memory_space<vmem>>) semaphore(%arg11 : memref<!tpu.dma_semaphore, #tpu.memory_space<semaphore_mem>>)
    %scan3A_284 = arith.constant 0 : i32
    %scan3A_285 = arith.constant 0 : i32
    %scan3A_286 = arith.constant 0 : i32
    %scan3A_287 = arith.constant 20 : i32
    %scan3A_288 = arith.addi %scan3A_286, %scan3A_287 : i32
    %scan3A_289 = arith.constant 1 : i32
    scf.for %scan3A_308 = %scan3A_286 to %scan3A_288 step %scan3A_289  : i32 {
      %mul3A_309 = arith.constant 2 : i32
      %mul3A_310 = arith.muli %mul3A_309, %scan3A_308 : i32
      %dma_wait3A = arith.constant 0 : i32
      %dma_wait3A_311 = arith.constant 0 : i32
      %dma_wait3A_312 = tpu.memref_slice %arg7[%dma_wait3A, %dma_wait3A_311] : memref<128x128xf32, #tpu.memory_space<vmem>> -> memref<64x128xf32, #tpu.memory_space<vmem>>
      %dma_wait3A_313 = arith.constant 0 : i32
      %dma_wait3A_314 = tpu.memref_slice %arg5[%mul3A_310, %dma_wait3A_313] : memref<40x128xi32, #tpu.memory_space<vmem>> -> memref<1x64xi32, #tpu.memory_space<vmem>>
      %dma_wait3A_315 = tpu.memref_squeeze %dma_wait3A_314 : memref<1x64xi32, #tpu.memory_space<vmem>> -> memref<64xi32, #tpu.memory_space<vmem>>
      %dma_wait3A_316 = arith.constant 0 : i32
      %dma_wait3A_317 = arith.constant 0 : i32
      %dma_wait3A_318 = tpu.memref_slice %arg4[%arg0, %scan3A_285, %dma_wait3A_316, %dma_wait3A_317] : memref<2x2x10240x128xf32, #tpu.memory_space<hbm>> -> memref<1x1x10240x128xf32, #tpu.memory_space<hbm>>
      %dma_wait3A_319 = tpu.memref_squeeze %dma_wait3A_318 : memref<1x1x10240x128xf32, #tpu.memory_space<hbm>> -> memref<10240x128xf32, #tpu.memory_space<hbm>>
      %dma_wait3A_320 = arith.constant 0 : i32
      %dma_wait3A_321 = arith.constant 0 : i32
      %dma_wait3A_322 = tpu.memref_slice %dma_wait3A_319[%dma_wait3A_320, %dma_wait3A_321] : memref<10240x128xf32, #tpu.memory_space<hbm>> -> memref<10240x128xf32, #tpu.memory_space<hbm>>
      tpu.wait_indirect_dma semaphore(%arg10 : memref<!tpu.dma_semaphore, #tpu.memory_space<semaphore_mem>>) src(%dma_wait3A_322 : memref<10240x128xf32, #tpu.memory_space<hbm>>) dst(%dma_wait3A_312 : memref<64x128xf32, #tpu.memory_space<vmem>>)
      %dma_wait3A_323 = arith.constant 64 : i32
      %dma_wait3A_324 = arith.constant 0 : i32
      %dma_wait3A_325 = tpu.memref_slice %arg7[%dma_wait3A_323, %dma_wait3A_324] : memref<128x128xf32, #tpu.memory_space<vmem>> -> memref<64x128xf32, #tpu.memory_space<vmem>>
      %dma_wait3A_326 = arith.constant 64 : i32
      %dma_wait3A_327 = tpu.memref_slice %arg5[%mul3A_310, %dma_wait3A_326] : memref<40x128xi32, #tpu.memory_space<vmem>> -> memref<1x64xi32, #tpu.memory_space<vmem>>
      %dma_wait3A_328 = tpu.memref_squeeze %dma_wait3A_327 : memref<1x64xi32, #tpu.memory_space<vmem>> -> memref<64xi32, #tpu.memory_space<vmem>>
      %dma_wait3A_329 = arith.constant 0 : i32
      %dma_wait3A_330 = arith.constant 0 : i32
      %dma_wait3A_331 = tpu.memref_slice %arg4[%arg0, %scan3A_285, %dma_wait3A_329, %dma_wait3A_330] : memref<2x2x10240x128xf32, #tpu.memory_space<hbm>> -> memref<1x1x10240x128xf32, #tpu.memory_space<hbm>>
      %dma_wait3A_332 = tpu.memref_squeeze %dma_wait3A_331 : memref<1x1x10240x128xf32, #tpu.memory_space<hbm>> -> memref<10240x128xf32, #tpu.memory_space<hbm>>
      %dma_wait3A_333 = arith.constant 0 : i32
      %dma_wait3A_334 = arith.constant 0 : i32
      %dma_wait3A_335 = tpu.memref_slice %dma_wait3A_332[%dma_wait3A_333, %dma_wait3A_334] : memref<10240x128xf32, #tpu.memory_space<hbm>> -> memref<10240x128xf32, #tpu.memory_space<hbm>>
      tpu.wait_indirect_dma semaphore(%arg11 : memref<!tpu.dma_semaphore, #tpu.memory_space<semaphore_mem>>) src(%dma_wait3A_335 : memref<10240x128xf32, #tpu.memory_space<hbm>>) dst(%dma_wait3A_325 : memref<64x128xf32, #tpu.memory_space<vmem>>)
      %add3A_336 = arith.constant 1 : i32
      %add3A_337 = arith.addi %mul3A_310, %add3A_336 : i32
      %dma_start3A_338 = arith.constant 0 : i32
      %dma_start3A_339 = arith.constant 0 : i32
      %dma_start3A_340 = tpu.memref_slice %arg8[%dma_start3A_338, %dma_start3A_339] : memref<128x128xf32, #tpu.memory_space<vmem>> -> memref<64x128xf32, #tpu.memory_space<vmem>>
      %dma_start3A_341 = arith.constant 0 : i32
      %dma_start3A_342 = tpu.memref_slice %arg5[%add3A_337, %dma_start3A_341] : memref<40x128xi32, #tpu.memory_space<vmem>> -> memref<1x64xi32, #tpu.memory_space<vmem>>
      %dma_start3A_343 = tpu.memref_squeeze %dma_start3A_342 : memref<1x64xi32, #tpu.memory_space<vmem>> -> memref<64xi32, #tpu.memory_space<vmem>>
      %dma_start3A_344 = arith.constant 0 : i32
      %dma_start3A_345 = arith.constant 0 : i32
      %dma_start3A_346 = tpu.memref_slice %arg4[%arg0, %scan3A_285, %dma_start3A_344, %dma_start3A_345] : memref<2x2x10240x128xf32, #tpu.memory_space<hbm>> -> memref<1x1x10240x128xf32, #tpu.memory_space<hbm>>
      %dma_start3A_347 = tpu.memref_squeeze %dma_start3A_346 : memref<1x1x10240x128xf32, #tpu.memory_space<hbm>> -> memref<10240x128xf32, #tpu.memory_space<hbm>>
      %dma_start3A_348 = arith.constant 0 : i32
      %dma_start3A_349 = arith.constant 0 : i32
      %dma_start3A_350 = tpu.memref_slice %dma_start3A_347[%dma_start3A_348, %dma_start3A_349] : memref<10240x128xf32, #tpu.memory_space<hbm>> -> memref<10240x128xf32, #tpu.memory_space<hbm>>
      tpu.enqueue_indirect_dma source(%dma_start3A_350 : memref<10240x128xf32, #tpu.memory_space<hbm>>) target(%dma_start3A_340 : memref<64x128xf32, #tpu.memory_space<vmem>>) offsets(%dma_start3A_343 : memref<64xi32, #tpu.memory_space<vmem>>) semaphore(%arg12 : memref<!tpu.dma_semaphore, #tpu.memory_space<semaphore_mem>>)
      %dma_start3A_351 = arith.constant 64 : i32
      %dma_start3A_352 = arith.constant 0 : i32
      %dma_start3A_353 = tpu.memref_slice %arg8[%dma_start3A_351, %dma_start3A_352] : memref<128x128xf32, #tpu.memory_space<vmem>> -> memref<64x128xf32, #tpu.memory_space<vmem>>
      %dma_start3A_354 = arith.constant 64 : i32
      %dma_start3A_355 = tpu.memref_slice %arg5[%add3A_337, %dma_start3A_354] : memref<40x128xi32, #tpu.memory_space<vmem>> -> memref<1x64xi32, #tpu.memory_space<vmem>>
      %dma_start3A_356 = tpu.memref_squeeze %dma_start3A_355 : memref<1x64xi32, #tpu.memory_space<vmem>> -> memref<64xi32, #tpu.memory_space<vmem>>
      %dma_start3A_357 = arith.constant 0 : i32
      %dma_start3A_358 = arith.constant 0 : i32
      %dma_start3A_359 = tpu.memref_slice %arg4[%arg0, %scan3A_285, %dma_start3A_357, %dma_start3A_358] : memref<2x2x10240x128xf32, #tpu.memory_space<hbm>> -> memref<1x1x10240x128xf32, #tpu.memory_space<hbm>>
      %dma_start3A_360 = tpu.memref_squeeze %dma_start3A_359 : memref<1x1x10240x128xf32, #tpu.memory_space<hbm>> -> memref<10240x128xf32, #tpu.memory_space<hbm>>
      %dma_start3A_361 = arith.constant 0 : i32
      %dma_start3A_362 = arith.constant 0 : i32
      %dma_start3A_363 = tpu.memref_slice %dma_start3A_360[%dma_start3A_361, %dma_start3A_362] : memref<10240x128xf32, #tpu.memory_space<hbm>> -> memref<10240x128xf32, #tpu.memory_space<hbm>>
      tpu.enqueue_indirect_dma source(%dma_start3A_363 : memref<10240x128xf32, #tpu.memory_space<hbm>>) target(%dma_start3A_353 : memref<64x128xf32, #tpu.memory_space<vmem>>) offsets(%dma_start3A_356 : memref<64xi32, #tpu.memory_space<vmem>>) semaphore(%arg13 : memref<!tpu.dma_semaphore, #tpu.memory_space<semaphore_mem>>)
      "tpu.region"() ({
        %run_scoped3A_396 = tpu.sem_alloc : memref<!tpu.dma_semaphore, #tpu.memory_space<semaphore_mem>>
        %dma_start3A_397 = arith.constant 0 : i32
        %dma_start3A_398 = tpu.memref_slice %arg6[%mul3A_310, %dma_start3A_397] : memref<40x128xi32, #tpu.memory_space<vmem>> -> memref<1x128xi32, #tpu.memory_space<vmem>>
        %dma_start3A_399 = tpu.memref_squeeze %dma_start3A_398 : memref<1x128xi32, #tpu.memory_space<vmem>> -> memref<128xi32, #tpu.memory_space<vmem>>
        %dma_start3A_400 = arith.constant 0 : i32
        %dma_start3A_401 = arith.constant 0 : i32
        %dma_start3A_402 = tpu.memref_slice %arg9[%dma_start3A_400, %dma_start3A_401] : memref<10240x128xf32, #tpu.memory_space<vmem_shared>> -> memref<10240x128xf32, #tpu.memory_space<vmem_shared>>
        tpu.enqueue_indirect_dma source(%arg7 : memref<128x128xf32, #tpu.memory_space<vmem>>) target(%dma_start3A_402 : memref<10240x128xf32, #tpu.memory_space<vmem_shared>>) offsets(%dma_start3A_399 : memref<128xi32, #tpu.memory_space<vmem>>) semaphore(%run_scoped3A_396 : memref<!tpu.dma_semaphore, #tpu.memory_space<semaphore_mem>>) {add = true}
        %dma_wait3A_403 = arith.constant 0 : i32
        %dma_wait3A_404 = tpu.memref_slice %arg6[%mul3A_310, %dma_wait3A_403] : memref<40x128xi32, #tpu.memory_space<vmem>> -> memref<1x128xi32, #tpu.memory_space<vmem>>
        %dma_wait3A_405 = tpu.memref_squeeze %dma_wait3A_404 : memref<1x128xi32, #tpu.memory_space<vmem>> -> memref<128xi32, #tpu.memory_space<vmem>>
        %dma_wait3A_406 = arith.constant 0 : i32
        %dma_wait3A_407 = arith.constant 0 : i32
        %dma_wait3A_408 = tpu.memref_slice %arg9[%dma_wait3A_406, %dma_wait3A_407] : memref<10240x128xf32, #tpu.memory_space<vmem_shared>> -> memref<10240x128xf32, #tpu.memory_space<vmem_shared>>
        tpu.wait_indirect_dma semaphore(%run_scoped3A_396 : memref<!tpu.dma_semaphore, #tpu.memory_space<semaphore_mem>>) src(%arg7 : memref<128x128xf32, #tpu.memory_space<vmem>>) dst(%dma_wait3A_408 : memref<10240x128xf32, #tpu.memory_space<vmem_shared>>)
        tpu.yield
      }) : () -> ()
      %add3A_364 = arith.constant 1 : i32
      %add3A_365 = arith.addi %mul3A_310, %add3A_364 : i32
      %dma_wait3A_366 = arith.constant 0 : i32
      %dma_wait3A_367 = arith.constant 0 : i32
      %dma_wait3A_368 = tpu.memref_slice %arg8[%dma_wait3A_366, %dma_wait3A_367] : memref<128x128xf32, #tpu.memory_space<vmem>> -> memref<64x128xf32, #tpu.memory_space<vmem>>
      %dma_wait3A_369 = arith.constant 0 : i32
      %dma_wait3A_370 = tpu.memref_slice %arg5[%add3A_365, %dma_wait3A_369] : memref<40x128xi32, #tpu.memory_space<vmem>> -> memref<1x64xi32, #tpu.memory_space<vmem>>
      %dma_wait3A_371 = tpu.memref_squeeze %dma_wait3A_370 : memref<1x64xi32, #tpu.memory_space<vmem>> -> memref<64xi32, #tpu.memory_space<vmem>>
      %dma_wait3A_372 = arith.constant 0 : i32
      %dma_wait3A_373 = arith.constant 0 : i32
      %dma_wait3A_374 = tpu.memref_slice %arg4[%arg0, %scan3A_285, %dma_wait3A_372, %dma_wait3A_373] : memref<2x2x10240x128xf32, #tpu.memory_space<hbm>> -> memref<1x1x10240x128xf32, #tpu.memory_space<hbm>>
      %dma_wait3A_375 = tpu.memref_squeeze %dma_wait3A_374 : memref<1x1x10240x128xf32, #tpu.memory_space<hbm>> -> memref<10240x128xf32, #tpu.memory_space<hbm>>
      %dma_wait3A_376 = arith.constant 0 : i32
      %dma_wait3A_377 = arith.constant 0 : i32
      %dma_wait3A_378 = tpu.memref_slice %dma_wait3A_375[%dma_wait3A_376, %dma_wait3A_377] : memref<10240x128xf32, #tpu.memory_space<hbm>> -> memref<10240x128xf32, #tpu.memory_space<hbm>>
      tpu.wait_indirect_dma semaphore(%arg12 : memref<!tpu.dma_semaphore, #tpu.memory_space<semaphore_mem>>) src(%dma_wait3A_378 : memref<10240x128xf32, #tpu.memory_space<hbm>>) dst(%dma_wait3A_368 : memref<64x128xf32, #tpu.memory_space<vmem>>)
      %dma_wait3A_379 = arith.constant 64 : i32
      %dma_wait3A_380 = arith.constant 0 : i32
      %dma_wait3A_381 = tpu.memref_slice %arg8[%dma_wait3A_379, %dma_wait3A_380] : memref<128x128xf32, #tpu.memory_space<vmem>> -> memref<64x128xf32, #tpu.memory_space<vmem>>
      %dma_wait3A_382 = arith.constant 64 : i32
      %dma_wait3A_383 = tpu.memref_slice %arg5[%add3A_365, %dma_wait3A_382] : memref<40x128xi32, #tpu.memory_space<vmem>> -> memref<1x64xi32, #tpu.memory_space<vmem>>
      %dma_wait3A_384 = tpu.memref_squeeze %dma_wait3A_383 : memref<1x64xi32, #tpu.memory_space<vmem>> -> memref<64xi32, #tpu.memory_space<vmem>>
      %dma_wait3A_385 = arith.constant 0 : i32
      %dma_wait3A_386 = arith.constant 0 : i32
      %dma_wait3A_387 = tpu.memref_slice %arg4[%arg0, %scan3A_285, %dma_wait3A_385, %dma_wait3A_386] : memref<2x2x10240x128xf32, #tpu.memory_space<hbm>> -> memref<1x1x10240x128xf32, #tpu.memory_space<hbm>>
      %dma_wait3A_388 = tpu.memref_squeeze %dma_wait3A_387 : memref<1x1x10240x128xf32, #tpu.memory_space<hbm>> -> memref<10240x128xf32, #tpu.memory_space<hbm>>
      %dma_wait3A_389 = arith.constant 0 : i32
      %dma_wait3A_390 = arith.constant 0 : i32
      %dma_wait3A_391 = tpu.memref_slice %dma_wait3A_388[%dma_wait3A_389, %dma_wait3A_390] : memref<10240x128xf32, #tpu.memory_space<hbm>> -> memref<10240x128xf32, #tpu.memory_space<hbm>>
      tpu.wait_indirect_dma semaphore(%arg13 : memref<!tpu.dma_semaphore, #tpu.memory_space<semaphore_mem>>) src(%dma_wait3A_391 : memref<10240x128xf32, #tpu.memory_space<hbm>>) dst(%dma_wait3A_381 : memref<64x128xf32, #tpu.memory_space<vmem>>)
      %lt3A = arith.constant 19 : i32
      %lt3A_392 = arith.cmpi slt, %scan3A_308, %lt3A : i32
      %convert_element_type3A = arith.extui %lt3A_392 : i1 to i32
      %cond3A = arith.constant 0 : i32
      %cond3A_393 = arith.cmpi ne, %convert_element_type3A, %cond3A : i32
      scf.if %cond3A_393 {
        %add3A_396 = arith.constant 2 : i32
        %add3A_397 = arith.addi %mul3A_310, %add3A_396 : i32
        %dma_start3A_398 = arith.constant 0 : i32
        %dma_start3A_399 = arith.constant 0 : i32
        %dma_start3A_400 = tpu.memref_slice %arg7[%dma_start3A_398, %dma_start3A_399] : memref<128x128xf32, #tpu.memory_space<vmem>> -> memref<64x128xf32, #tpu.memory_space<vmem>>
        %dma_start3A_401 = arith.constant 0 : i32
        %dma_start3A_402 = tpu.memref_slice %arg5[%add3A_397, %dma_start3A_401] : memref<40x128xi32, #tpu.memory_space<vmem>> -> memref<1x64xi32, #tpu.memory_space<vmem>>
        %dma_start3A_403 = tpu.memref_squeeze %dma_start3A_402 : memref<1x64xi32, #tpu.memory_space<vmem>> -> memref<64xi32, #tpu.memory_space<vmem>>
        %dma_start3A_404 = arith.constant 0 : i32
        %dma_start3A_405 = arith.constant 0 : i32
        %dma_start3A_406 = tpu.memref_slice %arg4[%arg0, %scan3A_285, %dma_start3A_404, %dma_start3A_405] : memref<2x2x10240x128xf32, #tpu.memory_space<hbm>> -> memref<1x1x10240x128xf32, #tpu.memory_space<hbm>>
        %dma_start3A_407 = tpu.memref_squeeze %dma_start3A_406 : memref<1x1x10240x128xf32, #tpu.memory_space<hbm>> -> memref<10240x128xf32, #tpu.memory_space<hbm>>
        %dma_start3A_408 = arith.constant 0 : i32
        %dma_start3A_409 = arith.constant 0 : i32
        %dma_start3A_410 = tpu.memref_slice %dma_start3A_407[%dma_start3A_408, %dma_start3A_409] : memref<10240x128xf32, #tpu.memory_space<hbm>> -> memref<10240x128xf32, #tpu.memory_space<hbm>>
        tpu.enqueue_indirect_dma source(%dma_start3A_410 : memref<10240x128xf32, #tpu.memory_space<hbm>>) target(%dma_start3A_400 : memref<64x128xf32, #tpu.memory_space<vmem>>) offsets(%dma_start3A_403 : memref<64xi32, #tpu.memory_space<vmem>>) semaphore(%arg10 : memref<!tpu.dma_semaphore, #tpu.memory_space<semaphore_mem>>)
        %dma_start3A_411 = arith.constant 64 : i32
        %dma_start3A_412 = arith.constant 0 : i32
        %dma_start3A_413 = tpu.memref_slice %arg7[%dma_start3A_411, %dma_start3A_412] : memref<128x128xf32, #tpu.memory_space<vmem>> -> memref<64x128xf32, #tpu.memory_space<vmem>>
        %dma_start3A_414 = arith.constant 64 : i32
        %dma_start3A_415 = tpu.memref_slice %arg5[%add3A_397, %dma_start3A_414] : memref<40x128xi32, #tpu.memory_space<vmem>> -> memref<1x64xi32, #tpu.memory_space<vmem>>
        %dma_start3A_416 = tpu.memref_squeeze %dma_start3A_415 : memref<1x64xi32, #tpu.memory_space<vmem>> -> memref<64xi32, #tpu.memory_space<vmem>>
        %dma_start3A_417 = arith.constant 0 : i32
        %dma_start3A_418 = arith.constant 0 : i32
        %dma_start3A_419 = tpu.memref_slice %arg4[%arg0, %scan3A_285, %dma_start3A_417, %dma_start3A_418] : memref<2x2x10240x128xf32, #tpu.memory_space<hbm>> -> memref<1x1x10240x128xf32, #tpu.memory_space<hbm>>
        %dma_start3A_420 = tpu.memref_squeeze %dma_start3A_419 : memref<1x1x10240x128xf32, #tpu.memory_space<hbm>> -> memref<10240x128xf32, #tpu.memory_space<hbm>>
        %dma_start3A_421 = arith.constant 0 : i32
        %dma_start3A_422 = arith.constant 0 : i32
        %dma_start3A_423 = tpu.memref_slice %dma_start3A_420[%dma_start3A_421, %dma_start3A_422] : memref<10240x128xf32, #tpu.memory_space<hbm>> -> memref<10240x128xf32, #tpu.memory_space<hbm>>
        tpu.enqueue_indirect_dma source(%dma_start3A_423 : memref<10240x128xf32, #tpu.memory_space<hbm>>) target(%dma_start3A_413 : memref<64x128xf32, #tpu.memory_space<vmem>>) offsets(%dma_start3A_416 : memref<64xi32, #tpu.memory_space<vmem>>) semaphore(%arg11 : memref<!tpu.dma_semaphore, #tpu.memory_space<semaphore_mem>>)
      } else {
      }
      %add3A_394 = arith.constant 1 : i32
      %add3A_395 = arith.addi %mul3A_310, %add3A_394 : i32
      "tpu.region"() ({
        %run_scoped3A_396 = tpu.sem_alloc : memref<!tpu.dma_semaphore, #tpu.memory_space<semaphore_mem>>
        %dma_start3A_397 = arith.constant 0 : i32
        %dma_start3A_398 = tpu.memref_slice %arg6[%add3A_395, %dma_start3A_397] : memref<40x128xi32, #tpu.memory_space<vmem>> -> memref<1x128xi32, #tpu.memory_space<vmem>>
        %dma_start3A_399 = tpu.memref_squeeze %dma_start3A_398 : memref<1x128xi32, #tpu.memory_space<vmem>> -> memref<128xi32, #tpu.memory_space<vmem>>
        %dma_start3A_400 = arith.constant 0 : i32
        %dma_start3A_401 = arith.constant 0 : i32
        %dma_start3A_402 = tpu.memref_slice %arg9[%dma_start3A_400, %dma_start3A_401] : memref<10240x128xf32, #tpu.memory_space<vmem_shared>> -> memref<10240x128xf32, #tpu.memory_space<vmem_shared>>
        tpu.enqueue_indirect_dma source(%arg8 : memref<128x128xf32, #tpu.memory_space<vmem>>) target(%dma_start3A_402 : memref<10240x128xf32, #tpu.memory_space<vmem_shared>>) offsets(%dma_start3A_399 : memref<128xi32, #tpu.memory_space<vmem>>) semaphore(%run_scoped3A_396 : memref<!tpu.dma_semaphore, #tpu.memory_space<semaphore_mem>>) {add = true}
        %dma_wait3A_403 = arith.constant 0 : i32
        %dma_wait3A_404 = tpu.memref_slice %arg6[%add3A_395, %dma_wait3A_403] : memref<40x128xi32, #tpu.memory_space<vmem>> -> memref<1x128xi32, #tpu.memory_space<vmem>>
        %dma_wait3A_405 = tpu.memref_squeeze %dma_wait3A_404 : memref<1x128xi32, #tpu.memory_space<vmem>> -> memref<128xi32, #tpu.memory_space<vmem>>
        %dma_wait3A_406 = arith.constant 0 : i32
        %dma_wait3A_407 = arith.constant 0 : i32
        %dma_wait3A_408 = tpu.memref_slice %arg9[%dma_wait3A_406, %dma_wait3A_407] : memref<10240x128xf32, #tpu.memory_space<vmem_shared>> -> memref<10240x128xf32, #tpu.memory_space<vmem_shared>>
        tpu.wait_indirect_dma semaphore(%run_scoped3A_396 : memref<!tpu.dma_semaphore, #tpu.memory_space<semaphore_mem>>) src(%arg8 : memref<128x128xf32, #tpu.memory_space<vmem>>) dst(%dma_wait3A_408 : memref<10240x128xf32, #tpu.memory_space<vmem_shared>>)
        tpu.yield
      }) : () -> ()
    }
    %scan3A_290 = arith.constant 20 : i32
    %barrier3A_291 = arith.constant 0 : index
    tpu.barrier barrier_id(%barrier3A_291)
    %add3A_292 = arith.constant 0 : i32
    %add3A_293 = arith.addi %mul3A_0, %add3A_292 : i32
    "tpu.region"() ({
      %run_scoped3A_308 = tpu.sem_alloc : memref<!tpu.dma_semaphore, #tpu.memory_space<semaphore_mem>>
      %dma_start3A_309 = arith.constant 0 : i32
      %dma_start3A_310 = tpu.memref_slice %arg9[%add3A_293, %dma_start3A_309] : memref<10240x128xf32, #tpu.memory_space<vmem_shared>> -> memref<128x128xf32, #tpu.memory_space<vmem_shared>>
      %dma_start3A_311 = arith.constant 0 : i32
      %dma_start3A_312 = tpu.memref_slice %arg9[%add3A_293, %dma_start3A_311] : memref<10240x128xf32, #tpu.memory_space<vmem_shared>> -> memref<128x128xf32, #tpu.memory_space<vmem_shared>>
      tpu.enqueue_dma source(%dma_start3A_312 : memref<128x128xf32, #tpu.memory_space<vmem_shared>>) target(%arg7 : memref<128x128xf32, #tpu.memory_space<vmem>>) target_semaphore(%run_scoped3A_308 : memref<!tpu.dma_semaphore, #tpu.memory_space<semaphore_mem>>)
      %dma_wait3A = arith.constant 0 : i32
      %dma_wait3A_313 = tpu.memref_slice %arg9[%add3A_293, %dma_wait3A] : memref<10240x128xf32, #tpu.memory_space<vmem_shared>> -> memref<128x128xf32, #tpu.memory_space<vmem_shared>>
      %dma_wait3A_314 = arith.constant 0 : i32
      %dma_wait3A_315 = tpu.memref_slice %arg9[%add3A_293, %dma_wait3A_314] : memref<10240x128xf32, #tpu.memory_space<vmem_shared>> -> memref<128x128xf32, #tpu.memory_space<vmem_shared>>
      tpu.wait_dma2 semaphore(%run_scoped3A_308 : memref<!tpu.dma_semaphore, #tpu.memory_space<semaphore_mem>>) src(%dma_wait3A_315 : memref<128x128xf32, #tpu.memory_space<vmem_shared>>) dst(%arg7 : memref<128x128xf32, #tpu.memory_space<vmem>>)
      tpu.yield
    }) : () -> ()
    %run_scoped3A_294 = arith.constant 1 : i32
    "tpu.region"() ({
      %run_scoped3A_308 = tpu.sem_alloc : memref<!tpu.dma_semaphore, #tpu.memory_space<semaphore_mem>>
      %dma_start3A_309 = arith.constant 0 : i32
      %dma_start3A_310 = tpu.memref_slice %arg4[%arg0, %run_scoped3A_294, %add3A_293, %dma_start3A_309] : memref<2x2x10240x128xf32, #tpu.memory_space<hbm>> -> memref<1x1x128x128xf32, #tpu.memory_space<hbm>>
      %dma_start3A_311 = tpu.memref_squeeze %dma_start3A_310 : memref<1x1x128x128xf32, #tpu.memory_space<hbm>> -> memref<128x128xf32, #tpu.memory_space<hbm>>
      %dma_start3A_312 = arith.constant 0 : i32
      %dma_start3A_313 = tpu.memref_slice %arg4[%arg0, %run_scoped3A_294, %add3A_293, %dma_start3A_312] : memref<2x2x10240x128xf32, #tpu.memory_space<hbm>> -> memref<1x1x128x128xf32, #tpu.memory_space<hbm>>
      %dma_start3A_314 = tpu.memref_squeeze %dma_start3A_313 : memref<1x1x128x128xf32, #tpu.memory_space<hbm>> -> memref<128x128xf32, #tpu.memory_space<hbm>>
      tpu.enqueue_dma source(%arg7 : memref<128x128xf32, #tpu.memory_space<vmem>>) target(%dma_start3A_314 : memref<128x128xf32, #tpu.memory_space<hbm>>) target_semaphore(%run_scoped3A_308 : memref<!tpu.dma_semaphore, #tpu.memory_space<semaphore_mem>>)
      %dma_wait3A = arith.constant 0 : i32
      %dma_wait3A_315 = tpu.memref_slice %arg4[%arg0, %run_scoped3A_294, %add3A_293, %dma_wait3A] : memref<2x2x10240x128xf32, #tpu.memory_space<hbm>> -> memref<1x1x128x128xf32, #tpu.memory_space<hbm>>
      %dma_wait3A_316 = tpu.memref_squeeze %dma_wait3A_315 : memref<1x1x128x128xf32, #tpu.memory_space<hbm>> -> memref<128x128xf32, #tpu.memory_space<hbm>>
      %dma_wait3A_317 = arith.constant 0 : i32
      %dma_wait3A_318 = tpu.memref_slice %arg4[%arg0, %run_scoped3A_294, %add3A_293, %dma_wait3A_317] : memref<2x2x10240x128xf32, #tpu.memory_space<hbm>> -> memref<1x1x128x128xf32, #tpu.memory_space<hbm>>
      %dma_wait3A_319 = tpu.memref_squeeze %dma_wait3A_318 : memref<1x1x128x128xf32, #tpu.memory_space<hbm>> -> memref<128x128xf32, #tpu.memory_space<hbm>>
      tpu.wait_dma2 semaphore(%run_scoped3A_308 : memref<!tpu.dma_semaphore, #tpu.memory_space<semaphore_mem>>) src(%arg7 : memref<128x128xf32, #tpu.memory_space<vmem>>) dst(%dma_wait3A_319 : memref<128x128xf32, #tpu.memory_space<hbm>>)
      tpu.yield
    }) : () -> ()
    %add3A_295 = arith.constant 128 : i32
    %add3A_296 = arith.addi %mul3A_0, %add3A_295 : i32
    "tpu.region"() ({
      %run_scoped3A_308 = tpu.sem_alloc : memref<!tpu.dma_semaphore, #tpu.memory_space<semaphore_mem>>
      %dma_start3A_309 = arith.constant 0 : i32
      %dma_start3A_310 = tpu.memref_slice %arg9[%add3A_296, %dma_start3A_309] : memref<10240x128xf32, #tpu.memory_space<vmem_shared>> -> memref<128x128xf32, #tpu.memory_space<vmem_shared>>
      %dma_start3A_311 = arith.constant 0 : i32
      %dma_start3A_312 = tpu.memref_slice %arg9[%add3A_296, %dma_start3A_311] : memref<10240x128xf32, #tpu.memory_space<vmem_shared>> -> memref<128x128xf32, #tpu.memory_space<vmem_shared>>
      tpu.enqueue_dma source(%dma_start3A_312 : memref<128x128xf32, #tpu.memory_space<vmem_shared>>) target(%arg7 : memref<128x128xf32, #tpu.memory_space<vmem>>) target_semaphore(%run_scoped3A_308 : memref<!tpu.dma_semaphore, #tpu.memory_space<semaphore_mem>>)
      %dma_wait3A = arith.constant 0 : i32
      %dma_wait3A_313 = tpu.memref_slice %arg9[%add3A_296, %dma_wait3A] : memref<10240x128xf32, #tpu.memory_space<vmem_shared>> -> memref<128x128xf32, #tpu.memory_space<vmem_shared>>
      %dma_wait3A_314 = arith.constant 0 : i32
      %dma_wait3A_315 = tpu.memref_slice %arg9[%add3A_296, %dma_wait3A_314] : memref<10240x128xf32, #tpu.memory_space<vmem_shared>> -> memref<128x128xf32, #tpu.memory_space<vmem_shared>>
      tpu.wait_dma2 semaphore(%run_scoped3A_308 : memref<!tpu.dma_semaphore, #tpu.memory_space<semaphore_mem>>) src(%dma_wait3A_315 : memref<128x128xf32, #tpu.memory_space<vmem_shared>>) dst(%arg7 : memref<128x128xf32, #tpu.memory_space<vmem>>)
      tpu.yield
    }) : () -> ()
    %run_scoped3A_297 = arith.constant 1 : i32
    "tpu.region"() ({
      %run_scoped3A_308 = tpu.sem_alloc : memref<!tpu.dma_semaphore, #tpu.memory_space<semaphore_mem>>
      %dma_start3A_309 = arith.constant 0 : i32
      %dma_start3A_310 = tpu.memref_slice %arg4[%arg0, %run_scoped3A_297, %add3A_296, %dma_start3A_309] : memref<2x2x10240x128xf32, #tpu.memory_space<hbm>> -> memref<1x1x128x128xf32, #tpu.memory_space<hbm>>
      %dma_start3A_311 = tpu.memref_squeeze %dma_start3A_310 : memref<1x1x128x128xf32, #tpu.memory_space<hbm>> -> memref<128x128xf32, #tpu.memory_space<hbm>>
      %dma_start3A_312 = arith.constant 0 : i32
      %dma_start3A_313 = tpu.memref_slice %arg4[%arg0, %run_scoped3A_297, %add3A_296, %dma_start3A_312] : memref<2x2x10240x128xf32, #tpu.memory_space<hbm>> -> memref<1x1x128x128xf32, #tpu.memory_space<hbm>>
      %dma_start3A_314 = tpu.memref_squeeze %dma_start3A_313 : memref<1x1x128x128xf32, #tpu.memory_space<hbm>> -> memref<128x128xf32, #tpu.memory_space<hbm>>
      tpu.enqueue_dma source(%arg7 : memref<128x128xf32, #tpu.memory_space<vmem>>) target(%dma_start3A_314 : memref<128x128xf32, #tpu.memory_space<hbm>>) target_semaphore(%run_scoped3A_308 : memref<!tpu.dma_semaphore, #tpu.memory_space<semaphore_mem>>)
      %dma_wait3A = arith.constant 0 : i32
      %dma_wait3A_315 = tpu.memref_slice %arg4[%arg0, %run_scoped3A_297, %add3A_296, %dma_wait3A] : memref<2x2x10240x128xf32, #tpu.memory_space<hbm>> -> memref<1x1x128x128xf32, #tpu.memory_space<hbm>>
      %dma_wait3A_316 = tpu.memref_squeeze %dma_wait3A_315 : memref<1x1x128x128xf32, #tpu.memory_space<hbm>> -> memref<128x128xf32, #tpu.memory_space<hbm>>
      %dma_wait3A_317 = arith.constant 0 : i32
      %dma_wait3A_318 = tpu.memref_slice %arg4[%arg0, %run_scoped3A_297, %add3A_296, %dma_wait3A_317] : memref<2x2x10240x128xf32, #tpu.memory_space<hbm>> -> memref<1x1x128x128xf32, #tpu.memory_space<hbm>>
      %dma_wait3A_319 = tpu.memref_squeeze %dma_wait3A_318 : memref<1x1x128x128xf32, #tpu.memory_space<hbm>> -> memref<128x128xf32, #tpu.memory_space<hbm>>
      tpu.wait_dma2 semaphore(%run_scoped3A_308 : memref<!tpu.dma_semaphore, #tpu.memory_space<semaphore_mem>>) src(%arg7 : memref<128x128xf32, #tpu.memory_space<vmem>>) dst(%dma_wait3A_319 : memref<128x128xf32, #tpu.memory_space<hbm>>)
      tpu.yield
    }) : () -> ()
    %add3A_298 = arith.constant 256 : i32
    %add3A_299 = arith.addi %mul3A_0, %add3A_298 : i32
    "tpu.region"() ({
      %run_scoped3A_308 = tpu.sem_alloc : memref<!tpu.dma_semaphore, #tpu.memory_space<semaphore_mem>>
      %dma_start3A_309 = arith.constant 0 : i32
      %dma_start3A_310 = tpu.memref_slice %arg9[%add3A_299, %dma_start3A_309] : memref<10240x128xf32, #tpu.memory_space<vmem_shared>> -> memref<128x128xf32, #tpu.memory_space<vmem_shared>>
      %dma_start3A_311 = arith.constant 0 : i32
      %dma_start3A_312 = tpu.memref_slice %arg9[%add3A_299, %dma_start3A_311] : memref<10240x128xf32, #tpu.memory_space<vmem_shared>> -> memref<128x128xf32, #tpu.memory_space<vmem_shared>>
      tpu.enqueue_dma source(%dma_start3A_312 : memref<128x128xf32, #tpu.memory_space<vmem_shared>>) target(%arg7 : memref<128x128xf32, #tpu.memory_space<vmem>>) target_semaphore(%run_scoped3A_308 : memref<!tpu.dma_semaphore, #tpu.memory_space<semaphore_mem>>)
      %dma_wait3A = arith.constant 0 : i32
      %dma_wait3A_313 = tpu.memref_slice %arg9[%add3A_299, %dma_wait3A] : memref<10240x128xf32, #tpu.memory_space<vmem_shared>> -> memref<128x128xf32, #tpu.memory_space<vmem_shared>>
      %dma_wait3A_314 = arith.constant 0 : i32
      %dma_wait3A_315 = tpu.memref_slice %arg9[%add3A_299, %dma_wait3A_314] : memref<10240x128xf32, #tpu.memory_space<vmem_shared>> -> memref<128x128xf32, #tpu.memory_space<vmem_shared>>
      tpu.wait_dma2 semaphore(%run_scoped3A_308 : memref<!tpu.dma_semaphore, #tpu.memory_space<semaphore_mem>>) src(%dma_wait3A_315 : memref<128x128xf32, #tpu.memory_space<vmem_shared>>) dst(%arg7 : memref<128x128xf32, #tpu.memory_space<vmem>>)
      tpu.yield
    }) : () -> ()
    %run_scoped3A_300 = arith.constant 1 : i32
    "tpu.region"() ({
      %run_scoped3A_308 = tpu.sem_alloc : memref<!tpu.dma_semaphore, #tpu.memory_space<semaphore_mem>>
      %dma_start3A_309 = arith.constant 0 : i32
      %dma_start3A_310 = tpu.memref_slice %arg4[%arg0, %run_scoped3A_300, %add3A_299, %dma_start3A_309] : memref<2x2x10240x128xf32, #tpu.memory_space<hbm>> -> memref<1x1x128x128xf32, #tpu.memory_space<hbm>>
      %dma_start3A_311 = tpu.memref_squeeze %dma_start3A_310 : memref<1x1x128x128xf32, #tpu.memory_space<hbm>> -> memref<128x128xf32, #tpu.memory_space<hbm>>
      %dma_start3A_312 = arith.constant 0 : i32
      %dma_start3A_313 = tpu.memref_slice %arg4[%arg0, %run_scoped3A_300, %add3A_299, %dma_start3A_312] : memref<2x2x10240x128xf32, #tpu.memory_space<hbm>> -> memref<1x1x128x128xf32, #tpu.memory_space<hbm>>
      %dma_start3A_314 = tpu.memref_squeeze %dma_start3A_313 : memref<1x1x128x128xf32, #tpu.memory_space<hbm>> -> memref<128x128xf32, #tpu.memory_space<hbm>>
      tpu.enqueue_dma source(%arg7 : memref<128x128xf32, #tpu.memory_space<vmem>>) target(%dma_start3A_314 : memref<128x128xf32, #tpu.memory_space<hbm>>) target_semaphore(%run_scoped3A_308 : memref<!tpu.dma_semaphore, #tpu.memory_space<semaphore_mem>>)
      %dma_wait3A = arith.constant 0 : i32
      %dma_wait3A_315 = tpu.memref_slice %arg4[%arg0, %run_scoped3A_300, %add3A_299, %dma_wait3A] : memref<2x2x10240x128xf32, #tpu.memory_space<hbm>> -> memref<1x1x128x128xf32, #tpu.memory_space<hbm>>
      %dma_wait3A_316 = tpu.memref_squeeze %dma_wait3A_315 : memref<1x1x128x128xf32, #tpu.memory_space<hbm>> -> memref<128x128xf32, #tpu.memory_space<hbm>>
      %dma_wait3A_317 = arith.constant 0 : i32
      %dma_wait3A_318 = tpu.memref_slice %arg4[%arg0, %run_scoped3A_300, %add3A_299, %dma_wait3A_317] : memref<2x2x10240x128xf32, #tpu.memory_space<hbm>> -> memref<1x1x128x128xf32, #tpu.memory_space<hbm>>
      %dma_wait3A_319 = tpu.memref_squeeze %dma_wait3A_318 : memref<1x1x128x128xf32, #tpu.memory_space<hbm>> -> memref<128x128xf32, #tpu.memory_space<hbm>>
      tpu.wait_dma2 semaphore(%run_scoped3A_308 : memref<!tpu.dma_semaphore, #tpu.memory_space<semaphore_mem>>) src(%arg7 : memref<128x128xf32, #tpu.memory_space<vmem>>) dst(%dma_wait3A_319 : memref<128x128xf32, #tpu.memory_space<hbm>>)
      tpu.yield
    }) : () -> ()
    %add3A_301 = arith.constant 384 : i32
    %add3A_302 = arith.addi %mul3A_0, %add3A_301 : i32
    "tpu.region"() ({
      %run_scoped3A_308 = tpu.sem_alloc : memref<!tpu.dma_semaphore, #tpu.memory_space<semaphore_mem>>
      %dma_start3A_309 = arith.constant 0 : i32
      %dma_start3A_310 = tpu.memref_slice %arg9[%add3A_302, %dma_start3A_309] : memref<10240x128xf32, #tpu.memory_space<vmem_shared>> -> memref<128x128xf32, #tpu.memory_space<vmem_shared>>
      %dma_start3A_311 = arith.constant 0 : i32
      %dma_start3A_312 = tpu.memref_slice %arg9[%add3A_302, %dma_start3A_311] : memref<10240x128xf32, #tpu.memory_space<vmem_shared>> -> memref<128x128xf32, #tpu.memory_space<vmem_shared>>
      tpu.enqueue_dma source(%dma_start3A_312 : memref<128x128xf32, #tpu.memory_space<vmem_shared>>) target(%arg7 : memref<128x128xf32, #tpu.memory_space<vmem>>) target_semaphore(%run_scoped3A_308 : memref<!tpu.dma_semaphore, #tpu.memory_space<semaphore_mem>>)
      %dma_wait3A = arith.constant 0 : i32
      %dma_wait3A_313 = tpu.memref_slice %arg9[%add3A_302, %dma_wait3A] : memref<10240x128xf32, #tpu.memory_space<vmem_shared>> -> memref<128x128xf32, #tpu.memory_space<vmem_shared>>
      %dma_wait3A_314 = arith.constant 0 : i32
      %dma_wait3A_315 = tpu.memref_slice %arg9[%add3A_302, %dma_wait3A_314] : memref<10240x128xf32, #tpu.memory_space<vmem_shared>> -> memref<128x128xf32, #tpu.memory_space<vmem_shared>>
      tpu.wait_dma2 semaphore(%run_scoped3A_308 : memref<!tpu.dma_semaphore, #tpu.memory_space<semaphore_mem>>) src(%dma_wait3A_315 : memref<128x128xf32, #tpu.memory_space<vmem_shared>>) dst(%arg7 : memref<128x128xf32, #tpu.memory_space<vmem>>)
      tpu.yield
    }) : () -> ()
    %run_scoped3A_303 = arith.constant 1 : i32
    "tpu.region"() ({
      %run_scoped3A_308 = tpu.sem_alloc : memref<!tpu.dma_semaphore, #tpu.memory_space<semaphore_mem>>
      %dma_start3A_309 = arith.constant 0 : i32
      %dma_start3A_310 = tpu.memref_slice %arg4[%arg0, %run_scoped3A_303, %add3A_302, %dma_start3A_309] : memref<2x2x10240x128xf32, #tpu.memory_space<hbm>> -> memref<1x1x128x128xf32, #tpu.memory_space<hbm>>
      %dma_start3A_311 = tpu.memref_squeeze %dma_start3A_310 : memref<1x1x128x128xf32, #tpu.memory_space<hbm>> -> memref<128x128xf32, #tpu.memory_space<hbm>>
      %dma_start3A_312 = arith.constant 0 : i32
      %dma_start3A_313 = tpu.memref_slice %arg4[%arg0, %run_scoped3A_303, %add3A_302, %dma_start3A_312] : memref<2x2x10240x128xf32, #tpu.memory_space<hbm>> -> memref<1x1x128x128xf32, #tpu.memory_space<hbm>>
      %dma_start3A_314 = tpu.memref_squeeze %dma_start3A_313 : memref<1x1x128x128xf32, #tpu.memory_space<hbm>> -> memref<128x128xf32, #tpu.memory_space<hbm>>
      tpu.enqueue_dma source(%arg7 : memref<128x128xf32, #tpu.memory_space<vmem>>) target(%dma_start3A_314 : memref<128x128xf32, #tpu.memory_space<hbm>>) target_semaphore(%run_scoped3A_308 : memref<!tpu.dma_semaphore, #tpu.memory_space<semaphore_mem>>)
      %dma_wait3A = arith.constant 0 : i32
      %dma_wait3A_315 = tpu.memref_slice %arg4[%arg0, %run_scoped3A_303, %add3A_302, %dma_wait3A] : memref<2x2x10240x128xf32, #tpu.memory_space<hbm>> -> memref<1x1x128x128xf32, #tpu.memory_space<hbm>>
      %dma_wait3A_316 = tpu.memref_squeeze %dma_wait3A_315 : memref<1x1x128x128xf32, #tpu.memory_space<hbm>> -> memref<128x128xf32, #tpu.memory_space<hbm>>
      %dma_wait3A_317 = arith.constant 0 : i32
      %dma_wait3A_318 = tpu.memref_slice %arg4[%arg0, %run_scoped3A_303, %add3A_302, %dma_wait3A_317] : memref<2x2x10240x128xf32, #tpu.memory_space<hbm>> -> memref<1x1x128x128xf32, #tpu.memory_space<hbm>>
      %dma_wait3A_319 = tpu.memref_squeeze %dma_wait3A_318 : memref<1x1x128x128xf32, #tpu.memory_space<hbm>> -> memref<128x128xf32, #tpu.memory_space<hbm>>
      tpu.wait_dma2 semaphore(%run_scoped3A_308 : memref<!tpu.dma_semaphore, #tpu.memory_space<semaphore_mem>>) src(%arg7 : memref<128x128xf32, #tpu.memory_space<vmem>>) dst(%dma_wait3A_319 : memref<128x128xf32, #tpu.memory_space<hbm>>)
      tpu.yield
    }) : () -> ()
    %add3A_304 = arith.constant 512 : i32
    %add3A_305 = arith.addi %mul3A_0, %add3A_304 : i32
    "tpu.region"() ({
      %run_scoped3A_308 = tpu.sem_alloc : memref<!tpu.dma_semaphore, #tpu.memory_space<semaphore_mem>>
      %dma_start3A_309 = arith.constant 0 : i32
      %dma_start3A_310 = tpu.memref_slice %arg9[%add3A_305, %dma_start3A_309] : memref<10240x128xf32, #tpu.memory_space<vmem_shared>> -> memref<128x128xf32, #tpu.memory_space<vmem_shared>>
      %dma_start3A_311 = arith.constant 0 : i32
      %dma_start3A_312 = tpu.memref_slice %arg9[%add3A_305, %dma_start3A_311] : memref<10240x128xf32, #tpu.memory_space<vmem_shared>> -> memref<128x128xf32, #tpu.memory_space<vmem_shared>>
      tpu.enqueue_dma source(%dma_start3A_312 : memref<128x128xf32, #tpu.memory_space<vmem_shared>>) target(%arg7 : memref<128x128xf32, #tpu.memory_space<vmem>>) target_semaphore(%run_scoped3A_308 : memref<!tpu.dma_semaphore, #tpu.memory_space<semaphore_mem>>)
      %dma_wait3A = arith.constant 0 : i32
      %dma_wait3A_313 = tpu.memref_slice %arg9[%add3A_305, %dma_wait3A] : memref<10240x128xf32, #tpu.memory_space<vmem_shared>> -> memref<128x128xf32, #tpu.memory_space<vmem_shared>>
      %dma_wait3A_314 = arith.constant 0 : i32
      %dma_wait3A_315 = tpu.memref_slice %arg9[%add3A_305, %dma_wait3A_314] : memref<10240x128xf32, #tpu.memory_space<vmem_shared>> -> memref<128x128xf32, #tpu.memory_space<vmem_shared>>
      tpu.wait_dma2 semaphore(%run_scoped3A_308 : memref<!tpu.dma_semaphore, #tpu.memory_space<semaphore_mem>>) src(%dma_wait3A_315 : memref<128x128xf32, #tpu.memory_space<vmem_shared>>) dst(%arg7 : memref<128x128xf32, #tpu.memory_space<vmem>>)
      tpu.yield
    }) : () -> ()
    %run_scoped3A_306 = arith.constant 1 : i32
    "tpu.region"() ({
      %run_scoped3A_308 = tpu.sem_alloc : memref<!tpu.dma_semaphore, #tpu.memory_space<semaphore_mem>>
      %dma_start3A_309 = arith.constant 0 : i32
      %dma_start3A_310 = tpu.memref_slice %arg4[%arg0, %run_scoped3A_306, %add3A_305, %dma_start3A_309] : memref<2x2x10240x128xf32, #tpu.memory_space<hbm>> -> memref<1x1x128x128xf32, #tpu.memory_space<hbm>>
      %dma_start3A_311 = tpu.memref_squeeze %dma_start3A_310 : memref<1x1x128x128xf32, #tpu.memory_space<hbm>> -> memref<128x128xf32, #tpu.memory_space<hbm>>
      %dma_start3A_312 = arith.constant 0 : i32
      %dma_start3A_313 = tpu.memref_slice %arg4[%arg0, %run_scoped3A_306, %add3A_305, %dma_start3A_312] : memref<2x2x10240x128xf32, #tpu.memory_space<hbm>> -> memref<1x1x128x128xf32, #tpu.memory_space<hbm>>
      %dma_start3A_314 = tpu.memref_squeeze %dma_start3A_313 : memref<1x1x128x128xf32, #tpu.memory_space<hbm>> -> memref<128x128xf32, #tpu.memory_space<hbm>>
      tpu.enqueue_dma source(%arg7 : memref<128x128xf32, #tpu.memory_space<vmem>>) target(%dma_start3A_314 : memref<128x128xf32, #tpu.memory_space<hbm>>) target_semaphore(%run_scoped3A_308 : memref<!tpu.dma_semaphore, #tpu.memory_space<semaphore_mem>>)
      %dma_wait3A = arith.constant 0 : i32
      %dma_wait3A_315 = tpu.memref_slice %arg4[%arg0, %run_scoped3A_306, %add3A_305, %dma_wait3A] : memref<2x2x10240x128xf32, #tpu.memory_space<hbm>> -> memref<1x1x128x128xf32, #tpu.memory_space<hbm>>
      %dma_wait3A_316 = tpu.memref_squeeze %dma_wait3A_315 : memref<1x1x128x128xf32, #tpu.memory_space<hbm>> -> memref<128x128xf32, #tpu.memory_space<hbm>>
      %dma_wait3A_317 = arith.constant 0 : i32
      %dma_wait3A_318 = tpu.memref_slice %arg4[%arg0, %run_scoped3A_306, %add3A_305, %dma_wait3A_317] : memref<2x2x10240x128xf32, #tpu.memory_space<hbm>> -> memref<1x1x128x128xf32, #tpu.memory_space<hbm>>
      %dma_wait3A_319 = tpu.memref_squeeze %dma_wait3A_318 : memref<1x1x128x128xf32, #tpu.memory_space<hbm>> -> memref<128x128xf32, #tpu.memory_space<hbm>>
      tpu.wait_dma2 semaphore(%run_scoped3A_308 : memref<!tpu.dma_semaphore, #tpu.memory_space<semaphore_mem>>) src(%arg7 : memref<128x128xf32, #tpu.memory_space<vmem>>) dst(%dma_wait3A_319 : memref<128x128xf32, #tpu.memory_space<hbm>>)
      tpu.yield
    }) : () -> ()
    %barrier3A_307 = arith.constant 0 : index
    tpu.barrier barrier_id(%barrier3A_307)
    return
  }
}

module attributes {stable_mosaic.version = 14 : i64} {
  func.func @_mlp_body(%arg0: i32, %arg1: memref<2000x128xf32, #tpu.memory_space<vmem>>, %arg2: memref<2x2x2000x128xf32, #tpu.memory_space<vmem>>, %arg3: memref<768x512xf32, #tpu.memory_space<vmem>>, %arg4: memref<1x512xf32, #tpu.memory_space<vmem>>, %arg5: memref<512x128xf32, #tpu.memory_space<vmem>>, %arg6: memref<1x128xf32, #tpu.memory_space<vmem>>, %arg7: memref<2000x128xf32, #tpu.memory_space<vmem>>) attributes {dimension_semantics = [#tpu.dimension_semantics<arbitrary>], iteration_bounds = array<i64: 5>, scalar_prefetch = 0 : i64, scratch_operands = 0 : i64, tpu.core_type = #tpu.core_type<tc>, window_params = [{transform_indices = @transform_0, window_bounds = array<i64: 2000, 128>}, {transform_indices = @transform_1, window_bounds = array<i64: 2, 2, 2000, 128>}, {pipeline_mode = #tpu.pipeline_mode<synchronous>, transform_indices = @transform_2, window_bounds = array<i64: 768, 512>}, {pipeline_mode = #tpu.pipeline_mode<synchronous>, transform_indices = @transform_3, window_bounds = array<i64: 1, 512>}, {pipeline_mode = #tpu.pipeline_mode<synchronous>, transform_indices = @transform_4, window_bounds = array<i64: 512, 128>}, {pipeline_mode = #tpu.pipeline_mode<synchronous>, transform_indices = @transform_5, window_bounds = array<i64: 1, 128>}, {transform_indices = @transform_6, window_bounds = array<i64: 2000, 128>}]} {
    %get3A = arith.constant 0 : index
    %get3A_0 = arith.constant 0 : index
    %get3A_1 = vector.load %arg1[%get3A, %get3A_0] : memref<2000x128xf32, #tpu.memory_space<vmem>>, vector<2000x128xf32>
    %get3A_2 = arith.constant 0 : index
    %get3A_3 = arith.constant 0 : index
    %get3A_4 = arith.constant 0 : index
    %get3A_5 = arith.constant 0 : index
    %get3A_6 = vector.load %arg2[%get3A_2, %get3A_3, %get3A_4, %get3A_5] : memref<2x2x2000x128xf32, #tpu.memory_space<vmem>>, vector<1x1x2000x128xf32>
    %get3A_7 = vector.shape_cast %get3A_6 : vector<1x1x2000x128xf32> to vector<2000x128xf32>
    %get3A_8 = arith.constant 0 : index
    %get3A_9 = arith.constant 1 : index
    %get3A_10 = arith.constant 0 : index
    %get3A_11 = arith.constant 0 : index
    %get3A_12 = vector.load %arg2[%get3A_8, %get3A_9, %get3A_10, %get3A_11] : memref<2x2x2000x128xf32, #tpu.memory_space<vmem>>, vector<1x1x2000x128xf32>
    %get3A_13 = vector.shape_cast %get3A_12 : vector<1x1x2000x128xf32> to vector<2000x128xf32>
    %get3A_14 = arith.constant 1 : index
    %get3A_15 = arith.constant 0 : index
    %get3A_16 = arith.constant 0 : index
    %get3A_17 = arith.constant 0 : index
    %get3A_18 = vector.load %arg2[%get3A_14, %get3A_15, %get3A_16, %get3A_17] : memref<2x2x2000x128xf32, #tpu.memory_space<vmem>>, vector<1x1x2000x128xf32>
    %get3A_19 = vector.shape_cast %get3A_18 : vector<1x1x2000x128xf32> to vector<2000x128xf32>
    %get3A_20 = arith.constant 1 : index
    %get3A_21 = arith.constant 1 : index
    %get3A_22 = arith.constant 0 : index
    %get3A_23 = arith.constant 0 : index
    %get3A_24 = vector.load %arg2[%get3A_20, %get3A_21, %get3A_22, %get3A_23] : memref<2x2x2000x128xf32, #tpu.memory_space<vmem>>, vector<1x1x2000x128xf32>
    %get3A_25 = vector.shape_cast %get3A_24 : vector<1x1x2000x128xf32> to vector<2000x128xf32>
    %concatenate3A = tpu.concatenate %get3A_1, %get3A_7, %get3A_13, %get3A_1, %get3A_19, %get3A_25 in 1 : vector<2000x128xf32>, vector<2000x128xf32>, vector<2000x128xf32>, vector<2000x128xf32>, vector<2000x128xf32>, vector<2000x128xf32> -> vector<2000x768xf32>
    %get3A_26 = arith.constant 0 : index
    %get3A_27 = arith.constant 0 : index
    %get3A_28 = vector.load %arg3[%get3A_26, %get3A_27] : memref<768x512xf32, #tpu.memory_space<vmem>>, vector<768x512xf32>
    %dot_general3A = arith.constant dense<0.000000e+00> : vector<2000x512xf32>
    %dot_general3A_29 = tpu.matmul %concatenate3A, %get3A_28, %dot_general3A {dimension_numbers = #tpu.dot_dimension_numbers<[1], [0], [0], [1], [0, 0, 1, 1], [], []>, transpose_lhs_hint = false} : vector<2000x768xf32>, vector<768x512xf32>, vector<2000x512xf32> -> vector<2000x512xf32>
    %get3A_30 = arith.constant 0 : index
    %get3A_31 = arith.constant 0 : index
    %get3A_32 = vector.load %arg4[%get3A_30, %get3A_31] : memref<1x512xf32, #tpu.memory_space<vmem>>, vector<1x512xf32>
    %add3A = vector.broadcast %get3A_32 : vector<1x512xf32> to vector<2000x512xf32>
    %add3A_33 = arith.addf %dot_general3A_29, %add3A : vector<2000x512xf32>
    %max3A = arith.constant 0.000000e+00 : f32
    %max3A_34 = vector.broadcast %max3A : f32 to vector<2000x512xf32>
    %max3A_35 = arith.maximumf %add3A_33, %max3A_34 : vector<2000x512xf32>
    %get3A_36 = arith.constant 0 : index
    %get3A_37 = arith.constant 0 : index
    %get3A_38 = vector.load %arg5[%get3A_36, %get3A_37] : memref<512x128xf32, #tpu.memory_space<vmem>>, vector<512x128xf32>
    %dot_general3A_39 = arith.constant dense<0.000000e+00> : vector<2000x128xf32>
    %dot_general3A_40 = tpu.matmul %max3A_35, %get3A_38, %dot_general3A_39 {dimension_numbers = #tpu.dot_dimension_numbers<[1], [0], [0], [1], [0, 0, 1, 1], [], []>, transpose_lhs_hint = false} : vector<2000x512xf32>, vector<512x128xf32>, vector<2000x128xf32> -> vector<2000x128xf32>
    %get3A_41 = arith.constant 0 : index
    %get3A_42 = arith.constant 0 : index
    %get3A_43 = vector.load %arg6[%get3A_41, %get3A_42] : memref<1x128xf32, #tpu.memory_space<vmem>>, vector<1x128xf32>
    %add3A_44 = vector.broadcast %get3A_43 : vector<1x128xf32> to vector<2000x128xf32>
    %add3A_45 = arith.addf %dot_general3A_40, %add3A_44 : vector<2000x128xf32>
    %swap3A = arith.constant 0 : index
    %swap3A_46 = arith.constant 0 : index
    %swap3A_47 = vector.load %arg7[%swap3A, %swap3A_46] : memref<2000x128xf32, #tpu.memory_space<vmem>>, vector<2000x128xf32>
    tpu.vector_store %arg7[%swap3A, %swap3A_46], %add3A_45 {strides = array<i32>} : memref<2000x128xf32, #tpu.memory_space<vmem>>, vector<2000x128xf32>,
    return
  }
  func.func @transform_0(%arg0: i32) -> (i32, i32) {
    %c0_i32 = arith.constant 0 : i32
    %c0_i32_0 = arith.constant 0 : i32
    return %arg0, %c0_i32 : i32, i32
  }
  func.func @transform_1(%arg0: i32) -> (i32, i32, i32, i32) {
    %c0_i32 = arith.constant 0 : i32
    %c0_i32_0 = arith.constant 0 : i32
    %c0_i32_1 = arith.constant 0 : i32
    %c0_i32_2 = arith.constant 0 : i32
    return %c0_i32, %c0_i32_0, %arg0, %c0_i32_1 : i32, i32, i32, i32
  }
  func.func @transform_2(%arg0: i32) -> (i32, i32) {
    %c0_i32 = arith.constant 0 : i32
    %c0_i32_0 = arith.constant 0 : i32
    %c0_i32_1 = arith.constant 0 : i32
    return %c0_i32, %c0_i32_0 : i32, i32
  }
  func.func @transform_3(%arg0: i32) -> (i32, i32) {
    %c0_i32 = arith.constant 0 : i32
    %c0_i32_0 = arith.constant 0 : i32
    %c0_i32_1 = arith.constant 0 : i32
    return %c0_i32, %c0_i32_0 : i32, i32
  }
  func.func @transform_4(%arg0: i32) -> (i32, i32) {
    %c0_i32 = arith.constant 0 : i32
    %c0_i32_0 = arith.constant 0 : i32
    %c0_i32_1 = arith.constant 0 : i32
    return %c0_i32, %c0_i32_0 : i32, i32
  }
  func.func @transform_5(%arg0: i32) -> (i32, i32) {
    %c0_i32 = arith.constant 0 : i32
    %c0_i32_0 = arith.constant 0 : i32
    %c0_i32_1 = arith.constant 0 : i32
    return %c0_i32, %c0_i32_0 : i32, i32
  }
  func.func @transform_6(%arg0: i32) -> (i32, i32) {
    %c0_i32 = arith.constant 0 : i32
    %c0_i32_0 = arith.constant 0 : i32
    return %arg0, %c0_i32 : i32, i32
  }
}

</mosaic_0001>

<sc_bundles>
// kernel: kernel.4.cloned.1.call-start
scs
__scs_entry_jumppad:
0x0: {  	(pc) =	sbr.rel $0x88, $3  }
0x1: {  	(tag) =	ssettag $0x0;
	lr =	simm.s32 $0x1  }
0x2: {  	[smem:$0x3F9B] =	sst lr;
	_ =	strace $0xD0000000  }
0x3: {  	_ = 	snop  }
0x4: {  	_ = 	snop  }
0x5: {  	_ = 	snop  }
0x6: {  	_ = 	snop  }
0x7: {  	_ = 	snop  }
__scs_overlays_trampoline_lowered:
0x8: {  	[smem:$0x3FAA] =	sst s0  }
0x9: {  	[smem:$0x3FAB] =	sst s1  }
0xa: {  	[smem:$0x3FAC] =	sst s2  }
0xb: {  	[smem:$0x3FAD] =	sst s3  }
0xc: {  	[smem:$0x3FAE] =	sst s4  }
0xd: {  	[smem:$0x3FAF] =	sst s5  }
0xe: {  	[smem:$0x3FB0] =	sst s6  }
0xf: {  	[smem:$0x3FB1] =	sst s7  }
0x10: {  	[smem:$0x3FB2] =	sst s8  }
0x11: {  	[smem:$0x3FB3] =	sst s9;
	s0 =	simm.s32 @!p0 $0x0  }
0x12: {  	s1 =	sld [smem:$0x3F99];
	s0 =	simm.s32 @p0 $0x1  }
0x13: {  	[smem:$0x3FB4] =	sst s0;
	s0 =	simm.s32 @!p1 $0x0  }
0x14: {  	s2 =	sld [smem:$0x3F98];
	s0 =	simm.s32 @p1 $0x1  }
0x15: {  	[smem:$0x3FB5] =	sst s0;
	s0 =	simm.s32 @!p2 $0x0  }
0x16: {  	s3 =	sld [smem:$0x3FDB];
	s0 =	simm.s32 @p2 $0x1  }
0x17: {  	s4 =	simm.s32 $0x1BF5;
	[smem:$0x3FB7] =	sst s0  }
0x18: {  	s0 =	sld [smem:$0x3F9A];
	_ =	swait.ge [sflag:s4], $0x0  }
0x19: {  	s7 =	sld [smem:$0x3F9B]  }
0x1a: {  	s8 =	sadd.s32 $0xFFFFE003, lr  }
0x1b: {  	s9 =	sadd.s32 $0xFFFFFEF7, lr;
	s5 =	simm.s32 $0xFFFFFFFF;
	p2 =	slt.u32 s8, $0xFFFFF086  }
0x1c: {  	p1 =	slt.u32 s9, $0xF7A;
	s5 =	simm.s32 @!p2 $0x0  }
0x1d: {  	s5 =	simm.s32 @p1 $0x1;
	p0 =	seq.s32 s7, s2  }
0x1e: {  	s7 =	smul.u32 @!p0 $0xF7A, s2;
	p2 =	seq.s32 @!p0 s5, $0x0  }
0x1f: {  	s9 =	smul.u32 $0xF7A, s1;
	s8 =	simm.s32 @!p0 $0x1BF5;
	p2 =	por !p2, p0  }
0x20: {  	[sflag:s8] =	ssyncset.s32 @!p0 $0xFFFFF086;
	s6 =	sadd.s32 @!p0 s3, s7;
	s7 =	simm.s32 @!p0 $0x108  }
0x21: {  	s3 =	sadd.s32 s3, s9;
	s6 =	sadd.s32 @!p0 $0x88, s6;
	s7 =	simm.s32 @p2 $0x1082  }
0x22: {  	[simem:s7], [sflag:s8] =	dma.local @!p0 [hbm:s6], $0xF7A  }
0x23: {  	s9 =	sor.u32 $0xD0000000, s2;
	s6 =	simm.s32 $0x108;
	_ =	swait.ge @!p0 [sflag:s8], $0x0  }
0x24: {  	s3 =	sadd.s32 $0x88, s3;
	s6 =	simm.s32 @!p1 $0x1082;
	[sflag:s4] =	ssyncset.s32 $0xFFFFF086  }
0x25: {  	[simem:s6], [sflag:s4] =	dma.local [hbm:s3], $0xF7A  }
0x26: {  	[smem:$0x3F9B] =	sst s1;
	(tag) =	ssettag s2;
	_ =	strace s9  }
0x27: {  	s1 =	sld [smem:$0x3FAB]  }
0x28: {  	s2 =	sld [smem:$0x3FAC]  }
0x29: {  	s4 =	sld [smem:$0x3FAE]  }
0x2a: {  	p0 =	seq.s32 s5, $0x0;
	s5 =	sld [smem:$0x3FAF]  }
0x2b: {  	s6 =	sld [smem:$0x3FB0]  }
0x2c: {  	s7 =	sld [smem:$0x3FB1]  }
0x2d: {  	s3 =	simm.s32 $0x108;
	s8 =	sld [smem:$0x3FB2]  }
0x2e: {  	s3 =	simm.s32 @!p0 $0x1082;
	s9 =	sld [smem:$0x3FB3]  }
0x2f: {  	lr =	sadd.s32 s0, s3;
	s0 =	sld [smem:$0x3FAA]  }
0x30: {  	s3 =	sld [smem:$0x3FAD]  }
0x31: {  	[smem:$0x3FB6] =	sst s10  }
0x32: {  	s10 =	sld [smem:$0x3FB4];
	_ =	sdelay $0x3  }
0x33: {  	p0 =	seq.s32 s10, $0x1;
	s10 =	sld [smem:$0x3FB6];
	_ =	sdelay $0x3  }
0x34: {  	[smem:$0x3FB6] =	sst s10  }
0x35: {  	s10 =	sld [smem:$0x3FB5];
	_ =	sdelay $0x3  }
0x36: {  	p1 =	seq.s32 s10, $0x1;
	s10 =	sld [smem:$0x3FB6];
	_ =	sdelay $0x3  }
0x37: {  	[smem:$0x3FB6] =	sst s10  }
0x38: {  	s10 =	sld [smem:$0x3FB7]  }
0x39: {  	_ = 	snop;
	(pc) =	sbr.ind lr, $3  }
0x3a: {  	_ = 	snop  }
0x3b: {  	_ = 	snop  }
0x3c: {  	p2 =	seq.s32 s10, $0x1;
	s10 =	sld [smem:$0x3FB6]  }
0x3d: {  	_ =	shalt  }
0x3e: {  	_ =	shalt  }
0x3f: {  	_ =	shalt  }
0x40: {  	_ =	shalt  }
0x41: {  	_ =	shalt  }
0x42: {  	_ =	shalt  }
0x43: {  	_ =	shalt  }
0x44: {  	_ =	shalt  }
0x45: {  	_ =	shalt  }
0x46: {  	_ =	shalt  }
0x47: {  	_ =	shalt  }
0x48: {  	_ =	shalt  }
0x49: {  	_ =	shalt  }
0x4a: {  	_ =	shalt  }
0x4b: {  	_ =	shalt  }
0x4c: {  	_ =	shalt  }
0x4d: {  	_ =	shalt  }
0x4e: {  	_ =	shalt  }
0x4f: {  	_ =	shalt  }
0x50: {  	_ =	shalt  }
0x51: {  	_ =	shalt  }
0x52: {  	_ =	shalt  }
0x53: {  	_ =	shalt  }
0x54: {  	_ =	shalt  }
0x55: {  	_ =	shalt  }
0x56: {  	_ =	shalt  }
0x57: {  	_ =	shalt  }
0x58: {  	_ =	shalt  }
0x59: {  	_ =	shalt  }
0x5a: {  	_ =	shalt  }
0x5b: {  	_ =	shalt  }
0x5c: {  	_ =	shalt  }
0x5d: {  	_ =	shalt  }
0x5e: {  	_ =	shalt  }
0x5f: {  	_ =	shalt  }
0x60: {  	_ =	shalt  }
0x61: {  	_ =	shalt  }
0x62: {  	_ =	shalt  }
0x63: {  	_ =	shalt  }
0x64: {  	_ =	shalt  }
0x65: {  	_ =	shalt  }
0x66: {  	_ =	shalt  }
0x67: {  	_ =	shalt  }
0x68: {  	_ =	shalt  }
0x69: {  	_ =	shalt  }
0x6a: {  	_ =	shalt  }
0x6b: {  	_ =	shalt  }
0x6c: {  	_ =	shalt  }
0x6d: {  	_ =	shalt  }
0x6e: {  	_ =	shalt  }
0x6f: {  	_ =	shalt  }
0x70: {  	_ =	shalt  }
0x71: {  	_ =	shalt  }
0x72: {  	_ =	shalt  }
0x73: {  	_ =	shalt  }
0x74: {  	_ =	shalt  }
0x75: {  	_ =	shalt  }
0x76: {  	_ =	shalt  }
0x77: {  	_ =	shalt  }
0x78: {  	_ =	shalt  }
0x79: {  	_ =	shalt  }
0x7a: {  	_ =	shalt  }
0x7b: {  	_ =	shalt  }
0x7c: {  	_ =	shalt  }
0x7d: {  	_ =	shalt  }
0x7e: {  	_ =	shalt  }
0x7f: {  	_ =	shalt  }
0x80: {  	_ =	shalt  }
0x81: {  	_ =	shalt  }
0x82: {  	_ =	shalt  }
0x83: {  	_ =	shalt  }
0x84: {  	_ =	shalt  }
0x85: {  	_ =	shalt  }
0x86: {  	_ =	shalt  }
0x87: {  	_ =	shalt  }
.Lfunc_end0:
.L_simem_size_0:
called_computation_lowered:
.L_overlay_start_0:
0x88: {  	s2 =	sld [smem:$0x3FD9]  }
0x89: {  	s3 =	sld [smem:$0x3FFE];
	_ =	sdelay $0x1  }
0x8a: {  	s1 =	srdreg.scid  }
0x8b: {  	s0 =	sand.u32 $0x1, s1  }
0x8c: {  	s17 =	sshll.u32 s0, $0xA;
	s2 =	sadd.s32 s3, s2  }
0x8d: {  	s2 =	sadd.s32 s2, s17  }
0x8e: {  	[smem:$0x3FC2] =	sst s2  }
0x8f: {  	_ = 	snop  }
0x90: {  	s2 =	sld [smem:$0x3FD0];
	(tm) =	ssettm $0x1  }
0x91: {  	s18 =	sld [smem:$0x3FFB];
	_ =	sdelay $0x3  }
0x92: {  	_ =	strace s18  }
0x93: {  	s3 =	sld [smem:$0x3FFC];
	_ =	sdelay $0x3  }
0x94: {  	_ =	strace s3  }
0x95: {  	s3 =	sld [smem:$0x3FFD];
	_ =	sdelay $0x3  }
0x96: {  	_ =	strace s3  }
0x97: {  	_ =	strace $0x8FFFFFFF  }
0x98: {  	s19 =	sld [smem:$0x3FDB];
	_ =	sdelay $0x1  }
0x99: {  	s4 =	simm.s32 $_scs_section_size  }
0x9a: {  	s5 =	simm.s32 $_size__tile_overlayer_lowered;
	s6 =	simm.s32 $_tile_overlayer_lowered  }
0x9b: {  	s22 =	simm.s32 $0x1BFF;
	s21 =	sshll.u32 s6, $0x1;
	s3 =	sadd.s32 s4, s19  }
0x9c: {  	s7 =	simm.s32 $0x0;
	s20 =	sshll.u32 s5, $0x1;
	s5 =	sadd.s32 s21, s3  }
0x9d: {  	[timem:s7], [sflag:s22] =	dma.local [hbm:s5], s20  }
0x9e: {  	_ =	swait.ge [sflag:s22], s20  }
0x9f: {  	s4 =	ssub.s32 $0x0, s20;
	[sflag:s22] =	ssyncset.done $0x0  }
0xa0: {  	[sflag:s22] =	ssyncadd.s32 s4;
	_ =	sdelay $0x1  }
0xa1: {  	s23 =	simm.s32 $0x1B8B  }
0xa2: {  	_ =	swait.ge [sflag:s23], $0x1  }
0xa3: {  	[sflag:s23] =	ssyncset.done $0x0  }
0xa4: {  	s25 =	simm.s32 $0x1B8E;
	s24 =	sld [smem:$0x3FFE];
	[sflag:s23] =	ssyncadd.s32 $0xFFFFFFFF  }
0xa5: {  	s26 =	simm.s32 $execute0_lowered;
	[smem:$0x3FD2] =	sst s25  }
0xa6: {  	s5 =	sshll.u32 s26, $0x1;
	_ =	strace $0x80000046;
	[dreg:$0x1] =	wrdreg $0xFFFFFFFF  }
0xa7: {  	s28 =	simm.s32 $_size_execute0_lowered;
	s3 =	sadd.s32 s3, s5;
	[dreg:$0x0] =	wrdreg $0x0  }
0xa8: {  	s5 =	sshll.u32 s28, $0x1;
	[dreg:$0x2] =	wrdreg s3  }
0xa9: {  	[dreg:$0x3] =	wrdreg s5  }
0xaa: {  	[dreg:$0x4] =	wrdreg $0xC0  }
0xab: {  	_ =	task [dreg:s7], $0x5FFFF  }
0xac: {  	[dreg:$0x1] =	wrdreg $0xFFFFFFFF  }
0xad: {  	[dreg:$0x0] =	wrdreg $0x60  }
0xae: {  	[dreg:$0x2] =	wrdreg s24  }
0xaf: {  	[dreg:$0x3] =	wrdreg s2  }
0xb0: {  	[dreg:$0x4] =	wrdreg $0xA8000  }
0xb1: {  	[dreg:$0x5] =	wrdreg $0x9  }
0xb2: {  	_ =	task.clear_ibuf [dreg:s7], $0x6FFFF;
	_ =	strace $0x90000046  }
0xb3: {  	s29 =	simm.s32 $0x9;
	_ =	strace $0x80000048  }
0xb4: {  	_ =	swait.ge [sflag:s29], $0x1  }
0xb5: {  	[sflag:s29] =	ssyncadd.s32 $0xFFFFFFFF  }
0xb6: {  	_ =	strace $0x90000048  }
0xb7: {  	_ =	sfence  }
0xb8: {  	s30 =	sld [smem:$0x0];
	_ =	sdelay $0x2  }
0xb9: {  	s31 =	sshll.u32 s1, $0xD;
	s1 =	sshrl.u32 s1, $0x2  }
0xba: {  	s3 =	sand.u32 $0x4000, s31;
	s1 =	sadd.s32 s1, s30  }
0xbb: {  	s0 =	sor.u32 s3, s0;
	s1 =	sshll.u32 s1, $0x11  }
0xbc: {  	s0 =	sor.u32 s1, s0  }
0xbd: {  	s0 =	sadd.s32 $0x8F2B, s0  }
0xbe: {  	[sflag:s0] =	ssyncadd.remote.s32 $0x1  }
0xbf: {  	_ =	sfence.sel $0xFFFF  }
0xc0: {  	[dreg:$0x0] =	wrdreg $0xFFFFFFFF;
	(pc) =	sbr.abs _section_cstart, $3  }
0xc1: {  	[dreg:$0x1] =	wrdreg $0xFFFFFFFF  }
0xc2: {  	_ =	task.clear_ibuf [dreg:s7], $0x2FFFF;
	_ =	strace $0x9FFFFFFF  }
0xc3: {  	(tm) =	ssettm $0x7FFFFFFF  }
tec
execute0_lowered:
.L_overlay_start_1:
0x0: {  	(tag) =	ssettag $0x1  }
0x1: {  	s0 =	rddreg [dreg:$0x0]  }
0x2: {  	s1 =	rddreg [dreg:$0x1]  }
0x3: {  	s2 =	rddreg [dreg:$0x2];
	s15 =	stileid.u32  }
0x4: {  	s4 =	srdreg.scid;
	s7 =	smul.u32 $0x280, s15  }
0x5: {  	s3 =	simm.s32 $0x0;
	s31 =	simm.s32 $0x4800;
	s9 =	smul.u32 $0x14000, s15  }
0x6: {  	s5 =	sand.u32 $0x1, s4;
	[smem:$0x7FF] =	sst s3;
	s10 =	smul.u32 $0x50000, s15  }
0x7: {  	s4 =	sadd.s32 $0x1400, s0;
	s0 =	sadd.s32 $0x29400, s0;
	s15 =	smul.u32 $0x5000, s15  }
0x8: {  	s6 =	ssub.s32 $0x2, s5;
	_ =	strace $0x80000047;
	s14 =	smul.u32 $0x50000, s5  }
0x9: {  	s16 =	sxor.u32 $0x1, s5;
	s5 =	smul.u32 $0x280000, s5;
	s8 =	sshrl.u32 s6, $0x1  }
0xa: {  	s22 =	sshrl.u32 s9, $0x3;
	s23 =	sshrl.u32 s10, $0x2;
	s24 =	sadd.s32 $0x80, s7  }
0xb: {  	s26 =	sadd.s32 $0x100, s7;
	s12 =	sadd.s32 $0x180, s7;
	s7 =	sadd.s32 $0x200, s7  }
0xc: {  	s16 =	smul.u32 $0x50000, s16;
	s11 =	ssub.s32 s6, s8;
	s6 =	sadd.s32 s4, s22  }
0xd: {  	s25 =	sshll.u32 s24, $0x4;
	s13 =	sshll.u32 s24, $0x7;
	s17 =	sshll.u32 s26, $0x7  }
0xe: {  	s10 =	sshll.u32 s26, $0x4;
	s18 =	sshll.u32 s12, $0x7;
	s12 =	sshll.u32 s12, $0x4  }
0xf: {  	s19 =	sshll.u32 s7, $0x4;
	s7 =	sshll.u32 s7, $0x7;
	s28 =	sadd.s32 s15, s14  }
0x10: {  	s20 =	sadd.s32 s9, s5;
	[dreg:$0x4] =	wrdreg s6;
	s6 =	sadd.s32 s23, s2  }
0x11: {  	s8 =	sadd.s32 s4, s25;
	s10 =	sadd.s32 s4, s10;
	s12 =	sadd.s32 s4, s12  }
0x12: {  	s19 =	sadd.s32 s4, s19;
	s15 =	sadd.s32 s15, s16;
	s14 =	sadd.s32 s7, s2  }
0x13: {  	s29 =	sshrl.u32 s28, $0x3;
	s22 =	sadd.s32 s5, s13;
	s24 =	sadd.s32 s5, s17  }
0x14: {  	s26 =	sadd.s32 s5, s18;
	s7 =	sadd.s32 s5, s7;
	[dreg:$0x5] =	wrdreg s8  }
0x15: {  	s5 =	sshrl.u32 s5, $0x3;
	s8 =	sadd.s32 s13, s2;
	[dreg:$0x6] =	wrdreg s10  }
0x16: {  	s10 =	sadd.s32 s17, s2;
	[dreg:$0x7] =	wrdreg s12;
	s12 =	sadd.s32 s18, s2  }
0x17: {  	[dreg:$0x8] =	wrdreg s19;
	s30 =	sshrl.u32 s15, $0x3;
	s15 =	sadd.s32 s1, s29  }
0x18: {  	s23 =	sshrl.u32 s22, $0x3;
	s25 =	sshrl.u32 s24, $0x3;
	s19 =	smax.u32 s11, $0x1  }
0x19: {  	s16 =	sadd.s32 s1, s30;
	s21 =	sadd.s32 $0x280, s15;
	[dreg:$0x10] =	wrdreg s19  }
0x1a: {  	s1 =	sshrl.u32 s20, $0x3;
	s20 =	sadd.s32 $0x500, s15;
	[dreg:$0x9] =	wrdreg s21  }
0x1b: {  	s29 =	sshrl.u32 s26, $0x3;
	s22 =	sadd.s32 $0x780, s15;
	[dreg:$0x11] =	wrdreg s20  }
0x1c: {  	s11 =	simm.s32 $0x5;
	s17 =	sadd.s32 s0, s23;
	[dreg:$0x13] =	wrdreg s22  }
0x1d: {  	s18 =	simm.s32 $0x80;
	s28 =	sadd.s32 s0, s25;
	[dreg:$0xb] =	wrdreg s17  }
0x1e: {  	s9 =	sadd.s32 s0, s29;
	s30 =	sshrl.u32 s7, $0x3;
	[dreg:$0xc] =	wrdreg s28  }
0x1f: {  	s23 =	sadd.s32 s0, s5;
	s7 =	sadd.s32 $0x280, s16;
	[dreg:$0xd] =	wrdreg s9  }
0x20: {  	s5 =	simm.s32 $0x6800;
	s21 =	sadd.s32 $0x500, s16;
	[dreg:$0xf] =	wrdreg s7  }
0x21: {  	s19 =	simm.s32 $0x3;
	s24 =	sadd.s32 $0x780, s16;
	[dreg:$0x12] =	wrdreg s21  }
0x22: {  	s13 =	sadd.s32 s0, s1;
	s1 =	sadd.s32 s0, s30;
	[dreg:$0x14] =	wrdreg s24  }
0x23: {  	s26 =	sadd.s32 $0x28000, s17;
	s28 =	sadd.s32 $0x28000, s28;
	[dreg:$0xa] =	wrdreg s13  }
0x24: {  	s29 =	sadd.s32 $0x28000, s9;
	s9 =	simm.s32 $0x2800;
	[dreg:$0x16] =	wrdreg s26  }
0x25: {  	s0 =	simm.s32 $0x1;
	s20 =	simm.s32 $0x4;
	[dreg:$0x17] =	wrdreg s28  }
0x26: {  	s22 =	simm.s32 $0x13C0;
	s17 =	simm.s32 $0x2700;
	[dreg:$0x18] =	wrdreg s29  }
0x27: {  	s25 =	sadd.s32 $0x28000, s13;
	[dreg:$0xe] =	wrdreg s1;
	s30 =	sadd.s32 $0x28000, s1  }
0x28: {  	s13 =	simm.s32 $0x1400;
	s1 =	simm.s32 $0x2;
	s7 =	simm.s32 $0x8800  }
0x29: {  	s21 =	simm.s32 $0x1380;
	s24 =	simm.s32 $0x2780;
	[dreg:$0x15] =	wrdreg s25  }
0x2a: {  	s26 =	simm.s32 $0x0;
	[dreg:$0x19] =	wrdreg s30;
	s25 =	simm.s32 $0x40  }
.LBB2_1:
0x2b: {  	s28 =	rddreg [dreg:$0x4]  }
0x2c: {  	[tilespmem:s9], [sflag:$0x5] =	stream.linear.gather [hbm4b:s28+s3], $0x4000, $0x38;
	[tilespmem:$0x1E800] =	vst v63  }
0x2d: {  	_ =	swait.ge [sflag:s11], $0x4000  }
0x2e: {  	[sflag:s11] =	ssyncset.done $0x0  }
0x2f: {  	[sflag:s11] =	ssyncadd.s32 $0xFFFFC000  }
0x30: {  	[spmem:s6] =	stream.linear.scatter [tilespmem:s9], [sflag:$0x5], $0x4000, $0x38;
	[tilespmem:$0x1E800] =	vst v63  }
0x31: {  	_ =	swait.ge [sflag:s11], $0x4000  }
0x32: {  	[sflag:s11] =	ssyncset.done $0x0  }
0x33: {  	s28 =	rddreg [dreg:$0x5];
	[sflag:s11] =	ssyncadd.s32 $0xFFFFC000  }
0x34: {  	[tilespmem:s9], [sflag:$0x5] =	stream.linear.gather [hbm4b:s28+s3], $0x4000, $0x38;
	[tilespmem:$0x1E800] =	vst v63  }
0x35: {  	_ =	swait.ge [sflag:s11], $0x4000  }
0x36: {  	[sflag:s11] =	ssyncset.done $0x0  }
0x37: {  	[sflag:s11] =	ssyncadd.s32 $0xFFFFC000  }
0x38: {  	[spmem:s8] =	stream.linear.scatter [tilespmem:s9], [sflag:$0x5], $0x4000, $0x38;
	[tilespmem:$0x1E800] =	vst v63  }
0x39: {  	_ =	swait.ge [sflag:s11], $0x4000  }
0x3a: {  	[sflag:s11] =	ssyncset.done $0x0  }
0x3b: {  	s28 =	rddreg [dreg:$0x6];
	[sflag:s11] =	ssyncadd.s32 $0xFFFFC000  }
0x3c: {  	[tilespmem:s9], [sflag:$0x5] =	stream.linear.gather [hbm4b:s28+s3], $0x4000, $0x38;
	[tilespmem:$0x1E800] =	vst v63  }
0x3d: {  	_ =	swait.ge [sflag:s11], $0x4000  }
0x3e: {  	[sflag:s11] =	ssyncset.done $0x0  }
0x3f: {  	[sflag:s11] =	ssyncadd.s32 $0xFFFFC000  }
0x40: {  	[spmem:s10] =	stream.linear.scatter [tilespmem:s9], [sflag:$0x5], $0x4000, $0x38;
	[tilespmem:$0x1E800] =	vst v63  }
0x41: {  	_ =	swait.ge [sflag:s11], $0x4000  }
0x42: {  	[sflag:s11] =	ssyncset.done $0x0  }
0x43: {  	s28 =	rddreg [dreg:$0x7];
	[sflag:s11] =	ssyncadd.s32 $0xFFFFC000  }
0x44: {  	[tilespmem:s9], [sflag:$0x5] =	stream.linear.gather [hbm4b:s28+s3], $0x4000, $0x38;
	[tilespmem:$0x1E800] =	vst v63  }
0x45: {  	_ =	swait.ge [sflag:s11], $0x4000  }
0x46: {  	[sflag:s11] =	ssyncset.done $0x0  }
0x47: {  	[sflag:s11] =	ssyncadd.s32 $0xFFFFC000  }
0x48: {  	[spmem:s12] =	stream.linear.scatter [tilespmem:s9], [sflag:$0x5], $0x4000, $0x38;
	[tilespmem:$0x1E800] =	vst v63  }
0x49: {  	_ =	swait.ge [sflag:s11], $0x4000  }
0x4a: {  	[sflag:s11] =	ssyncset.done $0x0  }
0x4b: {  	s28 =	rddreg [dreg:$0x8];
	[sflag:s11] =	ssyncadd.s32 $0xFFFFC000  }
0x4c: {  	[tilespmem:s9], [sflag:$0x5] =	stream.linear.gather [hbm4b:s28+s3], $0x4000, $0x38;
	[tilespmem:$0x1E800] =	vst v63  }
0x4d: {  	_ =	swait.ge [sflag:s11], $0x4000  }
0x4e: {  	[sflag:s11] =	ssyncset.done $0x0  }
0x4f: {  	[sflag:s11] =	ssyncadd.s32 $0xFFFFC000  }
0x50: {  	[spmem:s14] =	stream.linear.scatter [tilespmem:s9], [sflag:$0x5], $0x4000, $0x38;
	[tilespmem:$0x1E800] =	vst v63  }
0x51: {  	_ =	swait.ge [sflag:s11], $0x4000  }
0x52: {  	[sflag:s11] =	ssyncset.done $0x0  }
0x53: {  	[sflag:s11] =	ssyncadd.s32 $0xFFFFC000  }
0x54: {  	[bflag:$0x0] =	sbarrier.arrive $0xFFFF  }
0x55: {  	[tilespmem:s3], [sflag:$0x5] =	stream.linear.gather [hbm4b:s15+s3], $0x1400, $0x38;
	[tilespmem:$0x1E800] =	vst v63  }
0x56: {  	_ =	swait.ge [sflag:s11], $0x1400  }
0x57: {  	[sflag:s11] =	ssyncset.done $0x0  }
0x58: {  	[sflag:s11] =	ssyncadd.s32 $0xFFFFEC00  }
0x59: {  	[tilespmem:s13], [sflag:$0x5] =	stream.linear.gather [hbm4b:s16+s3], $0x1400, $0x38;
	[tilespmem:$0x1E800] =	vst v63  }
0x5a: {  	_ =	swait.ge [sflag:s11], $0x1400  }
0x5b: {  	[sflag:s11] =	ssyncset.done $0x0  }
0x5c: {  	[sflag:s11] =	ssyncadd.s32 $0xFFFFEC00  }
0x5d: {  	[tilespmem:s9], [sflag:$0x1] =	stream.indirect.gather [hbm4b:s4+s25], $0x80, s3, s25, $0xb8;
	[tilespmem:$0x1E800] =	vst v63  }
0x5e: {  	_ = 	snop  }
0x5f: {  	[tilespmem:s31], [sflag:$0x2] =	stream.indirect.gather [hbm4b:s4+s25], $0x80, s25, s25, $0xb8;
	[tilespmem:$0x1E800] =	vst v63  }
0x60: {  	_ =	swait.ge [sflag:s0], $0x2000  }
0x61: {  	[sflag:s0] =	ssyncset.done $0x0  }
0x62: {  	[sflag:s0] =	ssyncadd.s32 $0xFFFFE000  }
0x63: {  	_ =	swait.ge [sflag:s1], $0x2000  }
0x64: {  	[sflag:s1] =	ssyncset.done $0x0  }
0x65: {  	s28 =	simm.s32 $0x80;
	[sflag:s1] =	ssyncadd.s32 $0xFFFFE000  }
0x66: {  	[tilespmem:s5], [sflag:$0x3] =	stream.indirect.gather [hbm4b:s4+s25], $0x80, s28, s25, $0xb8;
	[tilespmem:$0x1E800] =	vst v63  }
0x67: {  	s28 =	simm.s32 $0xC0  }
0x68: {  	[tilespmem:s7], [sflag:$0x4] =	stream.indirect.gather [hbm4b:s4+s25], $0x80, s28, s25, $0xb8;
	[tilespmem:$0x1E800] =	vst v63  }
0x69: {  	s28 =	simm.s32 $0x1400  }
0x6a: {  	[spmem:s2] =	stream.indirect.scatter.add.f32 [tilespmem:s9], [sflag:$0x5], $0x80, s28, s18, $0xb8;
	[tilespmem:$0x1E800] =	vst v63  }
0x6b: {  	_ =	swait.ge [sflag:s11], $0x4000  }
0x6c: {  	[sflag:s11] =	ssyncset.done $0x0  }
0x6d: {  	[sflag:s11] =	ssyncadd.s32 $0xFFFFC000  }
0x6e: {  	_ =	swait.ge [sflag:s19], $0x2000  }
0x6f: {  	[sflag:s19] =	ssyncset.done $0x0  }
0x70: {  	[sflag:s19] =	ssyncadd.s32 $0xFFFFE000  }
0x71: {  	_ =	swait.ge [sflag:s20], $0x2000  }
0x72: {  	[sflag:s20] =	ssyncset.done $0x0  }
0x73: {  	s28 =	simm.s32 $0x100;
	[sflag:s20] =	ssyncadd.s32 $0xFFFFE000  }
0x74: {  	[tilespmem:s9], [sflag:$0x1] =	stream.indirect.gather [hbm4b:s4+s25], $0x80, s28, s25, $0xb8;
	[tilespmem:$0x1E800] =	vst v63  }
0x75: {  	s28 =	simm.s32 $0x140  }
0x76: {  	[tilespmem:s31], [sflag:$0x2] =	stream.indirect.gather [hbm4b:s4+s25], $0x80, s28, s25, $0xb8;
	[tilespmem:$0x1E800] =	vst v63  }
0x77: {  	s28 =	simm.s32 $0x1480  }
0x78: {  	[spmem:s2] =	stream.indirect.scatter.add.f32 [tilespmem:s5], [sflag:$0x5], $0x80, s28, s18, $0xb8;
	[tilespmem:$0x1E800] =	vst v63  }
0x79: {  	_ =	swait.ge [sflag:s11], $0x4000  }
0x7a: {  	s28 =	simm.s32 $0x400;
	[sflag:s11] =	ssyncset.done $0x0  }
.LBB2_2:
0x7b: {  	p0 =	sne.s32 s28, $0x4800  }
0x7c: {  	[sflag:s11] =	ssyncadd.s32 $0xFFFFC000;
	s29 =	smov.u32 s28;
	s28 =	sadd.s32 $0x400, s28  }
0x7d: {  	_ = 	snop  }
0x7e: {  	_ =	swait.ge [sflag:s0], $0x2000  }
0x7f: {  	[sflag:s0] =	ssyncset.done $0x0  }
0x80: {  	[sflag:s0] =	ssyncadd.s32 $0xFFFFE000  }
0x81: {  	_ =	swait.ge [sflag:s1], $0x2000  }
0x82: {  	s29 =	sshra.s32 s29, $0x2;
	[sflag:s1] =	ssyncset.done $0x0  }
0x83: {  	s30 =	sadd.s32 $0x80, s29;
	[sflag:s1] =	ssyncadd.s32 $0xFFFFE000  }
0x84: {  	[tilespmem:s5], [sflag:$0x3] =	stream.indirect.gather [hbm4b:s4+s25], $0x80, s30, s25, $0xb8;
	[tilespmem:$0x1E800] =	vst v63  }
0x85: {  	s30 =	sadd.s32 $0xC0, s29  }
0x86: {  	[tilespmem:s7], [sflag:$0x4] =	stream.indirect.gather [hbm4b:s4+s25], $0x80, s30, s25, $0xb8;
	[tilespmem:$0x1E800] =	vst v63  }
0x87: {  	s30 =	sadd.s32 $0x1400, s29  }
0x88: {  	[spmem:s2] =	stream.indirect.scatter.add.f32 [tilespmem:s9], [sflag:$0x5], $0x80, s30, s18, $0xb8;
	[tilespmem:$0x1E800] =	vst v63  }
0x89: {  	_ =	swait.ge [sflag:s11], $0x4000  }
0x8a: {  	[sflag:s11] =	ssyncset.done $0x0  }
0x8b: {  	[sflag:s11] =	ssyncadd.s32 $0xFFFFC000  }
0x8c: {  	_ =	swait.ge [sflag:s19], $0x2000  }
0x8d: {  	[sflag:s19] =	ssyncset.done $0x0  }
0x8e: {  	[sflag:s19] =	ssyncadd.s32 $0xFFFFE000  }
0x8f: {  	_ =	swait.ge [sflag:s20], $0x2000  }
0x90: {  	[sflag:s20] =	ssyncset.done $0x0  }
0x91: {  	s30 =	sadd.s32 $0x100, s29;
	[sflag:s20] =	ssyncadd.s32 $0xFFFFE000  }
0x92: {  	[tilespmem:s9], [sflag:$0x1] =	stream.indirect.gather [hbm4b:s4+s25], $0x80, s30, s25, $0xb8;
	[tilespmem:$0x1E800] =	vst v63  }
0x93: {  	s30 =	sadd.s32 $0x140, s29  }
0x94: {  	[tilespmem:s31], [sflag:$0x2] =	stream.indirect.gather [hbm4b:s4+s25], $0x80, s30, s25, $0xb8;
	[tilespmem:$0x1E800] =	vst v63  }
.Ltmp0:
0x95: {  	_ = 	snop;
	(pc) =	sbr.rel @p0 .LBB2_2-.Ltmp0, $4  }
0x96: {  	s29 =	sadd.s32 $0x1480, s29  }
0x97: {  	[spmem:s2] =	stream.indirect.scatter.add.f32 [tilespmem:s5], [sflag:$0x5], $0x80, s29, s18, $0xb8;
	[tilespmem:$0x1E800] =	vst v63  }
0x98: {  	_ =	swait.ge [sflag:s11], $0x4000  }
0x99: {  	[sflag:s11] =	ssyncset.done $0x0  }
0x9a: {  	[sflag:s11] =	ssyncadd.s32 $0xFFFFC000  }
0x9b: {  	_ =	swait.ge [sflag:s0], $0x2000  }
0x9c: {  	[sflag:s0] =	ssyncset.done $0x0  }
0x9d: {  	[sflag:s0] =	ssyncadd.s32 $0xFFFFE000  }
0x9e: {  	_ =	swait.ge [sflag:s1], $0x2000  }
0x9f: {  	[sflag:s1] =	ssyncset.done $0x0  }
0xa0: {  	[sflag:s1] =	ssyncadd.s32 $0xFFFFE000  }
0xa1: {  	[tilespmem:s5], [sflag:$0x3] =	stream.indirect.gather [hbm4b:s4+s25], $0x80, s21, s25, $0xb8;
	[tilespmem:$0x1E800] =	vst v63  }
0xa2: {  	_ = 	snop  }
0xa3: {  	[tilespmem:s7], [sflag:$0x4] =	stream.indirect.gather [hbm4b:s4+s25], $0x80, s22, s25, $0xb8;
	[tilespmem:$0x1E800] =	vst v63  }
0xa4: {  	_ = 	snop  }
0xa5: {  	[spmem:s2] =	stream.indirect.scatter.add.f32 [tilespmem:s9], [sflag:$0x5], $0x80, s17, s18, $0xb8;
	[tilespmem:$0x1E800] =	vst v63  }
0xa6: {  	_ =	swait.ge [sflag:s11], $0x4000  }
0xa7: {  	[sflag:s11] =	ssyncset.done $0x0  }
0xa8: {  	[sflag:s11] =	ssyncadd.s32 $0xFFFFC000  }
0xa9: {  	_ =	swait.ge [sflag:s19], $0x2000  }
0xaa: {  	[sflag:s19] =	ssyncset.done $0x0  }
0xab: {  	[sflag:s19] =	ssyncadd.s32 $0xFFFFE000  }
0xac: {  	_ =	swait.ge [sflag:s20], $0x2000  }
0xad: {  	[sflag:s20] =	ssyncset.done $0x0  }
0xae: {  	[sflag:s20] =	ssyncadd.s32 $0xFFFFE000  }
0xaf: {  	[spmem:s2] =	stream.indirect.scatter.add.f32 [tilespmem:s5], [sflag:$0x5], $0x80, s24, s18, $0xb8;
	[tilespmem:$0x1E800] =	vst v63  }
0xb0: {  	_ =	swait.ge [sflag:s11], $0x4000  }
0xb1: {  	[sflag:s11] =	ssyncset.done $0x0  }
0xb2: {  	s28 =	simm.s32 $0x0;
	s29 =	rddreg [dreg:$0x9];
	[sflag:s11] =	ssyncadd.s32 $0xFFFFC000  }
0xb3: {  	[tilespmem:s28], [sflag:$0x5] =	stream.linear.gather [hbm4b:s29+s28], $0x1400, $0x38;
	[tilespmem:$0x1E800] =	vst v63  }
0xb4: {  	_ =	swait.ge [sflag:s11], $0x1400  }
0xb5: {  	[sflag:s11] =	ssyncset.done $0x0  }
0xb6: {  	s30 =	rddreg [dreg:$0xf];
	[sflag:s11] =	ssyncadd.s32 $0xFFFFEC00  }
0xb7: {  	[tilespmem:s13], [sflag:$0x5] =	stream.linear.gather [hbm4b:s30+s28], $0x1400, $0x38;
	[tilespmem:$0x1E800] =	vst v63  }
0xb8: {  	_ =	swait.ge [sflag:s11], $0x1400  }
0xb9: {  	[sflag:s11] =	ssyncset.done $0x0  }
0xba: {  	[sflag:s11] =	ssyncadd.s32 $0xFFFFEC00  }
0xbb: {  	[tilespmem:s9], [sflag:$0x1] =	stream.indirect.gather [hbm4b:s4+s25], $0x80, s28, s25, $0xb8;
	[tilespmem:$0x1E800] =	vst v63  }
0xbc: {  	_ = 	snop  }
0xbd: {  	[tilespmem:s31], [sflag:$0x2] =	stream.indirect.gather [hbm4b:s4+s25], $0x80, s25, s25, $0xb8;
	[tilespmem:$0x1E800] =	vst v63  }
0xbe: {  	_ =	swait.ge [sflag:s0], $0x2000  }
0xbf: {  	[sflag:s0] =	ssyncset.done $0x0  }
0xc0: {  	[sflag:s0] =	ssyncadd.s32 $0xFFFFE000  }
0xc1: {  	_ =	swait.ge [sflag:s1], $0x2000  }
0xc2: {  	[sflag:s1] =	ssyncset.done $0x0  }
0xc3: {  	s28 =	simm.s32 $0x80;
	[sflag:s1] =	ssyncadd.s32 $0xFFFFE000  }
0xc4: {  	[tilespmem:s5], [sflag:$0x3] =	stream.indirect.gather [hbm4b:s4+s25], $0x80, s28, s25, $0xb8;
	[tilespmem:$0x1E800] =	vst v63  }
0xc5: {  	s28 =	simm.s32 $0xC0  }
0xc6: {  	[tilespmem:s7], [sflag:$0x4] =	stream.indirect.gather [hbm4b:s4+s25], $0x80, s28, s25, $0xb8;
	[tilespmem:$0x1E800] =	vst v63  }
0xc7: {  	s28 =	simm.s32 $0x1400  }
0xc8: {  	[spmem:s2] =	stream.indirect.scatter.add.f32 [tilespmem:s9], [sflag:$0x5], $0x80, s28, s18, $0xb8;
	[tilespmem:$0x1E800] =	vst v63  }
0xc9: {  	_ =	swait.ge [sflag:s11], $0x4000  }
0xca: {  	[sflag:s11] =	ssyncset.done $0x0  }
0xcb: {  	[sflag:s11] =	ssyncadd.s32 $0xFFFFC000  }
0xcc: {  	_ =	swait.ge [sflag:s19], $0x2000  }
0xcd: {  	[sflag:s19] =	ssyncset.done $0x0  }
0xce: {  	[sflag:s19] =	ssyncadd.s32 $0xFFFFE000  }
0xcf: {  	_ =	swait.ge [sflag:s20], $0x2000  }
0xd0: {  	[sflag:s20] =	ssyncset.done $0x0  }
0xd1: {  	s28 =	simm.s32 $0x100;
	[sflag:s20] =	ssyncadd.s32 $0xFFFFE000  }
0xd2: {  	[tilespmem:s9], [sflag:$0x1] =	stream.indirect.gather [hbm4b:s4+s25], $0x80, s28, s25, $0xb8;
	[tilespmem:$0x1E800] =	vst v63  }
0xd3: {  	s28 =	simm.s32 $0x140  }
0xd4: {  	[tilespmem:s31], [sflag:$0x2] =	stream.indirect.gather [hbm4b:s4+s25], $0x80, s28, s25, $0xb8;
	[tilespmem:$0x1E800] =	vst v63  }
0xd5: {  	s28 =	simm.s32 $0x1480  }
0xd6: {  	[spmem:s2] =	stream.indirect.scatter.add.f32 [tilespmem:s5], [sflag:$0x5], $0x80, s28, s18, $0xb8;
	[tilespmem:$0x1E800] =	vst v63  }
0xd7: {  	_ =	swait.ge [sflag:s11], $0x4000  }
0xd8: {  	s28 =	simm.s32 $0x400;
	[sflag:s11] =	ssyncset.done $0x0  }
.LBB2_4:
0xd9: {  	p0 =	sne.s32 s28, $0x4800  }
0xda: {  	[sflag:s11] =	ssyncadd.s32 $0xFFFFC000;
	s29 =	smov.u32 s28;
	s28 =	sadd.s32 $0x400, s28  }
0xdb: {  	_ = 	snop  }
0xdc: {  	_ =	swait.ge [sflag:s0], $0x2000  }
0xdd: {  	[sflag:s0] =	ssyncset.done $0x0  }
0xde: {  	[sflag:s0] =	ssyncadd.s32 $0xFFFFE000  }
0xdf: {  	_ =	swait.ge [sflag:s1], $0x2000  }
0xe0: {  	s29 =	sshra.s32 s29, $0x2;
	[sflag:s1] =	ssyncset.done $0x0  }
0xe1: {  	s30 =	sadd.s32 $0x80, s29;
	[sflag:s1] =	ssyncadd.s32 $0xFFFFE000  }
0xe2: {  	[tilespmem:s5], [sflag:$0x3] =	stream.indirect.gather [hbm4b:s4+s25], $0x80, s30, s25, $0xb8;
	[tilespmem:$0x1E800] =	vst v63  }
0xe3: {  	s30 =	sadd.s32 $0xC0, s29  }
0xe4: {  	[tilespmem:s7], [sflag:$0x4] =	stream.indirect.gather [hbm4b:s4+s25], $0x80, s30, s25, $0xb8;
	[tilespmem:$0x1E800] =	vst v63  }
0xe5: {  	s30 =	sadd.s32 $0x1400, s29  }
0xe6: {  	[spmem:s2] =	stream.indirect.scatter.add.f32 [tilespmem:s9], [sflag:$0x5], $0x80, s30, s18, $0xb8;
	[tilespmem:$0x1E800] =	vst v63  }
0xe7: {  	_ =	swait.ge [sflag:s11], $0x4000  }
0xe8: {  	[sflag:s11] =	ssyncset.done $0x0  }
0xe9: {  	[sflag:s11] =	ssyncadd.s32 $0xFFFFC000  }
0xea: {  	_ =	swait.ge [sflag:s19], $0x2000  }
0xeb: {  	[sflag:s19] =	ssyncset.done $0x0  }
0xec: {  	[sflag:s19] =	ssyncadd.s32 $0xFFFFE000  }
0xed: {  	_ =	swait.ge [sflag:s20], $0x2000  }
0xee: {  	[sflag:s20] =	ssyncset.done $0x0  }
0xef: {  	s30 =	sadd.s32 $0x100, s29;
	[sflag:s20] =	ssyncadd.s32 $0xFFFFE000  }
0xf0: {  	[tilespmem:s9], [sflag:$0x1] =	stream.indirect.gather [hbm4b:s4+s25], $0x80, s30, s25, $0xb8;
	[tilespmem:$0x1E800] =	vst v63  }
0xf1: {  	s30 =	sadd.s32 $0x140, s29  }
0xf2: {  	[tilespmem:s31], [sflag:$0x2] =	stream.indirect.gather [hbm4b:s4+s25], $0x80, s30, s25, $0xb8;
	[tilespmem:$0x1E800] =	vst v63  }
.Ltmp1:
0xf3: {  	_ = 	snop;
	(pc) =	sbr.rel @p0 .LBB2_4-.Ltmp1, $4  }
0xf4: {  	s29 =	sadd.s32 $0x1480, s29  }
0xf5: {  	[spmem:s2] =	stream.indirect.scatter.add.f32 [tilespmem:s5], [sflag:$0x5], $0x80, s29, s18, $0xb8;
	[tilespmem:$0x1E800] =	vst v63  }
0xf6: {  	_ =	swait.ge [sflag:s11], $0x4000  }
0xf7: {  	[sflag:s11] =	ssyncset.done $0x0  }
0xf8: {  	[sflag:s11] =	ssyncadd.s32 $0xFFFFC000  }
0xf9: {  	_ =	swait.ge [sflag:s0], $0x2000  }
0xfa: {  	[sflag:s0] =	ssyncset.done $0x0  }
0xfb: {  	[sflag:s0] =	ssyncadd.s32 $0xFFFFE000  }
0xfc: {  	_ =	swait.ge [sflag:s1], $0x2000  }
0xfd: {  	[sflag:s1] =	ssyncset.done $0x0  }
0xfe: {  	[sflag:s1] =	ssyncadd.s32 $0xFFFFE000  }
0xff: {  	[tilespmem:s5], [sflag:$0x3] =	stream.indirect.gather [hbm4b:s4+s25], $0x80, s21, s25, $0xb8;
	[tilespmem:$0x1E800] =	vst v63  }
0x100: {  	_ = 	snop  }
0x101: {  	[tilespmem:s7], [sflag:$0x4] =	stream.indirect.gather [hbm4b:s4+s25], $0x80, s22, s25, $0xb8;
	[tilespmem:$0x1E800] =	vst v63  }
0x102: {  	_ = 	snop  }
0x103: {  	[spmem:s2] =	stream.indirect.scatter.add.f32 [tilespmem:s9], [sflag:$0x5], $0x80, s17, s18, $0xb8;
	[tilespmem:$0x1E800] =	vst v63  }
0x104: {  	_ =	swait.ge [sflag:s11], $0x4000  }
0x105: {  	[sflag:s11] =	ssyncset.done $0x0  }
0x106: {  	[sflag:s11] =	ssyncadd.s32 $0xFFFFC000  }
0x107: {  	_ =	swait.ge [sflag:s19], $0x2000  }
0x108: {  	[sflag:s19] =	ssyncset.done $0x0  }
0x109: {  	[sflag:s19] =	ssyncadd.s32 $0xFFFFE000  }
0x10a: {  	_ =	swait.ge [sflag:s20], $0x2000  }
0x10b: {  	[sflag:s20] =	ssyncset.done $0x0  }
0x10c: {  	[sflag:s20] =	ssyncadd.s32 $0xFFFFE000  }
0x10d: {  	[spmem:s2] =	stream.indirect.scatter.add.f32 [tilespmem:s5], [sflag:$0x5], $0x80, s24, s18, $0xb8;
	[tilespmem:$0x1E800] =	vst v63  }
0x10e: {  	_ =	swait.ge [sflag:s11], $0x4000  }
0x10f: {  	[sflag:s11] =	ssyncset.done $0x0  }
0x110: {  	s28 =	simm.s32 $0x0;
	s29 =	rddreg [dreg:$0x11];
	[sflag:s11] =	ssyncadd.s32 $0xFFFFC000  }
0x111: {  	[tilespmem:s28], [sflag:$0x5] =	stream.linear.gather [hbm4b:s29+s28], $0x1400, $0x38;
	[tilespmem:$0x1E800] =	vst v63  }
0x112: {  	_ =	swait.ge [sflag:s11], $0x1400  }
0x113: {  	[sflag:s11] =	ssyncset.done $0x0  }
0x114: {  	s30 =	rddreg [dreg:$0x12];
	[sflag:s11] =	ssyncadd.s32 $0xFFFFEC00  }
0x115: {  	[tilespmem:s13], [sflag:$0x5] =	stream.linear.gather [hbm4b:s30+s28], $0x1400, $0x38;
	[tilespmem:$0x1E800] =	vst v63  }
0x116: {  	_ =	swait.ge [sflag:s11], $0x1400  }
0x117: {  	[sflag:s11] =	ssyncset.done $0x0  }
0x118: {  	[sflag:s11] =	ssyncadd.s32 $0xFFFFEC00  }
0x119: {  	[tilespmem:s9], [sflag:$0x1] =	stream.indirect.gather [hbm4b:s4+s25], $0x80, s28, s25, $0xb8;
	[tilespmem:$0x1E800] =	vst v63  }
0x11a: {  	_ = 	snop  }
0x11b: {  	[tilespmem:s31], [sflag:$0x2] =	stream.indirect.gather [hbm4b:s4+s25], $0x80, s25, s25, $0xb8;
	[tilespmem:$0x1E800] =	vst v63  }
0x11c: {  	_ =	swait.ge [sflag:s0], $0x2000  }
0x11d: {  	[sflag:s0] =	ssyncset.done $0x0  }
0x11e: {  	[sflag:s0] =	ssyncadd.s32 $0xFFFFE000  }
0x11f: {  	_ =	swait.ge [sflag:s1], $0x2000  }
0x120: {  	[sflag:s1] =	ssyncset.done $0x0  }
0x121: {  	s28 =	simm.s32 $0x80;
	[sflag:s1] =	ssyncadd.s32 $0xFFFFE000  }
0x122: {  	[tilespmem:s5], [sflag:$0x3] =	stream.indirect.gather [hbm4b:s4+s25], $0x80, s28, s25, $0xb8;
	[tilespmem:$0x1E800] =	vst v63  }
0x123: {  	s28 =	simm.s32 $0xC0  }
0x124: {  	[tilespmem:s7], [sflag:$0x4] =	stream.indirect.gather [hbm4b:s4+s25], $0x80, s28, s25, $0xb8;
	[tilespmem:$0x1E800] =	vst v63  }
0x125: {  	s28 =	simm.s32 $0x1400  }
0x126: {  	[spmem:s2] =	stream.indirect.scatter.add.f32 [tilespmem:s9], [sflag:$0x5], $0x80, s28, s18, $0xb8;
	[tilespmem:$0x1E800] =	vst v63  }
0x127: {  	_ =	swait.ge [sflag:s11], $0x4000  }
0x128: {  	[sflag:s11] =	ssyncset.done $0x0  }
0x129: {  	[sflag:s11] =	ssyncadd.s32 $0xFFFFC000  }
0x12a: {  	_ =	swait.ge [sflag:s19], $0x2000  }
0x12b: {  	[sflag:s19] =	ssyncset.done $0x0  }
0x12c: {  	[sflag:s19] =	ssyncadd.s32 $0xFFFFE000  }
0x12d: {  	_ =	swait.ge [sflag:s20], $0x2000  }
0x12e: {  	[sflag:s20] =	ssyncset.done $0x0  }
0x12f: {  	s28 =	simm.s32 $0x100;
	[sflag:s20] =	ssyncadd.s32 $0xFFFFE000  }
0x130: {  	[tilespmem:s9], [sflag:$0x1] =	stream.indirect.gather [hbm4b:s4+s25], $0x80, s28, s25, $0xb8;
	[tilespmem:$0x1E800] =	vst v63  }
0x131: {  	s28 =	simm.s32 $0x140  }
0x132: {  	[tilespmem:s31], [sflag:$0x2] =	stream.indirect.gather [hbm4b:s4+s25], $0x80, s28, s25, $0xb8;
	[tilespmem:$0x1E800] =	vst v63  }
0x133: {  	s28 =	simm.s32 $0x1480  }
0x134: {  	[spmem:s2] =	stream.indirect.scatter.add.f32 [tilespmem:s5], [sflag:$0x5], $0x80, s28, s18, $0xb8;
	[tilespmem:$0x1E800] =	vst v63  }
0x135: {  	_ =	swait.ge [sflag:s11], $0x4000  }
0x136: {  	s28 =	simm.s32 $0x400;
	[sflag:s11] =	ssyncset.done $0x0  }
.LBB2_6:
0x137: {  	p0 =	sne.s32 s28, $0x4800  }
0x138: {  	[sflag:s11] =	ssyncadd.s32 $0xFFFFC000;
	s29 =	smov.u32 s28;
	s28 =	sadd.s32 $0x400, s28  }
0x139: {  	_ = 	snop  }
0x13a: {  	_ =	swait.ge [sflag:s0], $0x2000  }
0x13b: {  	[sflag:s0] =	ssyncset.done $0x0  }
0x13c: {  	[sflag:s0] =	ssyncadd.s32 $0xFFFFE000  }
0x13d: {  	_ =	swait.ge [sflag:s1], $0x2000  }
0x13e: {  	s29 =	sshra.s32 s29, $0x2;
	[sflag:s1] =	ssyncset.done $0x0  }
0x13f: {  	s30 =	sadd.s32 $0x80, s29;
	[sflag:s1] =	ssyncadd.s32 $0xFFFFE000  }
0x140: {  	[tilespmem:s5], [sflag:$0x3] =	stream.indirect.gather [hbm4b:s4+s25], $0x80, s30, s25, $0xb8;
	[tilespmem:$0x1E800] =	vst v63  }
0x141: {  	s30 =	sadd.s32 $0xC0, s29  }
0x142: {  	[tilespmem:s7], [sflag:$0x4] =	stream.indirect.gather [hbm4b:s4+s25], $0x80, s30, s25, $0xb8;
	[tilespmem:$0x1E800] =	vst v63  }
0x143: {  	s30 =	sadd.s32 $0x1400, s29  }
0x144: {  	[spmem:s2] =	stream.indirect.scatter.add.f32 [tilespmem:s9], [sflag:$0x5], $0x80, s30, s18, $0xb8;
	[tilespmem:$0x1E800] =	vst v63  }
0x145: {  	_ =	swait.ge [sflag:s11], $0x4000  }
0x146: {  	[sflag:s11] =	ssyncset.done $0x0  }
0x147: {  	[sflag:s11] =	ssyncadd.s32 $0xFFFFC000  }
0x148: {  	_ =	swait.ge [sflag:s19], $0x2000  }
0x149: {  	[sflag:s19] =	ssyncset.done $0x0  }
0x14a: {  	[sflag:s19] =	ssyncadd.s32 $0xFFFFE000  }
0x14b: {  	_ =	swait.ge [sflag:s20], $0x2000  }
0x14c: {  	[sflag:s20] =	ssyncset.done $0x0  }
0x14d: {  	s30 =	sadd.s32 $0x100, s29;
	[sflag:s20] =	ssyncadd.s32 $0xFFFFE000  }
0x14e: {  	[tilespmem:s9], [sflag:$0x1] =	stream.indirect.gather [hbm4b:s4+s25], $0x80, s30, s25, $0xb8;
	[tilespmem:$0x1E800] =	vst v63  }
0x14f: {  	s30 =	sadd.s32 $0x140, s29  }
0x150: {  	[tilespmem:s31], [sflag:$0x2] =	stream.indirect.gather [hbm4b:s4+s25], $0x80, s30, s25, $0xb8;
	[tilespmem:$0x1E800] =	vst v63  }
.Ltmp2:
0x151: {  	_ = 	snop;
	(pc) =	sbr.rel @p0 .LBB2_6-.Ltmp2, $4  }
0x152: {  	s29 =	sadd.s32 $0x1480, s29  }
0x153: {  	[spmem:s2] =	stream.indirect.scatter.add.f32 [tilespmem:s5], [sflag:$0x5], $0x80, s29, s18, $0xb8;
	[tilespmem:$0x1E800] =	vst v63  }
0x154: {  	_ =	swait.ge [sflag:s11], $0x4000  }
0x155: {  	[sflag:s11] =	ssyncset.done $0x0  }
0x156: {  	[sflag:s11] =	ssyncadd.s32 $0xFFFFC000  }
0x157: {  	_ =	swait.ge [sflag:s0], $0x2000  }
0x158: {  	[sflag:s0] =	ssyncset.done $0x0  }
0x159: {  	[sflag:s0] =	ssyncadd.s32 $0xFFFFE000  }
0x15a: {  	_ =	swait.ge [sflag:s1], $0x2000  }
0x15b: {  	[sflag:s1] =	ssyncset.done $0x0  }
0x15c: {  	[sflag:s1] =	ssyncadd.s32 $0xFFFFE000  }
0x15d: {  	[tilespmem:s5], [sflag:$0x3] =	stream.indirect.gather [hbm4b:s4+s25], $0x80, s21, s25, $0xb8;
	[tilespmem:$0x1E800] =	vst v63  }
0x15e: {  	_ = 	snop  }
0x15f: {  	[tilespmem:s7], [sflag:$0x4] =	stream.indirect.gather [hbm4b:s4+s25], $0x80, s22, s25, $0xb8;
	[tilespmem:$0x1E800] =	vst v63  }
0x160: {  	_ = 	snop  }
0x161: {  	[spmem:s2] =	stream.indirect.scatter.add.f32 [tilespmem:s9], [sflag:$0x5], $0x80, s17, s18, $0xb8;
	[tilespmem:$0x1E800] =	vst v63  }
0x162: {  	_ =	swait.ge [sflag:s11], $0x4000  }
0x163: {  	[sflag:s11] =	ssyncset.done $0x0  }
0x164: {  	[sflag:s11] =	ssyncadd.s32 $0xFFFFC000  }
0x165: {  	_ =	swait.ge [sflag:s19], $0x2000  }
0x166: {  	[sflag:s19] =	ssyncset.done $0x0  }
0x167: {  	[sflag:s19] =	ssyncadd.s32 $0xFFFFE000  }
0x168: {  	_ =	swait.ge [sflag:s20], $0x2000  }
0x169: {  	[sflag:s20] =	ssyncset.done $0x0  }
0x16a: {  	[sflag:s20] =	ssyncadd.s32 $0xFFFFE000  }
0x16b: {  	[spmem:s2] =	stream.indirect.scatter.add.f32 [tilespmem:s5], [sflag:$0x5], $0x80, s24, s18, $0xb8;
	[tilespmem:$0x1E800] =	vst v63  }
0x16c: {  	_ =	swait.ge [sflag:s11], $0x4000  }
0x16d: {  	[sflag:s11] =	ssyncset.done $0x0  }
0x16e: {  	s28 =	simm.s32 $0x0;
	s29 =	rddreg [dreg:$0x13];
	[sflag:s11] =	ssyncadd.s32 $0xFFFFC000  }
0x16f: {  	[tilespmem:s28], [sflag:$0x5] =	stream.linear.gather [hbm4b:s29+s28], $0x1400, $0x38;
	[tilespmem:$0x1E800] =	vst v63  }
0x170: {  	_ =	swait.ge [sflag:s11], $0x1400  }
0x171: {  	[sflag:s11] =	ssyncset.done $0x0  }
0x172: {  	s30 =	rddreg [dreg:$0x14];
	[sflag:s11] =	ssyncadd.s32 $0xFFFFEC00  }
0x173: {  	[tilespmem:s13], [sflag:$0x5] =	stream.linear.gather [hbm4b:s30+s28], $0x1400, $0x38;
	[tilespmem:$0x1E800] =	vst v63  }
0x174: {  	_ =	swait.ge [sflag:s11], $0x1400  }
0x175: {  	[sflag:s11] =	ssyncset.done $0x0  }
0x176: {  	[sflag:s11] =	ssyncadd.s32 $0xFFFFEC00  }
0x177: {  	[tilespmem:s9], [sflag:$0x1] =	stream.indirect.gather [hbm4b:s4+s25], $0x80, s28, s25, $0xb8;
	[tilespmem:$0x1E800] =	vst v63  }
0x178: {  	_ = 	snop  }
0x179: {  	[tilespmem:s31], [sflag:$0x2] =	stream.indirect.gather [hbm4b:s4+s25], $0x80, s25, s25, $0xb8;
	[tilespmem:$0x1E800] =	vst v63  }
0x17a: {  	_ =	swait.ge [sflag:s0], $0x2000  }
0x17b: {  	[sflag:s0] =	ssyncset.done $0x0  }
0x17c: {  	[sflag:s0] =	ssyncadd.s32 $0xFFFFE000  }
0x17d: {  	_ =	swait.ge [sflag:s1], $0x2000  }
0x17e: {  	[sflag:s1] =	ssyncset.done $0x0  }
0x17f: {  	s28 =	simm.s32 $0x80;
	[sflag:s1] =	ssyncadd.s32 $0xFFFFE000  }
0x180: {  	[tilespmem:s5], [sflag:$0x3] =	stream.indirect.gather [hbm4b:s4+s25], $0x80, s28, s25, $0xb8;
	[tilespmem:$0x1E800] =	vst v63  }
0x181: {  	s28 =	simm.s32 $0xC0  }
0x182: {  	[tilespmem:s7], [sflag:$0x4] =	stream.indirect.gather [hbm4b:s4+s25], $0x80, s28, s25, $0xb8;
	[tilespmem:$0x1E800] =	vst v63  }
0x183: {  	s28 =	simm.s32 $0x1400  }
0x184: {  	[spmem:s2] =	stream.indirect.scatter.add.f32 [tilespmem:s9], [sflag:$0x5], $0x80, s28, s18, $0xb8;
	[tilespmem:$0x1E800] =	vst v63  }
0x185: {  	_ =	swait.ge [sflag:s11], $0x4000  }
0x186: {  	[sflag:s11] =	ssyncset.done $0x0  }
0x187: {  	[sflag:s11] =	ssyncadd.s32 $0xFFFFC000  }
0x188: {  	_ =	swait.ge [sflag:s19], $0x2000  }
0x189: {  	[sflag:s19] =	ssyncset.done $0x0  }
0x18a: {  	[sflag:s19] =	ssyncadd.s32 $0xFFFFE000  }
0x18b: {  	_ =	swait.ge [sflag:s20], $0x2000  }
0x18c: {  	[sflag:s20] =	ssyncset.done $0x0  }
0x18d: {  	s28 =	simm.s32 $0x100;
	[sflag:s20] =	ssyncadd.s32 $0xFFFFE000  }
0x18e: {  	[tilespmem:s9], [sflag:$0x1] =	stream.indirect.gather [hbm4b:s4+s25], $0x80, s28, s25, $0xb8;
	[tilespmem:$0x1E800] =	vst v63  }
0x18f: {  	s28 =	simm.s32 $0x140  }
0x190: {  	[tilespmem:s31], [sflag:$0x2] =	stream.indirect.gather [hbm4b:s4+s25], $0x80, s28, s25, $0xb8;
	[tilespmem:$0x1E800] =	vst v63  }
0x191: {  	s28 =	simm.s32 $0x1480  }
0x192: {  	[spmem:s2] =	stream.indirect.scatter.add.f32 [tilespmem:s5], [sflag:$0x5], $0x80, s28, s18, $0xb8;
	[tilespmem:$0x1E800] =	vst v63  }
0x193: {  	_ =	swait.ge [sflag:s11], $0x4000  }
0x194: {  	s28 =	simm.s32 $0x400;
	[sflag:s11] =	ssyncset.done $0x0  }
.LBB2_8:
0x195: {  	p0 =	sne.s32 s28, $0x4800  }
0x196: {  	[sflag:s11] =	ssyncadd.s32 $0xFFFFC000;
	s29 =	smov.u32 s28;
	s28 =	sadd.s32 $0x400, s28  }
0x197: {  	_ = 	snop  }
0x198: {  	_ =	swait.ge [sflag:s0], $0x2000  }
0x199: {  	[sflag:s0] =	ssyncset.done $0x0  }
0x19a: {  	[sflag:s0] =	ssyncadd.s32 $0xFFFFE000  }
0x19b: {  	_ =	swait.ge [sflag:s1], $0x2000  }
0x19c: {  	s29 =	sshra.s32 s29, $0x2;
	[sflag:s1] =	ssyncset.done $0x0  }
0x19d: {  	s30 =	sadd.s32 $0x80, s29;
	[sflag:s1] =	ssyncadd.s32 $0xFFFFE000  }
0x19e: {  	[tilespmem:s5], [sflag:$0x3] =	stream.indirect.gather [hbm4b:s4+s25], $0x80, s30, s25, $0xb8;
	[tilespmem:$0x1E800] =	vst v63  }
0x19f: {  	s30 =	sadd.s32 $0xC0, s29  }
0x1a0: {  	[tilespmem:s7], [sflag:$0x4] =	stream.indirect.gather [hbm4b:s4+s25], $0x80, s30, s25, $0xb8;
	[tilespmem:$0x1E800] =	vst v63  }
0x1a1: {  	s30 =	sadd.s32 $0x1400, s29  }
0x1a2: {  	[spmem:s2] =	stream.indirect.scatter.add.f32 [tilespmem:s9], [sflag:$0x5], $0x80, s30, s18, $0xb8;
	[tilespmem:$0x1E800] =	vst v63  }
0x1a3: {  	_ =	swait.ge [sflag:s11], $0x4000  }
0x1a4: {  	[sflag:s11] =	ssyncset.done $0x0  }
0x1a5: {  	[sflag:s11] =	ssyncadd.s32 $0xFFFFC000  }
0x1a6: {  	_ =	swait.ge [sflag:s19], $0x2000  }
0x1a7: {  	[sflag:s19] =	ssyncset.done $0x0  }
0x1a8: {  	[sflag:s19] =	ssyncadd.s32 $0xFFFFE000  }
0x1a9: {  	_ =	swait.ge [sflag:s20], $0x2000  }
0x1aa: {  	[sflag:s20] =	ssyncset.done $0x0  }
0x1ab: {  	s30 =	sadd.s32 $0x100, s29;
	[sflag:s20] =	ssyncadd.s32 $0xFFFFE000  }
0x1ac: {  	[tilespmem:s9], [sflag:$0x1] =	stream.indirect.gather [hbm4b:s4+s25], $0x80, s30, s25, $0xb8;
	[tilespmem:$0x1E800] =	vst v63  }
0x1ad: {  	s30 =	sadd.s32 $0x140, s29  }
0x1ae: {  	[tilespmem:s31], [sflag:$0x2] =	stream.indirect.gather [hbm4b:s4+s25], $0x80, s30, s25, $0xb8;
	[tilespmem:$0x1E800] =	vst v63  }
.Ltmp3:
0x1af: {  	_ = 	snop;
	(pc) =	sbr.rel @p0 .LBB2_8-.Ltmp3, $4  }
0x1b0: {  	s29 =	sadd.s32 $0x1480, s29  }
0x1b1: {  	[spmem:s2] =	stream.indirect.scatter.add.f32 [tilespmem:s5], [sflag:$0x5], $0x80, s29, s18, $0xb8;
	[tilespmem:$0x1E800] =	vst v63  }
0x1b2: {  	_ =	swait.ge [sflag:s11], $0x4000  }
0x1b3: {  	[sflag:s11] =	ssyncset.done $0x0  }
0x1b4: {  	[sflag:s11] =	ssyncadd.s32 $0xFFFFC000  }
0x1b5: {  	_ =	swait.ge [sflag:s0], $0x2000  }
0x1b6: {  	[sflag:s0] =	ssyncset.done $0x0  }
0x1b7: {  	[sflag:s0] =	ssyncadd.s32 $0xFFFFE000  }
0x1b8: {  	_ =	swait.ge [sflag:s1], $0x2000  }
0x1b9: {  	[sflag:s1] =	ssyncset.done $0x0  }
0x1ba: {  	[sflag:s1] =	ssyncadd.s32 $0xFFFFE000  }
0x1bb: {  	[tilespmem:s5], [sflag:$0x3] =	stream.indirect.gather [hbm4b:s4+s25], $0x80, s21, s25, $0xb8;
	[tilespmem:$0x1E800] =	vst v63  }
0x1bc: {  	_ = 	snop  }
0x1bd: {  	[tilespmem:s7], [sflag:$0x4] =	stream.indirect.gather [hbm4b:s4+s25], $0x80, s22, s25, $0xb8;
	[tilespmem:$0x1E800] =	vst v63  }
0x1be: {  	_ = 	snop  }
0x1bf: {  	[spmem:s2] =	stream.indirect.scatter.add.f32 [tilespmem:s9], [sflag:$0x5], $0x80, s17, s18, $0xb8;
	[tilespmem:$0x1E800] =	vst v63  }
0x1c0: {  	_ =	swait.ge [sflag:s11], $0x4000  }
0x1c1: {  	[sflag:s11] =	ssyncset.done $0x0  }
0x1c2: {  	[sflag:s11] =	ssyncadd.s32 $0xFFFFC000  }
0x1c3: {  	_ =	swait.ge [sflag:s19], $0x2000  }
0x1c4: {  	[sflag:s19] =	ssyncset.done $0x0  }
0x1c5: {  	[sflag:s19] =	ssyncadd.s32 $0xFFFFE000  }
0x1c6: {  	_ =	swait.ge [sflag:s20], $0x2000  }
0x1c7: {  	[sflag:s20] =	ssyncset.done $0x0  }
0x1c8: {  	[sflag:s20] =	ssyncadd.s32 $0xFFFFE000  }
0x1c9: {  	[spmem:s2] =	stream.indirect.scatter.add.f32 [tilespmem:s5], [sflag:$0x5], $0x80, s24, s18, $0xb8;
	[tilespmem:$0x1E800] =	vst v63  }
0x1ca: {  	_ =	swait.ge [sflag:s11], $0x4000  }
0x1cb: {  	[sflag:s11] =	ssyncset.done $0x0  }
0x1cc: {  	[sflag:s11] =	ssyncadd.s32 $0xFFFFC000  }
0x1cd: {  	[bflag:$0x0] =	sbarrier.arrive $0xFFFF  }
0x1ce: {  	[tilespmem:s9], [sflag:$0x5] =	stream.linear.gather [spmem:s6], $0x4000, $0x38;
	[tilespmem:$0x1E800] =	vst v63  }
0x1cf: {  	_ =	swait.ge [sflag:s11], $0x4000  }
0x1d0: {  	[sflag:s11] =	ssyncset.done $0x0  }
0x1d1: {  	s28 =	simm.s32 $0x0;
	s29 =	rddreg [dreg:$0xa];
	[sflag:s11] =	ssyncadd.s32 $0xFFFFC000  }
0x1d2: {  	[hbm4b:s29+s28] =	stream.linear.scatter [tilespmem:s9], [sflag:$0x5], $0x4000, $0x38;
	[tilespmem:$0x1E800] =	vst v63  }
0x1d3: {  	_ =	swait.ge [sflag:s11], $0x4000  }
0x1d4: {  	[sflag:s11] =	ssyncset.done $0x0  }
0x1d5: {  	[sflag:s11] =	ssyncadd.s32 $0xFFFFC000  }
0x1d6: {  	[tilespmem:s9], [sflag:$0x5] =	stream.linear.gather [spmem:s8], $0x4000, $0x38;
	[tilespmem:$0x1E800] =	vst v63  }
0x1d7: {  	_ =	swait.ge [sflag:s11], $0x4000  }
0x1d8: {  	[sflag:s11] =	ssyncset.done $0x0  }
0x1d9: {  	s30 =	rddreg [dreg:$0xb];
	[sflag:s11] =	ssyncadd.s32 $0xFFFFC000  }
0x1da: {  	[hbm4b:s30+s28] =	stream.linear.scatter [tilespmem:s9], [sflag:$0x5], $0x4000, $0x38;
	[tilespmem:$0x1E800] =	vst v63  }
0x1db: {  	_ =	swait.ge [sflag:s11], $0x4000  }
0x1dc: {  	[sflag:s11] =	ssyncset.done $0x0  }
0x1dd: {  	[sflag:s11] =	ssyncadd.s32 $0xFFFFC000  }
0x1de: {  	[tilespmem:s9], [sflag:$0x5] =	stream.linear.gather [spmem:s10], $0x4000, $0x38;
	[tilespmem:$0x1E800] =	vst v63  }
0x1df: {  	_ =	swait.ge [sflag:s11], $0x4000  }
0x1e0: {  	[sflag:s11] =	ssyncset.done $0x0  }
0x1e1: {  	s30 =	rddreg [dreg:$0xc];
	[sflag:s11] =	ssyncadd.s32 $0xFFFFC000  }
0x1e2: {  	[hbm4b:s30+s28] =	stream.linear.scatter [tilespmem:s9], [sflag:$0x5], $0x4000, $0x38;
	[tilespmem:$0x1E800] =	vst v63  }
0x1e3: {  	_ =	swait.ge [sflag:s11], $0x4000  }
0x1e4: {  	[sflag:s11] =	ssyncset.done $0x0  }
0x1e5: {  	[sflag:s11] =	ssyncadd.s32 $0xFFFFC000  }
0x1e6: {  	[tilespmem:s9], [sflag:$0x5] =	stream.linear.gather [spmem:s12], $0x4000, $0x38;
	[tilespmem:$0x1E800] =	vst v63  }
0x1e7: {  	_ =	swait.ge [sflag:s11], $0x4000  }
0x1e8: {  	[sflag:s11] =	ssyncset.done $0x0  }
0x1e9: {  	s30 =	rddreg [dreg:$0xd];
	[sflag:s11] =	ssyncadd.s32 $0xFFFFC000  }
0x1ea: {  	[hbm4b:s30+s28] =	stream.linear.scatter [tilespmem:s9], [sflag:$0x5], $0x4000, $0x38;
	[tilespmem:$0x1E800] =	vst v63  }
0x1eb: {  	_ =	swait.ge [sflag:s11], $0x4000  }
0x1ec: {  	[sflag:s11] =	ssyncset.done $0x0  }
0x1ed: {  	[sflag:s11] =	ssyncadd.s32 $0xFFFFC000  }
0x1ee: {  	[tilespmem:s9], [sflag:$0x5] =	stream.linear.gather [spmem:s14], $0x4000, $0x38;
	[tilespmem:$0x1E800] =	vst v63  }
0x1ef: {  	_ =	swait.ge [sflag:s11], $0x4000  }
0x1f0: {  	[sflag:s11] =	ssyncset.done $0x0  }
0x1f1: {  	s30 =	rddreg [dreg:$0xe];
	[sflag:s11] =	ssyncadd.s32 $0xFFFFC000  }
0x1f2: {  	[hbm4b:s30+s28] =	stream.linear.scatter [tilespmem:s9], [sflag:$0x5], $0x4000, $0x38;
	[tilespmem:$0x1E800] =	vst v63  }
0x1f3: {  	_ =	swait.ge [sflag:s11], $0x4000  }
0x1f4: {  	[sflag:s11] =	ssyncset.done $0x0  }
0x1f5: {  	[sflag:s11] =	ssyncadd.s32 $0xFFFFC000  }
0x1f6: {  	[bflag:$0x0] =	sbarrier.arrive $0xFFFF  }
0x1f7: {  	[tilespmem:s28], [sflag:$0x5] =	stream.linear.gather [hbm4b:s15+s28], $0x1400, $0x38;
	[tilespmem:$0x1E800] =	vst v63  }
0x1f8: {  	_ =	swait.ge [sflag:s11], $0x1400  }
0x1f9: {  	[sflag:s11] =	ssyncset.done $0x0  }
0x1fa: {  	[sflag:s11] =	ssyncadd.s32 $0xFFFFEC00  }
0x1fb: {  	[tilespmem:s13], [sflag:$0x5] =	stream.linear.gather [hbm4b:s16+s28], $0x1400, $0x38;
	[tilespmem:$0x1E800] =	vst v63  }
0x1fc: {  	_ =	swait.ge [sflag:s11], $0x1400  }
0x1fd: {  	[sflag:s11] =	ssyncset.done $0x0  }
0x1fe: {  	[sflag:s11] =	ssyncadd.s32 $0xFFFFEC00  }
0x1ff: {  	[tilespmem:s9], [sflag:$0x1] =	stream.indirect.gather [hbm4b:s23+s25], $0x80, s28, s25, $0xb8;
	[tilespmem:$0x1E800] =	vst v63  }
0x200: {  	_ = 	snop  }
0x201: {  	[tilespmem:s31], [sflag:$0x2] =	stream.indirect.gather [hbm4b:s23+s25], $0x80, s25, s25, $0xb8;
	[tilespmem:$0x1E800] =	vst v63  }
0x202: {  	_ =	swait.ge [sflag:s0], $0x2000  }
0x203: {  	[sflag:s0] =	ssyncset.done $0x0  }
0x204: {  	[sflag:s0] =	ssyncadd.s32 $0xFFFFE000  }
0x205: {  	_ =	swait.ge [sflag:s1], $0x2000  }
0x206: {  	[sflag:s1] =	ssyncset.done $0x0  }
0x207: {  	s28 =	simm.s32 $0x80;
	[sflag:s1] =	ssyncadd.s32 $0xFFFFE000  }
0x208: {  	[tilespmem:s5], [sflag:$0x3] =	stream.indirect.gather [hbm4b:s23+s25], $0x80, s28, s25, $0xb8;
	[tilespmem:$0x1E800] =	vst v63  }
0x209: {  	s28 =	simm.s32 $0xC0  }
0x20a: {  	[tilespmem:s7], [sflag:$0x4] =	stream.indirect.gather [hbm4b:s23+s25], $0x80, s28, s25, $0xb8;
	[tilespmem:$0x1E800] =	vst v63  }
0x20b: {  	s28 =	simm.s32 $0x1400  }
0x20c: {  	[spmem:s2] =	stream.indirect.scatter.add.f32 [tilespmem:s9], [sflag:$0x5], $0x80, s28, s18, $0xb8;
	[tilespmem:$0x1E800] =	vst v63  }
0x20d: {  	_ =	swait.ge [sflag:s11], $0x4000  }
0x20e: {  	[sflag:s11] =	ssyncset.done $0x0  }
0x20f: {  	[sflag:s11] =	ssyncadd.s32 $0xFFFFC000  }
0x210: {  	_ =	swait.ge [sflag:s19], $0x2000  }
0x211: {  	[sflag:s19] =	ssyncset.done $0x0  }
0x212: {  	[sflag:s19] =	ssyncadd.s32 $0xFFFFE000  }
0x213: {  	_ =	swait.ge [sflag:s20], $0x2000  }
0x214: {  	[sflag:s20] =	ssyncset.done $0x0  }
0x215: {  	s28 =	simm.s32 $0x100;
	[sflag:s20] =	ssyncadd.s32 $0xFFFFE000  }
0x216: {  	[tilespmem:s9], [sflag:$0x1] =	stream.indirect.gather [hbm4b:s23+s25], $0x80, s28, s25, $0xb8;
	[tilespmem:$0x1E800] =	vst v63  }
0x217: {  	s28 =	simm.s32 $0x140  }
0x218: {  	[tilespmem:s31], [sflag:$0x2] =	stream.indirect.gather [hbm4b:s23+s25], $0x80, s28, s25, $0xb8;
	[tilespmem:$0x1E800] =	vst v63  }
0x219: {  	s28 =	simm.s32 $0x1480  }
0x21a: {  	[spmem:s2] =	stream.indirect.scatter.add.f32 [tilespmem:s5], [sflag:$0x5], $0x80, s28, s18, $0xb8;
	[tilespmem:$0x1E800] =	vst v63  }
0x21b: {  	_ =	swait.ge [sflag:s11], $0x4000  }
0x21c: {  	s28 =	simm.s32 $0x400;
	[sflag:s11] =	ssyncset.done $0x0  }
.LBB2_10:
0x21d: {  	p0 =	sne.s32 s28, $0x4800  }
0x21e: {  	[sflag:s11] =	ssyncadd.s32 $0xFFFFC000;
	s29 =	smov.u32 s28;
	s28 =	sadd.s32 $0x400, s28  }
0x21f: {  	_ = 	snop  }
0x220: {  	_ =	swait.ge [sflag:s0], $0x2000  }
0x221: {  	[sflag:s0] =	ssyncset.done $0x0  }
0x222: {  	[sflag:s0] =	ssyncadd.s32 $0xFFFFE000  }
0x223: {  	_ =	swait.ge [sflag:s1], $0x2000  }
0x224: {  	s29 =	sshra.s32 s29, $0x2;
	[sflag:s1] =	ssyncset.done $0x0  }
0x225: {  	s30 =	sadd.s32 $0x80, s29;
	[sflag:s1] =	ssyncadd.s32 $0xFFFFE000  }
0x226: {  	[tilespmem:s5], [sflag:$0x3] =	stream.indirect.gather [hbm4b:s23+s25], $0x80, s30, s25, $0xb8;
	[tilespmem:$0x1E800] =	vst v63  }
0x227: {  	s30 =	sadd.s32 $0xC0, s29  }
0x228: {  	[tilespmem:s7], [sflag:$0x4] =	stream.indirect.gather [hbm4b:s23+s25], $0x80, s30, s25, $0xb8;
	[tilespmem:$0x1E800] =	vst v63  }
0x229: {  	s30 =	sadd.s32 $0x1400, s29  }
0x22a: {  	[spmem:s2] =	stream.indirect.scatter.add.f32 [tilespmem:s9], [sflag:$0x5], $0x80, s30, s18, $0xb8;
	[tilespmem:$0x1E800] =	vst v63  }
0x22b: {  	_ =	swait.ge [sflag:s11], $0x4000  }
0x22c: {  	[sflag:s11] =	ssyncset.done $0x0  }
0x22d: {  	[sflag:s11] =	ssyncadd.s32 $0xFFFFC000  }
0x22e: {  	_ =	swait.ge [sflag:s19], $0x2000  }
0x22f: {  	[sflag:s19] =	ssyncset.done $0x0  }
0x230: {  	[sflag:s19] =	ssyncadd.s32 $0xFFFFE000  }
0x231: {  	_ =	swait.ge [sflag:s20], $0x2000  }
0x232: {  	[sflag:s20] =	ssyncset.done $0x0  }
0x233: {  	s30 =	sadd.s32 $0x100, s29;
	[sflag:s20] =	ssyncadd.s32 $0xFFFFE000  }
0x234: {  	[tilespmem:s9], [sflag:$0x1] =	stream.indirect.gather [hbm4b:s23+s25], $0x80, s30, s25, $0xb8;
	[tilespmem:$0x1E800] =	vst v63  }
0x235: {  	s30 =	sadd.s32 $0x140, s29  }
0x236: {  	[tilespmem:s31], [sflag:$0x2] =	stream.indirect.gather [hbm4b:s23+s25], $0x80, s30, s25, $0xb8;
	[tilespmem:$0x1E800] =	vst v63  }
.Ltmp4:
0x237: {  	_ = 	snop;
	(pc) =	sbr.rel @p0 .LBB2_10-.Ltmp4, $4  }
0x238: {  	s29 =	sadd.s32 $0x1480, s29  }
0x239: {  	[spmem:s2] =	stream.indirect.scatter.add.f32 [tilespmem:s5], [sflag:$0x5], $0x80, s29, s18, $0xb8;
	[tilespmem:$0x1E800] =	vst v63  }
0x23a: {  	_ =	swait.ge [sflag:s11], $0x4000  }
0x23b: {  	[sflag:s11] =	ssyncset.done $0x0  }
0x23c: {  	[sflag:s11] =	ssyncadd.s32 $0xFFFFC000  }
0x23d: {  	_ =	swait.ge [sflag:s0], $0x2000  }
0x23e: {  	[sflag:s0] =	ssyncset.done $0x0  }
0x23f: {  	[sflag:s0] =	ssyncadd.s32 $0xFFFFE000  }
0x240: {  	_ =	swait.ge [sflag:s1], $0x2000  }
0x241: {  	[sflag:s1] =	ssyncset.done $0x0  }
0x242: {  	[sflag:s1] =	ssyncadd.s32 $0xFFFFE000  }
0x243: {  	[tilespmem:s5], [sflag:$0x3] =	stream.indirect.gather [hbm4b:s23+s25], $0x80, s21, s25, $0xb8;
	[tilespmem:$0x1E800] =	vst v63  }
0x244: {  	_ = 	snop  }
0x245: {  	[tilespmem:s7], [sflag:$0x4] =	stream.indirect.gather [hbm4b:s23+s25], $0x80, s22, s25, $0xb8;
	[tilespmem:$0x1E800] =	vst v63  }
0x246: {  	_ = 	snop  }
0x247: {  	[spmem:s2] =	stream.indirect.scatter.add.f32 [tilespmem:s9], [sflag:$0x5], $0x80, s17, s18, $0xb8;
	[tilespmem:$0x1E800] =	vst v63  }
0x248: {  	_ =	swait.ge [sflag:s11], $0x4000  }
0x249: {  	[sflag:s11] =	ssyncset.done $0x0  }
0x24a: {  	[sflag:s11] =	ssyncadd.s32 $0xFFFFC000  }
0x24b: {  	_ =	swait.ge [sflag:s19], $0x2000  }
0x24c: {  	[sflag:s19] =	ssyncset.done $0x0  }
0x24d: {  	[sflag:s19] =	ssyncadd.s32 $0xFFFFE000  }
0x24e: {  	_ =	swait.ge [sflag:s20], $0x2000  }
0x24f: {  	[sflag:s20] =	ssyncset.done $0x0  }
0x250: {  	[sflag:s20] =	ssyncadd.s32 $0xFFFFE000  }
0x251: {  	[spmem:s2] =	stream.indirect.scatter.add.f32 [tilespmem:s5], [sflag:$0x5], $0x80, s24, s18, $0xb8;
	[tilespmem:$0x1E800] =	vst v63  }
0x252: {  	_ =	swait.ge [sflag:s11], $0x4000  }
0x253: {  	[sflag:s11] =	ssyncset.done $0x0  }
0x254: {  	s28 =	simm.s32 $0x0;
	s29 =	rddreg [dreg:$0x9];
	[sflag:s11] =	ssyncadd.s32 $0xFFFFC000  }
0x255: {  	[tilespmem:s28], [sflag:$0x5] =	stream.linear.gather [hbm4b:s29+s28], $0x1400, $0x38;
	[tilespmem:$0x1E800] =	vst v63  }
0x256: {  	_ =	swait.ge [sflag:s11], $0x1400  }
0x257: {  	[sflag:s11] =	ssyncset.done $0x0  }
0x258: {  	s30 =	rddreg [dreg:$0xf];
	[sflag:s11] =	ssyncadd.s32 $0xFFFFEC00  }
0x259: {  	[tilespmem:s13], [sflag:$0x5] =	stream.linear.gather [hbm4b:s30+s28], $0x1400, $0x38;
	[tilespmem:$0x1E800] =	vst v63  }
0x25a: {  	_ =	swait.ge [sflag:s11], $0x1400  }
0x25b: {  	[sflag:s11] =	ssyncset.done $0x0  }
0x25c: {  	[sflag:s11] =	ssyncadd.s32 $0xFFFFEC00  }
0x25d: {  	[tilespmem:s9], [sflag:$0x1] =	stream.indirect.gather [hbm4b:s23+s25], $0x80, s28, s25, $0xb8;
	[tilespmem:$0x1E800] =	vst v63  }
0x25e: {  	_ = 	snop  }
0x25f: {  	[tilespmem:s31], [sflag:$0x2] =	stream.indirect.gather [hbm4b:s23+s25], $0x80, s25, s25, $0xb8;
	[tilespmem:$0x1E800] =	vst v63  }
0x260: {  	_ =	swait.ge [sflag:s0], $0x2000  }
0x261: {  	[sflag:s0] =	ssyncset.done $0x0  }
0x262: {  	[sflag:s0] =	ssyncadd.s32 $0xFFFFE000  }
0x263: {  	_ =	swait.ge [sflag:s1], $0x2000  }
0x264: {  	[sflag:s1] =	ssyncset.done $0x0  }
0x265: {  	s28 =	simm.s32 $0x80;
	[sflag:s1] =	ssyncadd.s32 $0xFFFFE000  }
0x266: {  	[tilespmem:s5], [sflag:$0x3] =	stream.indirect.gather [hbm4b:s23+s25], $0x80, s28, s25, $0xb8;
	[tilespmem:$0x1E800] =	vst v63  }
0x267: {  	s28 =	simm.s32 $0xC0  }
0x268: {  	[tilespmem:s7], [sflag:$0x4] =	stream.indirect.gather [hbm4b:s23+s25], $0x80, s28, s25, $0xb8;
	[tilespmem:$0x1E800] =	vst v63  }
0x269: {  	s28 =	simm.s32 $0x1400  }
0x26a: {  	[spmem:s2] =	stream.indirect.scatter.add.f32 [tilespmem:s9], [sflag:$0x5], $0x80, s28, s18, $0xb8;
	[tilespmem:$0x1E800] =	vst v63  }
0x26b: {  	_ =	swait.ge [sflag:s11], $0x4000  }
0x26c: {  	[sflag:s11] =	ssyncset.done $0x0  }
0x26d: {  	[sflag:s11] =	ssyncadd.s32 $0xFFFFC000  }
0x26e: {  	_ =	swait.ge [sflag:s19], $0x2000  }
0x26f: {  	[sflag:s19] =	ssyncset.done $0x0  }
0x270: {  	[sflag:s19] =	ssyncadd.s32 $0xFFFFE000  }
0x271: {  	_ =	swait.ge [sflag:s20], $0x2000  }
0x272: {  	[sflag:s20] =	ssyncset.done $0x0  }
0x273: {  	s28 =	simm.s32 $0x100;
	[sflag:s20] =	ssyncadd.s32 $0xFFFFE000  }
0x274: {  	[tilespmem:s9], [sflag:$0x1] =	stream.indirect.gather [hbm4b:s23+s25], $0x80, s28, s25, $0xb8;
	[tilespmem:$0x1E800] =	vst v63  }
0x275: {  	s28 =	simm.s32 $0x140  }
0x276: {  	[tilespmem:s31], [sflag:$0x2] =	stream.indirect.gather [hbm4b:s23+s25], $0x80, s28, s25, $0xb8;
	[tilespmem:$0x1E800] =	vst v63  }
0x277: {  	s28 =	simm.s32 $0x1480  }
0x278: {  	[spmem:s2] =	stream.indirect.scatter.add.f32 [tilespmem:s5], [sflag:$0x5], $0x80, s28, s18, $0xb8;
	[tilespmem:$0x1E800] =	vst v63  }
0x279: {  	_ =	swait.ge [sflag:s11], $0x4000  }
0x27a: {  	s28 =	simm.s32 $0x400;
	[sflag:s11] =	ssyncset.done $0x0  }
.LBB2_12:
0x27b: {  	p0 =	sne.s32 s28, $0x4800  }
0x27c: {  	[sflag:s11] =	ssyncadd.s32 $0xFFFFC000;
	s29 =	smov.u32 s28;
	s28 =	sadd.s32 $0x400, s28  }
0x27d: {  	_ = 	snop  }
0x27e: {  	_ =	swait.ge [sflag:s0], $0x2000  }
0x27f: {  	[sflag:s0] =	ssyncset.done $0x0  }
0x280: {  	[sflag:s0] =	ssyncadd.s32 $0xFFFFE000  }
0x281: {  	_ =	swait.ge [sflag:s1], $0x2000  }
0x282: {  	s29 =	sshra.s32 s29, $0x2;
	[sflag:s1] =	ssyncset.done $0x0  }
0x283: {  	s30 =	sadd.s32 $0x80, s29;
	[sflag:s1] =	ssyncadd.s32 $0xFFFFE000  }
0x284: {  	[tilespmem:s5], [sflag:$0x3] =	stream.indirect.gather [hbm4b:s23+s25], $0x80, s30, s25, $0xb8;
	[tilespmem:$0x1E800] =	vst v63  }
0x285: {  	s30 =	sadd.s32 $0xC0, s29  }
0x286: {  	[tilespmem:s7], [sflag:$0x4] =	stream.indirect.gather [hbm4b:s23+s25], $0x80, s30, s25, $0xb8;
	[tilespmem:$0x1E800] =	vst v63  }
0x287: {  	s30 =	sadd.s32 $0x1400, s29  }
0x288: {  	[spmem:s2] =	stream.indirect.scatter.add.f32 [tilespmem:s9], [sflag:$0x5], $0x80, s30, s18, $0xb8;
	[tilespmem:$0x1E800] =	vst v63  }
0x289: {  	_ =	swait.ge [sflag:s11], $0x4000  }
0x28a: {  	[sflag:s11] =	ssyncset.done $0x0  }
0x28b: {  	[sflag:s11] =	ssyncadd.s32 $0xFFFFC000  }
0x28c: {  	_ =	swait.ge [sflag:s19], $0x2000  }
0x28d: {  	[sflag:s19] =	ssyncset.done $0x0  }
0x28e: {  	[sflag:s19] =	ssyncadd.s32 $0xFFFFE000  }
0x28f: {  	_ =	swait.ge [sflag:s20], $0x2000  }
0x290: {  	[sflag:s20] =	ssyncset.done $0x0  }
0x291: {  	s30 =	sadd.s32 $0x100, s29;
	[sflag:s20] =	ssyncadd.s32 $0xFFFFE000  }
0x292: {  	[tilespmem:s9], [sflag:$0x1] =	stream.indirect.gather [hbm4b:s23+s25], $0x80, s30, s25, $0xb8;
	[tilespmem:$0x1E800] =	vst v63  }
0x293: {  	s30 =	sadd.s32 $0x140, s29  }
0x294: {  	[tilespmem:s31], [sflag:$0x2] =	stream.indirect.gather [hbm4b:s23+s25], $0x80, s30, s25, $0xb8;
	[tilespmem:$0x1E800] =	vst v63  }
.Ltmp5:
0x295: {  	_ = 	snop;
	(pc) =	sbr.rel @p0 .LBB2_12-.Ltmp5, $4  }
0x296: {  	s29 =	sadd.s32 $0x1480, s29  }
0x297: {  	[spmem:s2] =	stream.indirect.scatter.add.f32 [tilespmem:s5], [sflag:$0x5], $0x80, s29, s18, $0xb8;
	[tilespmem:$0x1E800] =	vst v63  }
0x298: {  	_ =	swait.ge [sflag:s11], $0x4000  }
0x299: {  	[sflag:s11] =	ssyncset.done $0x0  }
0x29a: {  	[sflag:s11] =	ssyncadd.s32 $0xFFFFC000  }
0x29b: {  	_ =	swait.ge [sflag:s0], $0x2000  }
0x29c: {  	[sflag:s0] =	ssyncset.done $0x0  }
0x29d: {  	[sflag:s0] =	ssyncadd.s32 $0xFFFFE000  }
0x29e: {  	_ =	swait.ge [sflag:s1], $0x2000  }
0x29f: {  	[sflag:s1] =	ssyncset.done $0x0  }
0x2a0: {  	[sflag:s1] =	ssyncadd.s32 $0xFFFFE000  }
0x2a1: {  	[tilespmem:s5], [sflag:$0x3] =	stream.indirect.gather [hbm4b:s23+s25], $0x80, s21, s25, $0xb8;
	[tilespmem:$0x1E800] =	vst v63  }
0x2a2: {  	_ = 	snop  }
0x2a3: {  	[tilespmem:s7], [sflag:$0x4] =	stream.indirect.gather [hbm4b:s23+s25], $0x80, s22, s25, $0xb8;
	[tilespmem:$0x1E800] =	vst v63  }
0x2a4: {  	_ = 	snop  }
0x2a5: {  	[spmem:s2] =	stream.indirect.scatter.add.f32 [tilespmem:s9], [sflag:$0x5], $0x80, s17, s18, $0xb8;
	[tilespmem:$0x1E800] =	vst v63  }
0x2a6: {  	_ =	swait.ge [sflag:s11], $0x4000  }
0x2a7: {  	[sflag:s11] =	ssyncset.done $0x0  }
0x2a8: {  	[sflag:s11] =	ssyncadd.s32 $0xFFFFC000  }
0x2a9: {  	_ =	swait.ge [sflag:s19], $0x2000  }
0x2aa: {  	[sflag:s19] =	ssyncset.done $0x0  }
0x2ab: {  	[sflag:s19] =	ssyncadd.s32 $0xFFFFE000  }
0x2ac: {  	_ =	swait.ge [sflag:s20], $0x2000  }
0x2ad: {  	[sflag:s20] =	ssyncset.done $0x0  }
0x2ae: {  	[sflag:s20] =	ssyncadd.s32 $0xFFFFE000  }
0x2af: {  	[spmem:s2] =	stream.indirect.scatter.add.f32 [tilespmem:s5], [sflag:$0x5], $0x80, s24, s18, $0xb8;
	[tilespmem:$0x1E800] =	vst v63  }
0x2b0: {  	_ =	swait.ge [sflag:s11], $0x4000  }
0x2b1: {  	[sflag:s11] =	ssyncset.done $0x0  }
0x2b2: {  	s28 =	simm.s32 $0x0;
	s29 =	rddreg [dreg:$0x11];
	[sflag:s11] =	ssyncadd.s32 $0xFFFFC000  }
0x2b3: {  	[tilespmem:s28], [sflag:$0x5] =	stream.linear.gather [hbm4b:s29+s28], $0x1400, $0x38;
	[tilespmem:$0x1E800] =	vst v63  }
0x2b4: {  	_ =	swait.ge [sflag:s11], $0x1400  }
0x2b5: {  	[sflag:s11] =	ssyncset.done $0x0  }
0x2b6: {  	s30 =	rddreg [dreg:$0x12];
	[sflag:s11] =	ssyncadd.s32 $0xFFFFEC00  }
0x2b7: {  	[tilespmem:s13], [sflag:$0x5] =	stream.linear.gather [hbm4b:s30+s28], $0x1400, $0x38;
	[tilespmem:$0x1E800] =	vst v63  }
0x2b8: {  	_ =	swait.ge [sflag:s11], $0x1400  }
0x2b9: {  	[sflag:s11] =	ssyncset.done $0x0  }
0x2ba: {  	[sflag:s11] =	ssyncadd.s32 $0xFFFFEC00  }
0x2bb: {  	[tilespmem:s9], [sflag:$0x1] =	stream.indirect.gather [hbm4b:s23+s25], $0x80, s28, s25, $0xb8;
	[tilespmem:$0x1E800] =	vst v63  }
0x2bc: {  	_ = 	snop  }
0x2bd: {  	[tilespmem:s31], [sflag:$0x2] =	stream.indirect.gather [hbm4b:s23+s25], $0x80, s25, s25, $0xb8;
	[tilespmem:$0x1E800] =	vst v63  }
0x2be: {  	_ =	swait.ge [sflag:s0], $0x2000  }
0x2bf: {  	[sflag:s0] =	ssyncset.done $0x0  }
0x2c0: {  	[sflag:s0] =	ssyncadd.s32 $0xFFFFE000  }
0x2c1: {  	_ =	swait.ge [sflag:s1], $0x2000  }
0x2c2: {  	[sflag:s1] =	ssyncset.done $0x0  }
0x2c3: {  	s28 =	simm.s32 $0x80;
	[sflag:s1] =	ssyncadd.s32 $0xFFFFE000  }
0x2c4: {  	[tilespmem:s5], [sflag:$0x3] =	stream.indirect.gather [hbm4b:s23+s25], $0x80, s28, s25, $0xb8;
	[tilespmem:$0x1E800] =	vst v63  }
0x2c5: {  	s28 =	simm.s32 $0xC0  }
0x2c6: {  	[tilespmem:s7], [sflag:$0x4] =	stream.indirect.gather [hbm4b:s23+s25], $0x80, s28, s25, $0xb8;
	[tilespmem:$0x1E800] =	vst v63  }
0x2c7: {  	s28 =	simm.s32 $0x1400  }
0x2c8: {  	[spmem:s2] =	stream.indirect.scatter.add.f32 [tilespmem:s9], [sflag:$0x5], $0x80, s28, s18, $0xb8;
	[tilespmem:$0x1E800] =	vst v63  }
0x2c9: {  	_ =	swait.ge [sflag:s11], $0x4000  }
0x2ca: {  	[sflag:s11] =	ssyncset.done $0x0  }
0x2cb: {  	[sflag:s11] =	ssyncadd.s32 $0xFFFFC000  }
0x2cc: {  	_ =	swait.ge [sflag:s19], $0x2000  }
0x2cd: {  	[sflag:s19] =	ssyncset.done $0x0  }
0x2ce: {  	[sflag:s19] =	ssyncadd.s32 $0xFFFFE000  }
0x2cf: {  	_ =	swait.ge [sflag:s20], $0x2000  }
0x2d0: {  	[sflag:s20] =	ssyncset.done $0x0  }
0x2d1: {  	s28 =	simm.s32 $0x100;
	[sflag:s20] =	ssyncadd.s32 $0xFFFFE000  }
0x2d2: {  	[tilespmem:s9], [sflag:$0x1] =	stream.indirect.gather [hbm4b:s23+s25], $0x80, s28, s25, $0xb8;
	[tilespmem:$0x1E800] =	vst v63  }
0x2d3: {  	s28 =	simm.s32 $0x140  }
0x2d4: {  	[tilespmem:s31], [sflag:$0x2] =	stream.indirect.gather [hbm4b:s23+s25], $0x80, s28, s25, $0xb8;
	[tilespmem:$0x1E800] =	vst v63  }
0x2d5: {  	s28 =	simm.s32 $0x1480  }
0x2d6: {  	[spmem:s2] =	stream.indirect.scatter.add.f32 [tilespmem:s5], [sflag:$0x5], $0x80, s28, s18, $0xb8;
	[tilespmem:$0x1E800] =	vst v63  }
0x2d7: {  	_ =	swait.ge [sflag:s11], $0x4000  }
0x2d8: {  	s28 =	simm.s32 $0x400;
	[sflag:s11] =	ssyncset.done $0x0  }
.LBB2_14:
0x2d9: {  	p0 =	sne.s32 s28, $0x4800  }
0x2da: {  	[sflag:s11] =	ssyncadd.s32 $0xFFFFC000;
	s29 =	smov.u32 s28;
	s28 =	sadd.s32 $0x400, s28  }
0x2db: {  	_ = 	snop  }
0x2dc: {  	_ =	swait.ge [sflag:s0], $0x2000  }
0x2dd: {  	[sflag:s0] =	ssyncset.done $0x0  }
0x2de: {  	[sflag:s0] =	ssyncadd.s32 $0xFFFFE000  }
0x2df: {  	_ =	swait.ge [sflag:s1], $0x2000  }
0x2e0: {  	s29 =	sshra.s32 s29, $0x2;
	[sflag:s1] =	ssyncset.done $0x0  }
0x2e1: {  	s30 =	sadd.s32 $0x80, s29;
	[sflag:s1] =	ssyncadd.s32 $0xFFFFE000  }
0x2e2: {  	[tilespmem:s5], [sflag:$0x3] =	stream.indirect.gather [hbm4b:s23+s25], $0x80, s30, s25, $0xb8;
	[tilespmem:$0x1E800] =	vst v63  }
0x2e3: {  	s30 =	sadd.s32 $0xC0, s29  }
0x2e4: {  	[tilespmem:s7], [sflag:$0x4] =	stream.indirect.gather [hbm4b:s23+s25], $0x80, s30, s25, $0xb8;
	[tilespmem:$0x1E800] =	vst v63  }
0x2e5: {  	s30 =	sadd.s32 $0x1400, s29  }
0x2e6: {  	[spmem:s2] =	stream.indirect.scatter.add.f32 [tilespmem:s9], [sflag:$0x5], $0x80, s30, s18, $0xb8;
	[tilespmem:$0x1E800] =	vst v63  }
0x2e7: {  	_ =	swait.ge [sflag:s11], $0x4000  }
0x2e8: {  	[sflag:s11] =	ssyncset.done $0x0  }
0x2e9: {  	[sflag:s11] =	ssyncadd.s32 $0xFFFFC000  }
0x2ea: {  	_ =	swait.ge [sflag:s19], $0x2000  }
0x2eb: {  	[sflag:s19] =	ssyncset.done $0x0  }
0x2ec: {  	[sflag:s19] =	ssyncadd.s32 $0xFFFFE000  }
0x2ed: {  	_ =	swait.ge [sflag:s20], $0x2000  }
0x2ee: {  	[sflag:s20] =	ssyncset.done $0x0  }
0x2ef: {  	s30 =	sadd.s32 $0x100, s29;
	[sflag:s20] =	ssyncadd.s32 $0xFFFFE000  }
0x2f0: {  	[tilespmem:s9], [sflag:$0x1] =	stream.indirect.gather [hbm4b:s23+s25], $0x80, s30, s25, $0xb8;
	[tilespmem:$0x1E800] =	vst v63  }
0x2f1: {  	s30 =	sadd.s32 $0x140, s29  }
0x2f2: {  	[tilespmem:s31], [sflag:$0x2] =	stream.indirect.gather [hbm4b:s23+s25], $0x80, s30, s25, $0xb8;
	[tilespmem:$0x1E800] =	vst v63  }
.Ltmp6:
0x2f3: {  	_ = 	snop;
	(pc) =	sbr.rel @p0 .LBB2_14-.Ltmp6, $4  }
0x2f4: {  	s29 =	sadd.s32 $0x1480, s29  }
0x2f5: {  	[spmem:s2] =	stream.indirect.scatter.add.f32 [tilespmem:s5], [sflag:$0x5], $0x80, s29, s18, $0xb8;
	[tilespmem:$0x1E800] =	vst v63  }
0x2f6: {  	_ =	swait.ge [sflag:s11], $0x4000  }
0x2f7: {  	[sflag:s11] =	ssyncset.done $0x0  }
0x2f8: {  	[sflag:s11] =	ssyncadd.s32 $0xFFFFC000  }
0x2f9: {  	_ =	swait.ge [sflag:s0], $0x2000  }
0x2fa: {  	[sflag:s0] =	ssyncset.done $0x0  }
0x2fb: {  	[sflag:s0] =	ssyncadd.s32 $0xFFFFE000  }
0x2fc: {  	_ =	swait.ge [sflag:s1], $0x2000  }
0x2fd: {  	[sflag:s1] =	ssyncset.done $0x0  }
0x2fe: {  	[sflag:s1] =	ssyncadd.s32 $0xFFFFE000  }
0x2ff: {  	[tilespmem:s5], [sflag:$0x3] =	stream.indirect.gather [hbm4b:s23+s25], $0x80, s21, s25, $0xb8;
	[tilespmem:$0x1E800] =	vst v63  }
0x300: {  	_ = 	snop  }
0x301: {  	[tilespmem:s7], [sflag:$0x4] =	stream.indirect.gather [hbm4b:s23+s25], $0x80, s22, s25, $0xb8;
	[tilespmem:$0x1E800] =	vst v63  }
0x302: {  	_ = 	snop  }
0x303: {  	[spmem:s2] =	stream.indirect.scatter.add.f32 [tilespmem:s9], [sflag:$0x5], $0x80, s17, s18, $0xb8;
	[tilespmem:$0x1E800] =	vst v63  }
0x304: {  	_ =	swait.ge [sflag:s11], $0x4000  }
0x305: {  	[sflag:s11] =	ssyncset.done $0x0  }
0x306: {  	[sflag:s11] =	ssyncadd.s32 $0xFFFFC000  }
0x307: {  	_ =	swait.ge [sflag:s19], $0x2000  }
0x308: {  	[sflag:s19] =	ssyncset.done $0x0  }
0x309: {  	[sflag:s19] =	ssyncadd.s32 $0xFFFFE000  }
0x30a: {  	_ =	swait.ge [sflag:s20], $0x2000  }
0x30b: {  	[sflag:s20] =	ssyncset.done $0x0  }
0x30c: {  	[sflag:s20] =	ssyncadd.s32 $0xFFFFE000  }
0x30d: {  	[spmem:s2] =	stream.indirect.scatter.add.f32 [tilespmem:s5], [sflag:$0x5], $0x80, s24, s18, $0xb8;
	[tilespmem:$0x1E800] =	vst v63  }
0x30e: {  	_ =	swait.ge [sflag:s11], $0x4000  }
0x30f: {  	[sflag:s11] =	ssyncset.done $0x0  }
0x310: {  	s28 =	simm.s32 $0x0;
	s29 =	rddreg [dreg:$0x13];
	[sflag:s11] =	ssyncadd.s32 $0xFFFFC000  }
0x311: {  	[tilespmem:s28], [sflag:$0x5] =	stream.linear.gather [hbm4b:s29+s28], $0x1400, $0x38;
	[tilespmem:$0x1E800] =	vst v63  }
0x312: {  	_ =	swait.ge [sflag:s11], $0x1400  }
0x313: {  	[sflag:s11] =	ssyncset.done $0x0  }
0x314: {  	s30 =	rddreg [dreg:$0x14];
	[sflag:s11] =	ssyncadd.s32 $0xFFFFEC00  }
0x315: {  	[tilespmem:s13], [sflag:$0x5] =	stream.linear.gather [hbm4b:s30+s28], $0x1400, $0x38;
	[tilespmem:$0x1E800] =	vst v63  }
0x316: {  	_ =	swait.ge [sflag:s11], $0x1400  }
0x317: {  	[sflag:s11] =	ssyncset.done $0x0  }
0x318: {  	[sflag:s11] =	ssyncadd.s32 $0xFFFFEC00  }
0x319: {  	[tilespmem:s9], [sflag:$0x1] =	stream.indirect.gather [hbm4b:s23+s25], $0x80, s28, s25, $0xb8;
	[tilespmem:$0x1E800] =	vst v63  }
0x31a: {  	_ = 	snop  }
0x31b: {  	[tilespmem:s31], [sflag:$0x2] =	stream.indirect.gather [hbm4b:s23+s25], $0x80, s25, s25, $0xb8;
	[tilespmem:$0x1E800] =	vst v63  }
0x31c: {  	_ =	swait.ge [sflag:s0], $0x2000  }
0x31d: {  	[sflag:s0] =	ssyncset.done $0x0  }
0x31e: {  	[sflag:s0] =	ssyncadd.s32 $0xFFFFE000  }
0x31f: {  	_ =	swait.ge [sflag:s1], $0x2000  }
0x320: {  	[sflag:s1] =	ssyncset.done $0x0  }
0x321: {  	s28 =	simm.s32 $0x80;
	[sflag:s1] =	ssyncadd.s32 $0xFFFFE000  }
0x322: {  	[tilespmem:s5], [sflag:$0x3] =	stream.indirect.gather [hbm4b:s23+s25], $0x80, s28, s25, $0xb8;
	[tilespmem:$0x1E800] =	vst v63  }
0x323: {  	s28 =	simm.s32 $0xC0  }
0x324: {  	[tilespmem:s7], [sflag:$0x4] =	stream.indirect.gather [hbm4b:s23+s25], $0x80, s28, s25, $0xb8;
	[tilespmem:$0x1E800] =	vst v63  }
0x325: {  	s28 =	simm.s32 $0x1400  }
0x326: {  	[spmem:s2] =	stream.indirect.scatter.add.f32 [tilespmem:s9], [sflag:$0x5], $0x80, s28, s18, $0xb8;
	[tilespmem:$0x1E800] =	vst v63  }
0x327: {  	_ =	swait.ge [sflag:s11], $0x4000  }
0x328: {  	[sflag:s11] =	ssyncset.done $0x0  }
0x329: {  	[sflag:s11] =	ssyncadd.s32 $0xFFFFC000  }
0x32a: {  	_ =	swait.ge [sflag:s19], $0x2000  }
0x32b: {  	[sflag:s19] =	ssyncset.done $0x0  }
0x32c: {  	[sflag:s19] =	ssyncadd.s32 $0xFFFFE000  }
0x32d: {  	_ =	swait.ge [sflag:s20], $0x2000  }
0x32e: {  	[sflag:s20] =	ssyncset.done $0x0  }
0x32f: {  	s28 =	simm.s32 $0x100;
	[sflag:s20] =	ssyncadd.s32 $0xFFFFE000  }
0x330: {  	[tilespmem:s9], [sflag:$0x1] =	stream.indirect.gather [hbm4b:s23+s25], $0x80, s28, s25, $0xb8;
	[tilespmem:$0x1E800] =	vst v63  }
0x331: {  	s28 =	simm.s32 $0x140  }
0x332: {  	[tilespmem:s31], [sflag:$0x2] =	stream.indirect.gather [hbm4b:s23+s25], $0x80, s28, s25, $0xb8;
	[tilespmem:$0x1E800] =	vst v63  }
0x333: {  	s28 =	simm.s32 $0x1480  }
0x334: {  	[spmem:s2] =	stream.indirect.scatter.add.f32 [tilespmem:s5], [sflag:$0x5], $0x80, s28, s18, $0xb8;
	[tilespmem:$0x1E800] =	vst v63  }
0x335: {  	_ =	swait.ge [sflag:s11], $0x4000  }
0x336: {  	s28 =	simm.s32 $0x400;
	[sflag:s11] =	ssyncset.done $0x0  }
.LBB2_16:
0x337: {  	p0 =	sne.s32 s28, $0x4800  }
0x338: {  	[sflag:s11] =	ssyncadd.s32 $0xFFFFC000;
	s29 =	smov.u32 s28;
	s28 =	sadd.s32 $0x400, s28  }
0x339: {  	_ = 	snop  }
0x33a: {  	_ =	swait.ge [sflag:s0], $0x2000  }
0x33b: {  	[sflag:s0] =	ssyncset.done $0x0  }
0x33c: {  	[sflag:s0] =	ssyncadd.s32 $0xFFFFE000  }
0x33d: {  	_ =	swait.ge [sflag:s1], $0x2000  }
0x33e: {  	s29 =	sshra.s32 s29, $0x2;
	[sflag:s1] =	ssyncset.done $0x0  }
0x33f: {  	s30 =	sadd.s32 $0x80, s29;
	[sflag:s1] =	ssyncadd.s32 $0xFFFFE000  }
0x340: {  	[tilespmem:s5], [sflag:$0x3] =	stream.indirect.gather [hbm4b:s23+s25], $0x80, s30, s25, $0xb8;
	[tilespmem:$0x1E800] =	vst v63  }
0x341: {  	s30 =	sadd.s32 $0xC0, s29  }
0x342: {  	[tilespmem:s7], [sflag:$0x4] =	stream.indirect.gather [hbm4b:s23+s25], $0x80, s30, s25, $0xb8;
	[tilespmem:$0x1E800] =	vst v63  }
0x343: {  	s30 =	sadd.s32 $0x1400, s29  }
0x344: {  	[spmem:s2] =	stream.indirect.scatter.add.f32 [tilespmem:s9], [sflag:$0x5], $0x80, s30, s18, $0xb8;
	[tilespmem:$0x1E800] =	vst v63  }
0x345: {  	_ =	swait.ge [sflag:s11], $0x4000  }
0x346: {  	[sflag:s11] =	ssyncset.done $0x0  }
0x347: {  	[sflag:s11] =	ssyncadd.s32 $0xFFFFC000  }
0x348: {  	_ =	swait.ge [sflag:s19], $0x2000  }
0x349: {  	[sflag:s19] =	ssyncset.done $0x0  }
0x34a: {  	[sflag:s19] =	ssyncadd.s32 $0xFFFFE000  }
0x34b: {  	_ =	swait.ge [sflag:s20], $0x2000  }
0x34c: {  	[sflag:s20] =	ssyncset.done $0x0  }
0x34d: {  	s30 =	sadd.s32 $0x100, s29;
	[sflag:s20] =	ssyncadd.s32 $0xFFFFE000  }
0x34e: {  	[tilespmem:s9], [sflag:$0x1] =	stream.indirect.gather [hbm4b:s23+s25], $0x80, s30, s25, $0xb8;
	[tilespmem:$0x1E800] =	vst v63  }
0x34f: {  	s30 =	sadd.s32 $0x140, s29  }
0x350: {  	[tilespmem:s31], [sflag:$0x2] =	stream.indirect.gather [hbm4b:s23+s25], $0x80, s30, s25, $0xb8;
	[tilespmem:$0x1E800] =	vst v63  }
.Ltmp7:
0x351: {  	_ = 	snop;
	(pc) =	sbr.rel @p0 .LBB2_16-.Ltmp7, $4  }
0x352: {  	s29 =	sadd.s32 $0x1480, s29  }
0x353: {  	[spmem:s2] =	stream.indirect.scatter.add.f32 [tilespmem:s5], [sflag:$0x5], $0x80, s29, s18, $0xb8;
	[tilespmem:$0x1E800] =	vst v63  }
0x354: {  	_ =	swait.ge [sflag:s11], $0x4000  }
0x355: {  	[sflag:s11] =	ssyncset.done $0x0  }
0x356: {  	[sflag:s11] =	ssyncadd.s32 $0xFFFFC000  }
0x357: {  	_ =	swait.ge [sflag:s0], $0x2000  }
0x358: {  	[sflag:s0] =	ssyncset.done $0x0  }
0x359: {  	[sflag:s0] =	ssyncadd.s32 $0xFFFFE000  }
0x35a: {  	_ =	swait.ge [sflag:s1], $0x2000  }
0x35b: {  	[sflag:s1] =	ssyncset.done $0x0  }
0x35c: {  	[sflag:s1] =	ssyncadd.s32 $0xFFFFE000  }
0x35d: {  	[tilespmem:s5], [sflag:$0x3] =	stream.indirect.gather [hbm4b:s23+s25], $0x80, s21, s25, $0xb8;
	[tilespmem:$0x1E800] =	vst v63  }
0x35e: {  	_ = 	snop  }
0x35f: {  	[tilespmem:s7], [sflag:$0x4] =	stream.indirect.gather [hbm4b:s23+s25], $0x80, s22, s25, $0xb8;
	[tilespmem:$0x1E800] =	vst v63  }
0x360: {  	_ = 	snop  }
0x361: {  	[spmem:s2] =	stream.indirect.scatter.add.f32 [tilespmem:s9], [sflag:$0x5], $0x80, s17, s18, $0xb8;
	[tilespmem:$0x1E800] =	vst v63  }
0x362: {  	_ =	swait.ge [sflag:s11], $0x4000  }
0x363: {  	[sflag:s11] =	ssyncset.done $0x0  }
0x364: {  	[sflag:s11] =	ssyncadd.s32 $0xFFFFC000  }
0x365: {  	_ =	swait.ge [sflag:s19], $0x2000  }
0x366: {  	[sflag:s19] =	ssyncset.done $0x0  }
0x367: {  	[sflag:s19] =	ssyncadd.s32 $0xFFFFE000  }
0x368: {  	_ =	swait.ge [sflag:s20], $0x2000  }
0x369: {  	[sflag:s20] =	ssyncset.done $0x0  }
0x36a: {  	[sflag:s20] =	ssyncadd.s32 $0xFFFFE000  }
0x36b: {  	[spmem:s2] =	stream.indirect.scatter.add.f32 [tilespmem:s5], [sflag:$0x5], $0x80, s24, s18, $0xb8;
	[tilespmem:$0x1E800] =	vst v63  }
0x36c: {  	_ =	swait.ge [sflag:s11], $0x4000  }
0x36d: {  	[sflag:s11] =	ssyncset.done $0x0  }
0x36e: {  	[sflag:s11] =	ssyncadd.s32 $0xFFFFC000  }
0x36f: {  	[bflag:$0x0] =	sbarrier.arrive $0xFFFF  }
0x370: {  	[tilespmem:s9], [sflag:$0x5] =	stream.linear.gather [spmem:s6], $0x4000, $0x38;
	[tilespmem:$0x1E800] =	vst v63  }
0x371: {  	_ =	swait.ge [sflag:s11], $0x4000  }
0x372: {  	[sflag:s11] =	ssyncset.done $0x0  }
0x373: {  	s28 =	rddreg [dreg:$0x15];
	[sflag:s11] =	ssyncadd.s32 $0xFFFFC000  }
0x374: {  	[hbm4b:s28+s3] =	stream.linear.scatter [tilespmem:s9], [sflag:$0x5], $0x4000, $0x38;
	[tilespmem:$0x1E800] =	vst v63  }
0x375: {  	_ =	swait.ge [sflag:s11], $0x4000  }
0x376: {  	[sflag:s11] =	ssyncset.done $0x0  }
0x377: {  	[sflag:s11] =	ssyncadd.s32 $0xFFFFC000  }
0x378: {  	[tilespmem:s9], [sflag:$0x5] =	stream.linear.gather [spmem:s8], $0x4000, $0x38;
	[tilespmem:$0x1E800] =	vst v63  }
0x379: {  	_ =	swait.ge [sflag:s11], $0x4000  }
0x37a: {  	[sflag:s11] =	ssyncset.done $0x0  }
0x37b: {  	s30 =	rddreg [dreg:$0x16];
	[sflag:s11] =	ssyncadd.s32 $0xFFFFC000  }
0x37c: {  	[hbm4b:s30+s3] =	stream.linear.scatter [tilespmem:s9], [sflag:$0x5], $0x4000, $0x38;
	[tilespmem:$0x1E800] =	vst v63  }
0x37d: {  	_ =	swait.ge [sflag:s11], $0x4000  }
0x37e: {  	[sflag:s11] =	ssyncset.done $0x0  }
0x37f: {  	[sflag:s11] =	ssyncadd.s32 $0xFFFFC000  }
0x380: {  	[tilespmem:s9], [sflag:$0x5] =	stream.linear.gather [spmem:s10], $0x4000, $0x38;
	[tilespmem:$0x1E800] =	vst v63  }
0x381: {  	_ =	swait.ge [sflag:s11], $0x4000  }
0x382: {  	[sflag:s11] =	ssyncset.done $0x0  }
0x383: {  	s29 =	rddreg [dreg:$0x17];
	[sflag:s11] =	ssyncadd.s32 $0xFFFFC000  }
0x384: {  	[hbm4b:s29+s3] =	stream.linear.scatter [tilespmem:s9], [sflag:$0x5], $0x4000, $0x38;
	[tilespmem:$0x1E800] =	vst v63  }
0x385: {  	_ =	swait.ge [sflag:s11], $0x4000  }
0x386: {  	[sflag:s11] =	ssyncset.done $0x0  }
0x387: {  	[sflag:s11] =	ssyncadd.s32 $0xFFFFC000  }
0x388: {  	[tilespmem:s9], [sflag:$0x5] =	stream.linear.gather [spmem:s12], $0x4000, $0x38;
	[tilespmem:$0x1E800] =	vst v63  }
0x389: {  	_ =	swait.ge [sflag:s11], $0x4000  }
0x38a: {  	[sflag:s11] =	ssyncset.done $0x0  }
0x38b: {  	s30 =	rddreg [dreg:$0x18];
	[sflag:s11] =	ssyncadd.s32 $0xFFFFC000  }
0x38c: {  	[hbm4b:s30+s3] =	stream.linear.scatter [tilespmem:s9], [sflag:$0x5], $0x4000, $0x38;
	[tilespmem:$0x1E800] =	vst v63  }
0x38d: {  	_ =	swait.ge [sflag:s11], $0x4000  }
0x38e: {  	[sflag:s11] =	ssyncset.done $0x0  }
0x38f: {  	[sflag:s11] =	ssyncadd.s32 $0xFFFFC000  }
0x390: {  	[tilespmem:s9], [sflag:$0x5] =	stream.linear.gather [spmem:s14], $0x4000, $0x38;
	[tilespmem:$0x1E800] =	vst v63  }
0x391: {  	_ =	swait.ge [sflag:s11], $0x4000  }
0x392: {  	[sflag:s11] =	ssyncset.done $0x0  }
0x393: {  	s29 =	rddreg [dreg:$0x19];
	[sflag:s11] =	ssyncadd.s32 $0xFFFFC000  }
0x394: {  	[hbm4b:s29+s3] =	stream.linear.scatter [tilespmem:s9], [sflag:$0x5], $0x4000, $0x38;
	[tilespmem:$0x1E800] =	vst v63  }
0x395: {  	_ =	swait.ge [sflag:s11], $0x4000  }
0x396: {  	s26 =	sadd.s32 $0x1, s26;
	s30 =	rddreg [dreg:$0x10]  }
0x397: {  	p0 =	sne.s32 s26, s30  }
.Ltmp8:
0x398: {  	_ = 	snop;
	(pc) =	sbr.rel @p0 .LBB2_1-.Ltmp8, $3  }
0x399: {  	[sflag:s11] =	ssyncset.done $0x0  }
0x39a: {  	[sflag:s11] =	ssyncadd.s32 $0xFFFFC000  }
0x39b: {  	[bflag:$0x0] =	sbarrier.arrive $0xFFFF;
	_ =	sdelay $0x1  }
0x39c: {  	_ =	sfence.sel $0x180000  }
0x39d: {  	[bflag:$0x0] =	sbarrier.arrive $0xFFFF  }
0x39e: {  	_ =	strace $0x90000047  }
0x39f: {  	s0 =	stileid.u32;
	[bflag:$0x2] =	sbarrier.arrive $0xFFFF  }
0x3a0: {  	p0 =	sne.s32 s0, $0x0;
	s0 =	rddreg [dreg:$0x3]  }
0x3a1: {  	s0 =	sadd.s32 @!p0 $0x100000, s0  }
0x3a2: {  	[sflag:s0] =	ssyncadd.tile.s32 @!p0 $0x1;
	_ =	shalt  }
.Lfunc_end2:
_tile_overlayer_lowered:
.L_overlay_start_2:
0x3a3: {  	(tag) =	ssettag $0x2  }
0x3a4: {  	s0 =	rddreg [dreg:$0x0];
	s2 =	stileid.u32  }
0x3a5: {  	s1 =	rddreg [dreg:$0x1];
	p0 =	sne.s32 s2, $0x0  }
0x3a6: {  	s3 =	rddreg [dreg:$0x2];
	[bflag:$0x3] =	sbarrier.arrive $0xFFFF;
	s2 =	simm.s32 @!p0 $0x1C05  }
0x3a7: {  	[timem:s3], [sflag:s2] =	dma.local @!p0 [hbm:s0], s1  }
0x3a8: {  	s0 =	simm.s32 @!p0 $0x5  }
0x3a9: {  	_ =	swait.ge @!p0 [sflag:s0], s1  }
0x3aa: {  	s1 =	ssub.s32 @!p0 $0x0, s1;
	[sflag:s0] =	ssyncset.done @!p0 $0x0  }
0x3ab: {  	[sflag:s0] =	ssyncadd.s32 @!p0 s1  }
0x3ac: {  	[bflag:$0x3] =	sbarrier.arrive $0xFFFF  }
0x3ad: {  	_ =	shalt  }

</sc_bundles>
